<compile_context>
chip_gen: v7x
topology: tpu7x:2x2x1
jax: 0.10.2.dev20260603
libtpu: 0.0.44.dev20260713+nightly
codegen_flags: <defaults>
</compile_context>

<pallas_src>
import functools

import jax
import jax.numpy as jnp
from jax import lax
from jax.experimental import pallas as pl
from jax.experimental.pallas import tpu as pltpu
from jax.experimental.pallas import tpu_sc as plsc

D = 128
NC, NS = 2, 16
NW = NC * NS
E = 16
CC = 40
SC_E = CC * E

_OFFS = (0, 1024, 1536, 4608, 2560, 2560, 2560, 2560)
_ZERO_ROW = 4610
_ROWS = 4616
_REP = 32


@functools.cache
def _make_gather_sum(N: int):
    per_w = N // NW
    assert per_w * NW == N and per_w % SC_E == 0
    n_super = per_w // SC_E
    mesh = plsc.VectorSubcoreMesh(core_axis_name="c", subcore_axis_name="s")

    @functools.partial(
        pl.kernel,
        mesh=mesh,
        out_type=jax.ShapeDtypeStruct((N, D), jnp.float32),
        scratch_types=[
            pltpu.VMEM((8, SC_E), jnp.int32),
            pltpu.VMEM((8, CC, E), jnp.int32),
            pltpu.VMEM((2, 8, E, D), jnp.float32),
            pltpu.VMEM((2, E, D), jnp.float32),
            pltpu.VMEM_SHARED((_ROWS, D), jnp.float32),
            pltpu.SemaphoreType.DMA,
            pltpu.SemaphoreType.DMA,
            pltpu.SemaphoreType.DMA,
            pltpu.SemaphoreType.DMA,
        ],
    )
    def gather_sum(table_hbm, idx_hbm, out_hbm, raw_v, gidx_v, buf_v, acc_v,
                   sp_table, gsem0, gsem1, osem0, osem1):
        wid = lax.axis_index("s") * NC + lax.axis_index("c")
        w_base = wid * per_w
        sid = lax.axis_index("s")

        @pl.when(sid == 0)
        def _stage():
            pltpu.sync_copy(table_hbm.at[pl.ds(0, _ROWS)], sp_table)

        plsc.subcore_barrier()
        gsem = (gsem0, gsem1)
        osem = (osem0, osem1)

        for b in (0, 1):
            pltpu.async_copy(out_hbm.at[pl.ds(w_base, E)], acc_v.at[b], osem[b])

        def fire(c, b):
            for k in range(8):
                pltpu.async_copy(sp_table.at[gidx_v.at[k, c]],
                                 buf_v.at[b, k], gsem[b])

        def consume(c, sbase, b):
            for k in range(8):
                pltpu.make_async_copy(sp_table.at[gidx_v.at[k, 0]],
                                      buf_v.at[b, k], gsem[b]).wait()
            pltpu.make_async_copy(acc_v.at[b], out_hbm.at[pl.ds(w_base, E)],
                                  osem[b]).wait()

            def row_body(e, c2):
                for j in range(D // 16):
                    slj = pl.ds(j * 16, 16)
                    a = buf_v[b, 0, e, slj]
                    for k in range(1, 8):
                        a = a + buf_v[b, k, e, slj]
                    acc_v[b, e, slj] = a
                return c2

            lax.fori_loop(0, E, row_body, 0)
            pltpu.async_copy(acc_v.at[b], out_hbm.at[pl.ds(sbase + c * E, E)],
                             osem[b])

        def super_body(s, carry):
            sbase = w_base + s * SC_E
            for k in range(8):
                pltpu.sync_copy(idx_hbm.at[k, pl.ds(sbase, SC_E)], raw_v.at[k])

            def munge_body(cc, c2):
                for half in range(E // 16):
                    sl = pl.ds(cc * E + half * 16, 16)
                    sp = raw_v[0, sl]
                    mask = sp != 0
                    for k in range(8):
                        v = sp if k == 0 else raw_v[k, sl] + _OFFS[k]
                        gidx_v[k, cc, pl.ds(half * 16, 16)] = jnp.where(
                            mask, v, _ZERO_ROW)
                return c2

            lax.fori_loop(0, CC, munge_body, 0)

            fire(0, 0)

            def pair_body(t, c2):
                fire(2 * t + 1, 1)
                consume(2 * t, sbase, 0)
                fire(2 * t + 2, 0)
                consume(2 * t + 1, sbase, 1)
                return c2

            lax.fori_loop(0, CC // 2 - 1, pair_body, 0)
            fire(CC - 1, 1)
            consume(CC - 2, sbase, 0)
            consume(CC - 1, sbase, 1)
            return carry

        lax.fori_loop(0, n_super, super_body, 0)

        for b in (0, 1):
            pltpu.make_async_copy(acc_v.at[b], out_hbm.at[pl.ds(w_base, E)],
                                  osem[b]).wait()

    return gather_sum


def kernel(species_idx, ability_idx, item_idx, side_idx, moveset_idx,
           species_table, abilities_table, items_table, actions_table, side_table):
    B, T = species_idx.shape
    N = B * T
    mv = moveset_idx.reshape(N, 4).astype(jnp.int32)
    idx_stack = jnp.stack([
        species_idx.reshape(N).astype(jnp.int32),
        ability_idx.reshape(N).astype(jnp.int32),
        item_idx.reshape(N).astype(jnp.int32),
        side_idx.reshape(N).astype(jnp.int32),
        mv[:, 0], mv[:, 1], mv[:, 2], mv[:, 3],
    ])
    pad = jnp.zeros((_ROWS - 4610, D), jnp.float32)
    table = jnp.concatenate(
        [species_table, abilities_table, items_table, actions_table, side_table, pad],
        axis=0)
    out = _make_gather_sum(N)(table, idx_stack)
    return out.reshape(B, T, D)

# --- scband reference (transcript-rebuilt; emitter-appended) ---
"""Pipeline reference for scband-encoder-82033875353766 (READ-ONLY COPY).

The authoritative reference and input builder live on the scoring server;
editing this copy changes nothing except your own understanding.
"""

import jax, jax.numpy as jnp
import numpy as np

NUM_SPECIES = 1024
NUM_ABILITIES = 512
NUM_ITEMS = 1024
NUM_ACTIONS = 2048
D = 128
B = 4096
T = 50


def setup_inputs(seed: int = 0) -> dict:
    key = jax.random.key(seed)
    ks = jax.random.split(key, 10)
    species_idx = jax.random.randint(ks[0], (B, T), 0, NUM_SPECIES)
    ability_idx = jax.random.randint(ks[1], (B, T), 0, NUM_ABILITIES)
    item_idx = jax.random.randint(ks[2], (B, T), 0, NUM_ITEMS)
    side_idx = jax.random.randint(ks[3], (B, T), 0, 2)
    moveset_idx = jax.random.randint(ks[4], (B, T, 4), 0, NUM_ACTIONS)
    species_table = jax.random.normal(ks[5], (NUM_SPECIES, D), dtype=jnp.float32) * 0.02
    abilities_table = jax.random.normal(ks[6], (NUM_ABILITIES, D), dtype=jnp.float32) * 0.02
    items_table = jax.random.normal(ks[7], (NUM_ITEMS, D), dtype=jnp.float32) * 0.02
    actions_table = jax.random.normal(ks[8], (NUM_ACTIONS, D), dtype=jnp.float32) * 0.02
    side_table = jax.random.normal(ks[9], (2, D), dtype=jnp.float32) * 0.02
    return dict(
        species_idx=species_idx,
        ability_idx=ability_idx,
        item_idx=item_idx,
        side_idx=side_idx,
        moveset_idx=moveset_idx,
        species_table=species_table,
        abilities_table=abilities_table,
        items_table=items_table,
        actions_table=actions_table,
        side_table=side_table,
    )


def reference(species_idx, ability_idx, item_idx, side_idx, moveset_idx,
              species_table, abilities_table, items_table, actions_table, side_table):
    # entity embedding = sum of per-field embedding lookups (Encoder._encode_entity core path)
    species_emb = jnp.take(species_table, species_idx, axis=0)
    ability_emb = jnp.take(abilities_table, ability_idx, axis=0)
    item_emb = jnp.take(items_table, item_idx, axis=0)
    side_emb = jnp.take(side_table, side_idx, axis=0)
    # moveset: 4 action-id lookups summed (ENTITY_MOVEID0..3)
    moveset_emb = jnp.take(actions_table, moveset_idx, axis=0).sum(axis=-2)
    embedding = species_emb + ability_emb + item_emb + side_emb + moveset_emb
    # get_entity_mask: valid iff species token is not NULL(0)/PAD; use token != 0
    mask = species_idx != 0
    embedding = jnp.where(mask[..., None], embedding, 0.0)
    return embedding

if __name__ == "__main__":
    import jax
    _d = setup_inputs()
    print(jax.jit(kernel)(*tuple(_d.values())))

</pallas_src>

<mosaic_0001>
#map = affine_map<(d0, d1) -> (0, 0)>
module attributes {stable_mosaic.version = 14 : i64} {
  func.func @gather_sum(%arg0: i32, %arg1: i32, %arg2: memref<4616x128xf32, #tpu.memory_space<hbm>>, %arg3: memref<8x204800xi32, #tpu.memory_space<hbm>>, %arg4: memref<204800x128xf32, #tpu.memory_space<hbm>>, %arg5: memref<8x640xi32, #tpu.memory_space<vmem>>, %arg6: memref<8x40x16xi32, #tpu.memory_space<vmem>>, %arg7: memref<2x8x16x128xf32, #tpu.memory_space<vmem>>, %arg8: memref<2x16x128xf32, #tpu.memory_space<vmem>>, %arg9: memref<4616x128xf32, #tpu.memory_space<vmem_shared>>, %arg10: memref<!tpu.dma_semaphore, #tpu.memory_space<semaphore_mem>>, %arg11: memref<!tpu.dma_semaphore, #tpu.memory_space<semaphore_mem>>, %arg12: memref<!tpu.dma_semaphore, #tpu.memory_space<semaphore_mem>>, %arg13: memref<!tpu.dma_semaphore, #tpu.memory_space<semaphore_mem>>) attributes {dimension_semantics = [#tpu.dimension_semantics<core_parallel>, #tpu.dimension_semantics<subcore_parallel>], iteration_bounds = array<i64: 2, 16>, scalar_prefetch = 0 : i64, scratch_operands = 9 : i64, tpu.core_type = #tpu.core_type<sc_vector_subcore>, window_params = [{transform_indices = #map}, {transform_indices = #map}, {transform_indices = #map}]} {
    %mul3A = arith.constant 2 : i32
    %mul3A_0 = arith.muli %arg1, %mul3A : i32
    %add3A = arith.addi %mul3A_0, %arg0 : i32
    %mul3A_1 = arith.constant 6400 : i32
    %mul3A_2 = arith.muli %add3A, %mul3A_1 : i32
    %eq3A = arith.constant 0 : i32
    %eq3A_3 = arith.cmpi eq, %arg1, %eq3A : i32
    %convert_element_type3A = arith.extui %eq3A_3 : i1 to i32
    %cond3A = arith.constant 0 : i32
    %cond3A_4 = arith.cmpi ne, %convert_element_type3A, %cond3A : i32
    scf.if %cond3A_4 {
      "tpu.region"() ({
        %run_scoped3A = tpu.sem_alloc : memref<!tpu.dma_semaphore, #tpu.memory_space<semaphore_mem>>
        %dma_start3A_60 = arith.constant 0 : i32
        %dma_start3A_61 = arith.constant 0 : i32
        %dma_start3A_62 = tpu.memref_slice %arg2[%dma_start3A_60, %dma_start3A_61] : memref<4616x128xf32, #tpu.memory_space<hbm>> -> memref<4616x128xf32, #tpu.memory_space<hbm>>
        tpu.enqueue_dma source(%dma_start3A_62 : memref<4616x128xf32, #tpu.memory_space<hbm>>) target(%arg9 : memref<4616x128xf32, #tpu.memory_space<vmem_shared>>) target_semaphore(%run_scoped3A : memref<!tpu.dma_semaphore, #tpu.memory_space<semaphore_mem>>)
        %dma_wait3A_63 = arith.constant 0 : i32
        %dma_wait3A_64 = arith.constant 0 : i32
        %dma_wait3A_65 = tpu.memref_slice %arg2[%dma_wait3A_63, %dma_wait3A_64] : memref<4616x128xf32, #tpu.memory_space<hbm>> -> memref<4616x128xf32, #tpu.memory_space<hbm>>
        tpu.wait_dma2 semaphore(%run_scoped3A : memref<!tpu.dma_semaphore, #tpu.memory_space<semaphore_mem>>) src(%dma_wait3A_65 : memref<4616x128xf32, #tpu.memory_space<hbm>>) dst(%arg9 : memref<4616x128xf32, #tpu.memory_space<vmem_shared>>)
        tpu.yield
      }) : () -> ()
    } else {
    }
    %barrier3A = arith.constant 0 : index
    tpu.barrier barrier_id(%barrier3A)
    %dma_start3A = arith.constant 0 : i32
    %dma_start3A_5 = arith.constant 0 : i32
    %dma_start3A_6 = arith.constant 0 : i32
    %dma_start3A_7 = tpu.memref_slice %arg8[%dma_start3A, %dma_start3A_5, %dma_start3A_6] : memref<2x16x128xf32, #tpu.memory_space<vmem>> -> memref<1x16x128xf32, #tpu.memory_space<vmem>>
    %dma_start3A_8 = tpu.memref_squeeze %dma_start3A_7 : memref<1x16x128xf32, #tpu.memory_space<vmem>> -> memref<16x128xf32, #tpu.memory_space<vmem>>
    %dma_start3A_9 = arith.constant 0 : i32
    %dma_start3A_10 = tpu.memref_slice %arg4[%mul3A_2, %dma_start3A_9] : memref<204800x128xf32, #tpu.memory_space<hbm>> -> memref<16x128xf32, #tpu.memory_space<hbm>>
    %dma_start3A_11 = arith.constant 0 : i32
    %dma_start3A_12 = arith.constant 0 : i32
    %dma_start3A_13 = tpu.memref_slice %arg8[%dma_start3A, %dma_start3A_11, %dma_start3A_12] : memref<2x16x128xf32, #tpu.memory_space<vmem>> -> memref<1x16x128xf32, #tpu.memory_space<vmem>>
    %dma_start3A_14 = tpu.memref_squeeze %dma_start3A_13 : memref<1x16x128xf32, #tpu.memory_space<vmem>> -> memref<16x128xf32, #tpu.memory_space<vmem>>
    %dma_start3A_15 = arith.constant 0 : i32
    %dma_start3A_16 = tpu.memref_slice %arg4[%mul3A_2, %dma_start3A_15] : memref<204800x128xf32, #tpu.memory_space<hbm>> -> memref<16x128xf32, #tpu.memory_space<hbm>>
    tpu.enqueue_dma source(%dma_start3A_16 : memref<16x128xf32, #tpu.memory_space<hbm>>) target(%dma_start3A_14 : memref<16x128xf32, #tpu.memory_space<vmem>>) target_semaphore(%arg12 : memref<!tpu.dma_semaphore, #tpu.memory_space<semaphore_mem>>)
    %dma_start3A_17 = arith.constant 1 : i32
    %dma_start3A_18 = arith.constant 0 : i32
    %dma_start3A_19 = arith.constant 0 : i32
    %dma_start3A_20 = tpu.memref_slice %arg8[%dma_start3A_17, %dma_start3A_18, %dma_start3A_19] : memref<2x16x128xf32, #tpu.memory_space<vmem>> -> memref<1x16x128xf32, #tpu.memory_space<vmem>>
    %dma_start3A_21 = tpu.memref_squeeze %dma_start3A_20 : memref<1x16x128xf32, #tpu.memory_space<vmem>> -> memref<16x128xf32, #tpu.memory_space<vmem>>
    %dma_start3A_22 = arith.constant 0 : i32
    %dma_start3A_23 = tpu.memref_slice %arg4[%mul3A_2, %dma_start3A_22] : memref<204800x128xf32, #tpu.memory_space<hbm>> -> memref<16x128xf32, #tpu.memory_space<hbm>>
    %dma_start3A_24 = arith.constant 0 : i32
    %dma_start3A_25 = arith.constant 0 : i32
    %dma_start3A_26 = tpu.memref_slice %arg8[%dma_start3A_17, %dma_start3A_24, %dma_start3A_25] : memref<2x16x128xf32, #tpu.memory_space<vmem>> -> memref<1x16x128xf32, #tpu.memory_space<vmem>>
    %dma_start3A_27 = tpu.memref_squeeze %dma_start3A_26 : memref<1x16x128xf32, #tpu.memory_space<vmem>> -> memref<16x128xf32, #tpu.memory_space<vmem>>
    %dma_start3A_28 = arith.constant 0 : i32
    %dma_start3A_29 = tpu.memref_slice %arg4[%mul3A_2, %dma_start3A_28] : memref<204800x128xf32, #tpu.memory_space<hbm>> -> memref<16x128xf32, #tpu.memory_space<hbm>>
    tpu.enqueue_dma source(%dma_start3A_29 : memref<16x128xf32, #tpu.memory_space<hbm>>) target(%dma_start3A_27 : memref<16x128xf32, #tpu.memory_space<vmem>>) target_semaphore(%arg13 : memref<!tpu.dma_semaphore, #tpu.memory_space<semaphore_mem>>)
    %scan3A = arith.constant 0 : i32
    %scan3A_30 = arith.constant 0 : i32
    %scan3A_31 = arith.constant 10 : i32
    %scan3A_32 = arith.addi %scan3A_30, %scan3A_31 : i32
    %scan3A_33 = arith.constant 1 : i32
    scf.for %scan3A_60 = %scan3A_30 to %scan3A_32 step %scan3A_33  : i32 {
      %mul3A_61 = arith.constant 640 : i32
      %mul3A_62 = arith.muli %scan3A_60, %mul3A_61 : i32
      %add3A_63 = arith.addi %mul3A_2, %mul3A_62 : i32
      %run_scoped3A = arith.constant 0 : i32
      %run_scoped3A_64 = arith.constant 0 : i32
      "tpu.region"() ({
        %run_scoped3A_607 = tpu.sem_alloc : memref<!tpu.dma_semaphore, #tpu.memory_space<semaphore_mem>>
        %dma_start3A_608 = arith.constant 0 : i32
        %dma_start3A_609 = tpu.memref_slice %arg5[%run_scoped3A_64, %dma_start3A_608] : memref<8x640xi32, #tpu.memory_space<vmem>> -> memref<1x640xi32, #tpu.memory_space<vmem>>
        %dma_start3A_610 = tpu.memref_squeeze %dma_start3A_609 : memref<1x640xi32, #tpu.memory_space<vmem>> -> memref<640xi32, #tpu.memory_space<vmem>>
        %dma_start3A_611 = tpu.memref_slice %arg3[%run_scoped3A, %add3A_63] : memref<8x204800xi32, #tpu.memory_space<hbm>> -> memref<1x640xi32, #tpu.memory_space<hbm>>
        %dma_start3A_612 = tpu.memref_squeeze %dma_start3A_611 : memref<1x640xi32, #tpu.memory_space<hbm>> -> memref<640xi32, #tpu.memory_space<hbm>>
        %dma_start3A_613 = arith.constant 0 : i32
        %dma_start3A_614 = tpu.memref_slice %arg5[%run_scoped3A_64, %dma_start3A_613] : memref<8x640xi32, #tpu.memory_space<vmem>> -> memref<1x640xi32, #tpu.memory_space<vmem>>
        %dma_start3A_615 = tpu.memref_squeeze %dma_start3A_614 : memref<1x640xi32, #tpu.memory_space<vmem>> -> memref<640xi32, #tpu.memory_space<vmem>>
        %dma_start3A_616 = tpu.memref_slice %arg3[%run_scoped3A, %add3A_63] : memref<8x204800xi32, #tpu.memory_space<hbm>> -> memref<1x640xi32, #tpu.memory_space<hbm>>
        %dma_start3A_617 = tpu.memref_squeeze %dma_start3A_616 : memref<1x640xi32, #tpu.memory_space<hbm>> -> memref<640xi32, #tpu.memory_space<hbm>>
        tpu.enqueue_dma source(%dma_start3A_617 : memref<640xi32, #tpu.memory_space<hbm>>) target(%dma_start3A_615 : memref<640xi32, #tpu.memory_space<vmem>>) target_semaphore(%run_scoped3A_607 : memref<!tpu.dma_semaphore, #tpu.memory_space<semaphore_mem>>)
        %dma_wait3A_618 = arith.constant 0 : i32
        %dma_wait3A_619 = tpu.memref_slice %arg5[%run_scoped3A_64, %dma_wait3A_618] : memref<8x640xi32, #tpu.memory_space<vmem>> -> memref<1x640xi32, #tpu.memory_space<vmem>>
        %dma_wait3A_620 = tpu.memref_squeeze %dma_wait3A_619 : memref<1x640xi32, #tpu.memory_space<vmem>> -> memref<640xi32, #tpu.memory_space<vmem>>
        %dma_wait3A_621 = tpu.memref_slice %arg3[%run_scoped3A, %add3A_63] : memref<8x204800xi32, #tpu.memory_space<hbm>> -> memref<1x640xi32, #tpu.memory_space<hbm>>
        %dma_wait3A_622 = tpu.memref_squeeze %dma_wait3A_621 : memref<1x640xi32, #tpu.memory_space<hbm>> -> memref<640xi32, #tpu.memory_space<hbm>>
        %dma_wait3A_623 = arith.constant 0 : i32
        %dma_wait3A_624 = tpu.memref_slice %arg5[%run_scoped3A_64, %dma_wait3A_623] : memref<8x640xi32, #tpu.memory_space<vmem>> -> memref<1x640xi32, #tpu.memory_space<vmem>>
        %dma_wait3A_625 = tpu.memref_squeeze %dma_wait3A_624 : memref<1x640xi32, #tpu.memory_space<vmem>> -> memref<640xi32, #tpu.memory_space<vmem>>
        %dma_wait3A_626 = tpu.memref_slice %arg3[%run_scoped3A, %add3A_63] : memref<8x204800xi32, #tpu.memory_space<hbm>> -> memref<1x640xi32, #tpu.memory_space<hbm>>
        %dma_wait3A_627 = tpu.memref_squeeze %dma_wait3A_626 : memref<1x640xi32, #tpu.memory_space<hbm>> -> memref<640xi32, #tpu.memory_space<hbm>>
        tpu.wait_dma2 semaphore(%run_scoped3A_607 : memref<!tpu.dma_semaphore, #tpu.memory_space<semaphore_mem>>) src(%dma_wait3A_627 : memref<640xi32, #tpu.memory_space<hbm>>) dst(%dma_wait3A_625 : memref<640xi32, #tpu.memory_space<vmem>>)
        tpu.yield
      }) : () -> ()
      %run_scoped3A_65 = arith.constant 1 : i32
      %run_scoped3A_66 = arith.constant 1 : i32
      "tpu.region"() ({
        %run_scoped3A_607 = tpu.sem_alloc : memref<!tpu.dma_semaphore, #tpu.memory_space<semaphore_mem>>
        %dma_start3A_608 = arith.constant 0 : i32
        %dma_start3A_609 = tpu.memref_slice %arg5[%run_scoped3A_66, %dma_start3A_608] : memref<8x640xi32, #tpu.memory_space<vmem>> -> memref<1x640xi32, #tpu.memory_space<vmem>>
        %dma_start3A_610 = tpu.memref_squeeze %dma_start3A_609 : memref<1x640xi32, #tpu.memory_space<vmem>> -> memref<640xi32, #tpu.memory_space<vmem>>
        %dma_start3A_611 = tpu.memref_slice %arg3[%run_scoped3A_65, %add3A_63] : memref<8x204800xi32, #tpu.memory_space<hbm>> -> memref<1x640xi32, #tpu.memory_space<hbm>>
        %dma_start3A_612 = tpu.memref_squeeze %dma_start3A_611 : memref<1x640xi32, #tpu.memory_space<hbm>> -> memref<640xi32, #tpu.memory_space<hbm>>
        %dma_start3A_613 = arith.constant 0 : i32
        %dma_start3A_614 = tpu.memref_slice %arg5[%run_scoped3A_66, %dma_start3A_613] : memref<8x640xi32, #tpu.memory_space<vmem>> -> memref<1x640xi32, #tpu.memory_space<vmem>>
        %dma_start3A_615 = tpu.memref_squeeze %dma_start3A_614 : memref<1x640xi32, #tpu.memory_space<vmem>> -> memref<640xi32, #tpu.memory_space<vmem>>
        %dma_start3A_616 = tpu.memref_slice %arg3[%run_scoped3A_65, %add3A_63] : memref<8x204800xi32, #tpu.memory_space<hbm>> -> memref<1x640xi32, #tpu.memory_space<hbm>>
        %dma_start3A_617 = tpu.memref_squeeze %dma_start3A_616 : memref<1x640xi32, #tpu.memory_space<hbm>> -> memref<640xi32, #tpu.memory_space<hbm>>
        tpu.enqueue_dma source(%dma_start3A_617 : memref<640xi32, #tpu.memory_space<hbm>>) target(%dma_start3A_615 : memref<640xi32, #tpu.memory_space<vmem>>) target_semaphore(%run_scoped3A_607 : memref<!tpu.dma_semaphore, #tpu.memory_space<semaphore_mem>>)
        %dma_wait3A_618 = arith.constant 0 : i32
        %dma_wait3A_619 = tpu.memref_slice %arg5[%run_scoped3A_66, %dma_wait3A_618] : memref<8x640xi32, #tpu.memory_space<vmem>> -> memref<1x640xi32, #tpu.memory_space<vmem>>
        %dma_wait3A_620 = tpu.memref_squeeze %dma_wait3A_619 : memref<1x640xi32, #tpu.memory_space<vmem>> -> memref<640xi32, #tpu.memory_space<vmem>>
        %dma_wait3A_621 = tpu.memref_slice %arg3[%run_scoped3A_65, %add3A_63] : memref<8x204800xi32, #tpu.memory_space<hbm>> -> memref<1x640xi32, #tpu.memory_space<hbm>>
        %dma_wait3A_622 = tpu.memref_squeeze %dma_wait3A_621 : memref<1x640xi32, #tpu.memory_space<hbm>> -> memref<640xi32, #tpu.memory_space<hbm>>
        %dma_wait3A_623 = arith.constant 0 : i32
        %dma_wait3A_624 = tpu.memref_slice %arg5[%run_scoped3A_66, %dma_wait3A_623] : memref<8x640xi32, #tpu.memory_space<vmem>> -> memref<1x640xi32, #tpu.memory_space<vmem>>
        %dma_wait3A_625 = tpu.memref_squeeze %dma_wait3A_624 : memref<1x640xi32, #tpu.memory_space<vmem>> -> memref<640xi32, #tpu.memory_space<vmem>>
        %dma_wait3A_626 = tpu.memref_slice %arg3[%run_scoped3A_65, %add3A_63] : memref<8x204800xi32, #tpu.memory_space<hbm>> -> memref<1x640xi32, #tpu.memory_space<hbm>>
        %dma_wait3A_627 = tpu.memref_squeeze %dma_wait3A_626 : memref<1x640xi32, #tpu.memory_space<hbm>> -> memref<640xi32, #tpu.memory_space<hbm>>
        tpu.wait_dma2 semaphore(%run_scoped3A_607 : memref<!tpu.dma_semaphore, #tpu.memory_space<semaphore_mem>>) src(%dma_wait3A_627 : memref<640xi32, #tpu.memory_space<hbm>>) dst(%dma_wait3A_625 : memref<640xi32, #tpu.memory_space<vmem>>)
        tpu.yield
      }) : () -> ()
      %run_scoped3A_67 = arith.constant 2 : i32
      %run_scoped3A_68 = arith.constant 2 : i32
      "tpu.region"() ({
        %run_scoped3A_607 = tpu.sem_alloc : memref<!tpu.dma_semaphore, #tpu.memory_space<semaphore_mem>>
        %dma_start3A_608 = arith.constant 0 : i32
        %dma_start3A_609 = tpu.memref_slice %arg5[%run_scoped3A_68, %dma_start3A_608] : memref<8x640xi32, #tpu.memory_space<vmem>> -> memref<1x640xi32, #tpu.memory_space<vmem>>
        %dma_start3A_610 = tpu.memref_squeeze %dma_start3A_609 : memref<1x640xi32, #tpu.memory_space<vmem>> -> memref<640xi32, #tpu.memory_space<vmem>>
        %dma_start3A_611 = tpu.memref_slice %arg3[%run_scoped3A_67, %add3A_63] : memref<8x204800xi32, #tpu.memory_space<hbm>> -> memref<1x640xi32, #tpu.memory_space<hbm>>
        %dma_start3A_612 = tpu.memref_squeeze %dma_start3A_611 : memref<1x640xi32, #tpu.memory_space<hbm>> -> memref<640xi32, #tpu.memory_space<hbm>>
        %dma_start3A_613 = arith.constant 0 : i32
        %dma_start3A_614 = tpu.memref_slice %arg5[%run_scoped3A_68, %dma_start3A_613] : memref<8x640xi32, #tpu.memory_space<vmem>> -> memref<1x640xi32, #tpu.memory_space<vmem>>
        %dma_start3A_615 = tpu.memref_squeeze %dma_start3A_614 : memref<1x640xi32, #tpu.memory_space<vmem>> -> memref<640xi32, #tpu.memory_space<vmem>>
        %dma_start3A_616 = tpu.memref_slice %arg3[%run_scoped3A_67, %add3A_63] : memref<8x204800xi32, #tpu.memory_space<hbm>> -> memref<1x640xi32, #tpu.memory_space<hbm>>
        %dma_start3A_617 = tpu.memref_squeeze %dma_start3A_616 : memref<1x640xi32, #tpu.memory_space<hbm>> -> memref<640xi32, #tpu.memory_space<hbm>>
        tpu.enqueue_dma source(%dma_start3A_617 : memref<640xi32, #tpu.memory_space<hbm>>) target(%dma_start3A_615 : memref<640xi32, #tpu.memory_space<vmem>>) target_semaphore(%run_scoped3A_607 : memref<!tpu.dma_semaphore, #tpu.memory_space<semaphore_mem>>)
        %dma_wait3A_618 = arith.constant 0 : i32
        %dma_wait3A_619 = tpu.memref_slice %arg5[%run_scoped3A_68, %dma_wait3A_618] : memref<8x640xi32, #tpu.memory_space<vmem>> -> memref<1x640xi32, #tpu.memory_space<vmem>>
        %dma_wait3A_620 = tpu.memref_squeeze %dma_wait3A_619 : memref<1x640xi32, #tpu.memory_space<vmem>> -> memref<640xi32, #tpu.memory_space<vmem>>
        %dma_wait3A_621 = tpu.memref_slice %arg3[%run_scoped3A_67, %add3A_63] : memref<8x204800xi32, #tpu.memory_space<hbm>> -> memref<1x640xi32, #tpu.memory_space<hbm>>
        %dma_wait3A_622 = tpu.memref_squeeze %dma_wait3A_621 : memref<1x640xi32, #tpu.memory_space<hbm>> -> memref<640xi32, #tpu.memory_space<hbm>>
        %dma_wait3A_623 = arith.constant 0 : i32
        %dma_wait3A_624 = tpu.memref_slice %arg5[%run_scoped3A_68, %dma_wait3A_623] : memref<8x640xi32, #tpu.memory_space<vmem>> -> memref<1x640xi32, #tpu.memory_space<vmem>>
        %dma_wait3A_625 = tpu.memref_squeeze %dma_wait3A_624 : memref<1x640xi32, #tpu.memory_space<vmem>> -> memref<640xi32, #tpu.memory_space<vmem>>
        %dma_wait3A_626 = tpu.memref_slice %arg3[%run_scoped3A_67, %add3A_63] : memref<8x204800xi32, #tpu.memory_space<hbm>> -> memref<1x640xi32, #tpu.memory_space<hbm>>
        %dma_wait3A_627 = tpu.memref_squeeze %dma_wait3A_626 : memref<1x640xi32, #tpu.memory_space<hbm>> -> memref<640xi32, #tpu.memory_space<hbm>>
        tpu.wait_dma2 semaphore(%run_scoped3A_607 : memref<!tpu.dma_semaphore, #tpu.memory_space<semaphore_mem>>) src(%dma_wait3A_627 : memref<640xi32, #tpu.memory_space<hbm>>) dst(%dma_wait3A_625 : memref<640xi32, #tpu.memory_space<vmem>>)
        tpu.yield
      }) : () -> ()
      %run_scoped3A_69 = arith.constant 3 : i32
      %run_scoped3A_70 = arith.constant 3 : i32
      "tpu.region"() ({
        %run_scoped3A_607 = tpu.sem_alloc : memref<!tpu.dma_semaphore, #tpu.memory_space<semaphore_mem>>
        %dma_start3A_608 = arith.constant 0 : i32
        %dma_start3A_609 = tpu.memref_slice %arg5[%run_scoped3A_70, %dma_start3A_608] : memref<8x640xi32, #tpu.memory_space<vmem>> -> memref<1x640xi32, #tpu.memory_space<vmem>>
        %dma_start3A_610 = tpu.memref_squeeze %dma_start3A_609 : memref<1x640xi32, #tpu.memory_space<vmem>> -> memref<640xi32, #tpu.memory_space<vmem>>
        %dma_start3A_611 = tpu.memref_slice %arg3[%run_scoped3A_69, %add3A_63] : memref<8x204800xi32, #tpu.memory_space<hbm>> -> memref<1x640xi32, #tpu.memory_space<hbm>>
        %dma_start3A_612 = tpu.memref_squeeze %dma_start3A_611 : memref<1x640xi32, #tpu.memory_space<hbm>> -> memref<640xi32, #tpu.memory_space<hbm>>
        %dma_start3A_613 = arith.constant 0 : i32
        %dma_start3A_614 = tpu.memref_slice %arg5[%run_scoped3A_70, %dma_start3A_613] : memref<8x640xi32, #tpu.memory_space<vmem>> -> memref<1x640xi32, #tpu.memory_space<vmem>>
        %dma_start3A_615 = tpu.memref_squeeze %dma_start3A_614 : memref<1x640xi32, #tpu.memory_space<vmem>> -> memref<640xi32, #tpu.memory_space<vmem>>
        %dma_start3A_616 = tpu.memref_slice %arg3[%run_scoped3A_69, %add3A_63] : memref<8x204800xi32, #tpu.memory_space<hbm>> -> memref<1x640xi32, #tpu.memory_space<hbm>>
        %dma_start3A_617 = tpu.memref_squeeze %dma_start3A_616 : memref<1x640xi32, #tpu.memory_space<hbm>> -> memref<640xi32, #tpu.memory_space<hbm>>
        tpu.enqueue_dma source(%dma_start3A_617 : memref<640xi32, #tpu.memory_space<hbm>>) target(%dma_start3A_615 : memref<640xi32, #tpu.memory_space<vmem>>) target_semaphore(%run_scoped3A_607 : memref<!tpu.dma_semaphore, #tpu.memory_space<semaphore_mem>>)
        %dma_wait3A_618 = arith.constant 0 : i32
        %dma_wait3A_619 = tpu.memref_slice %arg5[%run_scoped3A_70, %dma_wait3A_618] : memref<8x640xi32, #tpu.memory_space<vmem>> -> memref<1x640xi32, #tpu.memory_space<vmem>>
        %dma_wait3A_620 = tpu.memref_squeeze %dma_wait3A_619 : memref<1x640xi32, #tpu.memory_space<vmem>> -> memref<640xi32, #tpu.memory_space<vmem>>
        %dma_wait3A_621 = tpu.memref_slice %arg3[%run_scoped3A_69, %add3A_63] : memref<8x204800xi32, #tpu.memory_space<hbm>> -> memref<1x640xi32, #tpu.memory_space<hbm>>
        %dma_wait3A_622 = tpu.memref_squeeze %dma_wait3A_621 : memref<1x640xi32, #tpu.memory_space<hbm>> -> memref<640xi32, #tpu.memory_space<hbm>>
        %dma_wait3A_623 = arith.constant 0 : i32
        %dma_wait3A_624 = tpu.memref_slice %arg5[%run_scoped3A_70, %dma_wait3A_623] : memref<8x640xi32, #tpu.memory_space<vmem>> -> memref<1x640xi32, #tpu.memory_space<vmem>>
        %dma_wait3A_625 = tpu.memref_squeeze %dma_wait3A_624 : memref<1x640xi32, #tpu.memory_space<vmem>> -> memref<640xi32, #tpu.memory_space<vmem>>
        %dma_wait3A_626 = tpu.memref_slice %arg3[%run_scoped3A_69, %add3A_63] : memref<8x204800xi32, #tpu.memory_space<hbm>> -> memref<1x640xi32, #tpu.memory_space<hbm>>
        %dma_wait3A_627 = tpu.memref_squeeze %dma_wait3A_626 : memref<1x640xi32, #tpu.memory_space<hbm>> -> memref<640xi32, #tpu.memory_space<hbm>>
        tpu.wait_dma2 semaphore(%run_scoped3A_607 : memref<!tpu.dma_semaphore, #tpu.memory_space<semaphore_mem>>) src(%dma_wait3A_627 : memref<640xi32, #tpu.memory_space<hbm>>) dst(%dma_wait3A_625 : memref<640xi32, #tpu.memory_space<vmem>>)
        tpu.yield
      }) : () -> ()
      %run_scoped3A_71 = arith.constant 4 : i32
      %run_scoped3A_72 = arith.constant 4 : i32
      "tpu.region"() ({
        %run_scoped3A_607 = tpu.sem_alloc : memref<!tpu.dma_semaphore, #tpu.memory_space<semaphore_mem>>
        %dma_start3A_608 = arith.constant 0 : i32
        %dma_start3A_609 = tpu.memref_slice %arg5[%run_scoped3A_72, %dma_start3A_608] : memref<8x640xi32, #tpu.memory_space<vmem>> -> memref<1x640xi32, #tpu.memory_space<vmem>>
        %dma_start3A_610 = tpu.memref_squeeze %dma_start3A_609 : memref<1x640xi32, #tpu.memory_space<vmem>> -> memref<640xi32, #tpu.memory_space<vmem>>
        %dma_start3A_611 = tpu.memref_slice %arg3[%run_scoped3A_71, %add3A_63] : memref<8x204800xi32, #tpu.memory_space<hbm>> -> memref<1x640xi32, #tpu.memory_space<hbm>>
        %dma_start3A_612 = tpu.memref_squeeze %dma_start3A_611 : memref<1x640xi32, #tpu.memory_space<hbm>> -> memref<640xi32, #tpu.memory_space<hbm>>
        %dma_start3A_613 = arith.constant 0 : i32
        %dma_start3A_614 = tpu.memref_slice %arg5[%run_scoped3A_72, %dma_start3A_613] : memref<8x640xi32, #tpu.memory_space<vmem>> -> memref<1x640xi32, #tpu.memory_space<vmem>>
        %dma_start3A_615 = tpu.memref_squeeze %dma_start3A_614 : memref<1x640xi32, #tpu.memory_space<vmem>> -> memref<640xi32, #tpu.memory_space<vmem>>
        %dma_start3A_616 = tpu.memref_slice %arg3[%run_scoped3A_71, %add3A_63] : memref<8x204800xi32, #tpu.memory_space<hbm>> -> memref<1x640xi32, #tpu.memory_space<hbm>>
        %dma_start3A_617 = tpu.memref_squeeze %dma_start3A_616 : memref<1x640xi32, #tpu.memory_space<hbm>> -> memref<640xi32, #tpu.memory_space<hbm>>
        tpu.enqueue_dma source(%dma_start3A_617 : memref<640xi32, #tpu.memory_space<hbm>>) target(%dma_start3A_615 : memref<640xi32, #tpu.memory_space<vmem>>) target_semaphore(%run_scoped3A_607 : memref<!tpu.dma_semaphore, #tpu.memory_space<semaphore_mem>>)
        %dma_wait3A_618 = arith.constant 0 : i32
        %dma_wait3A_619 = tpu.memref_slice %arg5[%run_scoped3A_72, %dma_wait3A_618] : memref<8x640xi32, #tpu.memory_space<vmem>> -> memref<1x640xi32, #tpu.memory_space<vmem>>
        %dma_wait3A_620 = tpu.memref_squeeze %dma_wait3A_619 : memref<1x640xi32, #tpu.memory_space<vmem>> -> memref<640xi32, #tpu.memory_space<vmem>>
        %dma_wait3A_621 = tpu.memref_slice %arg3[%run_scoped3A_71, %add3A_63] : memref<8x204800xi32, #tpu.memory_space<hbm>> -> memref<1x640xi32, #tpu.memory_space<hbm>>
        %dma_wait3A_622 = tpu.memref_squeeze %dma_wait3A_621 : memref<1x640xi32, #tpu.memory_space<hbm>> -> memref<640xi32, #tpu.memory_space<hbm>>
        %dma_wait3A_623 = arith.constant 0 : i32
        %dma_wait3A_624 = tpu.memref_slice %arg5[%run_scoped3A_72, %dma_wait3A_623] : memref<8x640xi32, #tpu.memory_space<vmem>> -> memref<1x640xi32, #tpu.memory_space<vmem>>
        %dma_wait3A_625 = tpu.memref_squeeze %dma_wait3A_624 : memref<1x640xi32, #tpu.memory_space<vmem>> -> memref<640xi32, #tpu.memory_space<vmem>>
        %dma_wait3A_626 = tpu.memref_slice %arg3[%run_scoped3A_71, %add3A_63] : memref<8x204800xi32, #tpu.memory_space<hbm>> -> memref<1x640xi32, #tpu.memory_space<hbm>>
        %dma_wait3A_627 = tpu.memref_squeeze %dma_wait3A_626 : memref<1x640xi32, #tpu.memory_space<hbm>> -> memref<640xi32, #tpu.memory_space<hbm>>
        tpu.wait_dma2 semaphore(%run_scoped3A_607 : memref<!tpu.dma_semaphore, #tpu.memory_space<semaphore_mem>>) src(%dma_wait3A_627 : memref<640xi32, #tpu.memory_space<hbm>>) dst(%dma_wait3A_625 : memref<640xi32, #tpu.memory_space<vmem>>)
        tpu.yield
      }) : () -> ()
      %run_scoped3A_73 = arith.constant 5 : i32
      %run_scoped3A_74 = arith.constant 5 : i32
      "tpu.region"() ({
        %run_scoped3A_607 = tpu.sem_alloc : memref<!tpu.dma_semaphore, #tpu.memory_space<semaphore_mem>>
        %dma_start3A_608 = arith.constant 0 : i32
        %dma_start3A_609 = tpu.memref_slice %arg5[%run_scoped3A_74, %dma_start3A_608] : memref<8x640xi32, #tpu.memory_space<vmem>> -> memref<1x640xi32, #tpu.memory_space<vmem>>
        %dma_start3A_610 = tpu.memref_squeeze %dma_start3A_609 : memref<1x640xi32, #tpu.memory_space<vmem>> -> memref<640xi32, #tpu.memory_space<vmem>>
        %dma_start3A_611 = tpu.memref_slice %arg3[%run_scoped3A_73, %add3A_63] : memref<8x204800xi32, #tpu.memory_space<hbm>> -> memref<1x640xi32, #tpu.memory_space<hbm>>
        %dma_start3A_612 = tpu.memref_squeeze %dma_start3A_611 : memref<1x640xi32, #tpu.memory_space<hbm>> -> memref<640xi32, #tpu.memory_space<hbm>>
        %dma_start3A_613 = arith.constant 0 : i32
        %dma_start3A_614 = tpu.memref_slice %arg5[%run_scoped3A_74, %dma_start3A_613] : memref<8x640xi32, #tpu.memory_space<vmem>> -> memref<1x640xi32, #tpu.memory_space<vmem>>
        %dma_start3A_615 = tpu.memref_squeeze %dma_start3A_614 : memref<1x640xi32, #tpu.memory_space<vmem>> -> memref<640xi32, #tpu.memory_space<vmem>>
        %dma_start3A_616 = tpu.memref_slice %arg3[%run_scoped3A_73, %add3A_63] : memref<8x204800xi32, #tpu.memory_space<hbm>> -> memref<1x640xi32, #tpu.memory_space<hbm>>
        %dma_start3A_617 = tpu.memref_squeeze %dma_start3A_616 : memref<1x640xi32, #tpu.memory_space<hbm>> -> memref<640xi32, #tpu.memory_space<hbm>>
        tpu.enqueue_dma source(%dma_start3A_617 : memref<640xi32, #tpu.memory_space<hbm>>) target(%dma_start3A_615 : memref<640xi32, #tpu.memory_space<vmem>>) target_semaphore(%run_scoped3A_607 : memref<!tpu.dma_semaphore, #tpu.memory_space<semaphore_mem>>)
        %dma_wait3A_618 = arith.constant 0 : i32
        %dma_wait3A_619 = tpu.memref_slice %arg5[%run_scoped3A_74, %dma_wait3A_618] : memref<8x640xi32, #tpu.memory_space<vmem>> -> memref<1x640xi32, #tpu.memory_space<vmem>>
        %dma_wait3A_620 = tpu.memref_squeeze %dma_wait3A_619 : memref<1x640xi32, #tpu.memory_space<vmem>> -> memref<640xi32, #tpu.memory_space<vmem>>
        %dma_wait3A_621 = tpu.memref_slice %arg3[%run_scoped3A_73, %add3A_63] : memref<8x204800xi32, #tpu.memory_space<hbm>> -> memref<1x640xi32, #tpu.memory_space<hbm>>
        %dma_wait3A_622 = tpu.memref_squeeze %dma_wait3A_621 : memref<1x640xi32, #tpu.memory_space<hbm>> -> memref<640xi32, #tpu.memory_space<hbm>>
        %dma_wait3A_623 = arith.constant 0 : i32
        %dma_wait3A_624 = tpu.memref_slice %arg5[%run_scoped3A_74, %dma_wait3A_623] : memref<8x640xi32, #tpu.memory_space<vmem>> -> memref<1x640xi32, #tpu.memory_space<vmem>>
        %dma_wait3A_625 = tpu.memref_squeeze %dma_wait3A_624 : memref<1x640xi32, #tpu.memory_space<vmem>> -> memref<640xi32, #tpu.memory_space<vmem>>
        %dma_wait3A_626 = tpu.memref_slice %arg3[%run_scoped3A_73, %add3A_63] : memref<8x204800xi32, #tpu.memory_space<hbm>> -> memref<1x640xi32, #tpu.memory_space<hbm>>
        %dma_wait3A_627 = tpu.memref_squeeze %dma_wait3A_626 : memref<1x640xi32, #tpu.memory_space<hbm>> -> memref<640xi32, #tpu.memory_space<hbm>>
        tpu.wait_dma2 semaphore(%run_scoped3A_607 : memref<!tpu.dma_semaphore, #tpu.memory_space<semaphore_mem>>) src(%dma_wait3A_627 : memref<640xi32, #tpu.memory_space<hbm>>) dst(%dma_wait3A_625 : memref<640xi32, #tpu.memory_space<vmem>>)
        tpu.yield
      }) : () -> ()
      %run_scoped3A_75 = arith.constant 6 : i32
      %run_scoped3A_76 = arith.constant 6 : i32
      "tpu.region"() ({
        %run_scoped3A_607 = tpu.sem_alloc : memref<!tpu.dma_semaphore, #tpu.memory_space<semaphore_mem>>
        %dma_start3A_608 = arith.constant 0 : i32
        %dma_start3A_609 = tpu.memref_slice %arg5[%run_scoped3A_76, %dma_start3A_608] : memref<8x640xi32, #tpu.memory_space<vmem>> -> memref<1x640xi32, #tpu.memory_space<vmem>>
        %dma_start3A_610 = tpu.memref_squeeze %dma_start3A_609 : memref<1x640xi32, #tpu.memory_space<vmem>> -> memref<640xi32, #tpu.memory_space<vmem>>
        %dma_start3A_611 = tpu.memref_slice %arg3[%run_scoped3A_75, %add3A_63] : memref<8x204800xi32, #tpu.memory_space<hbm>> -> memref<1x640xi32, #tpu.memory_space<hbm>>
        %dma_start3A_612 = tpu.memref_squeeze %dma_start3A_611 : memref<1x640xi32, #tpu.memory_space<hbm>> -> memref<640xi32, #tpu.memory_space<hbm>>
        %dma_start3A_613 = arith.constant 0 : i32
        %dma_start3A_614 = tpu.memref_slice %arg5[%run_scoped3A_76, %dma_start3A_613] : memref<8x640xi32, #tpu.memory_space<vmem>> -> memref<1x640xi32, #tpu.memory_space<vmem>>
        %dma_start3A_615 = tpu.memref_squeeze %dma_start3A_614 : memref<1x640xi32, #tpu.memory_space<vmem>> -> memref<640xi32, #tpu.memory_space<vmem>>
        %dma_start3A_616 = tpu.memref_slice %arg3[%run_scoped3A_75, %add3A_63] : memref<8x204800xi32, #tpu.memory_space<hbm>> -> memref<1x640xi32, #tpu.memory_space<hbm>>
        %dma_start3A_617 = tpu.memref_squeeze %dma_start3A_616 : memref<1x640xi32, #tpu.memory_space<hbm>> -> memref<640xi32, #tpu.memory_space<hbm>>
        tpu.enqueue_dma source(%dma_start3A_617 : memref<640xi32, #tpu.memory_space<hbm>>) target(%dma_start3A_615 : memref<640xi32, #tpu.memory_space<vmem>>) target_semaphore(%run_scoped3A_607 : memref<!tpu.dma_semaphore, #tpu.memory_space<semaphore_mem>>)
        %dma_wait3A_618 = arith.constant 0 : i32
        %dma_wait3A_619 = tpu.memref_slice %arg5[%run_scoped3A_76, %dma_wait3A_618] : memref<8x640xi32, #tpu.memory_space<vmem>> -> memref<1x640xi32, #tpu.memory_space<vmem>>
        %dma_wait3A_620 = tpu.memref_squeeze %dma_wait3A_619 : memref<1x640xi32, #tpu.memory_space<vmem>> -> memref<640xi32, #tpu.memory_space<vmem>>
        %dma_wait3A_621 = tpu.memref_slice %arg3[%run_scoped3A_75, %add3A_63] : memref<8x204800xi32, #tpu.memory_space<hbm>> -> memref<1x640xi32, #tpu.memory_space<hbm>>
        %dma_wait3A_622 = tpu.memref_squeeze %dma_wait3A_621 : memref<1x640xi32, #tpu.memory_space<hbm>> -> memref<640xi32, #tpu.memory_space<hbm>>
        %dma_wait3A_623 = arith.constant 0 : i32
        %dma_wait3A_624 = tpu.memref_slice %arg5[%run_scoped3A_76, %dma_wait3A_623] : memref<8x640xi32, #tpu.memory_space<vmem>> -> memref<1x640xi32, #tpu.memory_space<vmem>>
        %dma_wait3A_625 = tpu.memref_squeeze %dma_wait3A_624 : memref<1x640xi32, #tpu.memory_space<vmem>> -> memref<640xi32, #tpu.memory_space<vmem>>
        %dma_wait3A_626 = tpu.memref_slice %arg3[%run_scoped3A_75, %add3A_63] : memref<8x204800xi32, #tpu.memory_space<hbm>> -> memref<1x640xi32, #tpu.memory_space<hbm>>
        %dma_wait3A_627 = tpu.memref_squeeze %dma_wait3A_626 : memref<1x640xi32, #tpu.memory_space<hbm>> -> memref<640xi32, #tpu.memory_space<hbm>>
        tpu.wait_dma2 semaphore(%run_scoped3A_607 : memref<!tpu.dma_semaphore, #tpu.memory_space<semaphore_mem>>) src(%dma_wait3A_627 : memref<640xi32, #tpu.memory_space<hbm>>) dst(%dma_wait3A_625 : memref<640xi32, #tpu.memory_space<vmem>>)
        tpu.yield
      }) : () -> ()
      %run_scoped3A_77 = arith.constant 7 : i32
      %run_scoped3A_78 = arith.constant 7 : i32
      "tpu.region"() ({
        %run_scoped3A_607 = tpu.sem_alloc : memref<!tpu.dma_semaphore, #tpu.memory_space<semaphore_mem>>
        %dma_start3A_608 = arith.constant 0 : i32
        %dma_start3A_609 = tpu.memref_slice %arg5[%run_scoped3A_78, %dma_start3A_608] : memref<8x640xi32, #tpu.memory_space<vmem>> -> memref<1x640xi32, #tpu.memory_space<vmem>>
        %dma_start3A_610 = tpu.memref_squeeze %dma_start3A_609 : memref<1x640xi32, #tpu.memory_space<vmem>> -> memref<640xi32, #tpu.memory_space<vmem>>
        %dma_start3A_611 = tpu.memref_slice %arg3[%run_scoped3A_77, %add3A_63] : memref<8x204800xi32, #tpu.memory_space<hbm>> -> memref<1x640xi32, #tpu.memory_space<hbm>>
        %dma_start3A_612 = tpu.memref_squeeze %dma_start3A_611 : memref<1x640xi32, #tpu.memory_space<hbm>> -> memref<640xi32, #tpu.memory_space<hbm>>
        %dma_start3A_613 = arith.constant 0 : i32
        %dma_start3A_614 = tpu.memref_slice %arg5[%run_scoped3A_78, %dma_start3A_613] : memref<8x640xi32, #tpu.memory_space<vmem>> -> memref<1x640xi32, #tpu.memory_space<vmem>>
        %dma_start3A_615 = tpu.memref_squeeze %dma_start3A_614 : memref<1x640xi32, #tpu.memory_space<vmem>> -> memref<640xi32, #tpu.memory_space<vmem>>
        %dma_start3A_616 = tpu.memref_slice %arg3[%run_scoped3A_77, %add3A_63] : memref<8x204800xi32, #tpu.memory_space<hbm>> -> memref<1x640xi32, #tpu.memory_space<hbm>>
        %dma_start3A_617 = tpu.memref_squeeze %dma_start3A_616 : memref<1x640xi32, #tpu.memory_space<hbm>> -> memref<640xi32, #tpu.memory_space<hbm>>
        tpu.enqueue_dma source(%dma_start3A_617 : memref<640xi32, #tpu.memory_space<hbm>>) target(%dma_start3A_615 : memref<640xi32, #tpu.memory_space<vmem>>) target_semaphore(%run_scoped3A_607 : memref<!tpu.dma_semaphore, #tpu.memory_space<semaphore_mem>>)
        %dma_wait3A_618 = arith.constant 0 : i32
        %dma_wait3A_619 = tpu.memref_slice %arg5[%run_scoped3A_78, %dma_wait3A_618] : memref<8x640xi32, #tpu.memory_space<vmem>> -> memref<1x640xi32, #tpu.memory_space<vmem>>
        %dma_wait3A_620 = tpu.memref_squeeze %dma_wait3A_619 : memref<1x640xi32, #tpu.memory_space<vmem>> -> memref<640xi32, #tpu.memory_space<vmem>>
        %dma_wait3A_621 = tpu.memref_slice %arg3[%run_scoped3A_77, %add3A_63] : memref<8x204800xi32, #tpu.memory_space<hbm>> -> memref<1x640xi32, #tpu.memory_space<hbm>>
        %dma_wait3A_622 = tpu.memref_squeeze %dma_wait3A_621 : memref<1x640xi32, #tpu.memory_space<hbm>> -> memref<640xi32, #tpu.memory_space<hbm>>
        %dma_wait3A_623 = arith.constant 0 : i32
        %dma_wait3A_624 = tpu.memref_slice %arg5[%run_scoped3A_78, %dma_wait3A_623] : memref<8x640xi32, #tpu.memory_space<vmem>> -> memref<1x640xi32, #tpu.memory_space<vmem>>
        %dma_wait3A_625 = tpu.memref_squeeze %dma_wait3A_624 : memref<1x640xi32, #tpu.memory_space<vmem>> -> memref<640xi32, #tpu.memory_space<vmem>>
        %dma_wait3A_626 = tpu.memref_slice %arg3[%run_scoped3A_77, %add3A_63] : memref<8x204800xi32, #tpu.memory_space<hbm>> -> memref<1x640xi32, #tpu.memory_space<hbm>>
        %dma_wait3A_627 = tpu.memref_squeeze %dma_wait3A_626 : memref<1x640xi32, #tpu.memory_space<hbm>> -> memref<640xi32, #tpu.memory_space<hbm>>
        tpu.wait_dma2 semaphore(%run_scoped3A_607 : memref<!tpu.dma_semaphore, #tpu.memory_space<semaphore_mem>>) src(%dma_wait3A_627 : memref<640xi32, #tpu.memory_space<hbm>>) dst(%dma_wait3A_625 : memref<640xi32, #tpu.memory_space<vmem>>)
        tpu.yield
      }) : () -> ()
      %scan3A_79 = arith.constant 0 : i32
      %scan3A_80 = arith.constant 0 : i32
      %scan3A_81 = arith.constant 40 : i32
      %scan3A_82 = arith.addi %scan3A_80, %scan3A_81 : i32
      %scan3A_83 = arith.constant 1 : i32
      scf.for %scan3A_607 = %scan3A_80 to %scan3A_82 step %scan3A_83  : i32 {
        %mul3A_608 = arith.constant 16 : i32
        %mul3A_609 = arith.muli %scan3A_607, %mul3A_608 : i32
        %add3A_610 = arith.constant 0 : i32
        %add3A_611 = arith.addi %mul3A_609, %add3A_610 : i32
        %get3A = arith.constant 0 : i32
        %get3A_612 = arith.index_cast %get3A : i32 to index
        %get3A_613 = arith.index_cast %add3A_611 : i32 to index
        %get3A_614 = tpu.vector_load %arg5[%get3A_612, %get3A_613] {strides = array<i32>} : memref<8x640xi32, #tpu.memory_space<vmem>>, vector<1x16xi32>,
        %get3A_615 = vector.shape_cast %get3A_614 : vector<1x16xi32> to vector<16xi32>
        %ne3A = arith.constant 0 : i32
        %ne3A_616 = vector.broadcast %ne3A : i32 to vector<16xi32>
        %ne3A_617 = arith.cmpi ne, %get3A_615, %ne3A_616 : vector<16xi32>
        %jit3A = arith.constant 4610 : i32
        %broadcast_in_dim3A = vector.broadcast %jit3A : i32 to vector<16xi32>
        %select_n3A = arith.select %ne3A_617, %get3A_615, %broadcast_in_dim3A : vector<16xi1>, vector<16xi32>
        %swap3A = arith.constant 0 : i32
        %swap3A_618 = arith.index_cast %swap3A : i32 to index
        %swap3A_619 = arith.index_cast %scan3A_607 : i32 to index
        %swap3A_620 = arith.constant 0 : index
        %swap3A_621 = tpu.vector_load %arg6[%swap3A_618, %swap3A_619, %swap3A_620] {strides = array<i32>} : memref<8x40x16xi32, #tpu.memory_space<vmem>>, vector<1x1x16xi32>,
        %swap3A_622 = vector.shape_cast %swap3A_621 : vector<1x1x16xi32> to vector<16xi32>
        %swap3A_623 = vector.shape_cast %select_n3A : vector<16xi32> to vector<1x1x16xi32>
        tpu.vector_store %arg6[%swap3A_618, %swap3A_619, %swap3A_620], %swap3A_623 {strides = array<i32>} : memref<8x40x16xi32, #tpu.memory_space<vmem>>, vector<1x1x16xi32>,
        %get3A_624 = arith.constant 1 : i32
        %get3A_625 = arith.index_cast %get3A_624 : i32 to index
        %get3A_626 = arith.index_cast %add3A_611 : i32 to index
        %get3A_627 = tpu.vector_load %arg5[%get3A_625, %get3A_626] {strides = array<i32>} : memref<8x640xi32, #tpu.memory_space<vmem>>, vector<1x16xi32>,
        %get3A_628 = vector.shape_cast %get3A_627 : vector<1x16xi32> to vector<16xi32>
        %add3A_629 = arith.constant 1024 : i32
        %add3A_630 = vector.broadcast %add3A_629 : i32 to vector<16xi32>
        %add3A_631 = arith.addi %get3A_628, %add3A_630 : vector<16xi32>
        %jit3A_632 = arith.constant 4610 : i32
        %broadcast_in_dim3A_633 = vector.broadcast %jit3A_632 : i32 to vector<16xi32>
        %select_n3A_634 = arith.select %ne3A_617, %add3A_631, %broadcast_in_dim3A_633 : vector<16xi1>, vector<16xi32>
        %swap3A_635 = arith.constant 1 : i32
        %swap3A_636 = arith.index_cast %swap3A_635 : i32 to index
        %swap3A_637 = arith.index_cast %scan3A_607 : i32 to index
        %swap3A_638 = arith.constant 0 : index
        %swap3A_639 = tpu.vector_load %arg6[%swap3A_636, %swap3A_637, %swap3A_638] {strides = array<i32>} : memref<8x40x16xi32, #tpu.memory_space<vmem>>, vector<1x1x16xi32>,
        %swap3A_640 = vector.shape_cast %swap3A_639 : vector<1x1x16xi32> to vector<16xi32>
        %swap3A_641 = vector.shape_cast %select_n3A_634 : vector<16xi32> to vector<1x1x16xi32>
        tpu.vector_store %arg6[%swap3A_636, %swap3A_637, %swap3A_638], %swap3A_641 {strides = array<i32>} : memref<8x40x16xi32, #tpu.memory_space<vmem>>, vector<1x1x16xi32>,
        %get3A_642 = arith.constant 2 : i32
        %get3A_643 = arith.index_cast %get3A_642 : i32 to index
        %get3A_644 = arith.index_cast %add3A_611 : i32 to index
        %get3A_645 = tpu.vector_load %arg5[%get3A_643, %get3A_644] {strides = array<i32>} : memref<8x640xi32, #tpu.memory_space<vmem>>, vector<1x16xi32>,
        %get3A_646 = vector.shape_cast %get3A_645 : vector<1x16xi32> to vector<16xi32>
        %add3A_647 = arith.constant 1536 : i32
        %add3A_648 = vector.broadcast %add3A_647 : i32 to vector<16xi32>
        %add3A_649 = arith.addi %get3A_646, %add3A_648 : vector<16xi32>
        %jit3A_650 = arith.constant 4610 : i32
        %broadcast_in_dim3A_651 = vector.broadcast %jit3A_650 : i32 to vector<16xi32>
        %select_n3A_652 = arith.select %ne3A_617, %add3A_649, %broadcast_in_dim3A_651 : vector<16xi1>, vector<16xi32>
        %swap3A_653 = arith.constant 2 : i32
        %swap3A_654 = arith.index_cast %swap3A_653 : i32 to index
        %swap3A_655 = arith.index_cast %scan3A_607 : i32 to index
        %swap3A_656 = arith.constant 0 : index
        %swap3A_657 = tpu.vector_load %arg6[%swap3A_654, %swap3A_655, %swap3A_656] {strides = array<i32>} : memref<8x40x16xi32, #tpu.memory_space<vmem>>, vector<1x1x16xi32>,
        %swap3A_658 = vector.shape_cast %swap3A_657 : vector<1x1x16xi32> to vector<16xi32>
        %swap3A_659 = vector.shape_cast %select_n3A_652 : vector<16xi32> to vector<1x1x16xi32>
        tpu.vector_store %arg6[%swap3A_654, %swap3A_655, %swap3A_656], %swap3A_659 {strides = array<i32>} : memref<8x40x16xi32, #tpu.memory_space<vmem>>, vector<1x1x16xi32>,
        %get3A_660 = arith.constant 3 : i32
        %get3A_661 = arith.index_cast %get3A_660 : i32 to index
        %get3A_662 = arith.index_cast %add3A_611 : i32 to index
        %get3A_663 = tpu.vector_load %arg5[%get3A_661, %get3A_662] {strides = array<i32>} : memref<8x640xi32, #tpu.memory_space<vmem>>, vector<1x16xi32>,
        %get3A_664 = vector.shape_cast %get3A_663 : vector<1x16xi32> to vector<16xi32>
        %add3A_665 = arith.constant 4608 : i32
        %add3A_666 = vector.broadcast %add3A_665 : i32 to vector<16xi32>
        %add3A_667 = arith.addi %get3A_664, %add3A_666 : vector<16xi32>
        %jit3A_668 = arith.constant 4610 : i32
        %broadcast_in_dim3A_669 = vector.broadcast %jit3A_668 : i32 to vector<16xi32>
        %select_n3A_670 = arith.select %ne3A_617, %add3A_667, %broadcast_in_dim3A_669 : vector<16xi1>, vector<16xi32>
        %swap3A_671 = arith.constant 3 : i32
        %swap3A_672 = arith.index_cast %swap3A_671 : i32 to index
        %swap3A_673 = arith.index_cast %scan3A_607 : i32 to index
        %swap3A_674 = arith.constant 0 : index
        %swap3A_675 = tpu.vector_load %arg6[%swap3A_672, %swap3A_673, %swap3A_674] {strides = array<i32>} : memref<8x40x16xi32, #tpu.memory_space<vmem>>, vector<1x1x16xi32>,
        %swap3A_676 = vector.shape_cast %swap3A_675 : vector<1x1x16xi32> to vector<16xi32>
        %swap3A_677 = vector.shape_cast %select_n3A_670 : vector<16xi32> to vector<1x1x16xi32>
        tpu.vector_store %arg6[%swap3A_672, %swap3A_673, %swap3A_674], %swap3A_677 {strides = array<i32>} : memref<8x40x16xi32, #tpu.memory_space<vmem>>, vector<1x1x16xi32>,
        %get3A_678 = arith.constant 4 : i32
        %get3A_679 = arith.index_cast %get3A_678 : i32 to index
        %get3A_680 = arith.index_cast %add3A_611 : i32 to index
        %get3A_681 = tpu.vector_load %arg5[%get3A_679, %get3A_680] {strides = array<i32>} : memref<8x640xi32, #tpu.memory_space<vmem>>, vector<1x16xi32>,
        %get3A_682 = vector.shape_cast %get3A_681 : vector<1x16xi32> to vector<16xi32>
        %add3A_683 = arith.constant 2560 : i32
        %add3A_684 = vector.broadcast %add3A_683 : i32 to vector<16xi32>
        %add3A_685 = arith.addi %get3A_682, %add3A_684 : vector<16xi32>
        %jit3A_686 = arith.constant 4610 : i32
        %broadcast_in_dim3A_687 = vector.broadcast %jit3A_686 : i32 to vector<16xi32>
        %select_n3A_688 = arith.select %ne3A_617, %add3A_685, %broadcast_in_dim3A_687 : vector<16xi1>, vector<16xi32>
        %swap3A_689 = arith.constant 4 : i32
        %swap3A_690 = arith.index_cast %swap3A_689 : i32 to index
        %swap3A_691 = arith.index_cast %scan3A_607 : i32 to index
        %swap3A_692 = arith.constant 0 : index
        %swap3A_693 = tpu.vector_load %arg6[%swap3A_690, %swap3A_691, %swap3A_692] {strides = array<i32>} : memref<8x40x16xi32, #tpu.memory_space<vmem>>, vector<1x1x16xi32>,
        %swap3A_694 = vector.shape_cast %swap3A_693 : vector<1x1x16xi32> to vector<16xi32>
        %swap3A_695 = vector.shape_cast %select_n3A_688 : vector<16xi32> to vector<1x1x16xi32>
        tpu.vector_store %arg6[%swap3A_690, %swap3A_691, %swap3A_692], %swap3A_695 {strides = array<i32>} : memref<8x40x16xi32, #tpu.memory_space<vmem>>, vector<1x1x16xi32>,
        %get3A_696 = arith.constant 5 : i32
        %get3A_697 = arith.index_cast %get3A_696 : i32 to index
        %get3A_698 = arith.index_cast %add3A_611 : i32 to index
        %get3A_699 = tpu.vector_load %arg5[%get3A_697, %get3A_698] {strides = array<i32>} : memref<8x640xi32, #tpu.memory_space<vmem>>, vector<1x16xi32>,
        %get3A_700 = vector.shape_cast %get3A_699 : vector<1x16xi32> to vector<16xi32>
        %add3A_701 = arith.constant 2560 : i32
        %add3A_702 = vector.broadcast %add3A_701 : i32 to vector<16xi32>
        %add3A_703 = arith.addi %get3A_700, %add3A_702 : vector<16xi32>
        %jit3A_704 = arith.constant 4610 : i32
        %broadcast_in_dim3A_705 = vector.broadcast %jit3A_704 : i32 to vector<16xi32>
        %select_n3A_706 = arith.select %ne3A_617, %add3A_703, %broadcast_in_dim3A_705 : vector<16xi1>, vector<16xi32>
        %swap3A_707 = arith.constant 5 : i32
        %swap3A_708 = arith.index_cast %swap3A_707 : i32 to index
        %swap3A_709 = arith.index_cast %scan3A_607 : i32 to index
        %swap3A_710 = arith.constant 0 : index
        %swap3A_711 = tpu.vector_load %arg6[%swap3A_708, %swap3A_709, %swap3A_710] {strides = array<i32>} : memref<8x40x16xi32, #tpu.memory_space<vmem>>, vector<1x1x16xi32>,
        %swap3A_712 = vector.shape_cast %swap3A_711 : vector<1x1x16xi32> to vector<16xi32>
        %swap3A_713 = vector.shape_cast %select_n3A_706 : vector<16xi32> to vector<1x1x16xi32>
        tpu.vector_store %arg6[%swap3A_708, %swap3A_709, %swap3A_710], %swap3A_713 {strides = array<i32>} : memref<8x40x16xi32, #tpu.memory_space<vmem>>, vector<1x1x16xi32>,
        %get3A_714 = arith.constant 6 : i32
        %get3A_715 = arith.index_cast %get3A_714 : i32 to index
        %get3A_716 = arith.index_cast %add3A_611 : i32 to index
        %get3A_717 = tpu.vector_load %arg5[%get3A_715, %get3A_716] {strides = array<i32>} : memref<8x640xi32, #tpu.memory_space<vmem>>, vector<1x16xi32>,
        %get3A_718 = vector.shape_cast %get3A_717 : vector<1x16xi32> to vector<16xi32>
        %add3A_719 = arith.constant 2560 : i32
        %add3A_720 = vector.broadcast %add3A_719 : i32 to vector<16xi32>
        %add3A_721 = arith.addi %get3A_718, %add3A_720 : vector<16xi32>
        %jit3A_722 = arith.constant 4610 : i32
        %broadcast_in_dim3A_723 = vector.broadcast %jit3A_722 : i32 to vector<16xi32>
        %select_n3A_724 = arith.select %ne3A_617, %add3A_721, %broadcast_in_dim3A_723 : vector<16xi1>, vector<16xi32>
        %swap3A_725 = arith.constant 6 : i32
        %swap3A_726 = arith.index_cast %swap3A_725 : i32 to index
        %swap3A_727 = arith.index_cast %scan3A_607 : i32 to index
        %swap3A_728 = arith.constant 0 : index
        %swap3A_729 = tpu.vector_load %arg6[%swap3A_726, %swap3A_727, %swap3A_728] {strides = array<i32>} : memref<8x40x16xi32, #tpu.memory_space<vmem>>, vector<1x1x16xi32>,
        %swap3A_730 = vector.shape_cast %swap3A_729 : vector<1x1x16xi32> to vector<16xi32>
        %swap3A_731 = vector.shape_cast %select_n3A_724 : vector<16xi32> to vector<1x1x16xi32>
        tpu.vector_store %arg6[%swap3A_726, %swap3A_727, %swap3A_728], %swap3A_731 {strides = array<i32>} : memref<8x40x16xi32, #tpu.memory_space<vmem>>, vector<1x1x16xi32>,
        %get3A_732 = arith.constant 7 : i32
        %get3A_733 = arith.index_cast %get3A_732 : i32 to index
        %get3A_734 = arith.index_cast %add3A_611 : i32 to index
        %get3A_735 = tpu.vector_load %arg5[%get3A_733, %get3A_734] {strides = array<i32>} : memref<8x640xi32, #tpu.memory_space<vmem>>, vector<1x16xi32>,
        %get3A_736 = vector.shape_cast %get3A_735 : vector<1x16xi32> to vector<16xi32>
        %add3A_737 = arith.constant 2560 : i32
        %add3A_738 = vector.broadcast %add3A_737 : i32 to vector<16xi32>
        %add3A_739 = arith.addi %get3A_736, %add3A_738 : vector<16xi32>
        %jit3A_740 = arith.constant 4610 : i32
        %broadcast_in_dim3A_741 = vector.broadcast %jit3A_740 : i32 to vector<16xi32>
        %select_n3A_742 = arith.select %ne3A_617, %add3A_739, %broadcast_in_dim3A_741 : vector<16xi1>, vector<16xi32>
        %swap3A_743 = arith.constant 7 : i32
        %swap3A_744 = arith.index_cast %swap3A_743 : i32 to index
        %swap3A_745 = arith.index_cast %scan3A_607 : i32 to index
        %swap3A_746 = arith.constant 0 : index
        %swap3A_747 = tpu.vector_load %arg6[%swap3A_744, %swap3A_745, %swap3A_746] {strides = array<i32>} : memref<8x40x16xi32, #tpu.memory_space<vmem>>, vector<1x1x16xi32>,
        %swap3A_748 = vector.shape_cast %swap3A_747 : vector<1x1x16xi32> to vector<16xi32>
        %swap3A_749 = vector.shape_cast %select_n3A_742 : vector<16xi32> to vector<1x1x16xi32>
        tpu.vector_store %arg6[%swap3A_744, %swap3A_745, %swap3A_746], %swap3A_749 {strides = array<i32>} : memref<8x40x16xi32, #tpu.memory_space<vmem>>, vector<1x1x16xi32>,
      }
      %scan3A_84 = arith.constant 40 : i32
      %dma_start3A_85 = arith.constant 0 : i32
      %dma_start3A_86 = arith.constant 0 : i32
      %dma_start3A_87 = arith.constant 0 : i32
      %dma_start3A_88 = arith.constant 0 : i32
      %dma_start3A_89 = arith.constant 0 : i32
      %dma_start3A_90 = arith.constant 0 : i32
      %dma_start3A_91 = tpu.memref_slice %arg7[%dma_start3A_87, %dma_start3A_88, %dma_start3A_89, %dma_start3A_90] : memref<2x8x16x128xf32, #tpu.memory_space<vmem>> -> memref<1x1x16x128xf32, #tpu.memory_space<vmem>>
      %dma_start3A_92 = tpu.memref_squeeze %dma_start3A_91 : memref<1x1x16x128xf32, #tpu.memory_space<vmem>> -> memref<16x128xf32, #tpu.memory_space<vmem>>
      %dma_start3A_93 = arith.constant 0 : i32
      %dma_start3A_94 = tpu.memref_slice %arg6[%dma_start3A_85, %dma_start3A_86, %dma_start3A_93] : memref<8x40x16xi32, #tpu.memory_space<vmem>> -> memref<1x1x16xi32, #tpu.memory_space<vmem>>
      %dma_start3A_95 = tpu.memref_squeeze %dma_start3A_94 : memref<1x1x16xi32, #tpu.memory_space<vmem>> -> memref<16xi32, #tpu.memory_space<vmem>>
      %dma_start3A_96 = arith.constant 0 : i32
      %dma_start3A_97 = arith.constant 0 : i32
      %dma_start3A_98 = tpu.memref_slice %arg9[%dma_start3A_96, %dma_start3A_97] : memref<4616x128xf32, #tpu.memory_space<vmem_shared>> -> memref<4616x128xf32, #tpu.memory_space<vmem_shared>>
      tpu.enqueue_indirect_dma source(%dma_start3A_98 : memref<4616x128xf32, #tpu.memory_space<vmem_shared>>) target(%dma_start3A_92 : memref<16x128xf32, #tpu.memory_space<vmem>>) offsets(%dma_start3A_95 : memref<16xi32, #tpu.memory_space<vmem>>) semaphore(%arg10 : memref<!tpu.dma_semaphore, #tpu.memory_space<semaphore_mem>>)
      %dma_start3A_99 = arith.constant 1 : i32
      %dma_start3A_100 = arith.constant 0 : i32
      %dma_start3A_101 = arith.constant 0 : i32
      %dma_start3A_102 = arith.constant 1 : i32
      %dma_start3A_103 = arith.constant 0 : i32
      %dma_start3A_104 = arith.constant 0 : i32
      %dma_start3A_105 = tpu.memref_slice %arg7[%dma_start3A_101, %dma_start3A_102, %dma_start3A_103, %dma_start3A_104] : memref<2x8x16x128xf32, #tpu.memory_space<vmem>> -> memref<1x1x16x128xf32, #tpu.memory_space<vmem>>
      %dma_start3A_106 = tpu.memref_squeeze %dma_start3A_105 : memref<1x1x16x128xf32, #tpu.memory_space<vmem>> -> memref<16x128xf32, #tpu.memory_space<vmem>>
      %dma_start3A_107 = arith.constant 0 : i32
      %dma_start3A_108 = tpu.memref_slice %arg6[%dma_start3A_99, %dma_start3A_100, %dma_start3A_107] : memref<8x40x16xi32, #tpu.memory_space<vmem>> -> memref<1x1x16xi32, #tpu.memory_space<vmem>>
      %dma_start3A_109 = tpu.memref_squeeze %dma_start3A_108 : memref<1x1x16xi32, #tpu.memory_space<vmem>> -> memref<16xi32, #tpu.memory_space<vmem>>
      %dma_start3A_110 = arith.constant 0 : i32
      %dma_start3A_111 = arith.constant 0 : i32
      %dma_start3A_112 = tpu.memref_slice %arg9[%dma_start3A_110, %dma_start3A_111] : memref<4616x128xf32, #tpu.memory_space<vmem_shared>> -> memref<4616x128xf32, #tpu.memory_space<vmem_shared>>
      tpu.enqueue_indirect_dma source(%dma_start3A_112 : memref<4616x128xf32, #tpu.memory_space<vmem_shared>>) target(%dma_start3A_106 : memref<16x128xf32, #tpu.memory_space<vmem>>) offsets(%dma_start3A_109 : memref<16xi32, #tpu.memory_space<vmem>>) semaphore(%arg10 : memref<!tpu.dma_semaphore, #tpu.memory_space<semaphore_mem>>)
      %dma_start3A_113 = arith.constant 2 : i32
      %dma_start3A_114 = arith.constant 0 : i32
      %dma_start3A_115 = arith.constant 0 : i32
      %dma_start3A_116 = arith.constant 2 : i32
      %dma_start3A_117 = arith.constant 0 : i32
      %dma_start3A_118 = arith.constant 0 : i32
      %dma_start3A_119 = tpu.memref_slice %arg7[%dma_start3A_115, %dma_start3A_116, %dma_start3A_117, %dma_start3A_118] : memref<2x8x16x128xf32, #tpu.memory_space<vmem>> -> memref<1x1x16x128xf32, #tpu.memory_space<vmem>>
      %dma_start3A_120 = tpu.memref_squeeze %dma_start3A_119 : memref<1x1x16x128xf32, #tpu.memory_space<vmem>> -> memref<16x128xf32, #tpu.memory_space<vmem>>
      %dma_start3A_121 = arith.constant 0 : i32
      %dma_start3A_122 = tpu.memref_slice %arg6[%dma_start3A_113, %dma_start3A_114, %dma_start3A_121] : memref<8x40x16xi32, #tpu.memory_space<vmem>> -> memref<1x1x16xi32, #tpu.memory_space<vmem>>
      %dma_start3A_123 = tpu.memref_squeeze %dma_start3A_122 : memref<1x1x16xi32, #tpu.memory_space<vmem>> -> memref<16xi32, #tpu.memory_space<vmem>>
      %dma_start3A_124 = arith.constant 0 : i32
      %dma_start3A_125 = arith.constant 0 : i32
      %dma_start3A_126 = tpu.memref_slice %arg9[%dma_start3A_124, %dma_start3A_125] : memref<4616x128xf32, #tpu.memory_space<vmem_shared>> -> memref<4616x128xf32, #tpu.memory_space<vmem_shared>>
      tpu.enqueue_indirect_dma source(%dma_start3A_126 : memref<4616x128xf32, #tpu.memory_space<vmem_shared>>) target(%dma_start3A_120 : memref<16x128xf32, #tpu.memory_space<vmem>>) offsets(%dma_start3A_123 : memref<16xi32, #tpu.memory_space<vmem>>) semaphore(%arg10 : memref<!tpu.dma_semaphore, #tpu.memory_space<semaphore_mem>>)
      %dma_start3A_127 = arith.constant 3 : i32
      %dma_start3A_128 = arith.constant 0 : i32
      %dma_start3A_129 = arith.constant 0 : i32
      %dma_start3A_130 = arith.constant 3 : i32
      %dma_start3A_131 = arith.constant 0 : i32
      %dma_start3A_132 = arith.constant 0 : i32
      %dma_start3A_133 = tpu.memref_slice %arg7[%dma_start3A_129, %dma_start3A_130, %dma_start3A_131, %dma_start3A_132] : memref<2x8x16x128xf32, #tpu.memory_space<vmem>> -> memref<1x1x16x128xf32, #tpu.memory_space<vmem>>
      %dma_start3A_134 = tpu.memref_squeeze %dma_start3A_133 : memref<1x1x16x128xf32, #tpu.memory_space<vmem>> -> memref<16x128xf32, #tpu.memory_space<vmem>>
      %dma_start3A_135 = arith.constant 0 : i32
      %dma_start3A_136 = tpu.memref_slice %arg6[%dma_start3A_127, %dma_start3A_128, %dma_start3A_135] : memref<8x40x16xi32, #tpu.memory_space<vmem>> -> memref<1x1x16xi32, #tpu.memory_space<vmem>>
      %dma_start3A_137 = tpu.memref_squeeze %dma_start3A_136 : memref<1x1x16xi32, #tpu.memory_space<vmem>> -> memref<16xi32, #tpu.memory_space<vmem>>
      %dma_start3A_138 = arith.constant 0 : i32
      %dma_start3A_139 = arith.constant 0 : i32
      %dma_start3A_140 = tpu.memref_slice %arg9[%dma_start3A_138, %dma_start3A_139] : memref<4616x128xf32, #tpu.memory_space<vmem_shared>> -> memref<4616x128xf32, #tpu.memory_space<vmem_shared>>
      tpu.enqueue_indirect_dma source(%dma_start3A_140 : memref<4616x128xf32, #tpu.memory_space<vmem_shared>>) target(%dma_start3A_134 : memref<16x128xf32, #tpu.memory_space<vmem>>) offsets(%dma_start3A_137 : memref<16xi32, #tpu.memory_space<vmem>>) semaphore(%arg10 : memref<!tpu.dma_semaphore, #tpu.memory_space<semaphore_mem>>)
      %dma_start3A_141 = arith.constant 4 : i32
      %dma_start3A_142 = arith.constant 0 : i32
      %dma_start3A_143 = arith.constant 0 : i32
      %dma_start3A_144 = arith.constant 4 : i32
      %dma_start3A_145 = arith.constant 0 : i32
      %dma_start3A_146 = arith.constant 0 : i32
      %dma_start3A_147 = tpu.memref_slice %arg7[%dma_start3A_143, %dma_start3A_144, %dma_start3A_145, %dma_start3A_146] : memref<2x8x16x128xf32, #tpu.memory_space<vmem>> -> memref<1x1x16x128xf32, #tpu.memory_space<vmem>>
      %dma_start3A_148 = tpu.memref_squeeze %dma_start3A_147 : memref<1x1x16x128xf32, #tpu.memory_space<vmem>> -> memref<16x128xf32, #tpu.memory_space<vmem>>
      %dma_start3A_149 = arith.constant 0 : i32
      %dma_start3A_150 = tpu.memref_slice %arg6[%dma_start3A_141, %dma_start3A_142, %dma_start3A_149] : memref<8x40x16xi32, #tpu.memory_space<vmem>> -> memref<1x1x16xi32, #tpu.memory_space<vmem>>
      %dma_start3A_151 = tpu.memref_squeeze %dma_start3A_150 : memref<1x1x16xi32, #tpu.memory_space<vmem>> -> memref<16xi32, #tpu.memory_space<vmem>>
      %dma_start3A_152 = arith.constant 0 : i32
      %dma_start3A_153 = arith.constant 0 : i32
      %dma_start3A_154 = tpu.memref_slice %arg9[%dma_start3A_152, %dma_start3A_153] : memref<4616x128xf32, #tpu.memory_space<vmem_shared>> -> memref<4616x128xf32, #tpu.memory_space<vmem_shared>>
      tpu.enqueue_indirect_dma source(%dma_start3A_154 : memref<4616x128xf32, #tpu.memory_space<vmem_shared>>) target(%dma_start3A_148 : memref<16x128xf32, #tpu.memory_space<vmem>>) offsets(%dma_start3A_151 : memref<16xi32, #tpu.memory_space<vmem>>) semaphore(%arg10 : memref<!tpu.dma_semaphore, #tpu.memory_space<semaphore_mem>>)
      %dma_start3A_155 = arith.constant 5 : i32
      %dma_start3A_156 = arith.constant 0 : i32
      %dma_start3A_157 = arith.constant 0 : i32
      %dma_start3A_158 = arith.constant 5 : i32
      %dma_start3A_159 = arith.constant 0 : i32
      %dma_start3A_160 = arith.constant 0 : i32
      %dma_start3A_161 = tpu.memref_slice %arg7[%dma_start3A_157, %dma_start3A_158, %dma_start3A_159, %dma_start3A_160] : memref<2x8x16x128xf32, #tpu.memory_space<vmem>> -> memref<1x1x16x128xf32, #tpu.memory_space<vmem>>
      %dma_start3A_162 = tpu.memref_squeeze %dma_start3A_161 : memref<1x1x16x128xf32, #tpu.memory_space<vmem>> -> memref<16x128xf32, #tpu.memory_space<vmem>>
      %dma_start3A_163 = arith.constant 0 : i32
      %dma_start3A_164 = tpu.memref_slice %arg6[%dma_start3A_155, %dma_start3A_156, %dma_start3A_163] : memref<8x40x16xi32, #tpu.memory_space<vmem>> -> memref<1x1x16xi32, #tpu.memory_space<vmem>>
      %dma_start3A_165 = tpu.memref_squeeze %dma_start3A_164 : memref<1x1x16xi32, #tpu.memory_space<vmem>> -> memref<16xi32, #tpu.memory_space<vmem>>
      %dma_start3A_166 = arith.constant 0 : i32
      %dma_start3A_167 = arith.constant 0 : i32
      %dma_start3A_168 = tpu.memref_slice %arg9[%dma_start3A_166, %dma_start3A_167] : memref<4616x128xf32, #tpu.memory_space<vmem_shared>> -> memref<4616x128xf32, #tpu.memory_space<vmem_shared>>
      tpu.enqueue_indirect_dma source(%dma_start3A_168 : memref<4616x128xf32, #tpu.memory_space<vmem_shared>>) target(%dma_start3A_162 : memref<16x128xf32, #tpu.memory_space<vmem>>) offsets(%dma_start3A_165 : memref<16xi32, #tpu.memory_space<vmem>>) semaphore(%arg10 : memref<!tpu.dma_semaphore, #tpu.memory_space<semaphore_mem>>)
      %dma_start3A_169 = arith.constant 6 : i32
      %dma_start3A_170 = arith.constant 0 : i32
      %dma_start3A_171 = arith.constant 0 : i32
      %dma_start3A_172 = arith.constant 6 : i32
      %dma_start3A_173 = arith.constant 0 : i32
      %dma_start3A_174 = arith.constant 0 : i32
      %dma_start3A_175 = tpu.memref_slice %arg7[%dma_start3A_171, %dma_start3A_172, %dma_start3A_173, %dma_start3A_174] : memref<2x8x16x128xf32, #tpu.memory_space<vmem>> -> memref<1x1x16x128xf32, #tpu.memory_space<vmem>>
      %dma_start3A_176 = tpu.memref_squeeze %dma_start3A_175 : memref<1x1x16x128xf32, #tpu.memory_space<vmem>> -> memref<16x128xf32, #tpu.memory_space<vmem>>
      %dma_start3A_177 = arith.constant 0 : i32
      %dma_start3A_178 = tpu.memref_slice %arg6[%dma_start3A_169, %dma_start3A_170, %dma_start3A_177] : memref<8x40x16xi32, #tpu.memory_space<vmem>> -> memref<1x1x16xi32, #tpu.memory_space<vmem>>
      %dma_start3A_179 = tpu.memref_squeeze %dma_start3A_178 : memref<1x1x16xi32, #tpu.memory_space<vmem>> -> memref<16xi32, #tpu.memory_space<vmem>>
      %dma_start3A_180 = arith.constant 0 : i32
      %dma_start3A_181 = arith.constant 0 : i32
      %dma_start3A_182 = tpu.memref_slice %arg9[%dma_start3A_180, %dma_start3A_181] : memref<4616x128xf32, #tpu.memory_space<vmem_shared>> -> memref<4616x128xf32, #tpu.memory_space<vmem_shared>>
      tpu.enqueue_indirect_dma source(%dma_start3A_182 : memref<4616x128xf32, #tpu.memory_space<vmem_shared>>) target(%dma_start3A_176 : memref<16x128xf32, #tpu.memory_space<vmem>>) offsets(%dma_start3A_179 : memref<16xi32, #tpu.memory_space<vmem>>) semaphore(%arg10 : memref<!tpu.dma_semaphore, #tpu.memory_space<semaphore_mem>>)
      %dma_start3A_183 = arith.constant 7 : i32
      %dma_start3A_184 = arith.constant 0 : i32
      %dma_start3A_185 = arith.constant 0 : i32
      %dma_start3A_186 = arith.constant 7 : i32
      %dma_start3A_187 = arith.constant 0 : i32
      %dma_start3A_188 = arith.constant 0 : i32
      %dma_start3A_189 = tpu.memref_slice %arg7[%dma_start3A_185, %dma_start3A_186, %dma_start3A_187, %dma_start3A_188] : memref<2x8x16x128xf32, #tpu.memory_space<vmem>> -> memref<1x1x16x128xf32, #tpu.memory_space<vmem>>
      %dma_start3A_190 = tpu.memref_squeeze %dma_start3A_189 : memref<1x1x16x128xf32, #tpu.memory_space<vmem>> -> memref<16x128xf32, #tpu.memory_space<vmem>>
      %dma_start3A_191 = arith.constant 0 : i32
      %dma_start3A_192 = tpu.memref_slice %arg6[%dma_start3A_183, %dma_start3A_184, %dma_start3A_191] : memref<8x40x16xi32, #tpu.memory_space<vmem>> -> memref<1x1x16xi32, #tpu.memory_space<vmem>>
      %dma_start3A_193 = tpu.memref_squeeze %dma_start3A_192 : memref<1x1x16xi32, #tpu.memory_space<vmem>> -> memref<16xi32, #tpu.memory_space<vmem>>
      %dma_start3A_194 = arith.constant 0 : i32
      %dma_start3A_195 = arith.constant 0 : i32
      %dma_start3A_196 = tpu.memref_slice %arg9[%dma_start3A_194, %dma_start3A_195] : memref<4616x128xf32, #tpu.memory_space<vmem_shared>> -> memref<4616x128xf32, #tpu.memory_space<vmem_shared>>
      tpu.enqueue_indirect_dma source(%dma_start3A_196 : memref<4616x128xf32, #tpu.memory_space<vmem_shared>>) target(%dma_start3A_190 : memref<16x128xf32, #tpu.memory_space<vmem>>) offsets(%dma_start3A_193 : memref<16xi32, #tpu.memory_space<vmem>>) semaphore(%arg10 : memref<!tpu.dma_semaphore, #tpu.memory_space<semaphore_mem>>)
      %scan3A_197 = arith.constant 0 : i32
      %scan3A_198 = arith.constant 0 : i32
      %scan3A_199 = arith.constant 19 : i32
      %scan3A_200 = arith.addi %scan3A_198, %scan3A_199 : i32
      %scan3A_201 = arith.constant 1 : i32
      scf.for %scan3A_607 = %scan3A_198 to %scan3A_200 step %scan3A_201  : i32 {
        %mul3A_608 = arith.constant 2 : i32
        %mul3A_609 = arith.muli %mul3A_608, %scan3A_607 : i32
        %add3A_610 = arith.constant 1 : i32
        %add3A_611 = arith.addi %mul3A_609, %add3A_610 : i32
        %dma_start3A_612 = arith.constant 0 : i32
        %dma_start3A_613 = arith.constant 1 : i32
        %dma_start3A_614 = arith.constant 0 : i32
        %dma_start3A_615 = arith.constant 0 : i32
        %dma_start3A_616 = arith.constant 0 : i32
        %dma_start3A_617 = tpu.memref_slice %arg7[%dma_start3A_613, %dma_start3A_614, %dma_start3A_615, %dma_start3A_616] : memref<2x8x16x128xf32, #tpu.memory_space<vmem>> -> memref<1x1x16x128xf32, #tpu.memory_space<vmem>>
        %dma_start3A_618 = tpu.memref_squeeze %dma_start3A_617 : memref<1x1x16x128xf32, #tpu.memory_space<vmem>> -> memref<16x128xf32, #tpu.memory_space<vmem>>
        %dma_start3A_619 = arith.constant 0 : i32
        %dma_start3A_620 = tpu.memref_slice %arg6[%dma_start3A_612, %add3A_611, %dma_start3A_619] : memref<8x40x16xi32, #tpu.memory_space<vmem>> -> memref<1x1x16xi32, #tpu.memory_space<vmem>>
        %dma_start3A_621 = tpu.memref_squeeze %dma_start3A_620 : memref<1x1x16xi32, #tpu.memory_space<vmem>> -> memref<16xi32, #tpu.memory_space<vmem>>
        %dma_start3A_622 = arith.constant 0 : i32
        %dma_start3A_623 = arith.constant 0 : i32
        %dma_start3A_624 = tpu.memref_slice %arg9[%dma_start3A_622, %dma_start3A_623] : memref<4616x128xf32, #tpu.memory_space<vmem_shared>> -> memref<4616x128xf32, #tpu.memory_space<vmem_shared>>
        tpu.enqueue_indirect_dma source(%dma_start3A_624 : memref<4616x128xf32, #tpu.memory_space<vmem_shared>>) target(%dma_start3A_618 : memref<16x128xf32, #tpu.memory_space<vmem>>) offsets(%dma_start3A_621 : memref<16xi32, #tpu.memory_space<vmem>>) semaphore(%arg11 : memref<!tpu.dma_semaphore, #tpu.memory_space<semaphore_mem>>)
        %dma_start3A_625 = arith.constant 1 : i32
        %dma_start3A_626 = arith.constant 1 : i32
        %dma_start3A_627 = arith.constant 1 : i32
        %dma_start3A_628 = arith.constant 0 : i32
        %dma_start3A_629 = arith.constant 0 : i32
        %dma_start3A_630 = tpu.memref_slice %arg7[%dma_start3A_626, %dma_start3A_627, %dma_start3A_628, %dma_start3A_629] : memref<2x8x16x128xf32, #tpu.memory_space<vmem>> -> memref<1x1x16x128xf32, #tpu.memory_space<vmem>>
        %dma_start3A_631 = tpu.memref_squeeze %dma_start3A_630 : memref<1x1x16x128xf32, #tpu.memory_space<vmem>> -> memref<16x128xf32, #tpu.memory_space<vmem>>
        %dma_start3A_632 = arith.constant 0 : i32
        %dma_start3A_633 = tpu.memref_slice %arg6[%dma_start3A_625, %add3A_611, %dma_start3A_632] : memref<8x40x16xi32, #tpu.memory_space<vmem>> -> memref<1x1x16xi32, #tpu.memory_space<vmem>>
        %dma_start3A_634 = tpu.memref_squeeze %dma_start3A_633 : memref<1x1x16xi32, #tpu.memory_space<vmem>> -> memref<16xi32, #tpu.memory_space<vmem>>
        %dma_start3A_635 = arith.constant 0 : i32
        %dma_start3A_636 = arith.constant 0 : i32
        %dma_start3A_637 = tpu.memref_slice %arg9[%dma_start3A_635, %dma_start3A_636] : memref<4616x128xf32, #tpu.memory_space<vmem_shared>> -> memref<4616x128xf32, #tpu.memory_space<vmem_shared>>
        tpu.enqueue_indirect_dma source(%dma_start3A_637 : memref<4616x128xf32, #tpu.memory_space<vmem_shared>>) target(%dma_start3A_631 : memref<16x128xf32, #tpu.memory_space<vmem>>) offsets(%dma_start3A_634 : memref<16xi32, #tpu.memory_space<vmem>>) semaphore(%arg11 : memref<!tpu.dma_semaphore, #tpu.memory_space<semaphore_mem>>)
        %dma_start3A_638 = arith.constant 2 : i32
        %dma_start3A_639 = arith.constant 1 : i32
        %dma_start3A_640 = arith.constant 2 : i32
        %dma_start3A_641 = arith.constant 0 : i32
        %dma_start3A_642 = arith.constant 0 : i32
        %dma_start3A_643 = tpu.memref_slice %arg7[%dma_start3A_639, %dma_start3A_640, %dma_start3A_641, %dma_start3A_642] : memref<2x8x16x128xf32, #tpu.memory_space<vmem>> -> memref<1x1x16x128xf32, #tpu.memory_space<vmem>>
        %dma_start3A_644 = tpu.memref_squeeze %dma_start3A_643 : memref<1x1x16x128xf32, #tpu.memory_space<vmem>> -> memref<16x128xf32, #tpu.memory_space<vmem>>
        %dma_start3A_645 = arith.constant 0 : i32
        %dma_start3A_646 = tpu.memref_slice %arg6[%dma_start3A_638, %add3A_611, %dma_start3A_645] : memref<8x40x16xi32, #tpu.memory_space<vmem>> -> memref<1x1x16xi32, #tpu.memory_space<vmem>>
        %dma_start3A_647 = tpu.memref_squeeze %dma_start3A_646 : memref<1x1x16xi32, #tpu.memory_space<vmem>> -> memref<16xi32, #tpu.memory_space<vmem>>
        %dma_start3A_648 = arith.constant 0 : i32
        %dma_start3A_649 = arith.constant 0 : i32
        %dma_start3A_650 = tpu.memref_slice %arg9[%dma_start3A_648, %dma_start3A_649] : memref<4616x128xf32, #tpu.memory_space<vmem_shared>> -> memref<4616x128xf32, #tpu.memory_space<vmem_shared>>
        tpu.enqueue_indirect_dma source(%dma_start3A_650 : memref<4616x128xf32, #tpu.memory_space<vmem_shared>>) target(%dma_start3A_644 : memref<16x128xf32, #tpu.memory_space<vmem>>) offsets(%dma_start3A_647 : memref<16xi32, #tpu.memory_space<vmem>>) semaphore(%arg11 : memref<!tpu.dma_semaphore, #tpu.memory_space<semaphore_mem>>)
        %dma_start3A_651 = arith.constant 3 : i32
        %dma_start3A_652 = arith.constant 1 : i32
        %dma_start3A_653 = arith.constant 3 : i32
        %dma_start3A_654 = arith.constant 0 : i32
        %dma_start3A_655 = arith.constant 0 : i32
        %dma_start3A_656 = tpu.memref_slice %arg7[%dma_start3A_652, %dma_start3A_653, %dma_start3A_654, %dma_start3A_655] : memref<2x8x16x128xf32, #tpu.memory_space<vmem>> -> memref<1x1x16x128xf32, #tpu.memory_space<vmem>>
        %dma_start3A_657 = tpu.memref_squeeze %dma_start3A_656 : memref<1x1x16x128xf32, #tpu.memory_space<vmem>> -> memref<16x128xf32, #tpu.memory_space<vmem>>
        %dma_start3A_658 = arith.constant 0 : i32
        %dma_start3A_659 = tpu.memref_slice %arg6[%dma_start3A_651, %add3A_611, %dma_start3A_658] : memref<8x40x16xi32, #tpu.memory_space<vmem>> -> memref<1x1x16xi32, #tpu.memory_space<vmem>>
        %dma_start3A_660 = tpu.memref_squeeze %dma_start3A_659 : memref<1x1x16xi32, #tpu.memory_space<vmem>> -> memref<16xi32, #tpu.memory_space<vmem>>
        %dma_start3A_661 = arith.constant 0 : i32
        %dma_start3A_662 = arith.constant 0 : i32
        %dma_start3A_663 = tpu.memref_slice %arg9[%dma_start3A_661, %dma_start3A_662] : memref<4616x128xf32, #tpu.memory_space<vmem_shared>> -> memref<4616x128xf32, #tpu.memory_space<vmem_shared>>
        tpu.enqueue_indirect_dma source(%dma_start3A_663 : memref<4616x128xf32, #tpu.memory_space<vmem_shared>>) target(%dma_start3A_657 : memref<16x128xf32, #tpu.memory_space<vmem>>) offsets(%dma_start3A_660 : memref<16xi32, #tpu.memory_space<vmem>>) semaphore(%arg11 : memref<!tpu.dma_semaphore, #tpu.memory_space<semaphore_mem>>)
        %dma_start3A_664 = arith.constant 4 : i32
        %dma_start3A_665 = arith.constant 1 : i32
        %dma_start3A_666 = arith.constant 4 : i32
        %dma_start3A_667 = arith.constant 0 : i32
        %dma_start3A_668 = arith.constant 0 : i32
        %dma_start3A_669 = tpu.memref_slice %arg7[%dma_start3A_665, %dma_start3A_666, %dma_start3A_667, %dma_start3A_668] : memref<2x8x16x128xf32, #tpu.memory_space<vmem>> -> memref<1x1x16x128xf32, #tpu.memory_space<vmem>>
        %dma_start3A_670 = tpu.memref_squeeze %dma_start3A_669 : memref<1x1x16x128xf32, #tpu.memory_space<vmem>> -> memref<16x128xf32, #tpu.memory_space<vmem>>
        %dma_start3A_671 = arith.constant 0 : i32
        %dma_start3A_672 = tpu.memref_slice %arg6[%dma_start3A_664, %add3A_611, %dma_start3A_671] : memref<8x40x16xi32, #tpu.memory_space<vmem>> -> memref<1x1x16xi32, #tpu.memory_space<vmem>>
        %dma_start3A_673 = tpu.memref_squeeze %dma_start3A_672 : memref<1x1x16xi32, #tpu.memory_space<vmem>> -> memref<16xi32, #tpu.memory_space<vmem>>
        %dma_start3A_674 = arith.constant 0 : i32
        %dma_start3A_675 = arith.constant 0 : i32
        %dma_start3A_676 = tpu.memref_slice %arg9[%dma_start3A_674, %dma_start3A_675] : memref<4616x128xf32, #tpu.memory_space<vmem_shared>> -> memref<4616x128xf32, #tpu.memory_space<vmem_shared>>
        tpu.enqueue_indirect_dma source(%dma_start3A_676 : memref<4616x128xf32, #tpu.memory_space<vmem_shared>>) target(%dma_start3A_670 : memref<16x128xf32, #tpu.memory_space<vmem>>) offsets(%dma_start3A_673 : memref<16xi32, #tpu.memory_space<vmem>>) semaphore(%arg11 : memref<!tpu.dma_semaphore, #tpu.memory_space<semaphore_mem>>)
        %dma_start3A_677 = arith.constant 5 : i32
        %dma_start3A_678 = arith.constant 1 : i32
        %dma_start3A_679 = arith.constant 5 : i32
        %dma_start3A_680 = arith.constant 0 : i32
        %dma_start3A_681 = arith.constant 0 : i32
        %dma_start3A_682 = tpu.memref_slice %arg7[%dma_start3A_678, %dma_start3A_679, %dma_start3A_680, %dma_start3A_681] : memref<2x8x16x128xf32, #tpu.memory_space<vmem>> -> memref<1x1x16x128xf32, #tpu.memory_space<vmem>>
        %dma_start3A_683 = tpu.memref_squeeze %dma_start3A_682 : memref<1x1x16x128xf32, #tpu.memory_space<vmem>> -> memref<16x128xf32, #tpu.memory_space<vmem>>
        %dma_start3A_684 = arith.constant 0 : i32
        %dma_start3A_685 = tpu.memref_slice %arg6[%dma_start3A_677, %add3A_611, %dma_start3A_684] : memref<8x40x16xi32, #tpu.memory_space<vmem>> -> memref<1x1x16xi32, #tpu.memory_space<vmem>>
        %dma_start3A_686 = tpu.memref_squeeze %dma_start3A_685 : memref<1x1x16xi32, #tpu.memory_space<vmem>> -> memref<16xi32, #tpu.memory_space<vmem>>
        %dma_start3A_687 = arith.constant 0 : i32
        %dma_start3A_688 = arith.constant 0 : i32
        %dma_start3A_689 = tpu.memref_slice %arg9[%dma_start3A_687, %dma_start3A_688] : memref<4616x128xf32, #tpu.memory_space<vmem_shared>> -> memref<4616x128xf32, #tpu.memory_space<vmem_shared>>
        tpu.enqueue_indirect_dma source(%dma_start3A_689 : memref<4616x128xf32, #tpu.memory_space<vmem_shared>>) target(%dma_start3A_683 : memref<16x128xf32, #tpu.memory_space<vmem>>) offsets(%dma_start3A_686 : memref<16xi32, #tpu.memory_space<vmem>>) semaphore(%arg11 : memref<!tpu.dma_semaphore, #tpu.memory_space<semaphore_mem>>)
        %dma_start3A_690 = arith.constant 6 : i32
        %dma_start3A_691 = arith.constant 1 : i32
        %dma_start3A_692 = arith.constant 6 : i32
        %dma_start3A_693 = arith.constant 0 : i32
        %dma_start3A_694 = arith.constant 0 : i32
        %dma_start3A_695 = tpu.memref_slice %arg7[%dma_start3A_691, %dma_start3A_692, %dma_start3A_693, %dma_start3A_694] : memref<2x8x16x128xf32, #tpu.memory_space<vmem>> -> memref<1x1x16x128xf32, #tpu.memory_space<vmem>>
        %dma_start3A_696 = tpu.memref_squeeze %dma_start3A_695 : memref<1x1x16x128xf32, #tpu.memory_space<vmem>> -> memref<16x128xf32, #tpu.memory_space<vmem>>
        %dma_start3A_697 = arith.constant 0 : i32
        %dma_start3A_698 = tpu.memref_slice %arg6[%dma_start3A_690, %add3A_611, %dma_start3A_697] : memref<8x40x16xi32, #tpu.memory_space<vmem>> -> memref<1x1x16xi32, #tpu.memory_space<vmem>>
        %dma_start3A_699 = tpu.memref_squeeze %dma_start3A_698 : memref<1x1x16xi32, #tpu.memory_space<vmem>> -> memref<16xi32, #tpu.memory_space<vmem>>
        %dma_start3A_700 = arith.constant 0 : i32
        %dma_start3A_701 = arith.constant 0 : i32
        %dma_start3A_702 = tpu.memref_slice %arg9[%dma_start3A_700, %dma_start3A_701] : memref<4616x128xf32, #tpu.memory_space<vmem_shared>> -> memref<4616x128xf32, #tpu.memory_space<vmem_shared>>
        tpu.enqueue_indirect_dma source(%dma_start3A_702 : memref<4616x128xf32, #tpu.memory_space<vmem_shared>>) target(%dma_start3A_696 : memref<16x128xf32, #tpu.memory_space<vmem>>) offsets(%dma_start3A_699 : memref<16xi32, #tpu.memory_space<vmem>>) semaphore(%arg11 : memref<!tpu.dma_semaphore, #tpu.memory_space<semaphore_mem>>)
        %dma_start3A_703 = arith.constant 7 : i32
        %dma_start3A_704 = arith.constant 1 : i32
        %dma_start3A_705 = arith.constant 7 : i32
        %dma_start3A_706 = arith.constant 0 : i32
        %dma_start3A_707 = arith.constant 0 : i32
        %dma_start3A_708 = tpu.memref_slice %arg7[%dma_start3A_704, %dma_start3A_705, %dma_start3A_706, %dma_start3A_707] : memref<2x8x16x128xf32, #tpu.memory_space<vmem>> -> memref<1x1x16x128xf32, #tpu.memory_space<vmem>>
        %dma_start3A_709 = tpu.memref_squeeze %dma_start3A_708 : memref<1x1x16x128xf32, #tpu.memory_space<vmem>> -> memref<16x128xf32, #tpu.memory_space<vmem>>
        %dma_start3A_710 = arith.constant 0 : i32
        %dma_start3A_711 = tpu.memref_slice %arg6[%dma_start3A_703, %add3A_611, %dma_start3A_710] : memref<8x40x16xi32, #tpu.memory_space<vmem>> -> memref<1x1x16xi32, #tpu.memory_space<vmem>>
        %dma_start3A_712 = tpu.memref_squeeze %dma_start3A_711 : memref<1x1x16xi32, #tpu.memory_space<vmem>> -> memref<16xi32, #tpu.memory_space<vmem>>
        %dma_start3A_713 = arith.constant 0 : i32
        %dma_start3A_714 = arith.constant 0 : i32
        %dma_start3A_715 = tpu.memref_slice %arg9[%dma_start3A_713, %dma_start3A_714] : memref<4616x128xf32, #tpu.memory_space<vmem_shared>> -> memref<4616x128xf32, #tpu.memory_space<vmem_shared>>
        tpu.enqueue_indirect_dma source(%dma_start3A_715 : memref<4616x128xf32, #tpu.memory_space<vmem_shared>>) target(%dma_start3A_709 : memref<16x128xf32, #tpu.memory_space<vmem>>) offsets(%dma_start3A_712 : memref<16xi32, #tpu.memory_space<vmem>>) semaphore(%arg11 : memref<!tpu.dma_semaphore, #tpu.memory_space<semaphore_mem>>)
        %mul3A_716 = arith.constant 2 : i32
        %mul3A_717 = arith.muli %mul3A_716, %scan3A_607 : i32
        %dma_wait3A_718 = arith.constant 0 : i32
        %dma_wait3A_719 = arith.constant 0 : i32
        %dma_wait3A_720 = arith.constant 0 : i32
        %dma_wait3A_721 = arith.constant 0 : i32
        %dma_wait3A_722 = arith.constant 0 : i32
        %dma_wait3A_723 = arith.constant 0 : i32
        %dma_wait3A_724 = tpu.memref_slice %arg7[%dma_wait3A_720, %dma_wait3A_721, %dma_wait3A_722, %dma_wait3A_723] : memref<2x8x16x128xf32, #tpu.memory_space<vmem>> -> memref<1x1x16x128xf32, #tpu.memory_space<vmem>>
        %dma_wait3A_725 = tpu.memref_squeeze %dma_wait3A_724 : memref<1x1x16x128xf32, #tpu.memory_space<vmem>> -> memref<16x128xf32, #tpu.memory_space<vmem>>
        %dma_wait3A_726 = arith.constant 0 : i32
        %dma_wait3A_727 = tpu.memref_slice %arg6[%dma_wait3A_718, %dma_wait3A_719, %dma_wait3A_726] : memref<8x40x16xi32, #tpu.memory_space<vmem>> -> memref<1x1x16xi32, #tpu.memory_space<vmem>>
        %dma_wait3A_728 = tpu.memref_squeeze %dma_wait3A_727 : memref<1x1x16xi32, #tpu.memory_space<vmem>> -> memref<16xi32, #tpu.memory_space<vmem>>
        %dma_wait3A_729 = arith.constant 0 : i32
        %dma_wait3A_730 = arith.constant 0 : i32
        %dma_wait3A_731 = tpu.memref_slice %arg9[%dma_wait3A_729, %dma_wait3A_730] : memref<4616x128xf32, #tpu.memory_space<vmem_shared>> -> memref<4616x128xf32, #tpu.memory_space<vmem_shared>>
        tpu.wait_indirect_dma semaphore(%arg10 : memref<!tpu.dma_semaphore, #tpu.memory_space<semaphore_mem>>) src(%dma_wait3A_731 : memref<4616x128xf32, #tpu.memory_space<vmem_shared>>) dst(%dma_wait3A_725 : memref<16x128xf32, #tpu.memory_space<vmem>>)
        %dma_wait3A_732 = arith.constant 1 : i32
        %dma_wait3A_733 = arith.constant 0 : i32
        %dma_wait3A_734 = arith.constant 0 : i32
        %dma_wait3A_735 = arith.constant 1 : i32
        %dma_wait3A_736 = arith.constant 0 : i32
        %dma_wait3A_737 = arith.constant 0 : i32
        %dma_wait3A_738 = tpu.memref_slice %arg7[%dma_wait3A_734, %dma_wait3A_735, %dma_wait3A_736, %dma_wait3A_737] : memref<2x8x16x128xf32, #tpu.memory_space<vmem>> -> memref<1x1x16x128xf32, #tpu.memory_space<vmem>>
        %dma_wait3A_739 = tpu.memref_squeeze %dma_wait3A_738 : memref<1x1x16x128xf32, #tpu.memory_space<vmem>> -> memref<16x128xf32, #tpu.memory_space<vmem>>
        %dma_wait3A_740 = arith.constant 0 : i32
        %dma_wait3A_741 = tpu.memref_slice %arg6[%dma_wait3A_732, %dma_wait3A_733, %dma_wait3A_740] : memref<8x40x16xi32, #tpu.memory_space<vmem>> -> memref<1x1x16xi32, #tpu.memory_space<vmem>>
        %dma_wait3A_742 = tpu.memref_squeeze %dma_wait3A_741 : memref<1x1x16xi32, #tpu.memory_space<vmem>> -> memref<16xi32, #tpu.memory_space<vmem>>
        %dma_wait3A_743 = arith.constant 0 : i32
        %dma_wait3A_744 = arith.constant 0 : i32
        %dma_wait3A_745 = tpu.memref_slice %arg9[%dma_wait3A_743, %dma_wait3A_744] : memref<4616x128xf32, #tpu.memory_space<vmem_shared>> -> memref<4616x128xf32, #tpu.memory_space<vmem_shared>>
        tpu.wait_indirect_dma semaphore(%arg10 : memref<!tpu.dma_semaphore, #tpu.memory_space<semaphore_mem>>) src(%dma_wait3A_745 : memref<4616x128xf32, #tpu.memory_space<vmem_shared>>) dst(%dma_wait3A_739 : memref<16x128xf32, #tpu.memory_space<vmem>>)
        %dma_wait3A_746 = arith.constant 2 : i32
        %dma_wait3A_747 = arith.constant 0 : i32
        %dma_wait3A_748 = arith.constant 0 : i32
        %dma_wait3A_749 = arith.constant 2 : i32
        %dma_wait3A_750 = arith.constant 0 : i32
        %dma_wait3A_751 = arith.constant 0 : i32
        %dma_wait3A_752 = tpu.memref_slice %arg7[%dma_wait3A_748, %dma_wait3A_749, %dma_wait3A_750, %dma_wait3A_751] : memref<2x8x16x128xf32, #tpu.memory_space<vmem>> -> memref<1x1x16x128xf32, #tpu.memory_space<vmem>>
        %dma_wait3A_753 = tpu.memref_squeeze %dma_wait3A_752 : memref<1x1x16x128xf32, #tpu.memory_space<vmem>> -> memref<16x128xf32, #tpu.memory_space<vmem>>
        %dma_wait3A_754 = arith.constant 0 : i32
        %dma_wait3A_755 = tpu.memref_slice %arg6[%dma_wait3A_746, %dma_wait3A_747, %dma_wait3A_754] : memref<8x40x16xi32, #tpu.memory_space<vmem>> -> memref<1x1x16xi32, #tpu.memory_space<vmem>>
        %dma_wait3A_756 = tpu.memref_squeeze %dma_wait3A_755 : memref<1x1x16xi32, #tpu.memory_space<vmem>> -> memref<16xi32, #tpu.memory_space<vmem>>
        %dma_wait3A_757 = arith.constant 0 : i32
        %dma_wait3A_758 = arith.constant 0 : i32
        %dma_wait3A_759 = tpu.memref_slice %arg9[%dma_wait3A_757, %dma_wait3A_758] : memref<4616x128xf32, #tpu.memory_space<vmem_shared>> -> memref<4616x128xf32, #tpu.memory_space<vmem_shared>>
        tpu.wait_indirect_dma semaphore(%arg10 : memref<!tpu.dma_semaphore, #tpu.memory_space<semaphore_mem>>) src(%dma_wait3A_759 : memref<4616x128xf32, #tpu.memory_space<vmem_shared>>) dst(%dma_wait3A_753 : memref<16x128xf32, #tpu.memory_space<vmem>>)
        %dma_wait3A_760 = arith.constant 3 : i32
        %dma_wait3A_761 = arith.constant 0 : i32
        %dma_wait3A_762 = arith.constant 0 : i32
        %dma_wait3A_763 = arith.constant 3 : i32
        %dma_wait3A_764 = arith.constant 0 : i32
        %dma_wait3A_765 = arith.constant 0 : i32
        %dma_wait3A_766 = tpu.memref_slice %arg7[%dma_wait3A_762, %dma_wait3A_763, %dma_wait3A_764, %dma_wait3A_765] : memref<2x8x16x128xf32, #tpu.memory_space<vmem>> -> memref<1x1x16x128xf32, #tpu.memory_space<vmem>>
        %dma_wait3A_767 = tpu.memref_squeeze %dma_wait3A_766 : memref<1x1x16x128xf32, #tpu.memory_space<vmem>> -> memref<16x128xf32, #tpu.memory_space<vmem>>
        %dma_wait3A_768 = arith.constant 0 : i32
        %dma_wait3A_769 = tpu.memref_slice %arg6[%dma_wait3A_760, %dma_wait3A_761, %dma_wait3A_768] : memref<8x40x16xi32, #tpu.memory_space<vmem>> -> memref<1x1x16xi32, #tpu.memory_space<vmem>>
        %dma_wait3A_770 = tpu.memref_squeeze %dma_wait3A_769 : memref<1x1x16xi32, #tpu.memory_space<vmem>> -> memref<16xi32, #tpu.memory_space<vmem>>
        %dma_wait3A_771 = arith.constant 0 : i32
        %dma_wait3A_772 = arith.constant 0 : i32
        %dma_wait3A_773 = tpu.memref_slice %arg9[%dma_wait3A_771, %dma_wait3A_772] : memref<4616x128xf32, #tpu.memory_space<vmem_shared>> -> memref<4616x128xf32, #tpu.memory_space<vmem_shared>>
        tpu.wait_indirect_dma semaphore(%arg10 : memref<!tpu.dma_semaphore, #tpu.memory_space<semaphore_mem>>) src(%dma_wait3A_773 : memref<4616x128xf32, #tpu.memory_space<vmem_shared>>) dst(%dma_wait3A_767 : memref<16x128xf32, #tpu.memory_space<vmem>>)
        %dma_wait3A_774 = arith.constant 4 : i32
        %dma_wait3A_775 = arith.constant 0 : i32
        %dma_wait3A_776 = arith.constant 0 : i32
        %dma_wait3A_777 = arith.constant 4 : i32
        %dma_wait3A_778 = arith.constant 0 : i32
        %dma_wait3A_779 = arith.constant 0 : i32
        %dma_wait3A_780 = tpu.memref_slice %arg7[%dma_wait3A_776, %dma_wait3A_777, %dma_wait3A_778, %dma_wait3A_779] : memref<2x8x16x128xf32, #tpu.memory_space<vmem>> -> memref<1x1x16x128xf32, #tpu.memory_space<vmem>>
        %dma_wait3A_781 = tpu.memref_squeeze %dma_wait3A_780 : memref<1x1x16x128xf32, #tpu.memory_space<vmem>> -> memref<16x128xf32, #tpu.memory_space<vmem>>
        %dma_wait3A_782 = arith.constant 0 : i32
        %dma_wait3A_783 = tpu.memref_slice %arg6[%dma_wait3A_774, %dma_wait3A_775, %dma_wait3A_782] : memref<8x40x16xi32, #tpu.memory_space<vmem>> -> memref<1x1x16xi32, #tpu.memory_space<vmem>>
        %dma_wait3A_784 = tpu.memref_squeeze %dma_wait3A_783 : memref<1x1x16xi32, #tpu.memory_space<vmem>> -> memref<16xi32, #tpu.memory_space<vmem>>
        %dma_wait3A_785 = arith.constant 0 : i32
        %dma_wait3A_786 = arith.constant 0 : i32
        %dma_wait3A_787 = tpu.memref_slice %arg9[%dma_wait3A_785, %dma_wait3A_786] : memref<4616x128xf32, #tpu.memory_space<vmem_shared>> -> memref<4616x128xf32, #tpu.memory_space<vmem_shared>>
        tpu.wait_indirect_dma semaphore(%arg10 : memref<!tpu.dma_semaphore, #tpu.memory_space<semaphore_mem>>) src(%dma_wait3A_787 : memref<4616x128xf32, #tpu.memory_space<vmem_shared>>) dst(%dma_wait3A_781 : memref<16x128xf32, #tpu.memory_space<vmem>>)
        %dma_wait3A_788 = arith.constant 5 : i32
        %dma_wait3A_789 = arith.constant 0 : i32
        %dma_wait3A_790 = arith.constant 0 : i32
        %dma_wait3A_791 = arith.constant 5 : i32
        %dma_wait3A_792 = arith.constant 0 : i32
        %dma_wait3A_793 = arith.constant 0 : i32
        %dma_wait3A_794 = tpu.memref_slice %arg7[%dma_wait3A_790, %dma_wait3A_791, %dma_wait3A_792, %dma_wait3A_793] : memref<2x8x16x128xf32, #tpu.memory_space<vmem>> -> memref<1x1x16x128xf32, #tpu.memory_space<vmem>>
        %dma_wait3A_795 = tpu.memref_squeeze %dma_wait3A_794 : memref<1x1x16x128xf32, #tpu.memory_space<vmem>> -> memref<16x128xf32, #tpu.memory_space<vmem>>
        %dma_wait3A_796 = arith.constant 0 : i32
        %dma_wait3A_797 = tpu.memref_slice %arg6[%dma_wait3A_788, %dma_wait3A_789, %dma_wait3A_796] : memref<8x40x16xi32, #tpu.memory_space<vmem>> -> memref<1x1x16xi32, #tpu.memory_space<vmem>>
        %dma_wait3A_798 = tpu.memref_squeeze %dma_wait3A_797 : memref<1x1x16xi32, #tpu.memory_space<vmem>> -> memref<16xi32, #tpu.memory_space<vmem>>
        %dma_wait3A_799 = arith.constant 0 : i32
        %dma_wait3A_800 = arith.constant 0 : i32
        %dma_wait3A_801 = tpu.memref_slice %arg9[%dma_wait3A_799, %dma_wait3A_800] : memref<4616x128xf32, #tpu.memory_space<vmem_shared>> -> memref<4616x128xf32, #tpu.memory_space<vmem_shared>>
        tpu.wait_indirect_dma semaphore(%arg10 : memref<!tpu.dma_semaphore, #tpu.memory_space<semaphore_mem>>) src(%dma_wait3A_801 : memref<4616x128xf32, #tpu.memory_space<vmem_shared>>) dst(%dma_wait3A_795 : memref<16x128xf32, #tpu.memory_space<vmem>>)
        %dma_wait3A_802 = arith.constant 6 : i32
        %dma_wait3A_803 = arith.constant 0 : i32
        %dma_wait3A_804 = arith.constant 0 : i32
        %dma_wait3A_805 = arith.constant 6 : i32
        %dma_wait3A_806 = arith.constant 0 : i32
        %dma_wait3A_807 = arith.constant 0 : i32
        %dma_wait3A_808 = tpu.memref_slice %arg7[%dma_wait3A_804, %dma_wait3A_805, %dma_wait3A_806, %dma_wait3A_807] : memref<2x8x16x128xf32, #tpu.memory_space<vmem>> -> memref<1x1x16x128xf32, #tpu.memory_space<vmem>>
        %dma_wait3A_809 = tpu.memref_squeeze %dma_wait3A_808 : memref<1x1x16x128xf32, #tpu.memory_space<vmem>> -> memref<16x128xf32, #tpu.memory_space<vmem>>
        %dma_wait3A_810 = arith.constant 0 : i32
        %dma_wait3A_811 = tpu.memref_slice %arg6[%dma_wait3A_802, %dma_wait3A_803, %dma_wait3A_810] : memref<8x40x16xi32, #tpu.memory_space<vmem>> -> memref<1x1x16xi32, #tpu.memory_space<vmem>>
        %dma_wait3A_812 = tpu.memref_squeeze %dma_wait3A_811 : memref<1x1x16xi32, #tpu.memory_space<vmem>> -> memref<16xi32, #tpu.memory_space<vmem>>
        %dma_wait3A_813 = arith.constant 0 : i32
        %dma_wait3A_814 = arith.constant 0 : i32
        %dma_wait3A_815 = tpu.memref_slice %arg9[%dma_wait3A_813, %dma_wait3A_814] : memref<4616x128xf32, #tpu.memory_space<vmem_shared>> -> memref<4616x128xf32, #tpu.memory_space<vmem_shared>>
        tpu.wait_indirect_dma semaphore(%arg10 : memref<!tpu.dma_semaphore, #tpu.memory_space<semaphore_mem>>) src(%dma_wait3A_815 : memref<4616x128xf32, #tpu.memory_space<vmem_shared>>) dst(%dma_wait3A_809 : memref<16x128xf32, #tpu.memory_space<vmem>>)
        %dma_wait3A_816 = arith.constant 7 : i32
        %dma_wait3A_817 = arith.constant 0 : i32
        %dma_wait3A_818 = arith.constant 0 : i32
        %dma_wait3A_819 = arith.constant 7 : i32
        %dma_wait3A_820 = arith.constant 0 : i32
        %dma_wait3A_821 = arith.constant 0 : i32
        %dma_wait3A_822 = tpu.memref_slice %arg7[%dma_wait3A_818, %dma_wait3A_819, %dma_wait3A_820, %dma_wait3A_821] : memref<2x8x16x128xf32, #tpu.memory_space<vmem>> -> memref<1x1x16x128xf32, #tpu.memory_space<vmem>>
        %dma_wait3A_823 = tpu.memref_squeeze %dma_wait3A_822 : memref<1x1x16x128xf32, #tpu.memory_space<vmem>> -> memref<16x128xf32, #tpu.memory_space<vmem>>
        %dma_wait3A_824 = arith.constant 0 : i32
        %dma_wait3A_825 = tpu.memref_slice %arg6[%dma_wait3A_816, %dma_wait3A_817, %dma_wait3A_824] : memref<8x40x16xi32, #tpu.memory_space<vmem>> -> memref<1x1x16xi32, #tpu.memory_space<vmem>>
        %dma_wait3A_826 = tpu.memref_squeeze %dma_wait3A_825 : memref<1x1x16xi32, #tpu.memory_space<vmem>> -> memref<16xi32, #tpu.memory_space<vmem>>
        %dma_wait3A_827 = arith.constant 0 : i32
        %dma_wait3A_828 = arith.constant 0 : i32
        %dma_wait3A_829 = tpu.memref_slice %arg9[%dma_wait3A_827, %dma_wait3A_828] : memref<4616x128xf32, #tpu.memory_space<vmem_shared>> -> memref<4616x128xf32, #tpu.memory_space<vmem_shared>>
        tpu.wait_indirect_dma semaphore(%arg10 : memref<!tpu.dma_semaphore, #tpu.memory_space<semaphore_mem>>) src(%dma_wait3A_829 : memref<4616x128xf32, #tpu.memory_space<vmem_shared>>) dst(%dma_wait3A_823 : memref<16x128xf32, #tpu.memory_space<vmem>>)
        %dma_wait3A_830 = arith.constant 0 : i32
        %dma_wait3A_831 = arith.constant 0 : i32
        %dma_wait3A_832 = arith.constant 0 : i32
        %dma_wait3A_833 = tpu.memref_slice %arg8[%dma_wait3A_830, %dma_wait3A_831, %dma_wait3A_832] : memref<2x16x128xf32, #tpu.memory_space<vmem>> -> memref<1x16x128xf32, #tpu.memory_space<vmem>>
        %dma_wait3A_834 = tpu.memref_squeeze %dma_wait3A_833 : memref<1x16x128xf32, #tpu.memory_space<vmem>> -> memref<16x128xf32, #tpu.memory_space<vmem>>
        %dma_wait3A_835 = arith.constant 0 : i32
        %dma_wait3A_836 = tpu.memref_slice %arg4[%mul3A_2, %dma_wait3A_835] : memref<204800x128xf32, #tpu.memory_space<hbm>> -> memref<16x128xf32, #tpu.memory_space<hbm>>
        %dma_wait3A_837 = arith.constant 0 : i32
        %dma_wait3A_838 = tpu.memref_slice %arg4[%mul3A_2, %dma_wait3A_837] : memref<204800x128xf32, #tpu.memory_space<hbm>> -> memref<16x128xf32, #tpu.memory_space<hbm>>
        %dma_wait3A_839 = arith.constant 0 : i32
        %dma_wait3A_840 = arith.constant 0 : i32
        %dma_wait3A_841 = tpu.memref_slice %arg8[%dma_wait3A_830, %dma_wait3A_839, %dma_wait3A_840] : memref<2x16x128xf32, #tpu.memory_space<vmem>> -> memref<1x16x128xf32, #tpu.memory_space<vmem>>
        %dma_wait3A_842 = tpu.memref_squeeze %dma_wait3A_841 : memref<1x16x128xf32, #tpu.memory_space<vmem>> -> memref<16x128xf32, #tpu.memory_space<vmem>>
        tpu.wait_dma2 semaphore(%arg12 : memref<!tpu.dma_semaphore, #tpu.memory_space<semaphore_mem>>) src(%dma_wait3A_842 : memref<16x128xf32, #tpu.memory_space<vmem>>) dst(%dma_wait3A_838 : memref<16x128xf32, #tpu.memory_space<hbm>>)
        %scan3A_843 = arith.constant 0 : i32
        %scan3A_844 = arith.constant 0 : i32
        %scan3A_845 = arith.constant 16 : i32
        %scan3A_846 = arith.addi %scan3A_844, %scan3A_845 : i32
        %scan3A_847 = arith.constant 1 : i32
        scf.for %scan3A_1124 = %scan3A_844 to %scan3A_846 step %scan3A_847  : i32 {
          %get3A = arith.constant 0 : i32
          %get3A_1125 = arith.constant 0 : i32
          %get3A_1126 = arith.index_cast %get3A : i32 to index
          %get3A_1127 = arith.index_cast %get3A_1125 : i32 to index
          %get3A_1128 = arith.index_cast %scan3A_1124 : i32 to index
          %get3A_1129 = arith.constant 0 : index
          %get3A_1130 = tpu.vector_load %arg7[%get3A_1126, %get3A_1127, %get3A_1128, %get3A_1129] {strides = array<i32>} : memref<2x8x16x128xf32, #tpu.memory_space<vmem>>, vector<1x1x1x16xf32>,
          %get3A_1131 = vector.shape_cast %get3A_1130 : vector<1x1x1x16xf32> to vector<16xf32>
          %get3A_1132 = arith.constant 0 : i32
          %get3A_1133 = arith.constant 1 : i32
          %get3A_1134 = arith.index_cast %get3A_1132 : i32 to index
          %get3A_1135 = arith.index_cast %get3A_1133 : i32 to index
          %get3A_1136 = arith.index_cast %scan3A_1124 : i32 to index
          %get3A_1137 = arith.constant 0 : index
          %get3A_1138 = tpu.vector_load %arg7[%get3A_1134, %get3A_1135, %get3A_1136, %get3A_1137] {strides = array<i32>} : memref<2x8x16x128xf32, #tpu.memory_space<vmem>>, vector<1x1x1x16xf32>,
          %get3A_1139 = vector.shape_cast %get3A_1138 : vector<1x1x1x16xf32> to vector<16xf32>
          %add3A_1140 = arith.addf %get3A_1131, %get3A_1139 : vector<16xf32>
          %get3A_1141 = arith.constant 0 : i32
          %get3A_1142 = arith.constant 2 : i32
          %get3A_1143 = arith.index_cast %get3A_1141 : i32 to index
          %get3A_1144 = arith.index_cast %get3A_1142 : i32 to index
          %get3A_1145 = arith.index_cast %scan3A_1124 : i32 to index
          %get3A_1146 = arith.constant 0 : index
          %get3A_1147 = tpu.vector_load %arg7[%get3A_1143, %get3A_1144, %get3A_1145, %get3A_1146] {strides = array<i32>} : memref<2x8x16x128xf32, #tpu.memory_space<vmem>>, vector<1x1x1x16xf32>,
          %get3A_1148 = vector.shape_cast %get3A_1147 : vector<1x1x1x16xf32> to vector<16xf32>
          %add3A_1149 = arith.addf %add3A_1140, %get3A_1148 : vector<16xf32>
          %get3A_1150 = arith.constant 0 : i32
          %get3A_1151 = arith.constant 3 : i32
          %get3A_1152 = arith.index_cast %get3A_1150 : i32 to index
          %get3A_1153 = arith.index_cast %get3A_1151 : i32 to index
          %get3A_1154 = arith.index_cast %scan3A_1124 : i32 to index
          %get3A_1155 = arith.constant 0 : index
          %get3A_1156 = tpu.vector_load %arg7[%get3A_1152, %get3A_1153, %get3A_1154, %get3A_1155] {strides = array<i32>} : memref<2x8x16x128xf32, #tpu.memory_space<vmem>>, vector<1x1x1x16xf32>,
          %get3A_1157 = vector.shape_cast %get3A_1156 : vector<1x1x1x16xf32> to vector<16xf32>
          %add3A_1158 = arith.addf %add3A_1149, %get3A_1157 : vector<16xf32>
          %get3A_1159 = arith.constant 0 : i32
          %get3A_1160 = arith.constant 4 : i32
          %get3A_1161 = arith.index_cast %get3A_1159 : i32 to index
          %get3A_1162 = arith.index_cast %get3A_1160 : i32 to index
          %get3A_1163 = arith.index_cast %scan3A_1124 : i32 to index
          %get3A_1164 = arith.constant 0 : index
          %get3A_1165 = tpu.vector_load %arg7[%get3A_1161, %get3A_1162, %get3A_1163, %get3A_1164] {strides = array<i32>} : memref<2x8x16x128xf32, #tpu.memory_space<vmem>>, vector<1x1x1x16xf32>,
          %get3A_1166 = vector.shape_cast %get3A_1165 : vector<1x1x1x16xf32> to vector<16xf32>
          %add3A_1167 = arith.addf %add3A_1158, %get3A_1166 : vector<16xf32>
          %get3A_1168 = arith.constant 0 : i32
          %get3A_1169 = arith.constant 5 : i32
          %get3A_1170 = arith.index_cast %get3A_1168 : i32 to index
          %get3A_1171 = arith.index_cast %get3A_1169 : i32 to index
          %get3A_1172 = arith.index_cast %scan3A_1124 : i32 to index
          %get3A_1173 = arith.constant 0 : index
          %get3A_1174 = tpu.vector_load %arg7[%get3A_1170, %get3A_1171, %get3A_1172, %get3A_1173] {strides = array<i32>} : memref<2x8x16x128xf32, #tpu.memory_space<vmem>>, vector<1x1x1x16xf32>,
          %get3A_1175 = vector.shape_cast %get3A_1174 : vector<1x1x1x16xf32> to vector<16xf32>
          %add3A_1176 = arith.addf %add3A_1167, %get3A_1175 : vector<16xf32>
          %get3A_1177 = arith.constant 0 : i32
          %get3A_1178 = arith.constant 6 : i32
          %get3A_1179 = arith.index_cast %get3A_1177 : i32 to index
          %get3A_1180 = arith.index_cast %get3A_1178 : i32 to index
          %get3A_1181 = arith.index_cast %scan3A_1124 : i32 to index
          %get3A_1182 = arith.constant 0 : index
          %get3A_1183 = tpu.vector_load %arg7[%get3A_1179, %get3A_1180, %get3A_1181, %get3A_1182] {strides = array<i32>} : memref<2x8x16x128xf32, #tpu.memory_space<vmem>>, vector<1x1x1x16xf32>,
          %get3A_1184 = vector.shape_cast %get3A_1183 : vector<1x1x1x16xf32> to vector<16xf32>
          %add3A_1185 = arith.addf %add3A_1176, %get3A_1184 : vector<16xf32>
          %get3A_1186 = arith.constant 0 : i32
          %get3A_1187 = arith.constant 7 : i32
          %get3A_1188 = arith.index_cast %get3A_1186 : i32 to index
          %get3A_1189 = arith.index_cast %get3A_1187 : i32 to index
          %get3A_1190 = arith.index_cast %scan3A_1124 : i32 to index
          %get3A_1191 = arith.constant 0 : index
          %get3A_1192 = tpu.vector_load %arg7[%get3A_1188, %get3A_1189, %get3A_1190, %get3A_1191] {strides = array<i32>} : memref<2x8x16x128xf32, #tpu.memory_space<vmem>>, vector<1x1x1x16xf32>,
          %get3A_1193 = vector.shape_cast %get3A_1192 : vector<1x1x1x16xf32> to vector<16xf32>
          %add3A_1194 = arith.addf %add3A_1185, %get3A_1193 : vector<16xf32>
          %swap3A = arith.constant 0 : i32
          %swap3A_1195 = arith.index_cast %swap3A : i32 to index
          %swap3A_1196 = arith.index_cast %scan3A_1124 : i32 to index
          %swap3A_1197 = arith.constant 0 : index
          %swap3A_1198 = tpu.vector_load %arg8[%swap3A_1195, %swap3A_1196, %swap3A_1197] {strides = array<i32>} : memref<2x16x128xf32, #tpu.memory_space<vmem>>, vector<1x1x16xf32>,
          %swap3A_1199 = vector.shape_cast %swap3A_1198 : vector<1x1x16xf32> to vector<16xf32>
          %swap3A_1200 = vector.shape_cast %add3A_1194 : vector<16xf32> to vector<1x1x16xf32>
          tpu.vector_store %arg8[%swap3A_1195, %swap3A_1196, %swap3A_1197], %swap3A_1200 {strides = array<i32>} : memref<2x16x128xf32, #tpu.memory_space<vmem>>, vector<1x1x16xf32>,
          %get3A_1201 = arith.constant 0 : i32
          %get3A_1202 = arith.constant 0 : i32
          %get3A_1203 = arith.index_cast %get3A_1201 : i32 to index
          %get3A_1204 = arith.index_cast %get3A_1202 : i32 to index
          %get3A_1205 = arith.index_cast %scan3A_1124 : i32 to index
          %get3A_1206 = arith.constant 16 : index
          %get3A_1207 = tpu.vector_load %arg7[%get3A_1203, %get3A_1204, %get3A_1205, %get3A_1206] {strides = array<i32>} : memref<2x8x16x128xf32, #tpu.memory_space<vmem>>, vector<1x1x1x16xf32>,
          %get3A_1208 = vector.shape_cast %get3A_1207 : vector<1x1x1x16xf32> to vector<16xf32>
          %get3A_1209 = arith.constant 0 : i32
          %get3A_1210 = arith.constant 1 : i32
          %get3A_1211 = arith.index_cast %get3A_1209 : i32 to index
          %get3A_1212 = arith.index_cast %get3A_1210 : i32 to index
          %get3A_1213 = arith.index_cast %scan3A_1124 : i32 to index
          %get3A_1214 = arith.constant 16 : index
          %get3A_1215 = tpu.vector_load %arg7[%get3A_1211, %get3A_1212, %get3A_1213, %get3A_1214] {strides = array<i32>} : memref<2x8x16x128xf32, #tpu.memory_space<vmem>>, vector<1x1x1x16xf32>,
          %get3A_1216 = vector.shape_cast %get3A_1215 : vector<1x1x1x16xf32> to vector<16xf32>
          %add3A_1217 = arith.addf %get3A_1208, %get3A_1216 : vector<16xf32>
          %get3A_1218 = arith.constant 0 : i32
          %get3A_1219 = arith.constant 2 : i32
          %get3A_1220 = arith.index_cast %get3A_1218 : i32 to index
          %get3A_1221 = arith.index_cast %get3A_1219 : i32 to index
          %get3A_1222 = arith.index_cast %scan3A_1124 : i32 to index
          %get3A_1223 = arith.constant 16 : index
          %get3A_1224 = tpu.vector_load %arg7[%get3A_1220, %get3A_1221, %get3A_1222, %get3A_1223] {strides = array<i32>} : memref<2x8x16x128xf32, #tpu.memory_space<vmem>>, vector<1x1x1x16xf32>,
          %get3A_1225 = vector.shape_cast %get3A_1224 : vector<1x1x1x16xf32> to vector<16xf32>
          %add3A_1226 = arith.addf %add3A_1217, %get3A_1225 : vector<16xf32>
          %get3A_1227 = arith.constant 0 : i32
          %get3A_1228 = arith.constant 3 : i32
          %get3A_1229 = arith.index_cast %get3A_1227 : i32 to index
          %get3A_1230 = arith.index_cast %get3A_1228 : i32 to index
          %get3A_1231 = arith.index_cast %scan3A_1124 : i32 to index
          %get3A_1232 = arith.constant 16 : index
          %get3A_1233 = tpu.vector_load %arg7[%get3A_1229, %get3A_1230, %get3A_1231, %get3A_1232] {strides = array<i32>} : memref<2x8x16x128xf32, #tpu.memory_space<vmem>>, vector<1x1x1x16xf32>,
          %get3A_1234 = vector.shape_cast %get3A_1233 : vector<1x1x1x16xf32> to vector<16xf32>
          %add3A_1235 = arith.addf %add3A_1226, %get3A_1234 : vector<16xf32>
          %get3A_1236 = arith.constant 0 : i32
          %get3A_1237 = arith.constant 4 : i32
          %get3A_1238 = arith.index_cast %get3A_1236 : i32 to index
          %get3A_1239 = arith.index_cast %get3A_1237 : i32 to index
          %get3A_1240 = arith.index_cast %scan3A_1124 : i32 to index
          %get3A_1241 = arith.constant 16 : index
          %get3A_1242 = tpu.vector_load %arg7[%get3A_1238, %get3A_1239, %get3A_1240, %get3A_1241] {strides = array<i32>} : memref<2x8x16x128xf32, #tpu.memory_space<vmem>>, vector<1x1x1x16xf32>,
          %get3A_1243 = vector.shape_cast %get3A_1242 : vector<1x1x1x16xf32> to vector<16xf32>
          %add3A_1244 = arith.addf %add3A_1235, %get3A_1243 : vector<16xf32>
          %get3A_1245 = arith.constant 0 : i32
          %get3A_1246 = arith.constant 5 : i32
          %get3A_1247 = arith.index_cast %get3A_1245 : i32 to index
          %get3A_1248 = arith.index_cast %get3A_1246 : i32 to index
          %get3A_1249 = arith.index_cast %scan3A_1124 : i32 to index
          %get3A_1250 = arith.constant 16 : index
          %get3A_1251 = tpu.vector_load %arg7[%get3A_1247, %get3A_1248, %get3A_1249, %get3A_1250] {strides = array<i32>} : memref<2x8x16x128xf32, #tpu.memory_space<vmem>>, vector<1x1x1x16xf32>,
          %get3A_1252 = vector.shape_cast %get3A_1251 : vector<1x1x1x16xf32> to vector<16xf32>
          %add3A_1253 = arith.addf %add3A_1244, %get3A_1252 : vector<16xf32>
          %get3A_1254 = arith.constant 0 : i32
          %get3A_1255 = arith.constant 6 : i32
          %get3A_1256 = arith.index_cast %get3A_1254 : i32 to index
          %get3A_1257 = arith.index_cast %get3A_1255 : i32 to index
          %get3A_1258 = arith.index_cast %scan3A_1124 : i32 to index
          %get3A_1259 = arith.constant 16 : index
          %get3A_1260 = tpu.vector_load %arg7[%get3A_1256, %get3A_1257, %get3A_1258, %get3A_1259] {strides = array<i32>} : memref<2x8x16x128xf32, #tpu.memory_space<vmem>>, vector<1x1x1x16xf32>,
          %get3A_1261 = vector.shape_cast %get3A_1260 : vector<1x1x1x16xf32> to vector<16xf32>
          %add3A_1262 = arith.addf %add3A_1253, %get3A_1261 : vector<16xf32>
          %get3A_1263 = arith.constant 0 : i32
          %get3A_1264 = arith.constant 7 : i32
          %get3A_1265 = arith.index_cast %get3A_1263 : i32 to index
          %get3A_1266 = arith.index_cast %get3A_1264 : i32 to index
          %get3A_1267 = arith.index_cast %scan3A_1124 : i32 to index
          %get3A_1268 = arith.constant 16 : index
          %get3A_1269 = tpu.vector_load %arg7[%get3A_1265, %get3A_1266, %get3A_1267, %get3A_1268] {strides = array<i32>} : memref<2x8x16x128xf32, #tpu.memory_space<vmem>>, vector<1x1x1x16xf32>,
          %get3A_1270 = vector.shape_cast %get3A_1269 : vector<1x1x1x16xf32> to vector<16xf32>
          %add3A_1271 = arith.addf %add3A_1262, %get3A_1270 : vector<16xf32>
          %swap3A_1272 = arith.constant 0 : i32
          %swap3A_1273 = arith.index_cast %swap3A_1272 : i32 to index
          %swap3A_1274 = arith.index_cast %scan3A_1124 : i32 to index
          %swap3A_1275 = arith.constant 16 : index
          %swap3A_1276 = tpu.vector_load %arg8[%swap3A_1273, %swap3A_1274, %swap3A_1275] {strides = array<i32>} : memref<2x16x128xf32, #tpu.memory_space<vmem>>, vector<1x1x16xf32>,
          %swap3A_1277 = vector.shape_cast %swap3A_1276 : vector<1x1x16xf32> to vector<16xf32>
          %swap3A_1278 = vector.shape_cast %add3A_1271 : vector<16xf32> to vector<1x1x16xf32>
          tpu.vector_store %arg8[%swap3A_1273, %swap3A_1274, %swap3A_1275], %swap3A_1278 {strides = array<i32>} : memref<2x16x128xf32, #tpu.memory_space<vmem>>, vector<1x1x16xf32>,
          %get3A_1279 = arith.constant 0 : i32
          %get3A_1280 = arith.constant 0 : i32
          %get3A_1281 = arith.index_cast %get3A_1279 : i32 to index
          %get3A_1282 = arith.index_cast %get3A_1280 : i32 to index
          %get3A_1283 = arith.index_cast %scan3A_1124 : i32 to index
          %get3A_1284 = arith.constant 32 : index
          %get3A_1285 = tpu.vector_load %arg7[%get3A_1281, %get3A_1282, %get3A_1283, %get3A_1284] {strides = array<i32>} : memref<2x8x16x128xf32, #tpu.memory_space<vmem>>, vector<1x1x1x16xf32>,
          %get3A_1286 = vector.shape_cast %get3A_1285 : vector<1x1x1x16xf32> to vector<16xf32>
          %get3A_1287 = arith.constant 0 : i32
          %get3A_1288 = arith.constant 1 : i32
          %get3A_1289 = arith.index_cast %get3A_1287 : i32 to index
          %get3A_1290 = arith.index_cast %get3A_1288 : i32 to index
          %get3A_1291 = arith.index_cast %scan3A_1124 : i32 to index
          %get3A_1292 = arith.constant 32 : index
          %get3A_1293 = tpu.vector_load %arg7[%get3A_1289, %get3A_1290, %get3A_1291, %get3A_1292] {strides = array<i32>} : memref<2x8x16x128xf32, #tpu.memory_space<vmem>>, vector<1x1x1x16xf32>,
          %get3A_1294 = vector.shape_cast %get3A_1293 : vector<1x1x1x16xf32> to vector<16xf32>
          %add3A_1295 = arith.addf %get3A_1286, %get3A_1294 : vector<16xf32>
          %get3A_1296 = arith.constant 0 : i32
          %get3A_1297 = arith.constant 2 : i32
          %get3A_1298 = arith.index_cast %get3A_1296 : i32 to index
          %get3A_1299 = arith.index_cast %get3A_1297 : i32 to index
          %get3A_1300 = arith.index_cast %scan3A_1124 : i32 to index
          %get3A_1301 = arith.constant 32 : index
          %get3A_1302 = tpu.vector_load %arg7[%get3A_1298, %get3A_1299, %get3A_1300, %get3A_1301] {strides = array<i32>} : memref<2x8x16x128xf32, #tpu.memory_space<vmem>>, vector<1x1x1x16xf32>,
          %get3A_1303 = vector.shape_cast %get3A_1302 : vector<1x1x1x16xf32> to vector<16xf32>
          %add3A_1304 = arith.addf %add3A_1295, %get3A_1303 : vector<16xf32>
          %get3A_1305 = arith.constant 0 : i32
          %get3A_1306 = arith.constant 3 : i32
          %get3A_1307 = arith.index_cast %get3A_1305 : i32 to index
          %get3A_1308 = arith.index_cast %get3A_1306 : i32 to index
          %get3A_1309 = arith.index_cast %scan3A_1124 : i32 to index
          %get3A_1310 = arith.constant 32 : index
          %get3A_1311 = tpu.vector_load %arg7[%get3A_1307, %get3A_1308, %get3A_1309, %get3A_1310] {strides = array<i32>} : memref<2x8x16x128xf32, #tpu.memory_space<vmem>>, vector<1x1x1x16xf32>,
          %get3A_1312 = vector.shape_cast %get3A_1311 : vector<1x1x1x16xf32> to vector<16xf32>
          %add3A_1313 = arith.addf %add3A_1304, %get3A_1312 : vector<16xf32>
          %get3A_1314 = arith.constant 0 : i32
          %get3A_1315 = arith.constant 4 : i32
          %get3A_1316 = arith.index_cast %get3A_1314 : i32 to index
          %get3A_1317 = arith.index_cast %get3A_1315 : i32 to index
          %get3A_1318 = arith.index_cast %scan3A_1124 : i32 to index
          %get3A_1319 = arith.constant 32 : index
          %get3A_1320 = tpu.vector_load %arg7[%get3A_1316, %get3A_1317, %get3A_1318, %get3A_1319] {strides = array<i32>} : memref<2x8x16x128xf32, #tpu.memory_space<vmem>>, vector<1x1x1x16xf32>,
          %get3A_1321 = vector.shape_cast %get3A_1320 : vector<1x1x1x16xf32> to vector<16xf32>
          %add3A_1322 = arith.addf %add3A_1313, %get3A_1321 : vector<16xf32>
          %get3A_1323 = arith.constant 0 : i32
          %get3A_1324 = arith.constant 5 : i32
          %get3A_1325 = arith.index_cast %get3A_1323 : i32 to index
          %get3A_1326 = arith.index_cast %get3A_1324 : i32 to index
          %get3A_1327 = arith.index_cast %scan3A_1124 : i32 to index
          %get3A_1328 = arith.constant 32 : index
          %get3A_1329 = tpu.vector_load %arg7[%get3A_1325, %get3A_1326, %get3A_1327, %get3A_1328] {strides = array<i32>} : memref<2x8x16x128xf32, #tpu.memory_space<vmem>>, vector<1x1x1x16xf32>,
          %get3A_1330 = vector.shape_cast %get3A_1329 : vector<1x1x1x16xf32> to vector<16xf32>
          %add3A_1331 = arith.addf %add3A_1322, %get3A_1330 : vector<16xf32>
          %get3A_1332 = arith.constant 0 : i32
          %get3A_1333 = arith.constant 6 : i32
          %get3A_1334 = arith.index_cast %get3A_1332 : i32 to index
          %get3A_1335 = arith.index_cast %get3A_1333 : i32 to index
          %get3A_1336 = arith.index_cast %scan3A_1124 : i32 to index
          %get3A_1337 = arith.constant 32 : index
          %get3A_1338 = tpu.vector_load %arg7[%get3A_1334, %get3A_1335, %get3A_1336, %get3A_1337] {strides = array<i32>} : memref<2x8x16x128xf32, #tpu.memory_space<vmem>>, vector<1x1x1x16xf32>,
          %get3A_1339 = vector.shape_cast %get3A_1338 : vector<1x1x1x16xf32> to vector<16xf32>
          %add3A_1340 = arith.addf %add3A_1331, %get3A_1339 : vector<16xf32>
          %get3A_1341 = arith.constant 0 : i32
          %get3A_1342 = arith.constant 7 : i32
          %get3A_1343 = arith.index_cast %get3A_1341 : i32 to index
          %get3A_1344 = arith.index_cast %get3A_1342 : i32 to index
          %get3A_1345 = arith.index_cast %scan3A_1124 : i32 to index
          %get3A_1346 = arith.constant 32 : index
          %get3A_1347 = tpu.vector_load %arg7[%get3A_1343, %get3A_1344, %get3A_1345, %get3A_1346] {strides = array<i32>} : memref<2x8x16x128xf32, #tpu.memory_space<vmem>>, vector<1x1x1x16xf32>,
          %get3A_1348 = vector.shape_cast %get3A_1347 : vector<1x1x1x16xf32> to vector<16xf32>
          %add3A_1349 = arith.addf %add3A_1340, %get3A_1348 : vector<16xf32>
          %swap3A_1350 = arith.constant 0 : i32
          %swap3A_1351 = arith.index_cast %swap3A_1350 : i32 to index
          %swap3A_1352 = arith.index_cast %scan3A_1124 : i32 to index
          %swap3A_1353 = arith.constant 32 : index
          %swap3A_1354 = tpu.vector_load %arg8[%swap3A_1351, %swap3A_1352, %swap3A_1353] {strides = array<i32>} : memref<2x16x128xf32, #tpu.memory_space<vmem>>, vector<1x1x16xf32>,
          %swap3A_1355 = vector.shape_cast %swap3A_1354 : vector<1x1x16xf32> to vector<16xf32>
          %swap3A_1356 = vector.shape_cast %add3A_1349 : vector<16xf32> to vector<1x1x16xf32>
          tpu.vector_store %arg8[%swap3A_1351, %swap3A_1352, %swap3A_1353], %swap3A_1356 {strides = array<i32>} : memref<2x16x128xf32, #tpu.memory_space<vmem>>, vector<1x1x16xf32>,
          %get3A_1357 = arith.constant 0 : i32
          %get3A_1358 = arith.constant 0 : i32
          %get3A_1359 = arith.index_cast %get3A_1357 : i32 to index
          %get3A_1360 = arith.index_cast %get3A_1358 : i32 to index
          %get3A_1361 = arith.index_cast %scan3A_1124 : i32 to index
          %get3A_1362 = arith.constant 48 : index
          %get3A_1363 = tpu.vector_load %arg7[%get3A_1359, %get3A_1360, %get3A_1361, %get3A_1362] {strides = array<i32>} : memref<2x8x16x128xf32, #tpu.memory_space<vmem>>, vector<1x1x1x16xf32>,
          %get3A_1364 = vector.shape_cast %get3A_1363 : vector<1x1x1x16xf32> to vector<16xf32>
          %get3A_1365 = arith.constant 0 : i32
          %get3A_1366 = arith.constant 1 : i32
          %get3A_1367 = arith.index_cast %get3A_1365 : i32 to index
          %get3A_1368 = arith.index_cast %get3A_1366 : i32 to index
          %get3A_1369 = arith.index_cast %scan3A_1124 : i32 to index
          %get3A_1370 = arith.constant 48 : index
          %get3A_1371 = tpu.vector_load %arg7[%get3A_1367, %get3A_1368, %get3A_1369, %get3A_1370] {strides = array<i32>} : memref<2x8x16x128xf32, #tpu.memory_space<vmem>>, vector<1x1x1x16xf32>,
          %get3A_1372 = vector.shape_cast %get3A_1371 : vector<1x1x1x16xf32> to vector<16xf32>
          %add3A_1373 = arith.addf %get3A_1364, %get3A_1372 : vector<16xf32>
          %get3A_1374 = arith.constant 0 : i32
          %get3A_1375 = arith.constant 2 : i32
          %get3A_1376 = arith.index_cast %get3A_1374 : i32 to index
          %get3A_1377 = arith.index_cast %get3A_1375 : i32 to index
          %get3A_1378 = arith.index_cast %scan3A_1124 : i32 to index
          %get3A_1379 = arith.constant 48 : index
          %get3A_1380 = tpu.vector_load %arg7[%get3A_1376, %get3A_1377, %get3A_1378, %get3A_1379] {strides = array<i32>} : memref<2x8x16x128xf32, #tpu.memory_space<vmem>>, vector<1x1x1x16xf32>,
          %get3A_1381 = vector.shape_cast %get3A_1380 : vector<1x1x1x16xf32> to vector<16xf32>
          %add3A_1382 = arith.addf %add3A_1373, %get3A_1381 : vector<16xf32>
          %get3A_1383 = arith.constant 0 : i32
          %get3A_1384 = arith.constant 3 : i32
          %get3A_1385 = arith.index_cast %get3A_1383 : i32 to index
          %get3A_1386 = arith.index_cast %get3A_1384 : i32 to index
          %get3A_1387 = arith.index_cast %scan3A_1124 : i32 to index
          %get3A_1388 = arith.constant 48 : index
          %get3A_1389 = tpu.vector_load %arg7[%get3A_1385, %get3A_1386, %get3A_1387, %get3A_1388] {strides = array<i32>} : memref<2x8x16x128xf32, #tpu.memory_space<vmem>>, vector<1x1x1x16xf32>,
          %get3A_1390 = vector.shape_cast %get3A_1389 : vector<1x1x1x16xf32> to vector<16xf32>
          %add3A_1391 = arith.addf %add3A_1382, %get3A_1390 : vector<16xf32>
          %get3A_1392 = arith.constant 0 : i32
          %get3A_1393 = arith.constant 4 : i32
          %get3A_1394 = arith.index_cast %get3A_1392 : i32 to index
          %get3A_1395 = arith.index_cast %get3A_1393 : i32 to index
          %get3A_1396 = arith.index_cast %scan3A_1124 : i32 to index
          %get3A_1397 = arith.constant 48 : index
          %get3A_1398 = tpu.vector_load %arg7[%get3A_1394, %get3A_1395, %get3A_1396, %get3A_1397] {strides = array<i32>} : memref<2x8x16x128xf32, #tpu.memory_space<vmem>>, vector<1x1x1x16xf32>,
          %get3A_1399 = vector.shape_cast %get3A_1398 : vector<1x1x1x16xf32> to vector<16xf32>
          %add3A_1400 = arith.addf %add3A_1391, %get3A_1399 : vector<16xf32>
          %get3A_1401 = arith.constant 0 : i32
          %get3A_1402 = arith.constant 5 : i32
          %get3A_1403 = arith.index_cast %get3A_1401 : i32 to index
          %get3A_1404 = arith.index_cast %get3A_1402 : i32 to index
          %get3A_1405 = arith.index_cast %scan3A_1124 : i32 to index
          %get3A_1406 = arith.constant 48 : index
          %get3A_1407 = tpu.vector_load %arg7[%get3A_1403, %get3A_1404, %get3A_1405, %get3A_1406] {strides = array<i32>} : memref<2x8x16x128xf32, #tpu.memory_space<vmem>>, vector<1x1x1x16xf32>,
          %get3A_1408 = vector.shape_cast %get3A_1407 : vector<1x1x1x16xf32> to vector<16xf32>
          %add3A_1409 = arith.addf %add3A_1400, %get3A_1408 : vector<16xf32>
          %get3A_1410 = arith.constant 0 : i32
          %get3A_1411 = arith.constant 6 : i32
          %get3A_1412 = arith.index_cast %get3A_1410 : i32 to index
          %get3A_1413 = arith.index_cast %get3A_1411 : i32 to index
          %get3A_1414 = arith.index_cast %scan3A_1124 : i32 to index
          %get3A_1415 = arith.constant 48 : index
          %get3A_1416 = tpu.vector_load %arg7[%get3A_1412, %get3A_1413, %get3A_1414, %get3A_1415] {strides = array<i32>} : memref<2x8x16x128xf32, #tpu.memory_space<vmem>>, vector<1x1x1x16xf32>,
          %get3A_1417 = vector.shape_cast %get3A_1416 : vector<1x1x1x16xf32> to vector<16xf32>
          %add3A_1418 = arith.addf %add3A_1409, %get3A_1417 : vector<16xf32>
          %get3A_1419 = arith.constant 0 : i32
          %get3A_1420 = arith.constant 7 : i32
          %get3A_1421 = arith.index_cast %get3A_1419 : i32 to index
          %get3A_1422 = arith.index_cast %get3A_1420 : i32 to index
          %get3A_1423 = arith.index_cast %scan3A_1124 : i32 to index
          %get3A_1424 = arith.constant 48 : index
          %get3A_1425 = tpu.vector_load %arg7[%get3A_1421, %get3A_1422, %get3A_1423, %get3A_1424] {strides = array<i32>} : memref<2x8x16x128xf32, #tpu.memory_space<vmem>>, vector<1x1x1x16xf32>,
          %get3A_1426 = vector.shape_cast %get3A_1425 : vector<1x1x1x16xf32> to vector<16xf32>
          %add3A_1427 = arith.addf %add3A_1418, %get3A_1426 : vector<16xf32>
          %swap3A_1428 = arith.constant 0 : i32
          %swap3A_1429 = arith.index_cast %swap3A_1428 : i32 to index
          %swap3A_1430 = arith.index_cast %scan3A_1124 : i32 to index
          %swap3A_1431 = arith.constant 48 : index
          %swap3A_1432 = tpu.vector_load %arg8[%swap3A_1429, %swap3A_1430, %swap3A_1431] {strides = array<i32>} : memref<2x16x128xf32, #tpu.memory_space<vmem>>, vector<1x1x16xf32>,
          %swap3A_1433 = vector.shape_cast %swap3A_1432 : vector<1x1x16xf32> to vector<16xf32>
          %swap3A_1434 = vector.shape_cast %add3A_1427 : vector<16xf32> to vector<1x1x16xf32>
          tpu.vector_store %arg8[%swap3A_1429, %swap3A_1430, %swap3A_1431], %swap3A_1434 {strides = array<i32>} : memref<2x16x128xf32, #tpu.memory_space<vmem>>, vector<1x1x16xf32>,
          %get3A_1435 = arith.constant 0 : i32
          %get3A_1436 = arith.constant 0 : i32
          %get3A_1437 = arith.index_cast %get3A_1435 : i32 to index
          %get3A_1438 = arith.index_cast %get3A_1436 : i32 to index
          %get3A_1439 = arith.index_cast %scan3A_1124 : i32 to index
          %get3A_1440 = arith.constant 64 : index
          %get3A_1441 = tpu.vector_load %arg7[%get3A_1437, %get3A_1438, %get3A_1439, %get3A_1440] {strides = array<i32>} : memref<2x8x16x128xf32, #tpu.memory_space<vmem>>, vector<1x1x1x16xf32>,
          %get3A_1442 = vector.shape_cast %get3A_1441 : vector<1x1x1x16xf32> to vector<16xf32>
          %get3A_1443 = arith.constant 0 : i32
          %get3A_1444 = arith.constant 1 : i32
          %get3A_1445 = arith.index_cast %get3A_1443 : i32 to index
          %get3A_1446 = arith.index_cast %get3A_1444 : i32 to index
          %get3A_1447 = arith.index_cast %scan3A_1124 : i32 to index
          %get3A_1448 = arith.constant 64 : index
          %get3A_1449 = tpu.vector_load %arg7[%get3A_1445, %get3A_1446, %get3A_1447, %get3A_1448] {strides = array<i32>} : memref<2x8x16x128xf32, #tpu.memory_space<vmem>>, vector<1x1x1x16xf32>,
          %get3A_1450 = vector.shape_cast %get3A_1449 : vector<1x1x1x16xf32> to vector<16xf32>
          %add3A_1451 = arith.addf %get3A_1442, %get3A_1450 : vector<16xf32>
          %get3A_1452 = arith.constant 0 : i32
          %get3A_1453 = arith.constant 2 : i32
          %get3A_1454 = arith.index_cast %get3A_1452 : i32 to index
          %get3A_1455 = arith.index_cast %get3A_1453 : i32 to index
          %get3A_1456 = arith.index_cast %scan3A_1124 : i32 to index
          %get3A_1457 = arith.constant 64 : index
          %get3A_1458 = tpu.vector_load %arg7[%get3A_1454, %get3A_1455, %get3A_1456, %get3A_1457] {strides = array<i32>} : memref<2x8x16x128xf32, #tpu.memory_space<vmem>>, vector<1x1x1x16xf32>,
          %get3A_1459 = vector.shape_cast %get3A_1458 : vector<1x1x1x16xf32> to vector<16xf32>
          %add3A_1460 = arith.addf %add3A_1451, %get3A_1459 : vector<16xf32>
          %get3A_1461 = arith.constant 0 : i32
          %get3A_1462 = arith.constant 3 : i32
          %get3A_1463 = arith.index_cast %get3A_1461 : i32 to index
          %get3A_1464 = arith.index_cast %get3A_1462 : i32 to index
          %get3A_1465 = arith.index_cast %scan3A_1124 : i32 to index
          %get3A_1466 = arith.constant 64 : index
          %get3A_1467 = tpu.vector_load %arg7[%get3A_1463, %get3A_1464, %get3A_1465, %get3A_1466] {strides = array<i32>} : memref<2x8x16x128xf32, #tpu.memory_space<vmem>>, vector<1x1x1x16xf32>,
          %get3A_1468 = vector.shape_cast %get3A_1467 : vector<1x1x1x16xf32> to vector<16xf32>
          %add3A_1469 = arith.addf %add3A_1460, %get3A_1468 : vector<16xf32>
          %get3A_1470 = arith.constant 0 : i32
          %get3A_1471 = arith.constant 4 : i32
          %get3A_1472 = arith.index_cast %get3A_1470 : i32 to index
          %get3A_1473 = arith.index_cast %get3A_1471 : i32 to index
          %get3A_1474 = arith.index_cast %scan3A_1124 : i32 to index
          %get3A_1475 = arith.constant 64 : index
          %get3A_1476 = tpu.vector_load %arg7[%get3A_1472, %get3A_1473, %get3A_1474, %get3A_1475] {strides = array<i32>} : memref<2x8x16x128xf32, #tpu.memory_space<vmem>>, vector<1x1x1x16xf32>,
          %get3A_1477 = vector.shape_cast %get3A_1476 : vector<1x1x1x16xf32> to vector<16xf32>
          %add3A_1478 = arith.addf %add3A_1469, %get3A_1477 : vector<16xf32>
          %get3A_1479 = arith.constant 0 : i32
          %get3A_1480 = arith.constant 5 : i32
          %get3A_1481 = arith.index_cast %get3A_1479 : i32 to index
          %get3A_1482 = arith.index_cast %get3A_1480 : i32 to index
          %get3A_1483 = arith.index_cast %scan3A_1124 : i32 to index
          %get3A_1484 = arith.constant 64 : index
          %get3A_1485 = tpu.vector_load %arg7[%get3A_1481, %get3A_1482, %get3A_1483, %get3A_1484] {strides = array<i32>} : memref<2x8x16x128xf32, #tpu.memory_space<vmem>>, vector<1x1x1x16xf32>,
          %get3A_1486 = vector.shape_cast %get3A_1485 : vector<1x1x1x16xf32> to vector<16xf32>
          %add3A_1487 = arith.addf %add3A_1478, %get3A_1486 : vector<16xf32>
          %get3A_1488 = arith.constant 0 : i32
          %get3A_1489 = arith.constant 6 : i32
          %get3A_1490 = arith.index_cast %get3A_1488 : i32 to index
          %get3A_1491 = arith.index_cast %get3A_1489 : i32 to index
          %get3A_1492 = arith.index_cast %scan3A_1124 : i32 to index
          %get3A_1493 = arith.constant 64 : index
          %get3A_1494 = tpu.vector_load %arg7[%get3A_1490, %get3A_1491, %get3A_1492, %get3A_1493] {strides = array<i32>} : memref<2x8x16x128xf32, #tpu.memory_space<vmem>>, vector<1x1x1x16xf32>,
          %get3A_1495 = vector.shape_cast %get3A_1494 : vector<1x1x1x16xf32> to vector<16xf32>
          %add3A_1496 = arith.addf %add3A_1487, %get3A_1495 : vector<16xf32>
          %get3A_1497 = arith.constant 0 : i32
          %get3A_1498 = arith.constant 7 : i32
          %get3A_1499 = arith.index_cast %get3A_1497 : i32 to index
          %get3A_1500 = arith.index_cast %get3A_1498 : i32 to index
          %get3A_1501 = arith.index_cast %scan3A_1124 : i32 to index
          %get3A_1502 = arith.constant 64 : index
          %get3A_1503 = tpu.vector_load %arg7[%get3A_1499, %get3A_1500, %get3A_1501, %get3A_1502] {strides = array<i32>} : memref<2x8x16x128xf32, #tpu.memory_space<vmem>>, vector<1x1x1x16xf32>,
          %get3A_1504 = vector.shape_cast %get3A_1503 : vector<1x1x1x16xf32> to vector<16xf32>
          %add3A_1505 = arith.addf %add3A_1496, %get3A_1504 : vector<16xf32>
          %swap3A_1506 = arith.constant 0 : i32
          %swap3A_1507 = arith.index_cast %swap3A_1506 : i32 to index
          %swap3A_1508 = arith.index_cast %scan3A_1124 : i32 to index
          %swap3A_1509 = arith.constant 64 : index
          %swap3A_1510 = tpu.vector_load %arg8[%swap3A_1507, %swap3A_1508, %swap3A_1509] {strides = array<i32>} : memref<2x16x128xf32, #tpu.memory_space<vmem>>, vector<1x1x16xf32>,
          %swap3A_1511 = vector.shape_cast %swap3A_1510 : vector<1x1x16xf32> to vector<16xf32>
          %swap3A_1512 = vector.shape_cast %add3A_1505 : vector<16xf32> to vector<1x1x16xf32>
          tpu.vector_store %arg8[%swap3A_1507, %swap3A_1508, %swap3A_1509], %swap3A_1512 {strides = array<i32>} : memref<2x16x128xf32, #tpu.memory_space<vmem>>, vector<1x1x16xf32>,
          %get3A_1513 = arith.constant 0 : i32
          %get3A_1514 = arith.constant 0 : i32
          %get3A_1515 = arith.index_cast %get3A_1513 : i32 to index
          %get3A_1516 = arith.index_cast %get3A_1514 : i32 to index
          %get3A_1517 = arith.index_cast %scan3A_1124 : i32 to index
          %get3A_1518 = arith.constant 80 : index
          %get3A_1519 = tpu.vector_load %arg7[%get3A_1515, %get3A_1516, %get3A_1517, %get3A_1518] {strides = array<i32>} : memref<2x8x16x128xf32, #tpu.memory_space<vmem>>, vector<1x1x1x16xf32>,
          %get3A_1520 = vector.shape_cast %get3A_1519 : vector<1x1x1x16xf32> to vector<16xf32>
          %get3A_1521 = arith.constant 0 : i32
          %get3A_1522 = arith.constant 1 : i32
          %get3A_1523 = arith.index_cast %get3A_1521 : i32 to index
          %get3A_1524 = arith.index_cast %get3A_1522 : i32 to index
          %get3A_1525 = arith.index_cast %scan3A_1124 : i32 to index
          %get3A_1526 = arith.constant 80 : index
          %get3A_1527 = tpu.vector_load %arg7[%get3A_1523, %get3A_1524, %get3A_1525, %get3A_1526] {strides = array<i32>} : memref<2x8x16x128xf32, #tpu.memory_space<vmem>>, vector<1x1x1x16xf32>,
          %get3A_1528 = vector.shape_cast %get3A_1527 : vector<1x1x1x16xf32> to vector<16xf32>
          %add3A_1529 = arith.addf %get3A_1520, %get3A_1528 : vector<16xf32>
          %get3A_1530 = arith.constant 0 : i32
          %get3A_1531 = arith.constant 2 : i32
          %get3A_1532 = arith.index_cast %get3A_1530 : i32 to index
          %get3A_1533 = arith.index_cast %get3A_1531 : i32 to index
          %get3A_1534 = arith.index_cast %scan3A_1124 : i32 to index
          %get3A_1535 = arith.constant 80 : index
          %get3A_1536 = tpu.vector_load %arg7[%get3A_1532, %get3A_1533, %get3A_1534, %get3A_1535] {strides = array<i32>} : memref<2x8x16x128xf32, #tpu.memory_space<vmem>>, vector<1x1x1x16xf32>,
          %get3A_1537 = vector.shape_cast %get3A_1536 : vector<1x1x1x16xf32> to vector<16xf32>
          %add3A_1538 = arith.addf %add3A_1529, %get3A_1537 : vector<16xf32>
          %get3A_1539 = arith.constant 0 : i32
          %get3A_1540 = arith.constant 3 : i32
          %get3A_1541 = arith.index_cast %get3A_1539 : i32 to index
          %get3A_1542 = arith.index_cast %get3A_1540 : i32 to index
          %get3A_1543 = arith.index_cast %scan3A_1124 : i32 to index
          %get3A_1544 = arith.constant 80 : index
          %get3A_1545 = tpu.vector_load %arg7[%get3A_1541, %get3A_1542, %get3A_1543, %get3A_1544] {strides = array<i32>} : memref<2x8x16x128xf32, #tpu.memory_space<vmem>>, vector<1x1x1x16xf32>,
          %get3A_1546 = vector.shape_cast %get3A_1545 : vector<1x1x1x16xf32> to vector<16xf32>
          %add3A_1547 = arith.addf %add3A_1538, %get3A_1546 : vector<16xf32>
          %get3A_1548 = arith.constant 0 : i32
          %get3A_1549 = arith.constant 4 : i32
          %get3A_1550 = arith.index_cast %get3A_1548 : i32 to index
          %get3A_1551 = arith.index_cast %get3A_1549 : i32 to index
          %get3A_1552 = arith.index_cast %scan3A_1124 : i32 to index
          %get3A_1553 = arith.constant 80 : index
          %get3A_1554 = tpu.vector_load %arg7[%get3A_1550, %get3A_1551, %get3A_1552, %get3A_1553] {strides = array<i32>} : memref<2x8x16x128xf32, #tpu.memory_space<vmem>>, vector<1x1x1x16xf32>,
          %get3A_1555 = vector.shape_cast %get3A_1554 : vector<1x1x1x16xf32> to vector<16xf32>
          %add3A_1556 = arith.addf %add3A_1547, %get3A_1555 : vector<16xf32>
          %get3A_1557 = arith.constant 0 : i32
          %get3A_1558 = arith.constant 5 : i32
          %get3A_1559 = arith.index_cast %get3A_1557 : i32 to index
          %get3A_1560 = arith.index_cast %get3A_1558 : i32 to index
          %get3A_1561 = arith.index_cast %scan3A_1124 : i32 to index
          %get3A_1562 = arith.constant 80 : index
          %get3A_1563 = tpu.vector_load %arg7[%get3A_1559, %get3A_1560, %get3A_1561, %get3A_1562] {strides = array<i32>} : memref<2x8x16x128xf32, #tpu.memory_space<vmem>>, vector<1x1x1x16xf32>,
          %get3A_1564 = vector.shape_cast %get3A_1563 : vector<1x1x1x16xf32> to vector<16xf32>
          %add3A_1565 = arith.addf %add3A_1556, %get3A_1564 : vector<16xf32>
          %get3A_1566 = arith.constant 0 : i32
          %get3A_1567 = arith.constant 6 : i32
          %get3A_1568 = arith.index_cast %get3A_1566 : i32 to index
          %get3A_1569 = arith.index_cast %get3A_1567 : i32 to index
          %get3A_1570 = arith.index_cast %scan3A_1124 : i32 to index
          %get3A_1571 = arith.constant 80 : index
          %get3A_1572 = tpu.vector_load %arg7[%get3A_1568, %get3A_1569, %get3A_1570, %get3A_1571] {strides = array<i32>} : memref<2x8x16x128xf32, #tpu.memory_space<vmem>>, vector<1x1x1x16xf32>,
          %get3A_1573 = vector.shape_cast %get3A_1572 : vector<1x1x1x16xf32> to vector<16xf32>
          %add3A_1574 = arith.addf %add3A_1565, %get3A_1573 : vector<16xf32>
          %get3A_1575 = arith.constant 0 : i32
          %get3A_1576 = arith.constant 7 : i32
          %get3A_1577 = arith.index_cast %get3A_1575 : i32 to index
          %get3A_1578 = arith.index_cast %get3A_1576 : i32 to index
          %get3A_1579 = arith.index_cast %scan3A_1124 : i32 to index
          %get3A_1580 = arith.constant 80 : index
          %get3A_1581 = tpu.vector_load %arg7[%get3A_1577, %get3A_1578, %get3A_1579, %get3A_1580] {strides = array<i32>} : memref<2x8x16x128xf32, #tpu.memory_space<vmem>>, vector<1x1x1x16xf32>,
          %get3A_1582 = vector.shape_cast %get3A_1581 : vector<1x1x1x16xf32> to vector<16xf32>
          %add3A_1583 = arith.addf %add3A_1574, %get3A_1582 : vector<16xf32>
          %swap3A_1584 = arith.constant 0 : i32
          %swap3A_1585 = arith.index_cast %swap3A_1584 : i32 to index
          %swap3A_1586 = arith.index_cast %scan3A_1124 : i32 to index
          %swap3A_1587 = arith.constant 80 : index
          %swap3A_1588 = tpu.vector_load %arg8[%swap3A_1585, %swap3A_1586, %swap3A_1587] {strides = array<i32>} : memref<2x16x128xf32, #tpu.memory_space<vmem>>, vector<1x1x16xf32>,
          %swap3A_1589 = vector.shape_cast %swap3A_1588 : vector<1x1x16xf32> to vector<16xf32>
          %swap3A_1590 = vector.shape_cast %add3A_1583 : vector<16xf32> to vector<1x1x16xf32>
          tpu.vector_store %arg8[%swap3A_1585, %swap3A_1586, %swap3A_1587], %swap3A_1590 {strides = array<i32>} : memref<2x16x128xf32, #tpu.memory_space<vmem>>, vector<1x1x16xf32>,
          %get3A_1591 = arith.constant 0 : i32
          %get3A_1592 = arith.constant 0 : i32
          %get3A_1593 = arith.index_cast %get3A_1591 : i32 to index
          %get3A_1594 = arith.index_cast %get3A_1592 : i32 to index
          %get3A_1595 = arith.index_cast %scan3A_1124 : i32 to index
          %get3A_1596 = arith.constant 96 : index
          %get3A_1597 = tpu.vector_load %arg7[%get3A_1593, %get3A_1594, %get3A_1595, %get3A_1596] {strides = array<i32>} : memref<2x8x16x128xf32, #tpu.memory_space<vmem>>, vector<1x1x1x16xf32>,
          %get3A_1598 = vector.shape_cast %get3A_1597 : vector<1x1x1x16xf32> to vector<16xf32>
          %get3A_1599 = arith.constant 0 : i32
          %get3A_1600 = arith.constant 1 : i32
          %get3A_1601 = arith.index_cast %get3A_1599 : i32 to index
          %get3A_1602 = arith.index_cast %get3A_1600 : i32 to index
          %get3A_1603 = arith.index_cast %scan3A_1124 : i32 to index
          %get3A_1604 = arith.constant 96 : index
          %get3A_1605 = tpu.vector_load %arg7[%get3A_1601, %get3A_1602, %get3A_1603, %get3A_1604] {strides = array<i32>} : memref<2x8x16x128xf32, #tpu.memory_space<vmem>>, vector<1x1x1x16xf32>,
          %get3A_1606 = vector.shape_cast %get3A_1605 : vector<1x1x1x16xf32> to vector<16xf32>
          %add3A_1607 = arith.addf %get3A_1598, %get3A_1606 : vector<16xf32>
          %get3A_1608 = arith.constant 0 : i32
          %get3A_1609 = arith.constant 2 : i32
          %get3A_1610 = arith.index_cast %get3A_1608 : i32 to index
          %get3A_1611 = arith.index_cast %get3A_1609 : i32 to index
          %get3A_1612 = arith.index_cast %scan3A_1124 : i32 to index
          %get3A_1613 = arith.constant 96 : index
          %get3A_1614 = tpu.vector_load %arg7[%get3A_1610, %get3A_1611, %get3A_1612, %get3A_1613] {strides = array<i32>} : memref<2x8x16x128xf32, #tpu.memory_space<vmem>>, vector<1x1x1x16xf32>,
          %get3A_1615 = vector.shape_cast %get3A_1614 : vector<1x1x1x16xf32> to vector<16xf32>
          %add3A_1616 = arith.addf %add3A_1607, %get3A_1615 : vector<16xf32>
          %get3A_1617 = arith.constant 0 : i32
          %get3A_1618 = arith.constant 3 : i32
          %get3A_1619 = arith.index_cast %get3A_1617 : i32 to index
          %get3A_1620 = arith.index_cast %get3A_1618 : i32 to index
          %get3A_1621 = arith.index_cast %scan3A_1124 : i32 to index
          %get3A_1622 = arith.constant 96 : index
          %get3A_1623 = tpu.vector_load %arg7[%get3A_1619, %get3A_1620, %get3A_1621, %get3A_1622] {strides = array<i32>} : memref<2x8x16x128xf32, #tpu.memory_space<vmem>>, vector<1x1x1x16xf32>,
          %get3A_1624 = vector.shape_cast %get3A_1623 : vector<1x1x1x16xf32> to vector<16xf32>
          %add3A_1625 = arith.addf %add3A_1616, %get3A_1624 : vector<16xf32>
          %get3A_1626 = arith.constant 0 : i32
          %get3A_1627 = arith.constant 4 : i32
          %get3A_1628 = arith.index_cast %get3A_1626 : i32 to index
          %get3A_1629 = arith.index_cast %get3A_1627 : i32 to index
          %get3A_1630 = arith.index_cast %scan3A_1124 : i32 to index
          %get3A_1631 = arith.constant 96 : index
          %get3A_1632 = tpu.vector_load %arg7[%get3A_1628, %get3A_1629, %get3A_1630, %get3A_1631] {strides = array<i32>} : memref<2x8x16x128xf32, #tpu.memory_space<vmem>>, vector<1x1x1x16xf32>,
          %get3A_1633 = vector.shape_cast %get3A_1632 : vector<1x1x1x16xf32> to vector<16xf32>
          %add3A_1634 = arith.addf %add3A_1625, %get3A_1633 : vector<16xf32>
          %get3A_1635 = arith.constant 0 : i32
          %get3A_1636 = arith.constant 5 : i32
          %get3A_1637 = arith.index_cast %get3A_1635 : i32 to index
          %get3A_1638 = arith.index_cast %get3A_1636 : i32 to index
          %get3A_1639 = arith.index_cast %scan3A_1124 : i32 to index
          %get3A_1640 = arith.constant 96 : index
          %get3A_1641 = tpu.vector_load %arg7[%get3A_1637, %get3A_1638, %get3A_1639, %get3A_1640] {strides = array<i32>} : memref<2x8x16x128xf32, #tpu.memory_space<vmem>>, vector<1x1x1x16xf32>,
          %get3A_1642 = vector.shape_cast %get3A_1641 : vector<1x1x1x16xf32> to vector<16xf32>
          %add3A_1643 = arith.addf %add3A_1634, %get3A_1642 : vector<16xf32>
          %get3A_1644 = arith.constant 0 : i32
          %get3A_1645 = arith.constant 6 : i32
          %get3A_1646 = arith.index_cast %get3A_1644 : i32 to index
          %get3A_1647 = arith.index_cast %get3A_1645 : i32 to index
          %get3A_1648 = arith.index_cast %scan3A_1124 : i32 to index
          %get3A_1649 = arith.constant 96 : index
          %get3A_1650 = tpu.vector_load %arg7[%get3A_1646, %get3A_1647, %get3A_1648, %get3A_1649] {strides = array<i32>} : memref<2x8x16x128xf32, #tpu.memory_space<vmem>>, vector<1x1x1x16xf32>,
          %get3A_1651 = vector.shape_cast %get3A_1650 : vector<1x1x1x16xf32> to vector<16xf32>
          %add3A_1652 = arith.addf %add3A_1643, %get3A_1651 : vector<16xf32>
          %get3A_1653 = arith.constant 0 : i32
          %get3A_1654 = arith.constant 7 : i32
          %get3A_1655 = arith.index_cast %get3A_1653 : i32 to index
          %get3A_1656 = arith.index_cast %get3A_1654 : i32 to index
          %get3A_1657 = arith.index_cast %scan3A_1124 : i32 to index
          %get3A_1658 = arith.constant 96 : index
          %get3A_1659 = tpu.vector_load %arg7[%get3A_1655, %get3A_1656, %get3A_1657, %get3A_1658] {strides = array<i32>} : memref<2x8x16x128xf32, #tpu.memory_space<vmem>>, vector<1x1x1x16xf32>,
          %get3A_1660 = vector.shape_cast %get3A_1659 : vector<1x1x1x16xf32> to vector<16xf32>
          %add3A_1661 = arith.addf %add3A_1652, %get3A_1660 : vector<16xf32>
          %swap3A_1662 = arith.constant 0 : i32
          %swap3A_1663 = arith.index_cast %swap3A_1662 : i32 to index
          %swap3A_1664 = arith.index_cast %scan3A_1124 : i32 to index
          %swap3A_1665 = arith.constant 96 : index
          %swap3A_1666 = tpu.vector_load %arg8[%swap3A_1663, %swap3A_1664, %swap3A_1665] {strides = array<i32>} : memref<2x16x128xf32, #tpu.memory_space<vmem>>, vector<1x1x16xf32>,
          %swap3A_1667 = vector.shape_cast %swap3A_1666 : vector<1x1x16xf32> to vector<16xf32>
          %swap3A_1668 = vector.shape_cast %add3A_1661 : vector<16xf32> to vector<1x1x16xf32>
          tpu.vector_store %arg8[%swap3A_1663, %swap3A_1664, %swap3A_1665], %swap3A_1668 {strides = array<i32>} : memref<2x16x128xf32, #tpu.memory_space<vmem>>, vector<1x1x16xf32>,
          %get3A_1669 = arith.constant 0 : i32
          %get3A_1670 = arith.constant 0 : i32
          %get3A_1671 = arith.index_cast %get3A_1669 : i32 to index
          %get3A_1672 = arith.index_cast %get3A_1670 : i32 to index
          %get3A_1673 = arith.index_cast %scan3A_1124 : i32 to index
          %get3A_1674 = arith.constant 112 : index
          %get3A_1675 = tpu.vector_load %arg7[%get3A_1671, %get3A_1672, %get3A_1673, %get3A_1674] {strides = array<i32>} : memref<2x8x16x128xf32, #tpu.memory_space<vmem>>, vector<1x1x1x16xf32>,
          %get3A_1676 = vector.shape_cast %get3A_1675 : vector<1x1x1x16xf32> to vector<16xf32>
          %get3A_1677 = arith.constant 0 : i32
          %get3A_1678 = arith.constant 1 : i32
          %get3A_1679 = arith.index_cast %get3A_1677 : i32 to index
          %get3A_1680 = arith.index_cast %get3A_1678 : i32 to index
          %get3A_1681 = arith.index_cast %scan3A_1124 : i32 to index
          %get3A_1682 = arith.constant 112 : index
          %get3A_1683 = tpu.vector_load %arg7[%get3A_1679, %get3A_1680, %get3A_1681, %get3A_1682] {strides = array<i32>} : memref<2x8x16x128xf32, #tpu.memory_space<vmem>>, vector<1x1x1x16xf32>,
          %get3A_1684 = vector.shape_cast %get3A_1683 : vector<1x1x1x16xf32> to vector<16xf32>
          %add3A_1685 = arith.addf %get3A_1676, %get3A_1684 : vector<16xf32>
          %get3A_1686 = arith.constant 0 : i32
          %get3A_1687 = arith.constant 2 : i32
          %get3A_1688 = arith.index_cast %get3A_1686 : i32 to index
          %get3A_1689 = arith.index_cast %get3A_1687 : i32 to index
          %get3A_1690 = arith.index_cast %scan3A_1124 : i32 to index
          %get3A_1691 = arith.constant 112 : index
          %get3A_1692 = tpu.vector_load %arg7[%get3A_1688, %get3A_1689, %get3A_1690, %get3A_1691] {strides = array<i32>} : memref<2x8x16x128xf32, #tpu.memory_space<vmem>>, vector<1x1x1x16xf32>,
          %get3A_1693 = vector.shape_cast %get3A_1692 : vector<1x1x1x16xf32> to vector<16xf32>
          %add3A_1694 = arith.addf %add3A_1685, %get3A_1693 : vector<16xf32>
          %get3A_1695 = arith.constant 0 : i32
          %get3A_1696 = arith.constant 3 : i32
          %get3A_1697 = arith.index_cast %get3A_1695 : i32 to index
          %get3A_1698 = arith.index_cast %get3A_1696 : i32 to index
          %get3A_1699 = arith.index_cast %scan3A_1124 : i32 to index
          %get3A_1700 = arith.constant 112 : index
          %get3A_1701 = tpu.vector_load %arg7[%get3A_1697, %get3A_1698, %get3A_1699, %get3A_1700] {strides = array<i32>} : memref<2x8x16x128xf32, #tpu.memory_space<vmem>>, vector<1x1x1x16xf32>,
          %get3A_1702 = vector.shape_cast %get3A_1701 : vector<1x1x1x16xf32> to vector<16xf32>
          %add3A_1703 = arith.addf %add3A_1694, %get3A_1702 : vector<16xf32>
          %get3A_1704 = arith.constant 0 : i32
          %get3A_1705 = arith.constant 4 : i32
          %get3A_1706 = arith.index_cast %get3A_1704 : i32 to index
          %get3A_1707 = arith.index_cast %get3A_1705 : i32 to index
          %get3A_1708 = arith.index_cast %scan3A_1124 : i32 to index
          %get3A_1709 = arith.constant 112 : index
          %get3A_1710 = tpu.vector_load %arg7[%get3A_1706, %get3A_1707, %get3A_1708, %get3A_1709] {strides = array<i32>} : memref<2x8x16x128xf32, #tpu.memory_space<vmem>>, vector<1x1x1x16xf32>,
          %get3A_1711 = vector.shape_cast %get3A_1710 : vector<1x1x1x16xf32> to vector<16xf32>
          %add3A_1712 = arith.addf %add3A_1703, %get3A_1711 : vector<16xf32>
          %get3A_1713 = arith.constant 0 : i32
          %get3A_1714 = arith.constant 5 : i32
          %get3A_1715 = arith.index_cast %get3A_1713 : i32 to index
          %get3A_1716 = arith.index_cast %get3A_1714 : i32 to index
          %get3A_1717 = arith.index_cast %scan3A_1124 : i32 to index
          %get3A_1718 = arith.constant 112 : index
          %get3A_1719 = tpu.vector_load %arg7[%get3A_1715, %get3A_1716, %get3A_1717, %get3A_1718] {strides = array<i32>} : memref<2x8x16x128xf32, #tpu.memory_space<vmem>>, vector<1x1x1x16xf32>,
          %get3A_1720 = vector.shape_cast %get3A_1719 : vector<1x1x1x16xf32> to vector<16xf32>
          %add3A_1721 = arith.addf %add3A_1712, %get3A_1720 : vector<16xf32>
          %get3A_1722 = arith.constant 0 : i32
          %get3A_1723 = arith.constant 6 : i32
          %get3A_1724 = arith.index_cast %get3A_1722 : i32 to index
          %get3A_1725 = arith.index_cast %get3A_1723 : i32 to index
          %get3A_1726 = arith.index_cast %scan3A_1124 : i32 to index
          %get3A_1727 = arith.constant 112 : index
          %get3A_1728 = tpu.vector_load %arg7[%get3A_1724, %get3A_1725, %get3A_1726, %get3A_1727] {strides = array<i32>} : memref<2x8x16x128xf32, #tpu.memory_space<vmem>>, vector<1x1x1x16xf32>,
          %get3A_1729 = vector.shape_cast %get3A_1728 : vector<1x1x1x16xf32> to vector<16xf32>
          %add3A_1730 = arith.addf %add3A_1721, %get3A_1729 : vector<16xf32>
          %get3A_1731 = arith.constant 0 : i32
          %get3A_1732 = arith.constant 7 : i32
          %get3A_1733 = arith.index_cast %get3A_1731 : i32 to index
          %get3A_1734 = arith.index_cast %get3A_1732 : i32 to index
          %get3A_1735 = arith.index_cast %scan3A_1124 : i32 to index
          %get3A_1736 = arith.constant 112 : index
          %get3A_1737 = tpu.vector_load %arg7[%get3A_1733, %get3A_1734, %get3A_1735, %get3A_1736] {strides = array<i32>} : memref<2x8x16x128xf32, #tpu.memory_space<vmem>>, vector<1x1x1x16xf32>,
          %get3A_1738 = vector.shape_cast %get3A_1737 : vector<1x1x1x16xf32> to vector<16xf32>
          %add3A_1739 = arith.addf %add3A_1730, %get3A_1738 : vector<16xf32>
          %swap3A_1740 = arith.constant 0 : i32
          %swap3A_1741 = arith.index_cast %swap3A_1740 : i32 to index
          %swap3A_1742 = arith.index_cast %scan3A_1124 : i32 to index
          %swap3A_1743 = arith.constant 112 : index
          %swap3A_1744 = tpu.vector_load %arg8[%swap3A_1741, %swap3A_1742, %swap3A_1743] {strides = array<i32>} : memref<2x16x128xf32, #tpu.memory_space<vmem>>, vector<1x1x16xf32>,
          %swap3A_1745 = vector.shape_cast %swap3A_1744 : vector<1x1x16xf32> to vector<16xf32>
          %swap3A_1746 = vector.shape_cast %add3A_1739 : vector<16xf32> to vector<1x1x16xf32>
          tpu.vector_store %arg8[%swap3A_1741, %swap3A_1742, %swap3A_1743], %swap3A_1746 {strides = array<i32>} : memref<2x16x128xf32, #tpu.memory_space<vmem>>, vector<1x1x16xf32>,
        }
        %scan3A_848 = arith.constant 16 : i32
        %mul3A_849 = arith.constant 16 : i32
        %mul3A_850 = arith.muli %mul3A_717, %mul3A_849 : i32
        %add3A_851 = arith.addi %add3A_63, %mul3A_850 : i32
        %dma_start3A_852 = arith.constant 0 : i32
        %dma_start3A_853 = arith.constant 0 : i32
        %dma_start3A_854 = arith.constant 0 : i32
        %dma_start3A_855 = tpu.memref_slice %arg8[%dma_start3A_852, %dma_start3A_853, %dma_start3A_854] : memref<2x16x128xf32, #tpu.memory_space<vmem>> -> memref<1x16x128xf32, #tpu.memory_space<vmem>>
        %dma_start3A_856 = tpu.memref_squeeze %dma_start3A_855 : memref<1x16x128xf32, #tpu.memory_space<vmem>> -> memref<16x128xf32, #tpu.memory_space<vmem>>
        %dma_start3A_857 = arith.constant 0 : i32
        %dma_start3A_858 = tpu.memref_slice %arg4[%add3A_851, %dma_start3A_857] : memref<204800x128xf32, #tpu.memory_space<hbm>> -> memref<16x128xf32, #tpu.memory_space<hbm>>
        %dma_start3A_859 = arith.constant 0 : i32
        %dma_start3A_860 = tpu.memref_slice %arg4[%add3A_851, %dma_start3A_859] : memref<204800x128xf32, #tpu.memory_space<hbm>> -> memref<16x128xf32, #tpu.memory_space<hbm>>
        %dma_start3A_861 = arith.constant 0 : i32
        %dma_start3A_862 = arith.constant 0 : i32
        %dma_start3A_863 = tpu.memref_slice %arg8[%dma_start3A_852, %dma_start3A_861, %dma_start3A_862] : memref<2x16x128xf32, #tpu.memory_space<vmem>> -> memref<1x16x128xf32, #tpu.memory_space<vmem>>
        %dma_start3A_864 = tpu.memref_squeeze %dma_start3A_863 : memref<1x16x128xf32, #tpu.memory_space<vmem>> -> memref<16x128xf32, #tpu.memory_space<vmem>>
        tpu.enqueue_dma source(%dma_start3A_864 : memref<16x128xf32, #tpu.memory_space<vmem>>) target(%dma_start3A_860 : memref<16x128xf32, #tpu.memory_space<hbm>>) target_semaphore(%arg12 : memref<!tpu.dma_semaphore, #tpu.memory_space<semaphore_mem>>)
        %mul3A_865 = arith.constant 2 : i32
        %mul3A_866 = arith.muli %mul3A_865, %scan3A_607 : i32
        %add3A_867 = arith.constant 2 : i32
        %add3A_868 = arith.addi %mul3A_866, %add3A_867 : i32
        %dma_start3A_869 = arith.constant 0 : i32
        %dma_start3A_870 = arith.constant 0 : i32
        %dma_start3A_871 = arith.constant 0 : i32
        %dma_start3A_872 = arith.constant 0 : i32
        %dma_start3A_873 = arith.constant 0 : i32
        %dma_start3A_874 = tpu.memref_slice %arg7[%dma_start3A_870, %dma_start3A_871, %dma_start3A_872, %dma_start3A_873] : memref<2x8x16x128xf32, #tpu.memory_space<vmem>> -> memref<1x1x16x128xf32, #tpu.memory_space<vmem>>
        %dma_start3A_875 = tpu.memref_squeeze %dma_start3A_874 : memref<1x1x16x128xf32, #tpu.memory_space<vmem>> -> memref<16x128xf32, #tpu.memory_space<vmem>>
        %dma_start3A_876 = arith.constant 0 : i32
        %dma_start3A_877 = tpu.memref_slice %arg6[%dma_start3A_869, %add3A_868, %dma_start3A_876] : memref<8x40x16xi32, #tpu.memory_space<vmem>> -> memref<1x1x16xi32, #tpu.memory_space<vmem>>
        %dma_start3A_878 = tpu.memref_squeeze %dma_start3A_877 : memref<1x1x16xi32, #tpu.memory_space<vmem>> -> memref<16xi32, #tpu.memory_space<vmem>>
        %dma_start3A_879 = arith.constant 0 : i32
        %dma_start3A_880 = arith.constant 0 : i32
        %dma_start3A_881 = tpu.memref_slice %arg9[%dma_start3A_879, %dma_start3A_880] : memref<4616x128xf32, #tpu.memory_space<vmem_shared>> -> memref<4616x128xf32, #tpu.memory_space<vmem_shared>>
        tpu.enqueue_indirect_dma source(%dma_start3A_881 : memref<4616x128xf32, #tpu.memory_space<vmem_shared>>) target(%dma_start3A_875 : memref<16x128xf32, #tpu.memory_space<vmem>>) offsets(%dma_start3A_878 : memref<16xi32, #tpu.memory_space<vmem>>) semaphore(%arg10 : memref<!tpu.dma_semaphore, #tpu.memory_space<semaphore_mem>>)
        %dma_start3A_882 = arith.constant 1 : i32
        %dma_start3A_883 = arith.constant 0 : i32
        %dma_start3A_884 = arith.constant 1 : i32
        %dma_start3A_885 = arith.constant 0 : i32
        %dma_start3A_886 = arith.constant 0 : i32
        %dma_start3A_887 = tpu.memref_slice %arg7[%dma_start3A_883, %dma_start3A_884, %dma_start3A_885, %dma_start3A_886] : memref<2x8x16x128xf32, #tpu.memory_space<vmem>> -> memref<1x1x16x128xf32, #tpu.memory_space<vmem>>
        %dma_start3A_888 = tpu.memref_squeeze %dma_start3A_887 : memref<1x1x16x128xf32, #tpu.memory_space<vmem>> -> memref<16x128xf32, #tpu.memory_space<vmem>>
        %dma_start3A_889 = arith.constant 0 : i32
        %dma_start3A_890 = tpu.memref_slice %arg6[%dma_start3A_882, %add3A_868, %dma_start3A_889] : memref<8x40x16xi32, #tpu.memory_space<vmem>> -> memref<1x1x16xi32, #tpu.memory_space<vmem>>
        %dma_start3A_891 = tpu.memref_squeeze %dma_start3A_890 : memref<1x1x16xi32, #tpu.memory_space<vmem>> -> memref<16xi32, #tpu.memory_space<vmem>>
        %dma_start3A_892 = arith.constant 0 : i32
        %dma_start3A_893 = arith.constant 0 : i32
        %dma_start3A_894 = tpu.memref_slice %arg9[%dma_start3A_892, %dma_start3A_893] : memref<4616x128xf32, #tpu.memory_space<vmem_shared>> -> memref<4616x128xf32, #tpu.memory_space<vmem_shared>>
        tpu.enqueue_indirect_dma source(%dma_start3A_894 : memref<4616x128xf32, #tpu.memory_space<vmem_shared>>) target(%dma_start3A_888 : memref<16x128xf32, #tpu.memory_space<vmem>>) offsets(%dma_start3A_891 : memref<16xi32, #tpu.memory_space<vmem>>) semaphore(%arg10 : memref<!tpu.dma_semaphore, #tpu.memory_space<semaphore_mem>>)
        %dma_start3A_895 = arith.constant 2 : i32
        %dma_start3A_896 = arith.constant 0 : i32
        %dma_start3A_897 = arith.constant 2 : i32
        %dma_start3A_898 = arith.constant 0 : i32
        %dma_start3A_899 = arith.constant 0 : i32
        %dma_start3A_900 = tpu.memref_slice %arg7[%dma_start3A_896, %dma_start3A_897, %dma_start3A_898, %dma_start3A_899] : memref<2x8x16x128xf32, #tpu.memory_space<vmem>> -> memref<1x1x16x128xf32, #tpu.memory_space<vmem>>
        %dma_start3A_901 = tpu.memref_squeeze %dma_start3A_900 : memref<1x1x16x128xf32, #tpu.memory_space<vmem>> -> memref<16x128xf32, #tpu.memory_space<vmem>>
        %dma_start3A_902 = arith.constant 0 : i32
        %dma_start3A_903 = tpu.memref_slice %arg6[%dma_start3A_895, %add3A_868, %dma_start3A_902] : memref<8x40x16xi32, #tpu.memory_space<vmem>> -> memref<1x1x16xi32, #tpu.memory_space<vmem>>
        %dma_start3A_904 = tpu.memref_squeeze %dma_start3A_903 : memref<1x1x16xi32, #tpu.memory_space<vmem>> -> memref<16xi32, #tpu.memory_space<vmem>>
        %dma_start3A_905 = arith.constant 0 : i32
        %dma_start3A_906 = arith.constant 0 : i32
        %dma_start3A_907 = tpu.memref_slice %arg9[%dma_start3A_905, %dma_start3A_906] : memref<4616x128xf32, #tpu.memory_space<vmem_shared>> -> memref<4616x128xf32, #tpu.memory_space<vmem_shared>>
        tpu.enqueue_indirect_dma source(%dma_start3A_907 : memref<4616x128xf32, #tpu.memory_space<vmem_shared>>) target(%dma_start3A_901 : memref<16x128xf32, #tpu.memory_space<vmem>>) offsets(%dma_start3A_904 : memref<16xi32, #tpu.memory_space<vmem>>) semaphore(%arg10 : memref<!tpu.dma_semaphore, #tpu.memory_space<semaphore_mem>>)
        %dma_start3A_908 = arith.constant 3 : i32
        %dma_start3A_909 = arith.constant 0 : i32
        %dma_start3A_910 = arith.constant 3 : i32
        %dma_start3A_911 = arith.constant 0 : i32
        %dma_start3A_912 = arith.constant 0 : i32
        %dma_start3A_913 = tpu.memref_slice %arg7[%dma_start3A_909, %dma_start3A_910, %dma_start3A_911, %dma_start3A_912] : memref<2x8x16x128xf32, #tpu.memory_space<vmem>> -> memref<1x1x16x128xf32, #tpu.memory_space<vmem>>
        %dma_start3A_914 = tpu.memref_squeeze %dma_start3A_913 : memref<1x1x16x128xf32, #tpu.memory_space<vmem>> -> memref<16x128xf32, #tpu.memory_space<vmem>>
        %dma_start3A_915 = arith.constant 0 : i32
        %dma_start3A_916 = tpu.memref_slice %arg6[%dma_start3A_908, %add3A_868, %dma_start3A_915] : memref<8x40x16xi32, #tpu.memory_space<vmem>> -> memref<1x1x16xi32, #tpu.memory_space<vmem>>
        %dma_start3A_917 = tpu.memref_squeeze %dma_start3A_916 : memref<1x1x16xi32, #tpu.memory_space<vmem>> -> memref<16xi32, #tpu.memory_space<vmem>>
        %dma_start3A_918 = arith.constant 0 : i32
        %dma_start3A_919 = arith.constant 0 : i32
        %dma_start3A_920 = tpu.memref_slice %arg9[%dma_start3A_918, %dma_start3A_919] : memref<4616x128xf32, #tpu.memory_space<vmem_shared>> -> memref<4616x128xf32, #tpu.memory_space<vmem_shared>>
        tpu.enqueue_indirect_dma source(%dma_start3A_920 : memref<4616x128xf32, #tpu.memory_space<vmem_shared>>) target(%dma_start3A_914 : memref<16x128xf32, #tpu.memory_space<vmem>>) offsets(%dma_start3A_917 : memref<16xi32, #tpu.memory_space<vmem>>) semaphore(%arg10 : memref<!tpu.dma_semaphore, #tpu.memory_space<semaphore_mem>>)
        %dma_start3A_921 = arith.constant 4 : i32
        %dma_start3A_922 = arith.constant 0 : i32
        %dma_start3A_923 = arith.constant 4 : i32
        %dma_start3A_924 = arith.constant 0 : i32
        %dma_start3A_925 = arith.constant 0 : i32
        %dma_start3A_926 = tpu.memref_slice %arg7[%dma_start3A_922, %dma_start3A_923, %dma_start3A_924, %dma_start3A_925] : memref<2x8x16x128xf32, #tpu.memory_space<vmem>> -> memref<1x1x16x128xf32, #tpu.memory_space<vmem>>
        %dma_start3A_927 = tpu.memref_squeeze %dma_start3A_926 : memref<1x1x16x128xf32, #tpu.memory_space<vmem>> -> memref<16x128xf32, #tpu.memory_space<vmem>>
        %dma_start3A_928 = arith.constant 0 : i32
        %dma_start3A_929 = tpu.memref_slice %arg6[%dma_start3A_921, %add3A_868, %dma_start3A_928] : memref<8x40x16xi32, #tpu.memory_space<vmem>> -> memref<1x1x16xi32, #tpu.memory_space<vmem>>
        %dma_start3A_930 = tpu.memref_squeeze %dma_start3A_929 : memref<1x1x16xi32, #tpu.memory_space<vmem>> -> memref<16xi32, #tpu.memory_space<vmem>>
        %dma_start3A_931 = arith.constant 0 : i32
        %dma_start3A_932 = arith.constant 0 : i32
        %dma_start3A_933 = tpu.memref_slice %arg9[%dma_start3A_931, %dma_start3A_932] : memref<4616x128xf32, #tpu.memory_space<vmem_shared>> -> memref<4616x128xf32, #tpu.memory_space<vmem_shared>>
        tpu.enqueue_indirect_dma source(%dma_start3A_933 : memref<4616x128xf32, #tpu.memory_space<vmem_shared>>) target(%dma_start3A_927 : memref<16x128xf32, #tpu.memory_space<vmem>>) offsets(%dma_start3A_930 : memref<16xi32, #tpu.memory_space<vmem>>) semaphore(%arg10 : memref<!tpu.dma_semaphore, #tpu.memory_space<semaphore_mem>>)
        %dma_start3A_934 = arith.constant 5 : i32
        %dma_start3A_935 = arith.constant 0 : i32
        %dma_start3A_936 = arith.constant 5 : i32
        %dma_start3A_937 = arith.constant 0 : i32
        %dma_start3A_938 = arith.constant 0 : i32
        %dma_start3A_939 = tpu.memref_slice %arg7[%dma_start3A_935, %dma_start3A_936, %dma_start3A_937, %dma_start3A_938] : memref<2x8x16x128xf32, #tpu.memory_space<vmem>> -> memref<1x1x16x128xf32, #tpu.memory_space<vmem>>
        %dma_start3A_940 = tpu.memref_squeeze %dma_start3A_939 : memref<1x1x16x128xf32, #tpu.memory_space<vmem>> -> memref<16x128xf32, #tpu.memory_space<vmem>>
        %dma_start3A_941 = arith.constant 0 : i32
        %dma_start3A_942 = tpu.memref_slice %arg6[%dma_start3A_934, %add3A_868, %dma_start3A_941] : memref<8x40x16xi32, #tpu.memory_space<vmem>> -> memref<1x1x16xi32, #tpu.memory_space<vmem>>
        %dma_start3A_943 = tpu.memref_squeeze %dma_start3A_942 : memref<1x1x16xi32, #tpu.memory_space<vmem>> -> memref<16xi32, #tpu.memory_space<vmem>>
        %dma_start3A_944 = arith.constant 0 : i32
        %dma_start3A_945 = arith.constant 0 : i32
        %dma_start3A_946 = tpu.memref_slice %arg9[%dma_start3A_944, %dma_start3A_945] : memref<4616x128xf32, #tpu.memory_space<vmem_shared>> -> memref<4616x128xf32, #tpu.memory_space<vmem_shared>>
        tpu.enqueue_indirect_dma source(%dma_start3A_946 : memref<4616x128xf32, #tpu.memory_space<vmem_shared>>) target(%dma_start3A_940 : memref<16x128xf32, #tpu.memory_space<vmem>>) offsets(%dma_start3A_943 : memref<16xi32, #tpu.memory_space<vmem>>) semaphore(%arg10 : memref<!tpu.dma_semaphore, #tpu.memory_space<semaphore_mem>>)
        %dma_start3A_947 = arith.constant 6 : i32
        %dma_start3A_948 = arith.constant 0 : i32
        %dma_start3A_949 = arith.constant 6 : i32
        %dma_start3A_950 = arith.constant 0 : i32
        %dma_start3A_951 = arith.constant 0 : i32
        %dma_start3A_952 = tpu.memref_slice %arg7[%dma_start3A_948, %dma_start3A_949, %dma_start3A_950, %dma_start3A_951] : memref<2x8x16x128xf32, #tpu.memory_space<vmem>> -> memref<1x1x16x128xf32, #tpu.memory_space<vmem>>
        %dma_start3A_953 = tpu.memref_squeeze %dma_start3A_952 : memref<1x1x16x128xf32, #tpu.memory_space<vmem>> -> memref<16x128xf32, #tpu.memory_space<vmem>>
        %dma_start3A_954 = arith.constant 0 : i32
        %dma_start3A_955 = tpu.memref_slice %arg6[%dma_start3A_947, %add3A_868, %dma_start3A_954] : memref<8x40x16xi32, #tpu.memory_space<vmem>> -> memref<1x1x16xi32, #tpu.memory_space<vmem>>
        %dma_start3A_956 = tpu.memref_squeeze %dma_start3A_955 : memref<1x1x16xi32, #tpu.memory_space<vmem>> -> memref<16xi32, #tpu.memory_space<vmem>>
        %dma_start3A_957 = arith.constant 0 : i32
        %dma_start3A_958 = arith.constant 0 : i32
        %dma_start3A_959 = tpu.memref_slice %arg9[%dma_start3A_957, %dma_start3A_958] : memref<4616x128xf32, #tpu.memory_space<vmem_shared>> -> memref<4616x128xf32, #tpu.memory_space<vmem_shared>>
        tpu.enqueue_indirect_dma source(%dma_start3A_959 : memref<4616x128xf32, #tpu.memory_space<vmem_shared>>) target(%dma_start3A_953 : memref<16x128xf32, #tpu.memory_space<vmem>>) offsets(%dma_start3A_956 : memref<16xi32, #tpu.memory_space<vmem>>) semaphore(%arg10 : memref<!tpu.dma_semaphore, #tpu.memory_space<semaphore_mem>>)
        %dma_start3A_960 = arith.constant 7 : i32
        %dma_start3A_961 = arith.constant 0 : i32
        %dma_start3A_962 = arith.constant 7 : i32
        %dma_start3A_963 = arith.constant 0 : i32
        %dma_start3A_964 = arith.constant 0 : i32
        %dma_start3A_965 = tpu.memref_slice %arg7[%dma_start3A_961, %dma_start3A_962, %dma_start3A_963, %dma_start3A_964] : memref<2x8x16x128xf32, #tpu.memory_space<vmem>> -> memref<1x1x16x128xf32, #tpu.memory_space<vmem>>
        %dma_start3A_966 = tpu.memref_squeeze %dma_start3A_965 : memref<1x1x16x128xf32, #tpu.memory_space<vmem>> -> memref<16x128xf32, #tpu.memory_space<vmem>>
        %dma_start3A_967 = arith.constant 0 : i32
        %dma_start3A_968 = tpu.memref_slice %arg6[%dma_start3A_960, %add3A_868, %dma_start3A_967] : memref<8x40x16xi32, #tpu.memory_space<vmem>> -> memref<1x1x16xi32, #tpu.memory_space<vmem>>
        %dma_start3A_969 = tpu.memref_squeeze %dma_start3A_968 : memref<1x1x16xi32, #tpu.memory_space<vmem>> -> memref<16xi32, #tpu.memory_space<vmem>>
        %dma_start3A_970 = arith.constant 0 : i32
        %dma_start3A_971 = arith.constant 0 : i32
        %dma_start3A_972 = tpu.memref_slice %arg9[%dma_start3A_970, %dma_start3A_971] : memref<4616x128xf32, #tpu.memory_space<vmem_shared>> -> memref<4616x128xf32, #tpu.memory_space<vmem_shared>>
        tpu.enqueue_indirect_dma source(%dma_start3A_972 : memref<4616x128xf32, #tpu.memory_space<vmem_shared>>) target(%dma_start3A_966 : memref<16x128xf32, #tpu.memory_space<vmem>>) offsets(%dma_start3A_969 : memref<16xi32, #tpu.memory_space<vmem>>) semaphore(%arg10 : memref<!tpu.dma_semaphore, #tpu.memory_space<semaphore_mem>>)
        %mul3A_973 = arith.constant 2 : i32
        %mul3A_974 = arith.muli %mul3A_973, %scan3A_607 : i32
        %add3A_975 = arith.constant 1 : i32
        %add3A_976 = arith.addi %mul3A_974, %add3A_975 : i32
        %dma_wait3A_977 = arith.constant 0 : i32
        %dma_wait3A_978 = arith.constant 0 : i32
        %dma_wait3A_979 = arith.constant 1 : i32
        %dma_wait3A_980 = arith.constant 0 : i32
        %dma_wait3A_981 = arith.constant 0 : i32
        %dma_wait3A_982 = arith.constant 0 : i32
        %dma_wait3A_983 = tpu.memref_slice %arg7[%dma_wait3A_979, %dma_wait3A_980, %dma_wait3A_981, %dma_wait3A_982] : memref<2x8x16x128xf32, #tpu.memory_space<vmem>> -> memref<1x1x16x128xf32, #tpu.memory_space<vmem>>
        %dma_wait3A_984 = tpu.memref_squeeze %dma_wait3A_983 : memref<1x1x16x128xf32, #tpu.memory_space<vmem>> -> memref<16x128xf32, #tpu.memory_space<vmem>>
        %dma_wait3A_985 = arith.constant 0 : i32
        %dma_wait3A_986 = tpu.memref_slice %arg6[%dma_wait3A_977, %dma_wait3A_978, %dma_wait3A_985] : memref<8x40x16xi32, #tpu.memory_space<vmem>> -> memref<1x1x16xi32, #tpu.memory_space<vmem>>
        %dma_wait3A_987 = tpu.memref_squeeze %dma_wait3A_986 : memref<1x1x16xi32, #tpu.memory_space<vmem>> -> memref<16xi32, #tpu.memory_space<vmem>>
        %dma_wait3A_988 = arith.constant 0 : i32
        %dma_wait3A_989 = arith.constant 0 : i32
        %dma_wait3A_990 = tpu.memref_slice %arg9[%dma_wait3A_988, %dma_wait3A_989] : memref<4616x128xf32, #tpu.memory_space<vmem_shared>> -> memref<4616x128xf32, #tpu.memory_space<vmem_shared>>
        tpu.wait_indirect_dma semaphore(%arg11 : memref<!tpu.dma_semaphore, #tpu.memory_space<semaphore_mem>>) src(%dma_wait3A_990 : memref<4616x128xf32, #tpu.memory_space<vmem_shared>>) dst(%dma_wait3A_984 : memref<16x128xf32, #tpu.memory_space<vmem>>)
        %dma_wait3A_991 = arith.constant 1 : i32
        %dma_wait3A_992 = arith.constant 0 : i32
        %dma_wait3A_993 = arith.constant 1 : i32
        %dma_wait3A_994 = arith.constant 1 : i32
        %dma_wait3A_995 = arith.constant 0 : i32
        %dma_wait3A_996 = arith.constant 0 : i32
        %dma_wait3A_997 = tpu.memref_slice %arg7[%dma_wait3A_993, %dma_wait3A_994, %dma_wait3A_995, %dma_wait3A_996] : memref<2x8x16x128xf32, #tpu.memory_space<vmem>> -> memref<1x1x16x128xf32, #tpu.memory_space<vmem>>
        %dma_wait3A_998 = tpu.memref_squeeze %dma_wait3A_997 : memref<1x1x16x128xf32, #tpu.memory_space<vmem>> -> memref<16x128xf32, #tpu.memory_space<vmem>>
        %dma_wait3A_999 = arith.constant 0 : i32
        %dma_wait3A_1000 = tpu.memref_slice %arg6[%dma_wait3A_991, %dma_wait3A_992, %dma_wait3A_999] : memref<8x40x16xi32, #tpu.memory_space<vmem>> -> memref<1x1x16xi32, #tpu.memory_space<vmem>>
        %dma_wait3A_1001 = tpu.memref_squeeze %dma_wait3A_1000 : memref<1x1x16xi32, #tpu.memory_space<vmem>> -> memref<16xi32, #tpu.memory_space<vmem>>
        %dma_wait3A_1002 = arith.constant 0 : i32
        %dma_wait3A_1003 = arith.constant 0 : i32
        %dma_wait3A_1004 = tpu.memref_slice %arg9[%dma_wait3A_1002, %dma_wait3A_1003] : memref<4616x128xf32, #tpu.memory_space<vmem_shared>> -> memref<4616x128xf32, #tpu.memory_space<vmem_shared>>
        tpu.wait_indirect_dma semaphore(%arg11 : memref<!tpu.dma_semaphore, #tpu.memory_space<semaphore_mem>>) src(%dma_wait3A_1004 : memref<4616x128xf32, #tpu.memory_space<vmem_shared>>) dst(%dma_wait3A_998 : memref<16x128xf32, #tpu.memory_space<vmem>>)
        %dma_wait3A_1005 = arith.constant 2 : i32
        %dma_wait3A_1006 = arith.constant 0 : i32
        %dma_wait3A_1007 = arith.constant 1 : i32
        %dma_wait3A_1008 = arith.constant 2 : i32
        %dma_wait3A_1009 = arith.constant 0 : i32
        %dma_wait3A_1010 = arith.constant 0 : i32
        %dma_wait3A_1011 = tpu.memref_slice %arg7[%dma_wait3A_1007, %dma_wait3A_1008, %dma_wait3A_1009, %dma_wait3A_1010] : memref<2x8x16x128xf32, #tpu.memory_space<vmem>> -> memref<1x1x16x128xf32, #tpu.memory_space<vmem>>
        %dma_wait3A_1012 = tpu.memref_squeeze %dma_wait3A_1011 : memref<1x1x16x128xf32, #tpu.memory_space<vmem>> -> memref<16x128xf32, #tpu.memory_space<vmem>>
        %dma_wait3A_1013 = arith.constant 0 : i32
        %dma_wait3A_1014 = tpu.memref_slice %arg6[%dma_wait3A_1005, %dma_wait3A_1006, %dma_wait3A_1013] : memref<8x40x16xi32, #tpu.memory_space<vmem>> -> memref<1x1x16xi32, #tpu.memory_space<vmem>>
        %dma_wait3A_1015 = tpu.memref_squeeze %dma_wait3A_1014 : memref<1x1x16xi32, #tpu.memory_space<vmem>> -> memref<16xi32, #tpu.memory_space<vmem>>
        %dma_wait3A_1016 = arith.constant 0 : i32
        %dma_wait3A_1017 = arith.constant 0 : i32
        %dma_wait3A_1018 = tpu.memref_slice %arg9[%dma_wait3A_1016, %dma_wait3A_1017] : memref<4616x128xf32, #tpu.memory_space<vmem_shared>> -> memref<4616x128xf32, #tpu.memory_space<vmem_shared>>
        tpu.wait_indirect_dma semaphore(%arg11 : memref<!tpu.dma_semaphore, #tpu.memory_space<semaphore_mem>>) src(%dma_wait3A_1018 : memref<4616x128xf32, #tpu.memory_space<vmem_shared>>) dst(%dma_wait3A_1012 : memref<16x128xf32, #tpu.memory_space<vmem>>)
        %dma_wait3A_1019 = arith.constant 3 : i32
        %dma_wait3A_1020 = arith.constant 0 : i32
        %dma_wait3A_1021 = arith.constant 1 : i32
        %dma_wait3A_1022 = arith.constant 3 : i32
        %dma_wait3A_1023 = arith.constant 0 : i32
        %dma_wait3A_1024 = arith.constant 0 : i32
        %dma_wait3A_1025 = tpu.memref_slice %arg7[%dma_wait3A_1021, %dma_wait3A_1022, %dma_wait3A_1023, %dma_wait3A_1024] : memref<2x8x16x128xf32, #tpu.memory_space<vmem>> -> memref<1x1x16x128xf32, #tpu.memory_space<vmem>>
        %dma_wait3A_1026 = tpu.memref_squeeze %dma_wait3A_1025 : memref<1x1x16x128xf32, #tpu.memory_space<vmem>> -> memref<16x128xf32, #tpu.memory_space<vmem>>
        %dma_wait3A_1027 = arith.constant 0 : i32
        %dma_wait3A_1028 = tpu.memref_slice %arg6[%dma_wait3A_1019, %dma_wait3A_1020, %dma_wait3A_1027] : memref<8x40x16xi32, #tpu.memory_space<vmem>> -> memref<1x1x16xi32, #tpu.memory_space<vmem>>
        %dma_wait3A_1029 = tpu.memref_squeeze %dma_wait3A_1028 : memref<1x1x16xi32, #tpu.memory_space<vmem>> -> memref<16xi32, #tpu.memory_space<vmem>>
        %dma_wait3A_1030 = arith.constant 0 : i32
        %dma_wait3A_1031 = arith.constant 0 : i32
        %dma_wait3A_1032 = tpu.memref_slice %arg9[%dma_wait3A_1030, %dma_wait3A_1031] : memref<4616x128xf32, #tpu.memory_space<vmem_shared>> -> memref<4616x128xf32, #tpu.memory_space<vmem_shared>>
        tpu.wait_indirect_dma semaphore(%arg11 : memref<!tpu.dma_semaphore, #tpu.memory_space<semaphore_mem>>) src(%dma_wait3A_1032 : memref<4616x128xf32, #tpu.memory_space<vmem_shared>>) dst(%dma_wait3A_1026 : memref<16x128xf32, #tpu.memory_space<vmem>>)
        %dma_wait3A_1033 = arith.constant 4 : i32
        %dma_wait3A_1034 = arith.constant 0 : i32
        %dma_wait3A_1035 = arith.constant 1 : i32
        %dma_wait3A_1036 = arith.constant 4 : i32
        %dma_wait3A_1037 = arith.constant 0 : i32
        %dma_wait3A_1038 = arith.constant 0 : i32
        %dma_wait3A_1039 = tpu.memref_slice %arg7[%dma_wait3A_1035, %dma_wait3A_1036, %dma_wait3A_1037, %dma_wait3A_1038] : memref<2x8x16x128xf32, #tpu.memory_space<vmem>> -> memref<1x1x16x128xf32, #tpu.memory_space<vmem>>
        %dma_wait3A_1040 = tpu.memref_squeeze %dma_wait3A_1039 : memref<1x1x16x128xf32, #tpu.memory_space<vmem>> -> memref<16x128xf32, #tpu.memory_space<vmem>>
        %dma_wait3A_1041 = arith.constant 0 : i32
        %dma_wait3A_1042 = tpu.memref_slice %arg6[%dma_wait3A_1033, %dma_wait3A_1034, %dma_wait3A_1041] : memref<8x40x16xi32, #tpu.memory_space<vmem>> -> memref<1x1x16xi32, #tpu.memory_space<vmem>>
        %dma_wait3A_1043 = tpu.memref_squeeze %dma_wait3A_1042 : memref<1x1x16xi32, #tpu.memory_space<vmem>> -> memref<16xi32, #tpu.memory_space<vmem>>
        %dma_wait3A_1044 = arith.constant 0 : i32
        %dma_wait3A_1045 = arith.constant 0 : i32
        %dma_wait3A_1046 = tpu.memref_slice %arg9[%dma_wait3A_1044, %dma_wait3A_1045] : memref<4616x128xf32, #tpu.memory_space<vmem_shared>> -> memref<4616x128xf32, #tpu.memory_space<vmem_shared>>
        tpu.wait_indirect_dma semaphore(%arg11 : memref<!tpu.dma_semaphore, #tpu.memory_space<semaphore_mem>>) src(%dma_wait3A_1046 : memref<4616x128xf32, #tpu.memory_space<vmem_shared>>) dst(%dma_wait3A_1040 : memref<16x128xf32, #tpu.memory_space<vmem>>)
        %dma_wait3A_1047 = arith.constant 5 : i32
        %dma_wait3A_1048 = arith.constant 0 : i32
        %dma_wait3A_1049 = arith.constant 1 : i32
        %dma_wait3A_1050 = arith.constant 5 : i32
        %dma_wait3A_1051 = arith.constant 0 : i32
        %dma_wait3A_1052 = arith.constant 0 : i32
        %dma_wait3A_1053 = tpu.memref_slice %arg7[%dma_wait3A_1049, %dma_wait3A_1050, %dma_wait3A_1051, %dma_wait3A_1052] : memref<2x8x16x128xf32, #tpu.memory_space<vmem>> -> memref<1x1x16x128xf32, #tpu.memory_space<vmem>>
        %dma_wait3A_1054 = tpu.memref_squeeze %dma_wait3A_1053 : memref<1x1x16x128xf32, #tpu.memory_space<vmem>> -> memref<16x128xf32, #tpu.memory_space<vmem>>
        %dma_wait3A_1055 = arith.constant 0 : i32
        %dma_wait3A_1056 = tpu.memref_slice %arg6[%dma_wait3A_1047, %dma_wait3A_1048, %dma_wait3A_1055] : memref<8x40x16xi32, #tpu.memory_space<vmem>> -> memref<1x1x16xi32, #tpu.memory_space<vmem>>
        %dma_wait3A_1057 = tpu.memref_squeeze %dma_wait3A_1056 : memref<1x1x16xi32, #tpu.memory_space<vmem>> -> memref<16xi32, #tpu.memory_space<vmem>>
        %dma_wait3A_1058 = arith.constant 0 : i32
        %dma_wait3A_1059 = arith.constant 0 : i32
        %dma_wait3A_1060 = tpu.memref_slice %arg9[%dma_wait3A_1058, %dma_wait3A_1059] : memref<4616x128xf32, #tpu.memory_space<vmem_shared>> -> memref<4616x128xf32, #tpu.memory_space<vmem_shared>>
        tpu.wait_indirect_dma semaphore(%arg11 : memref<!tpu.dma_semaphore, #tpu.memory_space<semaphore_mem>>) src(%dma_wait3A_1060 : memref<4616x128xf32, #tpu.memory_space<vmem_shared>>) dst(%dma_wait3A_1054 : memref<16x128xf32, #tpu.memory_space<vmem>>)
        %dma_wait3A_1061 = arith.constant 6 : i32
        %dma_wait3A_1062 = arith.constant 0 : i32
        %dma_wait3A_1063 = arith.constant 1 : i32
        %dma_wait3A_1064 = arith.constant 6 : i32
        %dma_wait3A_1065 = arith.constant 0 : i32
        %dma_wait3A_1066 = arith.constant 0 : i32
        %dma_wait3A_1067 = tpu.memref_slice %arg7[%dma_wait3A_1063, %dma_wait3A_1064, %dma_wait3A_1065, %dma_wait3A_1066] : memref<2x8x16x128xf32, #tpu.memory_space<vmem>> -> memref<1x1x16x128xf32, #tpu.memory_space<vmem>>
        %dma_wait3A_1068 = tpu.memref_squeeze %dma_wait3A_1067 : memref<1x1x16x128xf32, #tpu.memory_space<vmem>> -> memref<16x128xf32, #tpu.memory_space<vmem>>
        %dma_wait3A_1069 = arith.constant 0 : i32
        %dma_wait3A_1070 = tpu.memref_slice %arg6[%dma_wait3A_1061, %dma_wait3A_1062, %dma_wait3A_1069] : memref<8x40x16xi32, #tpu.memory_space<vmem>> -> memref<1x1x16xi32, #tpu.memory_space<vmem>>
        %dma_wait3A_1071 = tpu.memref_squeeze %dma_wait3A_1070 : memref<1x1x16xi32, #tpu.memory_space<vmem>> -> memref<16xi32, #tpu.memory_space<vmem>>
        %dma_wait3A_1072 = arith.constant 0 : i32
        %dma_wait3A_1073 = arith.constant 0 : i32
        %dma_wait3A_1074 = tpu.memref_slice %arg9[%dma_wait3A_1072, %dma_wait3A_1073] : memref<4616x128xf32, #tpu.memory_space<vmem_shared>> -> memref<4616x128xf32, #tpu.memory_space<vmem_shared>>
        tpu.wait_indirect_dma semaphore(%arg11 : memref<!tpu.dma_semaphore, #tpu.memory_space<semaphore_mem>>) src(%dma_wait3A_1074 : memref<4616x128xf32, #tpu.memory_space<vmem_shared>>) dst(%dma_wait3A_1068 : memref<16x128xf32, #tpu.memory_space<vmem>>)
        %dma_wait3A_1075 = arith.constant 7 : i32
        %dma_wait3A_1076 = arith.constant 0 : i32
        %dma_wait3A_1077 = arith.constant 1 : i32
        %dma_wait3A_1078 = arith.constant 7 : i32
        %dma_wait3A_1079 = arith.constant 0 : i32
        %dma_wait3A_1080 = arith.constant 0 : i32
        %dma_wait3A_1081 = tpu.memref_slice %arg7[%dma_wait3A_1077, %dma_wait3A_1078, %dma_wait3A_1079, %dma_wait3A_1080] : memref<2x8x16x128xf32, #tpu.memory_space<vmem>> -> memref<1x1x16x128xf32, #tpu.memory_space<vmem>>
        %dma_wait3A_1082 = tpu.memref_squeeze %dma_wait3A_1081 : memref<1x1x16x128xf32, #tpu.memory_space<vmem>> -> memref<16x128xf32, #tpu.memory_space<vmem>>
        %dma_wait3A_1083 = arith.constant 0 : i32
        %dma_wait3A_1084 = tpu.memref_slice %arg6[%dma_wait3A_1075, %dma_wait3A_1076, %dma_wait3A_1083] : memref<8x40x16xi32, #tpu.memory_space<vmem>> -> memref<1x1x16xi32, #tpu.memory_space<vmem>>
        %dma_wait3A_1085 = tpu.memref_squeeze %dma_wait3A_1084 : memref<1x1x16xi32, #tpu.memory_space<vmem>> -> memref<16xi32, #tpu.memory_space<vmem>>
        %dma_wait3A_1086 = arith.constant 0 : i32
        %dma_wait3A_1087 = arith.constant 0 : i32
        %dma_wait3A_1088 = tpu.memref_slice %arg9[%dma_wait3A_1086, %dma_wait3A_1087] : memref<4616x128xf32, #tpu.memory_space<vmem_shared>> -> memref<4616x128xf32, #tpu.memory_space<vmem_shared>>
        tpu.wait_indirect_dma semaphore(%arg11 : memref<!tpu.dma_semaphore, #tpu.memory_space<semaphore_mem>>) src(%dma_wait3A_1088 : memref<4616x128xf32, #tpu.memory_space<vmem_shared>>) dst(%dma_wait3A_1082 : memref<16x128xf32, #tpu.memory_space<vmem>>)
        %dma_wait3A_1089 = arith.constant 1 : i32
        %dma_wait3A_1090 = arith.constant 0 : i32
        %dma_wait3A_1091 = arith.constant 0 : i32
        %dma_wait3A_1092 = tpu.memref_slice %arg8[%dma_wait3A_1089, %dma_wait3A_1090, %dma_wait3A_1091] : memref<2x16x128xf32, #tpu.memory_space<vmem>> -> memref<1x16x128xf32, #tpu.memory_space<vmem>>
        %dma_wait3A_1093 = tpu.memref_squeeze %dma_wait3A_1092 : memref<1x16x128xf32, #tpu.memory_space<vmem>> -> memref<16x128xf32, #tpu.memory_space<vmem>>
        %dma_wait3A_1094 = arith.constant 0 : i32
        %dma_wait3A_1095 = tpu.memref_slice %arg4[%mul3A_2, %dma_wait3A_1094] : memref<204800x128xf32, #tpu.memory_space<hbm>> -> memref<16x128xf32, #tpu.memory_space<hbm>>
        %dma_wait3A_1096 = arith.constant 0 : i32
        %dma_wait3A_1097 = tpu.memref_slice %arg4[%mul3A_2, %dma_wait3A_1096] : memref<204800x128xf32, #tpu.memory_space<hbm>> -> memref<16x128xf32, #tpu.memory_space<hbm>>
        %dma_wait3A_1098 = arith.constant 0 : i32
        %dma_wait3A_1099 = arith.constant 0 : i32
        %dma_wait3A_1100 = tpu.memref_slice %arg8[%dma_wait3A_1089, %dma_wait3A_1098, %dma_wait3A_1099] : memref<2x16x128xf32, #tpu.memory_space<vmem>> -> memref<1x16x128xf32, #tpu.memory_space<vmem>>
        %dma_wait3A_1101 = tpu.memref_squeeze %dma_wait3A_1100 : memref<1x16x128xf32, #tpu.memory_space<vmem>> -> memref<16x128xf32, #tpu.memory_space<vmem>>
        tpu.wait_dma2 semaphore(%arg13 : memref<!tpu.dma_semaphore, #tpu.memory_space<semaphore_mem>>) src(%dma_wait3A_1101 : memref<16x128xf32, #tpu.memory_space<vmem>>) dst(%dma_wait3A_1097 : memref<16x128xf32, #tpu.memory_space<hbm>>)
        %scan3A_1102 = arith.constant 0 : i32
        %scan3A_1103 = arith.constant 0 : i32
        %scan3A_1104 = arith.constant 16 : i32
        %scan3A_1105 = arith.addi %scan3A_1103, %scan3A_1104 : i32
        %scan3A_1106 = arith.constant 1 : i32
        scf.for %scan3A_1124 = %scan3A_1103 to %scan3A_1105 step %scan3A_1106  : i32 {
          %get3A = arith.constant 1 : i32
          %get3A_1125 = arith.constant 0 : i32
          %get3A_1126 = arith.index_cast %get3A : i32 to index
          %get3A_1127 = arith.index_cast %get3A_1125 : i32 to index
          %get3A_1128 = arith.index_cast %scan3A_1124 : i32 to index
          %get3A_1129 = arith.constant 0 : index
          %get3A_1130 = tpu.vector_load %arg7[%get3A_1126, %get3A_1127, %get3A_1128, %get3A_1129] {strides = array<i32>} : memref<2x8x16x128xf32, #tpu.memory_space<vmem>>, vector<1x1x1x16xf32>,
          %get3A_1131 = vector.shape_cast %get3A_1130 : vector<1x1x1x16xf32> to vector<16xf32>
          %get3A_1132 = arith.constant 1 : i32
          %get3A_1133 = arith.constant 1 : i32
          %get3A_1134 = arith.index_cast %get3A_1132 : i32 to index
          %get3A_1135 = arith.index_cast %get3A_1133 : i32 to index
          %get3A_1136 = arith.index_cast %scan3A_1124 : i32 to index
          %get3A_1137 = arith.constant 0 : index
          %get3A_1138 = tpu.vector_load %arg7[%get3A_1134, %get3A_1135, %get3A_1136, %get3A_1137] {strides = array<i32>} : memref<2x8x16x128xf32, #tpu.memory_space<vmem>>, vector<1x1x1x16xf32>,
          %get3A_1139 = vector.shape_cast %get3A_1138 : vector<1x1x1x16xf32> to vector<16xf32>
          %add3A_1140 = arith.addf %get3A_1131, %get3A_1139 : vector<16xf32>
          %get3A_1141 = arith.constant 1 : i32
          %get3A_1142 = arith.constant 2 : i32
          %get3A_1143 = arith.index_cast %get3A_1141 : i32 to index
          %get3A_1144 = arith.index_cast %get3A_1142 : i32 to index
          %get3A_1145 = arith.index_cast %scan3A_1124 : i32 to index
          %get3A_1146 = arith.constant 0 : index
          %get3A_1147 = tpu.vector_load %arg7[%get3A_1143, %get3A_1144, %get3A_1145, %get3A_1146] {strides = array<i32>} : memref<2x8x16x128xf32, #tpu.memory_space<vmem>>, vector<1x1x1x16xf32>,
          %get3A_1148 = vector.shape_cast %get3A_1147 : vector<1x1x1x16xf32> to vector<16xf32>
          %add3A_1149 = arith.addf %add3A_1140, %get3A_1148 : vector<16xf32>
          %get3A_1150 = arith.constant 1 : i32
          %get3A_1151 = arith.constant 3 : i32
          %get3A_1152 = arith.index_cast %get3A_1150 : i32 to index
          %get3A_1153 = arith.index_cast %get3A_1151 : i32 to index
          %get3A_1154 = arith.index_cast %scan3A_1124 : i32 to index
          %get3A_1155 = arith.constant 0 : index
          %get3A_1156 = tpu.vector_load %arg7[%get3A_1152, %get3A_1153, %get3A_1154, %get3A_1155] {strides = array<i32>} : memref<2x8x16x128xf32, #tpu.memory_space<vmem>>, vector<1x1x1x16xf32>,
          %get3A_1157 = vector.shape_cast %get3A_1156 : vector<1x1x1x16xf32> to vector<16xf32>
          %add3A_1158 = arith.addf %add3A_1149, %get3A_1157 : vector<16xf32>
          %get3A_1159 = arith.constant 1 : i32
          %get3A_1160 = arith.constant 4 : i32
          %get3A_1161 = arith.index_cast %get3A_1159 : i32 to index
          %get3A_1162 = arith.index_cast %get3A_1160 : i32 to index
          %get3A_1163 = arith.index_cast %scan3A_1124 : i32 to index
          %get3A_1164 = arith.constant 0 : index
          %get3A_1165 = tpu.vector_load %arg7[%get3A_1161, %get3A_1162, %get3A_1163, %get3A_1164] {strides = array<i32>} : memref<2x8x16x128xf32, #tpu.memory_space<vmem>>, vector<1x1x1x16xf32>,
          %get3A_1166 = vector.shape_cast %get3A_1165 : vector<1x1x1x16xf32> to vector<16xf32>
          %add3A_1167 = arith.addf %add3A_1158, %get3A_1166 : vector<16xf32>
          %get3A_1168 = arith.constant 1 : i32
          %get3A_1169 = arith.constant 5 : i32
          %get3A_1170 = arith.index_cast %get3A_1168 : i32 to index
          %get3A_1171 = arith.index_cast %get3A_1169 : i32 to index
          %get3A_1172 = arith.index_cast %scan3A_1124 : i32 to index
          %get3A_1173 = arith.constant 0 : index
          %get3A_1174 = tpu.vector_load %arg7[%get3A_1170, %get3A_1171, %get3A_1172, %get3A_1173] {strides = array<i32>} : memref<2x8x16x128xf32, #tpu.memory_space<vmem>>, vector<1x1x1x16xf32>,
          %get3A_1175 = vector.shape_cast %get3A_1174 : vector<1x1x1x16xf32> to vector<16xf32>
          %add3A_1176 = arith.addf %add3A_1167, %get3A_1175 : vector<16xf32>
          %get3A_1177 = arith.constant 1 : i32
          %get3A_1178 = arith.constant 6 : i32
          %get3A_1179 = arith.index_cast %get3A_1177 : i32 to index
          %get3A_1180 = arith.index_cast %get3A_1178 : i32 to index
          %get3A_1181 = arith.index_cast %scan3A_1124 : i32 to index
          %get3A_1182 = arith.constant 0 : index
          %get3A_1183 = tpu.vector_load %arg7[%get3A_1179, %get3A_1180, %get3A_1181, %get3A_1182] {strides = array<i32>} : memref<2x8x16x128xf32, #tpu.memory_space<vmem>>, vector<1x1x1x16xf32>,
          %get3A_1184 = vector.shape_cast %get3A_1183 : vector<1x1x1x16xf32> to vector<16xf32>
          %add3A_1185 = arith.addf %add3A_1176, %get3A_1184 : vector<16xf32>
          %get3A_1186 = arith.constant 1 : i32
          %get3A_1187 = arith.constant 7 : i32
          %get3A_1188 = arith.index_cast %get3A_1186 : i32 to index
          %get3A_1189 = arith.index_cast %get3A_1187 : i32 to index
          %get3A_1190 = arith.index_cast %scan3A_1124 : i32 to index
          %get3A_1191 = arith.constant 0 : index
          %get3A_1192 = tpu.vector_load %arg7[%get3A_1188, %get3A_1189, %get3A_1190, %get3A_1191] {strides = array<i32>} : memref<2x8x16x128xf32, #tpu.memory_space<vmem>>, vector<1x1x1x16xf32>,
          %get3A_1193 = vector.shape_cast %get3A_1192 : vector<1x1x1x16xf32> to vector<16xf32>
          %add3A_1194 = arith.addf %add3A_1185, %get3A_1193 : vector<16xf32>
          %swap3A = arith.constant 1 : i32
          %swap3A_1195 = arith.index_cast %swap3A : i32 to index
          %swap3A_1196 = arith.index_cast %scan3A_1124 : i32 to index
          %swap3A_1197 = arith.constant 0 : index
          %swap3A_1198 = tpu.vector_load %arg8[%swap3A_1195, %swap3A_1196, %swap3A_1197] {strides = array<i32>} : memref<2x16x128xf32, #tpu.memory_space<vmem>>, vector<1x1x16xf32>,
          %swap3A_1199 = vector.shape_cast %swap3A_1198 : vector<1x1x16xf32> to vector<16xf32>
          %swap3A_1200 = vector.shape_cast %add3A_1194 : vector<16xf32> to vector<1x1x16xf32>
          tpu.vector_store %arg8[%swap3A_1195, %swap3A_1196, %swap3A_1197], %swap3A_1200 {strides = array<i32>} : memref<2x16x128xf32, #tpu.memory_space<vmem>>, vector<1x1x16xf32>,
          %get3A_1201 = arith.constant 1 : i32
          %get3A_1202 = arith.constant 0 : i32
          %get3A_1203 = arith.index_cast %get3A_1201 : i32 to index
          %get3A_1204 = arith.index_cast %get3A_1202 : i32 to index
          %get3A_1205 = arith.index_cast %scan3A_1124 : i32 to index
          %get3A_1206 = arith.constant 16 : index
          %get3A_1207 = tpu.vector_load %arg7[%get3A_1203, %get3A_1204, %get3A_1205, %get3A_1206] {strides = array<i32>} : memref<2x8x16x128xf32, #tpu.memory_space<vmem>>, vector<1x1x1x16xf32>,
          %get3A_1208 = vector.shape_cast %get3A_1207 : vector<1x1x1x16xf32> to vector<16xf32>
          %get3A_1209 = arith.constant 1 : i32
          %get3A_1210 = arith.constant 1 : i32
          %get3A_1211 = arith.index_cast %get3A_1209 : i32 to index
          %get3A_1212 = arith.index_cast %get3A_1210 : i32 to index
          %get3A_1213 = arith.index_cast %scan3A_1124 : i32 to index
          %get3A_1214 = arith.constant 16 : index
          %get3A_1215 = tpu.vector_load %arg7[%get3A_1211, %get3A_1212, %get3A_1213, %get3A_1214] {strides = array<i32>} : memref<2x8x16x128xf32, #tpu.memory_space<vmem>>, vector<1x1x1x16xf32>,
          %get3A_1216 = vector.shape_cast %get3A_1215 : vector<1x1x1x16xf32> to vector<16xf32>
          %add3A_1217 = arith.addf %get3A_1208, %get3A_1216 : vector<16xf32>
          %get3A_1218 = arith.constant 1 : i32
          %get3A_1219 = arith.constant 2 : i32
          %get3A_1220 = arith.index_cast %get3A_1218 : i32 to index
          %get3A_1221 = arith.index_cast %get3A_1219 : i32 to index
          %get3A_1222 = arith.index_cast %scan3A_1124 : i32 to index
          %get3A_1223 = arith.constant 16 : index
          %get3A_1224 = tpu.vector_load %arg7[%get3A_1220, %get3A_1221, %get3A_1222, %get3A_1223] {strides = array<i32>} : memref<2x8x16x128xf32, #tpu.memory_space<vmem>>, vector<1x1x1x16xf32>,
          %get3A_1225 = vector.shape_cast %get3A_1224 : vector<1x1x1x16xf32> to vector<16xf32>
          %add3A_1226 = arith.addf %add3A_1217, %get3A_1225 : vector<16xf32>
          %get3A_1227 = arith.constant 1 : i32
          %get3A_1228 = arith.constant 3 : i32
          %get3A_1229 = arith.index_cast %get3A_1227 : i32 to index
          %get3A_1230 = arith.index_cast %get3A_1228 : i32 to index
          %get3A_1231 = arith.index_cast %scan3A_1124 : i32 to index
          %get3A_1232 = arith.constant 16 : index
          %get3A_1233 = tpu.vector_load %arg7[%get3A_1229, %get3A_1230, %get3A_1231, %get3A_1232] {strides = array<i32>} : memref<2x8x16x128xf32, #tpu.memory_space<vmem>>, vector<1x1x1x16xf32>,
          %get3A_1234 = vector.shape_cast %get3A_1233 : vector<1x1x1x16xf32> to vector<16xf32>
          %add3A_1235 = arith.addf %add3A_1226, %get3A_1234 : vector<16xf32>
          %get3A_1236 = arith.constant 1 : i32
          %get3A_1237 = arith.constant 4 : i32
          %get3A_1238 = arith.index_cast %get3A_1236 : i32 to index
          %get3A_1239 = arith.index_cast %get3A_1237 : i32 to index
          %get3A_1240 = arith.index_cast %scan3A_1124 : i32 to index
          %get3A_1241 = arith.constant 16 : index
          %get3A_1242 = tpu.vector_load %arg7[%get3A_1238, %get3A_1239, %get3A_1240, %get3A_1241] {strides = array<i32>} : memref<2x8x16x128xf32, #tpu.memory_space<vmem>>, vector<1x1x1x16xf32>,
          %get3A_1243 = vector.shape_cast %get3A_1242 : vector<1x1x1x16xf32> to vector<16xf32>
          %add3A_1244 = arith.addf %add3A_1235, %get3A_1243 : vector<16xf32>
          %get3A_1245 = arith.constant 1 : i32
          %get3A_1246 = arith.constant 5 : i32
          %get3A_1247 = arith.index_cast %get3A_1245 : i32 to index
          %get3A_1248 = arith.index_cast %get3A_1246 : i32 to index
          %get3A_1249 = arith.index_cast %scan3A_1124 : i32 to index
          %get3A_1250 = arith.constant 16 : index
          %get3A_1251 = tpu.vector_load %arg7[%get3A_1247, %get3A_1248, %get3A_1249, %get3A_1250] {strides = array<i32>} : memref<2x8x16x128xf32, #tpu.memory_space<vmem>>, vector<1x1x1x16xf32>,
          %get3A_1252 = vector.shape_cast %get3A_1251 : vector<1x1x1x16xf32> to vector<16xf32>
          %add3A_1253 = arith.addf %add3A_1244, %get3A_1252 : vector<16xf32>
          %get3A_1254 = arith.constant 1 : i32
          %get3A_1255 = arith.constant 6 : i32
          %get3A_1256 = arith.index_cast %get3A_1254 : i32 to index
          %get3A_1257 = arith.index_cast %get3A_1255 : i32 to index
          %get3A_1258 = arith.index_cast %scan3A_1124 : i32 to index
          %get3A_1259 = arith.constant 16 : index
          %get3A_1260 = tpu.vector_load %arg7[%get3A_1256, %get3A_1257, %get3A_1258, %get3A_1259] {strides = array<i32>} : memref<2x8x16x128xf32, #tpu.memory_space<vmem>>, vector<1x1x1x16xf32>,
          %get3A_1261 = vector.shape_cast %get3A_1260 : vector<1x1x1x16xf32> to vector<16xf32>
          %add3A_1262 = arith.addf %add3A_1253, %get3A_1261 : vector<16xf32>
          %get3A_1263 = arith.constant 1 : i32
          %get3A_1264 = arith.constant 7 : i32
          %get3A_1265 = arith.index_cast %get3A_1263 : i32 to index
          %get3A_1266 = arith.index_cast %get3A_1264 : i32 to index
          %get3A_1267 = arith.index_cast %scan3A_1124 : i32 to index
          %get3A_1268 = arith.constant 16 : index
          %get3A_1269 = tpu.vector_load %arg7[%get3A_1265, %get3A_1266, %get3A_1267, %get3A_1268] {strides = array<i32>} : memref<2x8x16x128xf32, #tpu.memory_space<vmem>>, vector<1x1x1x16xf32>,
          %get3A_1270 = vector.shape_cast %get3A_1269 : vector<1x1x1x16xf32> to vector<16xf32>
          %add3A_1271 = arith.addf %add3A_1262, %get3A_1270 : vector<16xf32>
          %swap3A_1272 = arith.constant 1 : i32
          %swap3A_1273 = arith.index_cast %swap3A_1272 : i32 to index
          %swap3A_1274 = arith.index_cast %scan3A_1124 : i32 to index
          %swap3A_1275 = arith.constant 16 : index
          %swap3A_1276 = tpu.vector_load %arg8[%swap3A_1273, %swap3A_1274, %swap3A_1275] {strides = array<i32>} : memref<2x16x128xf32, #tpu.memory_space<vmem>>, vector<1x1x16xf32>,
          %swap3A_1277 = vector.shape_cast %swap3A_1276 : vector<1x1x16xf32> to vector<16xf32>
          %swap3A_1278 = vector.shape_cast %add3A_1271 : vector<16xf32> to vector<1x1x16xf32>
          tpu.vector_store %arg8[%swap3A_1273, %swap3A_1274, %swap3A_1275], %swap3A_1278 {strides = array<i32>} : memref<2x16x128xf32, #tpu.memory_space<vmem>>, vector<1x1x16xf32>,
          %get3A_1279 = arith.constant 1 : i32
          %get3A_1280 = arith.constant 0 : i32
          %get3A_1281 = arith.index_cast %get3A_1279 : i32 to index
          %get3A_1282 = arith.index_cast %get3A_1280 : i32 to index
          %get3A_1283 = arith.index_cast %scan3A_1124 : i32 to index
          %get3A_1284 = arith.constant 32 : index
          %get3A_1285 = tpu.vector_load %arg7[%get3A_1281, %get3A_1282, %get3A_1283, %get3A_1284] {strides = array<i32>} : memref<2x8x16x128xf32, #tpu.memory_space<vmem>>, vector<1x1x1x16xf32>,
          %get3A_1286 = vector.shape_cast %get3A_1285 : vector<1x1x1x16xf32> to vector<16xf32>
          %get3A_1287 = arith.constant 1 : i32
          %get3A_1288 = arith.constant 1 : i32
          %get3A_1289 = arith.index_cast %get3A_1287 : i32 to index
          %get3A_1290 = arith.index_cast %get3A_1288 : i32 to index
          %get3A_1291 = arith.index_cast %scan3A_1124 : i32 to index
          %get3A_1292 = arith.constant 32 : index
          %get3A_1293 = tpu.vector_load %arg7[%get3A_1289, %get3A_1290, %get3A_1291, %get3A_1292] {strides = array<i32>} : memref<2x8x16x128xf32, #tpu.memory_space<vmem>>, vector<1x1x1x16xf32>,
          %get3A_1294 = vector.shape_cast %get3A_1293 : vector<1x1x1x16xf32> to vector<16xf32>
          %add3A_1295 = arith.addf %get3A_1286, %get3A_1294 : vector<16xf32>
          %get3A_1296 = arith.constant 1 : i32
          %get3A_1297 = arith.constant 2 : i32
          %get3A_1298 = arith.index_cast %get3A_1296 : i32 to index
          %get3A_1299 = arith.index_cast %get3A_1297 : i32 to index
          %get3A_1300 = arith.index_cast %scan3A_1124 : i32 to index
          %get3A_1301 = arith.constant 32 : index
          %get3A_1302 = tpu.vector_load %arg7[%get3A_1298, %get3A_1299, %get3A_1300, %get3A_1301] {strides = array<i32>} : memref<2x8x16x128xf32, #tpu.memory_space<vmem>>, vector<1x1x1x16xf32>,
          %get3A_1303 = vector.shape_cast %get3A_1302 : vector<1x1x1x16xf32> to vector<16xf32>
          %add3A_1304 = arith.addf %add3A_1295, %get3A_1303 : vector<16xf32>
          %get3A_1305 = arith.constant 1 : i32
          %get3A_1306 = arith.constant 3 : i32
          %get3A_1307 = arith.index_cast %get3A_1305 : i32 to index
          %get3A_1308 = arith.index_cast %get3A_1306 : i32 to index
          %get3A_1309 = arith.index_cast %scan3A_1124 : i32 to index
          %get3A_1310 = arith.constant 32 : index
          %get3A_1311 = tpu.vector_load %arg7[%get3A_1307, %get3A_1308, %get3A_1309, %get3A_1310] {strides = array<i32>} : memref<2x8x16x128xf32, #tpu.memory_space<vmem>>, vector<1x1x1x16xf32>,
          %get3A_1312 = vector.shape_cast %get3A_1311 : vector<1x1x1x16xf32> to vector<16xf32>
          %add3A_1313 = arith.addf %add3A_1304, %get3A_1312 : vector<16xf32>
          %get3A_1314 = arith.constant 1 : i32
          %get3A_1315 = arith.constant 4 : i32
          %get3A_1316 = arith.index_cast %get3A_1314 : i32 to index
          %get3A_1317 = arith.index_cast %get3A_1315 : i32 to index
          %get3A_1318 = arith.index_cast %scan3A_1124 : i32 to index
          %get3A_1319 = arith.constant 32 : index
          %get3A_1320 = tpu.vector_load %arg7[%get3A_1316, %get3A_1317, %get3A_1318, %get3A_1319] {strides = array<i32>} : memref<2x8x16x128xf32, #tpu.memory_space<vmem>>, vector<1x1x1x16xf32>,
          %get3A_1321 = vector.shape_cast %get3A_1320 : vector<1x1x1x16xf32> to vector<16xf32>
          %add3A_1322 = arith.addf %add3A_1313, %get3A_1321 : vector<16xf32>
          %get3A_1323 = arith.constant 1 : i32
          %get3A_1324 = arith.constant 5 : i32
          %get3A_1325 = arith.index_cast %get3A_1323 : i32 to index
          %get3A_1326 = arith.index_cast %get3A_1324 : i32 to index
          %get3A_1327 = arith.index_cast %scan3A_1124 : i32 to index
          %get3A_1328 = arith.constant 32 : index
          %get3A_1329 = tpu.vector_load %arg7[%get3A_1325, %get3A_1326, %get3A_1327, %get3A_1328] {strides = array<i32>} : memref<2x8x16x128xf32, #tpu.memory_space<vmem>>, vector<1x1x1x16xf32>,
          %get3A_1330 = vector.shape_cast %get3A_1329 : vector<1x1x1x16xf32> to vector<16xf32>
          %add3A_1331 = arith.addf %add3A_1322, %get3A_1330 : vector<16xf32>
          %get3A_1332 = arith.constant 1 : i32
          %get3A_1333 = arith.constant 6 : i32
          %get3A_1334 = arith.index_cast %get3A_1332 : i32 to index
          %get3A_1335 = arith.index_cast %get3A_1333 : i32 to index
          %get3A_1336 = arith.index_cast %scan3A_1124 : i32 to index
          %get3A_1337 = arith.constant 32 : index
          %get3A_1338 = tpu.vector_load %arg7[%get3A_1334, %get3A_1335, %get3A_1336, %get3A_1337] {strides = array<i32>} : memref<2x8x16x128xf32, #tpu.memory_space<vmem>>, vector<1x1x1x16xf32>,
          %get3A_1339 = vector.shape_cast %get3A_1338 : vector<1x1x1x16xf32> to vector<16xf32>
          %add3A_1340 = arith.addf %add3A_1331, %get3A_1339 : vector<16xf32>
          %get3A_1341 = arith.constant 1 : i32
          %get3A_1342 = arith.constant 7 : i32
          %get3A_1343 = arith.index_cast %get3A_1341 : i32 to index
          %get3A_1344 = arith.index_cast %get3A_1342 : i32 to index
          %get3A_1345 = arith.index_cast %scan3A_1124 : i32 to index
          %get3A_1346 = arith.constant 32 : index
          %get3A_1347 = tpu.vector_load %arg7[%get3A_1343, %get3A_1344, %get3A_1345, %get3A_1346] {strides = array<i32>} : memref<2x8x16x128xf32, #tpu.memory_space<vmem>>, vector<1x1x1x16xf32>,
          %get3A_1348 = vector.shape_cast %get3A_1347 : vector<1x1x1x16xf32> to vector<16xf32>
          %add3A_1349 = arith.addf %add3A_1340, %get3A_1348 : vector<16xf32>
          %swap3A_1350 = arith.constant 1 : i32
          %swap3A_1351 = arith.index_cast %swap3A_1350 : i32 to index
          %swap3A_1352 = arith.index_cast %scan3A_1124 : i32 to index
          %swap3A_1353 = arith.constant 32 : index
          %swap3A_1354 = tpu.vector_load %arg8[%swap3A_1351, %swap3A_1352, %swap3A_1353] {strides = array<i32>} : memref<2x16x128xf32, #tpu.memory_space<vmem>>, vector<1x1x16xf32>,
          %swap3A_1355 = vector.shape_cast %swap3A_1354 : vector<1x1x16xf32> to vector<16xf32>
          %swap3A_1356 = vector.shape_cast %add3A_1349 : vector<16xf32> to vector<1x1x16xf32>
          tpu.vector_store %arg8[%swap3A_1351, %swap3A_1352, %swap3A_1353], %swap3A_1356 {strides = array<i32>} : memref<2x16x128xf32, #tpu.memory_space<vmem>>, vector<1x1x16xf32>,
          %get3A_1357 = arith.constant 1 : i32
          %get3A_1358 = arith.constant 0 : i32
          %get3A_1359 = arith.index_cast %get3A_1357 : i32 to index
          %get3A_1360 = arith.index_cast %get3A_1358 : i32 to index
          %get3A_1361 = arith.index_cast %scan3A_1124 : i32 to index
          %get3A_1362 = arith.constant 48 : index
          %get3A_1363 = tpu.vector_load %arg7[%get3A_1359, %get3A_1360, %get3A_1361, %get3A_1362] {strides = array<i32>} : memref<2x8x16x128xf32, #tpu.memory_space<vmem>>, vector<1x1x1x16xf32>,
          %get3A_1364 = vector.shape_cast %get3A_1363 : vector<1x1x1x16xf32> to vector<16xf32>
          %get3A_1365 = arith.constant 1 : i32
          %get3A_1366 = arith.constant 1 : i32
          %get3A_1367 = arith.index_cast %get3A_1365 : i32 to index
          %get3A_1368 = arith.index_cast %get3A_1366 : i32 to index
          %get3A_1369 = arith.index_cast %scan3A_1124 : i32 to index
          %get3A_1370 = arith.constant 48 : index
          %get3A_1371 = tpu.vector_load %arg7[%get3A_1367, %get3A_1368, %get3A_1369, %get3A_1370] {strides = array<i32>} : memref<2x8x16x128xf32, #tpu.memory_space<vmem>>, vector<1x1x1x16xf32>,
          %get3A_1372 = vector.shape_cast %get3A_1371 : vector<1x1x1x16xf32> to vector<16xf32>
          %add3A_1373 = arith.addf %get3A_1364, %get3A_1372 : vector<16xf32>
          %get3A_1374 = arith.constant 1 : i32
          %get3A_1375 = arith.constant 2 : i32
          %get3A_1376 = arith.index_cast %get3A_1374 : i32 to index
          %get3A_1377 = arith.index_cast %get3A_1375 : i32 to index
          %get3A_1378 = arith.index_cast %scan3A_1124 : i32 to index
          %get3A_1379 = arith.constant 48 : index
          %get3A_1380 = tpu.vector_load %arg7[%get3A_1376, %get3A_1377, %get3A_1378, %get3A_1379] {strides = array<i32>} : memref<2x8x16x128xf32, #tpu.memory_space<vmem>>, vector<1x1x1x16xf32>,
          %get3A_1381 = vector.shape_cast %get3A_1380 : vector<1x1x1x16xf32> to vector<16xf32>
          %add3A_1382 = arith.addf %add3A_1373, %get3A_1381 : vector<16xf32>
          %get3A_1383 = arith.constant 1 : i32
          %get3A_1384 = arith.constant 3 : i32
          %get3A_1385 = arith.index_cast %get3A_1383 : i32 to index
          %get3A_1386 = arith.index_cast %get3A_1384 : i32 to index
          %get3A_1387 = arith.index_cast %scan3A_1124 : i32 to index
          %get3A_1388 = arith.constant 48 : index
          %get3A_1389 = tpu.vector_load %arg7[%get3A_1385, %get3A_1386, %get3A_1387, %get3A_1388] {strides = array<i32>} : memref<2x8x16x128xf32, #tpu.memory_space<vmem>>, vector<1x1x1x16xf32>,
          %get3A_1390 = vector.shape_cast %get3A_1389 : vector<1x1x1x16xf32> to vector<16xf32>
          %add3A_1391 = arith.addf %add3A_1382, %get3A_1390 : vector<16xf32>
          %get3A_1392 = arith.constant 1 : i32
          %get3A_1393 = arith.constant 4 : i32
          %get3A_1394 = arith.index_cast %get3A_1392 : i32 to index
          %get3A_1395 = arith.index_cast %get3A_1393 : i32 to index
          %get3A_1396 = arith.index_cast %scan3A_1124 : i32 to index
          %get3A_1397 = arith.constant 48 : index
          %get3A_1398 = tpu.vector_load %arg7[%get3A_1394, %get3A_1395, %get3A_1396, %get3A_1397] {strides = array<i32>} : memref<2x8x16x128xf32, #tpu.memory_space<vmem>>, vector<1x1x1x16xf32>,
          %get3A_1399 = vector.shape_cast %get3A_1398 : vector<1x1x1x16xf32> to vector<16xf32>
          %add3A_1400 = arith.addf %add3A_1391, %get3A_1399 : vector<16xf32>
          %get3A_1401 = arith.constant 1 : i32
          %get3A_1402 = arith.constant 5 : i32
          %get3A_1403 = arith.index_cast %get3A_1401 : i32 to index
          %get3A_1404 = arith.index_cast %get3A_1402 : i32 to index
          %get3A_1405 = arith.index_cast %scan3A_1124 : i32 to index
          %get3A_1406 = arith.constant 48 : index
          %get3A_1407 = tpu.vector_load %arg7[%get3A_1403, %get3A_1404, %get3A_1405, %get3A_1406] {strides = array<i32>} : memref<2x8x16x128xf32, #tpu.memory_space<vmem>>, vector<1x1x1x16xf32>,
          %get3A_1408 = vector.shape_cast %get3A_1407 : vector<1x1x1x16xf32> to vector<16xf32>
          %add3A_1409 = arith.addf %add3A_1400, %get3A_1408 : vector<16xf32>
          %get3A_1410 = arith.constant 1 : i32
          %get3A_1411 = arith.constant 6 : i32
          %get3A_1412 = arith.index_cast %get3A_1410 : i32 to index
          %get3A_1413 = arith.index_cast %get3A_1411 : i32 to index
          %get3A_1414 = arith.index_cast %scan3A_1124 : i32 to index
          %get3A_1415 = arith.constant 48 : index
          %get3A_1416 = tpu.vector_load %arg7[%get3A_1412, %get3A_1413, %get3A_1414, %get3A_1415] {strides = array<i32>} : memref<2x8x16x128xf32, #tpu.memory_space<vmem>>, vector<1x1x1x16xf32>,
          %get3A_1417 = vector.shape_cast %get3A_1416 : vector<1x1x1x16xf32> to vector<16xf32>
          %add3A_1418 = arith.addf %add3A_1409, %get3A_1417 : vector<16xf32>
          %get3A_1419 = arith.constant 1 : i32
          %get3A_1420 = arith.constant 7 : i32
          %get3A_1421 = arith.index_cast %get3A_1419 : i32 to index
          %get3A_1422 = arith.index_cast %get3A_1420 : i32 to index
          %get3A_1423 = arith.index_cast %scan3A_1124 : i32 to index
          %get3A_1424 = arith.constant 48 : index
          %get3A_1425 = tpu.vector_load %arg7[%get3A_1421, %get3A_1422, %get3A_1423, %get3A_1424] {strides = array<i32>} : memref<2x8x16x128xf32, #tpu.memory_space<vmem>>, vector<1x1x1x16xf32>,
          %get3A_1426 = vector.shape_cast %get3A_1425 : vector<1x1x1x16xf32> to vector<16xf32>
          %add3A_1427 = arith.addf %add3A_1418, %get3A_1426 : vector<16xf32>
          %swap3A_1428 = arith.constant 1 : i32
          %swap3A_1429 = arith.index_cast %swap3A_1428 : i32 to index
          %swap3A_1430 = arith.index_cast %scan3A_1124 : i32 to index
          %swap3A_1431 = arith.constant 48 : index
          %swap3A_1432 = tpu.vector_load %arg8[%swap3A_1429, %swap3A_1430, %swap3A_1431] {strides = array<i32>} : memref<2x16x128xf32, #tpu.memory_space<vmem>>, vector<1x1x16xf32>,
          %swap3A_1433 = vector.shape_cast %swap3A_1432 : vector<1x1x16xf32> to vector<16xf32>
          %swap3A_1434 = vector.shape_cast %add3A_1427 : vector<16xf32> to vector<1x1x16xf32>
          tpu.vector_store %arg8[%swap3A_1429, %swap3A_1430, %swap3A_1431], %swap3A_1434 {strides = array<i32>} : memref<2x16x128xf32, #tpu.memory_space<vmem>>, vector<1x1x16xf32>,
          %get3A_1435 = arith.constant 1 : i32
          %get3A_1436 = arith.constant 0 : i32
          %get3A_1437 = arith.index_cast %get3A_1435 : i32 to index
          %get3A_1438 = arith.index_cast %get3A_1436 : i32 to index
          %get3A_1439 = arith.index_cast %scan3A_1124 : i32 to index
          %get3A_1440 = arith.constant 64 : index
          %get3A_1441 = tpu.vector_load %arg7[%get3A_1437, %get3A_1438, %get3A_1439, %get3A_1440] {strides = array<i32>} : memref<2x8x16x128xf32, #tpu.memory_space<vmem>>, vector<1x1x1x16xf32>,
          %get3A_1442 = vector.shape_cast %get3A_1441 : vector<1x1x1x16xf32> to vector<16xf32>
          %get3A_1443 = arith.constant 1 : i32
          %get3A_1444 = arith.constant 1 : i32
          %get3A_1445 = arith.index_cast %get3A_1443 : i32 to index
          %get3A_1446 = arith.index_cast %get3A_1444 : i32 to index
          %get3A_1447 = arith.index_cast %scan3A_1124 : i32 to index
          %get3A_1448 = arith.constant 64 : index
          %get3A_1449 = tpu.vector_load %arg7[%get3A_1445, %get3A_1446, %get3A_1447, %get3A_1448] {strides = array<i32>} : memref<2x8x16x128xf32, #tpu.memory_space<vmem>>, vector<1x1x1x16xf32>,
          %get3A_1450 = vector.shape_cast %get3A_1449 : vector<1x1x1x16xf32> to vector<16xf32>
          %add3A_1451 = arith.addf %get3A_1442, %get3A_1450 : vector<16xf32>
          %get3A_1452 = arith.constant 1 : i32
          %get3A_1453 = arith.constant 2 : i32
          %get3A_1454 = arith.index_cast %get3A_1452 : i32 to index
          %get3A_1455 = arith.index_cast %get3A_1453 : i32 to index
          %get3A_1456 = arith.index_cast %scan3A_1124 : i32 to index
          %get3A_1457 = arith.constant 64 : index
          %get3A_1458 = tpu.vector_load %arg7[%get3A_1454, %get3A_1455, %get3A_1456, %get3A_1457] {strides = array<i32>} : memref<2x8x16x128xf32, #tpu.memory_space<vmem>>, vector<1x1x1x16xf32>,
          %get3A_1459 = vector.shape_cast %get3A_1458 : vector<1x1x1x16xf32> to vector<16xf32>
          %add3A_1460 = arith.addf %add3A_1451, %get3A_1459 : vector<16xf32>
          %get3A_1461 = arith.constant 1 : i32
          %get3A_1462 = arith.constant 3 : i32
          %get3A_1463 = arith.index_cast %get3A_1461 : i32 to index
          %get3A_1464 = arith.index_cast %get3A_1462 : i32 to index
          %get3A_1465 = arith.index_cast %scan3A_1124 : i32 to index
          %get3A_1466 = arith.constant 64 : index
          %get3A_1467 = tpu.vector_load %arg7[%get3A_1463, %get3A_1464, %get3A_1465, %get3A_1466] {strides = array<i32>} : memref<2x8x16x128xf32, #tpu.memory_space<vmem>>, vector<1x1x1x16xf32>,
          %get3A_1468 = vector.shape_cast %get3A_1467 : vector<1x1x1x16xf32> to vector<16xf32>
          %add3A_1469 = arith.addf %add3A_1460, %get3A_1468 : vector<16xf32>
          %get3A_1470 = arith.constant 1 : i32
          %get3A_1471 = arith.constant 4 : i32
          %get3A_1472 = arith.index_cast %get3A_1470 : i32 to index
          %get3A_1473 = arith.index_cast %get3A_1471 : i32 to index
          %get3A_1474 = arith.index_cast %scan3A_1124 : i32 to index
          %get3A_1475 = arith.constant 64 : index
          %get3A_1476 = tpu.vector_load %arg7[%get3A_1472, %get3A_1473, %get3A_1474, %get3A_1475] {strides = array<i32>} : memref<2x8x16x128xf32, #tpu.memory_space<vmem>>, vector<1x1x1x16xf32>,
          %get3A_1477 = vector.shape_cast %get3A_1476 : vector<1x1x1x16xf32> to vector<16xf32>
          %add3A_1478 = arith.addf %add3A_1469, %get3A_1477 : vector<16xf32>
          %get3A_1479 = arith.constant 1 : i32
          %get3A_1480 = arith.constant 5 : i32
          %get3A_1481 = arith.index_cast %get3A_1479 : i32 to index
          %get3A_1482 = arith.index_cast %get3A_1480 : i32 to index
          %get3A_1483 = arith.index_cast %scan3A_1124 : i32 to index
          %get3A_1484 = arith.constant 64 : index
          %get3A_1485 = tpu.vector_load %arg7[%get3A_1481, %get3A_1482, %get3A_1483, %get3A_1484] {strides = array<i32>} : memref<2x8x16x128xf32, #tpu.memory_space<vmem>>, vector<1x1x1x16xf32>,
          %get3A_1486 = vector.shape_cast %get3A_1485 : vector<1x1x1x16xf32> to vector<16xf32>
          %add3A_1487 = arith.addf %add3A_1478, %get3A_1486 : vector<16xf32>
          %get3A_1488 = arith.constant 1 : i32
          %get3A_1489 = arith.constant 6 : i32
          %get3A_1490 = arith.index_cast %get3A_1488 : i32 to index
          %get3A_1491 = arith.index_cast %get3A_1489 : i32 to index
          %get3A_1492 = arith.index_cast %scan3A_1124 : i32 to index
          %get3A_1493 = arith.constant 64 : index
          %get3A_1494 = tpu.vector_load %arg7[%get3A_1490, %get3A_1491, %get3A_1492, %get3A_1493] {strides = array<i32>} : memref<2x8x16x128xf32, #tpu.memory_space<vmem>>, vector<1x1x1x16xf32>,
          %get3A_1495 = vector.shape_cast %get3A_1494 : vector<1x1x1x16xf32> to vector<16xf32>
          %add3A_1496 = arith.addf %add3A_1487, %get3A_1495 : vector<16xf32>
          %get3A_1497 = arith.constant 1 : i32
          %get3A_1498 = arith.constant 7 : i32
          %get3A_1499 = arith.index_cast %get3A_1497 : i32 to index
          %get3A_1500 = arith.index_cast %get3A_1498 : i32 to index
          %get3A_1501 = arith.index_cast %scan3A_1124 : i32 to index
          %get3A_1502 = arith.constant 64 : index
          %get3A_1503 = tpu.vector_load %arg7[%get3A_1499, %get3A_1500, %get3A_1501, %get3A_1502] {strides = array<i32>} : memref<2x8x16x128xf32, #tpu.memory_space<vmem>>, vector<1x1x1x16xf32>,
          %get3A_1504 = vector.shape_cast %get3A_1503 : vector<1x1x1x16xf32> to vector<16xf32>
          %add3A_1505 = arith.addf %add3A_1496, %get3A_1504 : vector<16xf32>
          %swap3A_1506 = arith.constant 1 : i32
          %swap3A_1507 = arith.index_cast %swap3A_1506 : i32 to index
          %swap3A_1508 = arith.index_cast %scan3A_1124 : i32 to index
          %swap3A_1509 = arith.constant 64 : index
          %swap3A_1510 = tpu.vector_load %arg8[%swap3A_1507, %swap3A_1508, %swap3A_1509] {strides = array<i32>} : memref<2x16x128xf32, #tpu.memory_space<vmem>>, vector<1x1x16xf32>,
          %swap3A_1511 = vector.shape_cast %swap3A_1510 : vector<1x1x16xf32> to vector<16xf32>
          %swap3A_1512 = vector.shape_cast %add3A_1505 : vector<16xf32> to vector<1x1x16xf32>
          tpu.vector_store %arg8[%swap3A_1507, %swap3A_1508, %swap3A_1509], %swap3A_1512 {strides = array<i32>} : memref<2x16x128xf32, #tpu.memory_space<vmem>>, vector<1x1x16xf32>,
          %get3A_1513 = arith.constant 1 : i32
          %get3A_1514 = arith.constant 0 : i32
          %get3A_1515 = arith.index_cast %get3A_1513 : i32 to index
          %get3A_1516 = arith.index_cast %get3A_1514 : i32 to index
          %get3A_1517 = arith.index_cast %scan3A_1124 : i32 to index
          %get3A_1518 = arith.constant 80 : index
          %get3A_1519 = tpu.vector_load %arg7[%get3A_1515, %get3A_1516, %get3A_1517, %get3A_1518] {strides = array<i32>} : memref<2x8x16x128xf32, #tpu.memory_space<vmem>>, vector<1x1x1x16xf32>,
          %get3A_1520 = vector.shape_cast %get3A_1519 : vector<1x1x1x16xf32> to vector<16xf32>
          %get3A_1521 = arith.constant 1 : i32
          %get3A_1522 = arith.constant 1 : i32
          %get3A_1523 = arith.index_cast %get3A_1521 : i32 to index
          %get3A_1524 = arith.index_cast %get3A_1522 : i32 to index
          %get3A_1525 = arith.index_cast %scan3A_1124 : i32 to index
          %get3A_1526 = arith.constant 80 : index
          %get3A_1527 = tpu.vector_load %arg7[%get3A_1523, %get3A_1524, %get3A_1525, %get3A_1526] {strides = array<i32>} : memref<2x8x16x128xf32, #tpu.memory_space<vmem>>, vector<1x1x1x16xf32>,
          %get3A_1528 = vector.shape_cast %get3A_1527 : vector<1x1x1x16xf32> to vector<16xf32>
          %add3A_1529 = arith.addf %get3A_1520, %get3A_1528 : vector<16xf32>
          %get3A_1530 = arith.constant 1 : i32
          %get3A_1531 = arith.constant 2 : i32
          %get3A_1532 = arith.index_cast %get3A_1530 : i32 to index
          %get3A_1533 = arith.index_cast %get3A_1531 : i32 to index
          %get3A_1534 = arith.index_cast %scan3A_1124 : i32 to index
          %get3A_1535 = arith.constant 80 : index
          %get3A_1536 = tpu.vector_load %arg7[%get3A_1532, %get3A_1533, %get3A_1534, %get3A_1535] {strides = array<i32>} : memref<2x8x16x128xf32, #tpu.memory_space<vmem>>, vector<1x1x1x16xf32>,
          %get3A_1537 = vector.shape_cast %get3A_1536 : vector<1x1x1x16xf32> to vector<16xf32>
          %add3A_1538 = arith.addf %add3A_1529, %get3A_1537 : vector<16xf32>
          %get3A_1539 = arith.constant 1 : i32
          %get3A_1540 = arith.constant 3 : i32
          %get3A_1541 = arith.index_cast %get3A_1539 : i32 to index
          %get3A_1542 = arith.index_cast %get3A_1540 : i32 to index
          %get3A_1543 = arith.index_cast %scan3A_1124 : i32 to index
          %get3A_1544 = arith.constant 80 : index
          %get3A_1545 = tpu.vector_load %arg7[%get3A_1541, %get3A_1542, %get3A_1543, %get3A_1544] {strides = array<i32>} : memref<2x8x16x128xf32, #tpu.memory_space<vmem>>, vector<1x1x1x16xf32>,
          %get3A_1546 = vector.shape_cast %get3A_1545 : vector<1x1x1x16xf32> to vector<16xf32>
          %add3A_1547 = arith.addf %add3A_1538, %get3A_1546 : vector<16xf32>
          %get3A_1548 = arith.constant 1 : i32
          %get3A_1549 = arith.constant 4 : i32
          %get3A_1550 = arith.index_cast %get3A_1548 : i32 to index
          %get3A_1551 = arith.index_cast %get3A_1549 : i32 to index
          %get3A_1552 = arith.index_cast %scan3A_1124 : i32 to index
          %get3A_1553 = arith.constant 80 : index
          %get3A_1554 = tpu.vector_load %arg7[%get3A_1550, %get3A_1551, %get3A_1552, %get3A_1553] {strides = array<i32>} : memref<2x8x16x128xf32, #tpu.memory_space<vmem>>, vector<1x1x1x16xf32>,
          %get3A_1555 = vector.shape_cast %get3A_1554 : vector<1x1x1x16xf32> to vector<16xf32>
          %add3A_1556 = arith.addf %add3A_1547, %get3A_1555 : vector<16xf32>
          %get3A_1557 = arith.constant 1 : i32
          %get3A_1558 = arith.constant 5 : i32
          %get3A_1559 = arith.index_cast %get3A_1557 : i32 to index
          %get3A_1560 = arith.index_cast %get3A_1558 : i32 to index
          %get3A_1561 = arith.index_cast %scan3A_1124 : i32 to index
          %get3A_1562 = arith.constant 80 : index
          %get3A_1563 = tpu.vector_load %arg7[%get3A_1559, %get3A_1560, %get3A_1561, %get3A_1562] {strides = array<i32>} : memref<2x8x16x128xf32, #tpu.memory_space<vmem>>, vector<1x1x1x16xf32>,
          %get3A_1564 = vector.shape_cast %get3A_1563 : vector<1x1x1x16xf32> to vector<16xf32>
          %add3A_1565 = arith.addf %add3A_1556, %get3A_1564 : vector<16xf32>
          %get3A_1566 = arith.constant 1 : i32
          %get3A_1567 = arith.constant 6 : i32
          %get3A_1568 = arith.index_cast %get3A_1566 : i32 to index
          %get3A_1569 = arith.index_cast %get3A_1567 : i32 to index
          %get3A_1570 = arith.index_cast %scan3A_1124 : i32 to index
          %get3A_1571 = arith.constant 80 : index
          %get3A_1572 = tpu.vector_load %arg7[%get3A_1568, %get3A_1569, %get3A_1570, %get3A_1571] {strides = array<i32>} : memref<2x8x16x128xf32, #tpu.memory_space<vmem>>, vector<1x1x1x16xf32>,
          %get3A_1573 = vector.shape_cast %get3A_1572 : vector<1x1x1x16xf32> to vector<16xf32>
          %add3A_1574 = arith.addf %add3A_1565, %get3A_1573 : vector<16xf32>
          %get3A_1575 = arith.constant 1 : i32
          %get3A_1576 = arith.constant 7 : i32
          %get3A_1577 = arith.index_cast %get3A_1575 : i32 to index
          %get3A_1578 = arith.index_cast %get3A_1576 : i32 to index
          %get3A_1579 = arith.index_cast %scan3A_1124 : i32 to index
          %get3A_1580 = arith.constant 80 : index
          %get3A_1581 = tpu.vector_load %arg7[%get3A_1577, %get3A_1578, %get3A_1579, %get3A_1580] {strides = array<i32>} : memref<2x8x16x128xf32, #tpu.memory_space<vmem>>, vector<1x1x1x16xf32>,
          %get3A_1582 = vector.shape_cast %get3A_1581 : vector<1x1x1x16xf32> to vector<16xf32>
          %add3A_1583 = arith.addf %add3A_1574, %get3A_1582 : vector<16xf32>
          %swap3A_1584 = arith.constant 1 : i32
          %swap3A_1585 = arith.index_cast %swap3A_1584 : i32 to index
          %swap3A_1586 = arith.index_cast %scan3A_1124 : i32 to index
          %swap3A_1587 = arith.constant 80 : index
          %swap3A_1588 = tpu.vector_load %arg8[%swap3A_1585, %swap3A_1586, %swap3A_1587] {strides = array<i32>} : memref<2x16x128xf32, #tpu.memory_space<vmem>>, vector<1x1x16xf32>,
          %swap3A_1589 = vector.shape_cast %swap3A_1588 : vector<1x1x16xf32> to vector<16xf32>
          %swap3A_1590 = vector.shape_cast %add3A_1583 : vector<16xf32> to vector<1x1x16xf32>
          tpu.vector_store %arg8[%swap3A_1585, %swap3A_1586, %swap3A_1587], %swap3A_1590 {strides = array<i32>} : memref<2x16x128xf32, #tpu.memory_space<vmem>>, vector<1x1x16xf32>,
          %get3A_1591 = arith.constant 1 : i32
          %get3A_1592 = arith.constant 0 : i32
          %get3A_1593 = arith.index_cast %get3A_1591 : i32 to index
          %get3A_1594 = arith.index_cast %get3A_1592 : i32 to index
          %get3A_1595 = arith.index_cast %scan3A_1124 : i32 to index
          %get3A_1596 = arith.constant 96 : index
          %get3A_1597 = tpu.vector_load %arg7[%get3A_1593, %get3A_1594, %get3A_1595, %get3A_1596] {strides = array<i32>} : memref<2x8x16x128xf32, #tpu.memory_space<vmem>>, vector<1x1x1x16xf32>,
          %get3A_1598 = vector.shape_cast %get3A_1597 : vector<1x1x1x16xf32> to vector<16xf32>
          %get3A_1599 = arith.constant 1 : i32
          %get3A_1600 = arith.constant 1 : i32
          %get3A_1601 = arith.index_cast %get3A_1599 : i32 to index
          %get3A_1602 = arith.index_cast %get3A_1600 : i32 to index
          %get3A_1603 = arith.index_cast %scan3A_1124 : i32 to index
          %get3A_1604 = arith.constant 96 : index
          %get3A_1605 = tpu.vector_load %arg7[%get3A_1601, %get3A_1602, %get3A_1603, %get3A_1604] {strides = array<i32>} : memref<2x8x16x128xf32, #tpu.memory_space<vmem>>, vector<1x1x1x16xf32>,
          %get3A_1606 = vector.shape_cast %get3A_1605 : vector<1x1x1x16xf32> to vector<16xf32>
          %add3A_1607 = arith.addf %get3A_1598, %get3A_1606 : vector<16xf32>
          %get3A_1608 = arith.constant 1 : i32
          %get3A_1609 = arith.constant 2 : i32
          %get3A_1610 = arith.index_cast %get3A_1608 : i32 to index
          %get3A_1611 = arith.index_cast %get3A_1609 : i32 to index
          %get3A_1612 = arith.index_cast %scan3A_1124 : i32 to index
          %get3A_1613 = arith.constant 96 : index
          %get3A_1614 = tpu.vector_load %arg7[%get3A_1610, %get3A_1611, %get3A_1612, %get3A_1613] {strides = array<i32>} : memref<2x8x16x128xf32, #tpu.memory_space<vmem>>, vector<1x1x1x16xf32>,
          %get3A_1615 = vector.shape_cast %get3A_1614 : vector<1x1x1x16xf32> to vector<16xf32>
          %add3A_1616 = arith.addf %add3A_1607, %get3A_1615 : vector<16xf32>
          %get3A_1617 = arith.constant 1 : i32
          %get3A_1618 = arith.constant 3 : i32
          %get3A_1619 = arith.index_cast %get3A_1617 : i32 to index
          %get3A_1620 = arith.index_cast %get3A_1618 : i32 to index
          %get3A_1621 = arith.index_cast %scan3A_1124 : i32 to index
          %get3A_1622 = arith.constant 96 : index
          %get3A_1623 = tpu.vector_load %arg7[%get3A_1619, %get3A_1620, %get3A_1621, %get3A_1622] {strides = array<i32>} : memref<2x8x16x128xf32, #tpu.memory_space<vmem>>, vector<1x1x1x16xf32>,
          %get3A_1624 = vector.shape_cast %get3A_1623 : vector<1x1x1x16xf32> to vector<16xf32>
          %add3A_1625 = arith.addf %add3A_1616, %get3A_1624 : vector<16xf32>
          %get3A_1626 = arith.constant 1 : i32
          %get3A_1627 = arith.constant 4 : i32
          %get3A_1628 = arith.index_cast %get3A_1626 : i32 to index
          %get3A_1629 = arith.index_cast %get3A_1627 : i32 to index
          %get3A_1630 = arith.index_cast %scan3A_1124 : i32 to index
          %get3A_1631 = arith.constant 96 : index
          %get3A_1632 = tpu.vector_load %arg7[%get3A_1628, %get3A_1629, %get3A_1630, %get3A_1631] {strides = array<i32>} : memref<2x8x16x128xf32, #tpu.memory_space<vmem>>, vector<1x1x1x16xf32>,
          %get3A_1633 = vector.shape_cast %get3A_1632 : vector<1x1x1x16xf32> to vector<16xf32>
          %add3A_1634 = arith.addf %add3A_1625, %get3A_1633 : vector<16xf32>
          %get3A_1635 = arith.constant 1 : i32
          %get3A_1636 = arith.constant 5 : i32
          %get3A_1637 = arith.index_cast %get3A_1635 : i32 to index
          %get3A_1638 = arith.index_cast %get3A_1636 : i32 to index
          %get3A_1639 = arith.index_cast %scan3A_1124 : i32 to index
          %get3A_1640 = arith.constant 96 : index
          %get3A_1641 = tpu.vector_load %arg7[%get3A_1637, %get3A_1638, %get3A_1639, %get3A_1640] {strides = array<i32>} : memref<2x8x16x128xf32, #tpu.memory_space<vmem>>, vector<1x1x1x16xf32>,
          %get3A_1642 = vector.shape_cast %get3A_1641 : vector<1x1x1x16xf32> to vector<16xf32>
          %add3A_1643 = arith.addf %add3A_1634, %get3A_1642 : vector<16xf32>
          %get3A_1644 = arith.constant 1 : i32
          %get3A_1645 = arith.constant 6 : i32
          %get3A_1646 = arith.index_cast %get3A_1644 : i32 to index
          %get3A_1647 = arith.index_cast %get3A_1645 : i32 to index
          %get3A_1648 = arith.index_cast %scan3A_1124 : i32 to index
          %get3A_1649 = arith.constant 96 : index
          %get3A_1650 = tpu.vector_load %arg7[%get3A_1646, %get3A_1647, %get3A_1648, %get3A_1649] {strides = array<i32>} : memref<2x8x16x128xf32, #tpu.memory_space<vmem>>, vector<1x1x1x16xf32>,
          %get3A_1651 = vector.shape_cast %get3A_1650 : vector<1x1x1x16xf32> to vector<16xf32>
          %add3A_1652 = arith.addf %add3A_1643, %get3A_1651 : vector<16xf32>
          %get3A_1653 = arith.constant 1 : i32
          %get3A_1654 = arith.constant 7 : i32
          %get3A_1655 = arith.index_cast %get3A_1653 : i32 to index
          %get3A_1656 = arith.index_cast %get3A_1654 : i32 to index
          %get3A_1657 = arith.index_cast %scan3A_1124 : i32 to index
          %get3A_1658 = arith.constant 96 : index
          %get3A_1659 = tpu.vector_load %arg7[%get3A_1655, %get3A_1656, %get3A_1657, %get3A_1658] {strides = array<i32>} : memref<2x8x16x128xf32, #tpu.memory_space<vmem>>, vector<1x1x1x16xf32>,
          %get3A_1660 = vector.shape_cast %get3A_1659 : vector<1x1x1x16xf32> to vector<16xf32>
          %add3A_1661 = arith.addf %add3A_1652, %get3A_1660 : vector<16xf32>
          %swap3A_1662 = arith.constant 1 : i32
          %swap3A_1663 = arith.index_cast %swap3A_1662 : i32 to index
          %swap3A_1664 = arith.index_cast %scan3A_1124 : i32 to index
          %swap3A_1665 = arith.constant 96 : index
          %swap3A_1666 = tpu.vector_load %arg8[%swap3A_1663, %swap3A_1664, %swap3A_1665] {strides = array<i32>} : memref<2x16x128xf32, #tpu.memory_space<vmem>>, vector<1x1x16xf32>,
          %swap3A_1667 = vector.shape_cast %swap3A_1666 : vector<1x1x16xf32> to vector<16xf32>
          %swap3A_1668 = vector.shape_cast %add3A_1661 : vector<16xf32> to vector<1x1x16xf32>
          tpu.vector_store %arg8[%swap3A_1663, %swap3A_1664, %swap3A_1665], %swap3A_1668 {strides = array<i32>} : memref<2x16x128xf32, #tpu.memory_space<vmem>>, vector<1x1x16xf32>,
          %get3A_1669 = arith.constant 1 : i32
          %get3A_1670 = arith.constant 0 : i32
          %get3A_1671 = arith.index_cast %get3A_1669 : i32 to index
          %get3A_1672 = arith.index_cast %get3A_1670 : i32 to index
          %get3A_1673 = arith.index_cast %scan3A_1124 : i32 to index
          %get3A_1674 = arith.constant 112 : index
          %get3A_1675 = tpu.vector_load %arg7[%get3A_1671, %get3A_1672, %get3A_1673, %get3A_1674] {strides = array<i32>} : memref<2x8x16x128xf32, #tpu.memory_space<vmem>>, vector<1x1x1x16xf32>,
          %get3A_1676 = vector.shape_cast %get3A_1675 : vector<1x1x1x16xf32> to vector<16xf32>
          %get3A_1677 = arith.constant 1 : i32
          %get3A_1678 = arith.constant 1 : i32
          %get3A_1679 = arith.index_cast %get3A_1677 : i32 to index
          %get3A_1680 = arith.index_cast %get3A_1678 : i32 to index
          %get3A_1681 = arith.index_cast %scan3A_1124 : i32 to index
          %get3A_1682 = arith.constant 112 : index
          %get3A_1683 = tpu.vector_load %arg7[%get3A_1679, %get3A_1680, %get3A_1681, %get3A_1682] {strides = array<i32>} : memref<2x8x16x128xf32, #tpu.memory_space<vmem>>, vector<1x1x1x16xf32>,
          %get3A_1684 = vector.shape_cast %get3A_1683 : vector<1x1x1x16xf32> to vector<16xf32>
          %add3A_1685 = arith.addf %get3A_1676, %get3A_1684 : vector<16xf32>
          %get3A_1686 = arith.constant 1 : i32
          %get3A_1687 = arith.constant 2 : i32
          %get3A_1688 = arith.index_cast %get3A_1686 : i32 to index
          %get3A_1689 = arith.index_cast %get3A_1687 : i32 to index
          %get3A_1690 = arith.index_cast %scan3A_1124 : i32 to index
          %get3A_1691 = arith.constant 112 : index
          %get3A_1692 = tpu.vector_load %arg7[%get3A_1688, %get3A_1689, %get3A_1690, %get3A_1691] {strides = array<i32>} : memref<2x8x16x128xf32, #tpu.memory_space<vmem>>, vector<1x1x1x16xf32>,
          %get3A_1693 = vector.shape_cast %get3A_1692 : vector<1x1x1x16xf32> to vector<16xf32>
          %add3A_1694 = arith.addf %add3A_1685, %get3A_1693 : vector<16xf32>
          %get3A_1695 = arith.constant 1 : i32
          %get3A_1696 = arith.constant 3 : i32
          %get3A_1697 = arith.index_cast %get3A_1695 : i32 to index
          %get3A_1698 = arith.index_cast %get3A_1696 : i32 to index
          %get3A_1699 = arith.index_cast %scan3A_1124 : i32 to index
          %get3A_1700 = arith.constant 112 : index
          %get3A_1701 = tpu.vector_load %arg7[%get3A_1697, %get3A_1698, %get3A_1699, %get3A_1700] {strides = array<i32>} : memref<2x8x16x128xf32, #tpu.memory_space<vmem>>, vector<1x1x1x16xf32>,
          %get3A_1702 = vector.shape_cast %get3A_1701 : vector<1x1x1x16xf32> to vector<16xf32>
          %add3A_1703 = arith.addf %add3A_1694, %get3A_1702 : vector<16xf32>
          %get3A_1704 = arith.constant 1 : i32
          %get3A_1705 = arith.constant 4 : i32
          %get3A_1706 = arith.index_cast %get3A_1704 : i32 to index
          %get3A_1707 = arith.index_cast %get3A_1705 : i32 to index
          %get3A_1708 = arith.index_cast %scan3A_1124 : i32 to index
          %get3A_1709 = arith.constant 112 : index
          %get3A_1710 = tpu.vector_load %arg7[%get3A_1706, %get3A_1707, %get3A_1708, %get3A_1709] {strides = array<i32>} : memref<2x8x16x128xf32, #tpu.memory_space<vmem>>, vector<1x1x1x16xf32>,
          %get3A_1711 = vector.shape_cast %get3A_1710 : vector<1x1x1x16xf32> to vector<16xf32>
          %add3A_1712 = arith.addf %add3A_1703, %get3A_1711 : vector<16xf32>
          %get3A_1713 = arith.constant 1 : i32
          %get3A_1714 = arith.constant 5 : i32
          %get3A_1715 = arith.index_cast %get3A_1713 : i32 to index
          %get3A_1716 = arith.index_cast %get3A_1714 : i32 to index
          %get3A_1717 = arith.index_cast %scan3A_1124 : i32 to index
          %get3A_1718 = arith.constant 112 : index
          %get3A_1719 = tpu.vector_load %arg7[%get3A_1715, %get3A_1716, %get3A_1717, %get3A_1718] {strides = array<i32>} : memref<2x8x16x128xf32, #tpu.memory_space<vmem>>, vector<1x1x1x16xf32>,
          %get3A_1720 = vector.shape_cast %get3A_1719 : vector<1x1x1x16xf32> to vector<16xf32>
          %add3A_1721 = arith.addf %add3A_1712, %get3A_1720 : vector<16xf32>
          %get3A_1722 = arith.constant 1 : i32
          %get3A_1723 = arith.constant 6 : i32
          %get3A_1724 = arith.index_cast %get3A_1722 : i32 to index
          %get3A_1725 = arith.index_cast %get3A_1723 : i32 to index
          %get3A_1726 = arith.index_cast %scan3A_1124 : i32 to index
          %get3A_1727 = arith.constant 112 : index
          %get3A_1728 = tpu.vector_load %arg7[%get3A_1724, %get3A_1725, %get3A_1726, %get3A_1727] {strides = array<i32>} : memref<2x8x16x128xf32, #tpu.memory_space<vmem>>, vector<1x1x1x16xf32>,
          %get3A_1729 = vector.shape_cast %get3A_1728 : vector<1x1x1x16xf32> to vector<16xf32>
          %add3A_1730 = arith.addf %add3A_1721, %get3A_1729 : vector<16xf32>
          %get3A_1731 = arith.constant 1 : i32
          %get3A_1732 = arith.constant 7 : i32
          %get3A_1733 = arith.index_cast %get3A_1731 : i32 to index
          %get3A_1734 = arith.index_cast %get3A_1732 : i32 to index
          %get3A_1735 = arith.index_cast %scan3A_1124 : i32 to index
          %get3A_1736 = arith.constant 112 : index
          %get3A_1737 = tpu.vector_load %arg7[%get3A_1733, %get3A_1734, %get3A_1735, %get3A_1736] {strides = array<i32>} : memref<2x8x16x128xf32, #tpu.memory_space<vmem>>, vector<1x1x1x16xf32>,
          %get3A_1738 = vector.shape_cast %get3A_1737 : vector<1x1x1x16xf32> to vector<16xf32>
          %add3A_1739 = arith.addf %add3A_1730, %get3A_1738 : vector<16xf32>
          %swap3A_1740 = arith.constant 1 : i32
          %swap3A_1741 = arith.index_cast %swap3A_1740 : i32 to index
          %swap3A_1742 = arith.index_cast %scan3A_1124 : i32 to index
          %swap3A_1743 = arith.constant 112 : index
          %swap3A_1744 = tpu.vector_load %arg8[%swap3A_1741, %swap3A_1742, %swap3A_1743] {strides = array<i32>} : memref<2x16x128xf32, #tpu.memory_space<vmem>>, vector<1x1x16xf32>,
          %swap3A_1745 = vector.shape_cast %swap3A_1744 : vector<1x1x16xf32> to vector<16xf32>
          %swap3A_1746 = vector.shape_cast %add3A_1739 : vector<16xf32> to vector<1x1x16xf32>
          tpu.vector_store %arg8[%swap3A_1741, %swap3A_1742, %swap3A_1743], %swap3A_1746 {strides = array<i32>} : memref<2x16x128xf32, #tpu.memory_space<vmem>>, vector<1x1x16xf32>,
        }
        %scan3A_1107 = arith.constant 16 : i32
        %mul3A_1108 = arith.constant 16 : i32
        %mul3A_1109 = arith.muli %add3A_976, %mul3A_1108 : i32
        %add3A_1110 = arith.addi %add3A_63, %mul3A_1109 : i32
        %dma_start3A_1111 = arith.constant 1 : i32
        %dma_start3A_1112 = arith.constant 0 : i32
        %dma_start3A_1113 = arith.constant 0 : i32
        %dma_start3A_1114 = tpu.memref_slice %arg8[%dma_start3A_1111, %dma_start3A_1112, %dma_start3A_1113] : memref<2x16x128xf32, #tpu.memory_space<vmem>> -> memref<1x16x128xf32, #tpu.memory_space<vmem>>
        %dma_start3A_1115 = tpu.memref_squeeze %dma_start3A_1114 : memref<1x16x128xf32, #tpu.memory_space<vmem>> -> memref<16x128xf32, #tpu.memory_space<vmem>>
        %dma_start3A_1116 = arith.constant 0 : i32
        %dma_start3A_1117 = tpu.memref_slice %arg4[%add3A_1110, %dma_start3A_1116] : memref<204800x128xf32, #tpu.memory_space<hbm>> -> memref<16x128xf32, #tpu.memory_space<hbm>>
        %dma_start3A_1118 = arith.constant 0 : i32
        %dma_start3A_1119 = tpu.memref_slice %arg4[%add3A_1110, %dma_start3A_1118] : memref<204800x128xf32, #tpu.memory_space<hbm>> -> memref<16x128xf32, #tpu.memory_space<hbm>>
        %dma_start3A_1120 = arith.constant 0 : i32
        %dma_start3A_1121 = arith.constant 0 : i32
        %dma_start3A_1122 = tpu.memref_slice %arg8[%dma_start3A_1111, %dma_start3A_1120, %dma_start3A_1121] : memref<2x16x128xf32, #tpu.memory_space<vmem>> -> memref<1x16x128xf32, #tpu.memory_space<vmem>>
        %dma_start3A_1123 = tpu.memref_squeeze %dma_start3A_1122 : memref<1x16x128xf32, #tpu.memory_space<vmem>> -> memref<16x128xf32, #tpu.memory_space<vmem>>
        tpu.enqueue_dma source(%dma_start3A_1123 : memref<16x128xf32, #tpu.memory_space<vmem>>) target(%dma_start3A_1119 : memref<16x128xf32, #tpu.memory_space<hbm>>) target_semaphore(%arg13 : memref<!tpu.dma_semaphore, #tpu.memory_space<semaphore_mem>>)
      }
      %scan3A_202 = arith.constant 19 : i32
      %dma_start3A_203 = arith.constant 0 : i32
      %dma_start3A_204 = arith.constant 39 : i32
      %dma_start3A_205 = arith.constant 1 : i32
      %dma_start3A_206 = arith.constant 0 : i32
      %dma_start3A_207 = arith.constant 0 : i32
      %dma_start3A_208 = arith.constant 0 : i32
      %dma_start3A_209 = tpu.memref_slice %arg7[%dma_start3A_205, %dma_start3A_206, %dma_start3A_207, %dma_start3A_208] : memref<2x8x16x128xf32, #tpu.memory_space<vmem>> -> memref<1x1x16x128xf32, #tpu.memory_space<vmem>>
      %dma_start3A_210 = tpu.memref_squeeze %dma_start3A_209 : memref<1x1x16x128xf32, #tpu.memory_space<vmem>> -> memref<16x128xf32, #tpu.memory_space<vmem>>
      %dma_start3A_211 = arith.constant 0 : i32
      %dma_start3A_212 = tpu.memref_slice %arg6[%dma_start3A_203, %dma_start3A_204, %dma_start3A_211] : memref<8x40x16xi32, #tpu.memory_space<vmem>> -> memref<1x1x16xi32, #tpu.memory_space<vmem>>
      %dma_start3A_213 = tpu.memref_squeeze %dma_start3A_212 : memref<1x1x16xi32, #tpu.memory_space<vmem>> -> memref<16xi32, #tpu.memory_space<vmem>>
      %dma_start3A_214 = arith.constant 0 : i32
      %dma_start3A_215 = arith.constant 0 : i32
      %dma_start3A_216 = tpu.memref_slice %arg9[%dma_start3A_214, %dma_start3A_215] : memref<4616x128xf32, #tpu.memory_space<vmem_shared>> -> memref<4616x128xf32, #tpu.memory_space<vmem_shared>>
      tpu.enqueue_indirect_dma source(%dma_start3A_216 : memref<4616x128xf32, #tpu.memory_space<vmem_shared>>) target(%dma_start3A_210 : memref<16x128xf32, #tpu.memory_space<vmem>>) offsets(%dma_start3A_213 : memref<16xi32, #tpu.memory_space<vmem>>) semaphore(%arg11 : memref<!tpu.dma_semaphore, #tpu.memory_space<semaphore_mem>>)
      %dma_start3A_217 = arith.constant 1 : i32
      %dma_start3A_218 = arith.constant 39 : i32
      %dma_start3A_219 = arith.constant 1 : i32
      %dma_start3A_220 = arith.constant 1 : i32
      %dma_start3A_221 = arith.constant 0 : i32
      %dma_start3A_222 = arith.constant 0 : i32
      %dma_start3A_223 = tpu.memref_slice %arg7[%dma_start3A_219, %dma_start3A_220, %dma_start3A_221, %dma_start3A_222] : memref<2x8x16x128xf32, #tpu.memory_space<vmem>> -> memref<1x1x16x128xf32, #tpu.memory_space<vmem>>
      %dma_start3A_224 = tpu.memref_squeeze %dma_start3A_223 : memref<1x1x16x128xf32, #tpu.memory_space<vmem>> -> memref<16x128xf32, #tpu.memory_space<vmem>>
      %dma_start3A_225 = arith.constant 0 : i32
      %dma_start3A_226 = tpu.memref_slice %arg6[%dma_start3A_217, %dma_start3A_218, %dma_start3A_225] : memref<8x40x16xi32, #tpu.memory_space<vmem>> -> memref<1x1x16xi32, #tpu.memory_space<vmem>>
      %dma_start3A_227 = tpu.memref_squeeze %dma_start3A_226 : memref<1x1x16xi32, #tpu.memory_space<vmem>> -> memref<16xi32, #tpu.memory_space<vmem>>
      %dma_start3A_228 = arith.constant 0 : i32
      %dma_start3A_229 = arith.constant 0 : i32
      %dma_start3A_230 = tpu.memref_slice %arg9[%dma_start3A_228, %dma_start3A_229] : memref<4616x128xf32, #tpu.memory_space<vmem_shared>> -> memref<4616x128xf32, #tpu.memory_space<vmem_shared>>
      tpu.enqueue_indirect_dma source(%dma_start3A_230 : memref<4616x128xf32, #tpu.memory_space<vmem_shared>>) target(%dma_start3A_224 : memref<16x128xf32, #tpu.memory_space<vmem>>) offsets(%dma_start3A_227 : memref<16xi32, #tpu.memory_space<vmem>>) semaphore(%arg11 : memref<!tpu.dma_semaphore, #tpu.memory_space<semaphore_mem>>)
      %dma_start3A_231 = arith.constant 2 : i32
      %dma_start3A_232 = arith.constant 39 : i32
      %dma_start3A_233 = arith.constant 1 : i32
      %dma_start3A_234 = arith.constant 2 : i32
      %dma_start3A_235 = arith.constant 0 : i32
      %dma_start3A_236 = arith.constant 0 : i32
      %dma_start3A_237 = tpu.memref_slice %arg7[%dma_start3A_233, %dma_start3A_234, %dma_start3A_235, %dma_start3A_236] : memref<2x8x16x128xf32, #tpu.memory_space<vmem>> -> memref<1x1x16x128xf32, #tpu.memory_space<vmem>>
      %dma_start3A_238 = tpu.memref_squeeze %dma_start3A_237 : memref<1x1x16x128xf32, #tpu.memory_space<vmem>> -> memref<16x128xf32, #tpu.memory_space<vmem>>
      %dma_start3A_239 = arith.constant 0 : i32
      %dma_start3A_240 = tpu.memref_slice %arg6[%dma_start3A_231, %dma_start3A_232, %dma_start3A_239] : memref<8x40x16xi32, #tpu.memory_space<vmem>> -> memref<1x1x16xi32, #tpu.memory_space<vmem>>
      %dma_start3A_241 = tpu.memref_squeeze %dma_start3A_240 : memref<1x1x16xi32, #tpu.memory_space<vmem>> -> memref<16xi32, #tpu.memory_space<vmem>>
      %dma_start3A_242 = arith.constant 0 : i32
      %dma_start3A_243 = arith.constant 0 : i32
      %dma_start3A_244 = tpu.memref_slice %arg9[%dma_start3A_242, %dma_start3A_243] : memref<4616x128xf32, #tpu.memory_space<vmem_shared>> -> memref<4616x128xf32, #tpu.memory_space<vmem_shared>>
      tpu.enqueue_indirect_dma source(%dma_start3A_244 : memref<4616x128xf32, #tpu.memory_space<vmem_shared>>) target(%dma_start3A_238 : memref<16x128xf32, #tpu.memory_space<vmem>>) offsets(%dma_start3A_241 : memref<16xi32, #tpu.memory_space<vmem>>) semaphore(%arg11 : memref<!tpu.dma_semaphore, #tpu.memory_space<semaphore_mem>>)
      %dma_start3A_245 = arith.constant 3 : i32
      %dma_start3A_246 = arith.constant 39 : i32
      %dma_start3A_247 = arith.constant 1 : i32
      %dma_start3A_248 = arith.constant 3 : i32
      %dma_start3A_249 = arith.constant 0 : i32
      %dma_start3A_250 = arith.constant 0 : i32
      %dma_start3A_251 = tpu.memref_slice %arg7[%dma_start3A_247, %dma_start3A_248, %dma_start3A_249, %dma_start3A_250] : memref<2x8x16x128xf32, #tpu.memory_space<vmem>> -> memref<1x1x16x128xf32, #tpu.memory_space<vmem>>
      %dma_start3A_252 = tpu.memref_squeeze %dma_start3A_251 : memref<1x1x16x128xf32, #tpu.memory_space<vmem>> -> memref<16x128xf32, #tpu.memory_space<vmem>>
      %dma_start3A_253 = arith.constant 0 : i32
      %dma_start3A_254 = tpu.memref_slice %arg6[%dma_start3A_245, %dma_start3A_246, %dma_start3A_253] : memref<8x40x16xi32, #tpu.memory_space<vmem>> -> memref<1x1x16xi32, #tpu.memory_space<vmem>>
      %dma_start3A_255 = tpu.memref_squeeze %dma_start3A_254 : memref<1x1x16xi32, #tpu.memory_space<vmem>> -> memref<16xi32, #tpu.memory_space<vmem>>
      %dma_start3A_256 = arith.constant 0 : i32
      %dma_start3A_257 = arith.constant 0 : i32
      %dma_start3A_258 = tpu.memref_slice %arg9[%dma_start3A_256, %dma_start3A_257] : memref<4616x128xf32, #tpu.memory_space<vmem_shared>> -> memref<4616x128xf32, #tpu.memory_space<vmem_shared>>
      tpu.enqueue_indirect_dma source(%dma_start3A_258 : memref<4616x128xf32, #tpu.memory_space<vmem_shared>>) target(%dma_start3A_252 : memref<16x128xf32, #tpu.memory_space<vmem>>) offsets(%dma_start3A_255 : memref<16xi32, #tpu.memory_space<vmem>>) semaphore(%arg11 : memref<!tpu.dma_semaphore, #tpu.memory_space<semaphore_mem>>)
      %dma_start3A_259 = arith.constant 4 : i32
      %dma_start3A_260 = arith.constant 39 : i32
      %dma_start3A_261 = arith.constant 1 : i32
      %dma_start3A_262 = arith.constant 4 : i32
      %dma_start3A_263 = arith.constant 0 : i32
      %dma_start3A_264 = arith.constant 0 : i32
      %dma_start3A_265 = tpu.memref_slice %arg7[%dma_start3A_261, %dma_start3A_262, %dma_start3A_263, %dma_start3A_264] : memref<2x8x16x128xf32, #tpu.memory_space<vmem>> -> memref<1x1x16x128xf32, #tpu.memory_space<vmem>>
      %dma_start3A_266 = tpu.memref_squeeze %dma_start3A_265 : memref<1x1x16x128xf32, #tpu.memory_space<vmem>> -> memref<16x128xf32, #tpu.memory_space<vmem>>
      %dma_start3A_267 = arith.constant 0 : i32
      %dma_start3A_268 = tpu.memref_slice %arg6[%dma_start3A_259, %dma_start3A_260, %dma_start3A_267] : memref<8x40x16xi32, #tpu.memory_space<vmem>> -> memref<1x1x16xi32, #tpu.memory_space<vmem>>
      %dma_start3A_269 = tpu.memref_squeeze %dma_start3A_268 : memref<1x1x16xi32, #tpu.memory_space<vmem>> -> memref<16xi32, #tpu.memory_space<vmem>>
      %dma_start3A_270 = arith.constant 0 : i32
      %dma_start3A_271 = arith.constant 0 : i32
      %dma_start3A_272 = tpu.memref_slice %arg9[%dma_start3A_270, %dma_start3A_271] : memref<4616x128xf32, #tpu.memory_space<vmem_shared>> -> memref<4616x128xf32, #tpu.memory_space<vmem_shared>>
      tpu.enqueue_indirect_dma source(%dma_start3A_272 : memref<4616x128xf32, #tpu.memory_space<vmem_shared>>) target(%dma_start3A_266 : memref<16x128xf32, #tpu.memory_space<vmem>>) offsets(%dma_start3A_269 : memref<16xi32, #tpu.memory_space<vmem>>) semaphore(%arg11 : memref<!tpu.dma_semaphore, #tpu.memory_space<semaphore_mem>>)
      %dma_start3A_273 = arith.constant 5 : i32
      %dma_start3A_274 = arith.constant 39 : i32
      %dma_start3A_275 = arith.constant 1 : i32
      %dma_start3A_276 = arith.constant 5 : i32
      %dma_start3A_277 = arith.constant 0 : i32
      %dma_start3A_278 = arith.constant 0 : i32
      %dma_start3A_279 = tpu.memref_slice %arg7[%dma_start3A_275, %dma_start3A_276, %dma_start3A_277, %dma_start3A_278] : memref<2x8x16x128xf32, #tpu.memory_space<vmem>> -> memref<1x1x16x128xf32, #tpu.memory_space<vmem>>
      %dma_start3A_280 = tpu.memref_squeeze %dma_start3A_279 : memref<1x1x16x128xf32, #tpu.memory_space<vmem>> -> memref<16x128xf32, #tpu.memory_space<vmem>>
      %dma_start3A_281 = arith.constant 0 : i32
      %dma_start3A_282 = tpu.memref_slice %arg6[%dma_start3A_273, %dma_start3A_274, %dma_start3A_281] : memref<8x40x16xi32, #tpu.memory_space<vmem>> -> memref<1x1x16xi32, #tpu.memory_space<vmem>>
      %dma_start3A_283 = tpu.memref_squeeze %dma_start3A_282 : memref<1x1x16xi32, #tpu.memory_space<vmem>> -> memref<16xi32, #tpu.memory_space<vmem>>
      %dma_start3A_284 = arith.constant 0 : i32
      %dma_start3A_285 = arith.constant 0 : i32
      %dma_start3A_286 = tpu.memref_slice %arg9[%dma_start3A_284, %dma_start3A_285] : memref<4616x128xf32, #tpu.memory_space<vmem_shared>> -> memref<4616x128xf32, #tpu.memory_space<vmem_shared>>
      tpu.enqueue_indirect_dma source(%dma_start3A_286 : memref<4616x128xf32, #tpu.memory_space<vmem_shared>>) target(%dma_start3A_280 : memref<16x128xf32, #tpu.memory_space<vmem>>) offsets(%dma_start3A_283 : memref<16xi32, #tpu.memory_space<vmem>>) semaphore(%arg11 : memref<!tpu.dma_semaphore, #tpu.memory_space<semaphore_mem>>)
      %dma_start3A_287 = arith.constant 6 : i32
      %dma_start3A_288 = arith.constant 39 : i32
      %dma_start3A_289 = arith.constant 1 : i32
      %dma_start3A_290 = arith.constant 6 : i32
      %dma_start3A_291 = arith.constant 0 : i32
      %dma_start3A_292 = arith.constant 0 : i32
      %dma_start3A_293 = tpu.memref_slice %arg7[%dma_start3A_289, %dma_start3A_290, %dma_start3A_291, %dma_start3A_292] : memref<2x8x16x128xf32, #tpu.memory_space<vmem>> -> memref<1x1x16x128xf32, #tpu.memory_space<vmem>>
      %dma_start3A_294 = tpu.memref_squeeze %dma_start3A_293 : memref<1x1x16x128xf32, #tpu.memory_space<vmem>> -> memref<16x128xf32, #tpu.memory_space<vmem>>
      %dma_start3A_295 = arith.constant 0 : i32
      %dma_start3A_296 = tpu.memref_slice %arg6[%dma_start3A_287, %dma_start3A_288, %dma_start3A_295] : memref<8x40x16xi32, #tpu.memory_space<vmem>> -> memref<1x1x16xi32, #tpu.memory_space<vmem>>
      %dma_start3A_297 = tpu.memref_squeeze %dma_start3A_296 : memref<1x1x16xi32, #tpu.memory_space<vmem>> -> memref<16xi32, #tpu.memory_space<vmem>>
      %dma_start3A_298 = arith.constant 0 : i32
      %dma_start3A_299 = arith.constant 0 : i32
      %dma_start3A_300 = tpu.memref_slice %arg9[%dma_start3A_298, %dma_start3A_299] : memref<4616x128xf32, #tpu.memory_space<vmem_shared>> -> memref<4616x128xf32, #tpu.memory_space<vmem_shared>>
      tpu.enqueue_indirect_dma source(%dma_start3A_300 : memref<4616x128xf32, #tpu.memory_space<vmem_shared>>) target(%dma_start3A_294 : memref<16x128xf32, #tpu.memory_space<vmem>>) offsets(%dma_start3A_297 : memref<16xi32, #tpu.memory_space<vmem>>) semaphore(%arg11 : memref<!tpu.dma_semaphore, #tpu.memory_space<semaphore_mem>>)
      %dma_start3A_301 = arith.constant 7 : i32
      %dma_start3A_302 = arith.constant 39 : i32
      %dma_start3A_303 = arith.constant 1 : i32
      %dma_start3A_304 = arith.constant 7 : i32
      %dma_start3A_305 = arith.constant 0 : i32
      %dma_start3A_306 = arith.constant 0 : i32
      %dma_start3A_307 = tpu.memref_slice %arg7[%dma_start3A_303, %dma_start3A_304, %dma_start3A_305, %dma_start3A_306] : memref<2x8x16x128xf32, #tpu.memory_space<vmem>> -> memref<1x1x16x128xf32, #tpu.memory_space<vmem>>
      %dma_start3A_308 = tpu.memref_squeeze %dma_start3A_307 : memref<1x1x16x128xf32, #tpu.memory_space<vmem>> -> memref<16x128xf32, #tpu.memory_space<vmem>>
      %dma_start3A_309 = arith.constant 0 : i32
      %dma_start3A_310 = tpu.memref_slice %arg6[%dma_start3A_301, %dma_start3A_302, %dma_start3A_309] : memref<8x40x16xi32, #tpu.memory_space<vmem>> -> memref<1x1x16xi32, #tpu.memory_space<vmem>>
      %dma_start3A_311 = tpu.memref_squeeze %dma_start3A_310 : memref<1x1x16xi32, #tpu.memory_space<vmem>> -> memref<16xi32, #tpu.memory_space<vmem>>
      %dma_start3A_312 = arith.constant 0 : i32
      %dma_start3A_313 = arith.constant 0 : i32
      %dma_start3A_314 = tpu.memref_slice %arg9[%dma_start3A_312, %dma_start3A_313] : memref<4616x128xf32, #tpu.memory_space<vmem_shared>> -> memref<4616x128xf32, #tpu.memory_space<vmem_shared>>
      tpu.enqueue_indirect_dma source(%dma_start3A_314 : memref<4616x128xf32, #tpu.memory_space<vmem_shared>>) target(%dma_start3A_308 : memref<16x128xf32, #tpu.memory_space<vmem>>) offsets(%dma_start3A_311 : memref<16xi32, #tpu.memory_space<vmem>>) semaphore(%arg11 : memref<!tpu.dma_semaphore, #tpu.memory_space<semaphore_mem>>)
      %dma_wait3A_315 = arith.constant 0 : i32
      %dma_wait3A_316 = arith.constant 0 : i32
      %dma_wait3A_317 = arith.constant 0 : i32
      %dma_wait3A_318 = arith.constant 0 : i32
      %dma_wait3A_319 = arith.constant 0 : i32
      %dma_wait3A_320 = arith.constant 0 : i32
      %dma_wait3A_321 = tpu.memref_slice %arg7[%dma_wait3A_317, %dma_wait3A_318, %dma_wait3A_319, %dma_wait3A_320] : memref<2x8x16x128xf32, #tpu.memory_space<vmem>> -> memref<1x1x16x128xf32, #tpu.memory_space<vmem>>
      %dma_wait3A_322 = tpu.memref_squeeze %dma_wait3A_321 : memref<1x1x16x128xf32, #tpu.memory_space<vmem>> -> memref<16x128xf32, #tpu.memory_space<vmem>>
      %dma_wait3A_323 = arith.constant 0 : i32
      %dma_wait3A_324 = tpu.memref_slice %arg6[%dma_wait3A_315, %dma_wait3A_316, %dma_wait3A_323] : memref<8x40x16xi32, #tpu.memory_space<vmem>> -> memref<1x1x16xi32, #tpu.memory_space<vmem>>
      %dma_wait3A_325 = tpu.memref_squeeze %dma_wait3A_324 : memref<1x1x16xi32, #tpu.memory_space<vmem>> -> memref<16xi32, #tpu.memory_space<vmem>>
      %dma_wait3A_326 = arith.constant 0 : i32
      %dma_wait3A_327 = arith.constant 0 : i32
      %dma_wait3A_328 = tpu.memref_slice %arg9[%dma_wait3A_326, %dma_wait3A_327] : memref<4616x128xf32, #tpu.memory_space<vmem_shared>> -> memref<4616x128xf32, #tpu.memory_space<vmem_shared>>
      tpu.wait_indirect_dma semaphore(%arg10 : memref<!tpu.dma_semaphore, #tpu.memory_space<semaphore_mem>>) src(%dma_wait3A_328 : memref<4616x128xf32, #tpu.memory_space<vmem_shared>>) dst(%dma_wait3A_322 : memref<16x128xf32, #tpu.memory_space<vmem>>)
      %dma_wait3A_329 = arith.constant 1 : i32
      %dma_wait3A_330 = arith.constant 0 : i32
      %dma_wait3A_331 = arith.constant 0 : i32
      %dma_wait3A_332 = arith.constant 1 : i32
      %dma_wait3A_333 = arith.constant 0 : i32
      %dma_wait3A_334 = arith.constant 0 : i32
      %dma_wait3A_335 = tpu.memref_slice %arg7[%dma_wait3A_331, %dma_wait3A_332, %dma_wait3A_333, %dma_wait3A_334] : memref<2x8x16x128xf32, #tpu.memory_space<vmem>> -> memref<1x1x16x128xf32, #tpu.memory_space<vmem>>
      %dma_wait3A_336 = tpu.memref_squeeze %dma_wait3A_335 : memref<1x1x16x128xf32, #tpu.memory_space<vmem>> -> memref<16x128xf32, #tpu.memory_space<vmem>>
      %dma_wait3A_337 = arith.constant 0 : i32
      %dma_wait3A_338 = tpu.memref_slice %arg6[%dma_wait3A_329, %dma_wait3A_330, %dma_wait3A_337] : memref<8x40x16xi32, #tpu.memory_space<vmem>> -> memref<1x1x16xi32, #tpu.memory_space<vmem>>
      %dma_wait3A_339 = tpu.memref_squeeze %dma_wait3A_338 : memref<1x1x16xi32, #tpu.memory_space<vmem>> -> memref<16xi32, #tpu.memory_space<vmem>>
      %dma_wait3A_340 = arith.constant 0 : i32
      %dma_wait3A_341 = arith.constant 0 : i32
      %dma_wait3A_342 = tpu.memref_slice %arg9[%dma_wait3A_340, %dma_wait3A_341] : memref<4616x128xf32, #tpu.memory_space<vmem_shared>> -> memref<4616x128xf32, #tpu.memory_space<vmem_shared>>
      tpu.wait_indirect_dma semaphore(%arg10 : memref<!tpu.dma_semaphore, #tpu.memory_space<semaphore_mem>>) src(%dma_wait3A_342 : memref<4616x128xf32, #tpu.memory_space<vmem_shared>>) dst(%dma_wait3A_336 : memref<16x128xf32, #tpu.memory_space<vmem>>)
      %dma_wait3A_343 = arith.constant 2 : i32
      %dma_wait3A_344 = arith.constant 0 : i32
      %dma_wait3A_345 = arith.constant 0 : i32
      %dma_wait3A_346 = arith.constant 2 : i32
      %dma_wait3A_347 = arith.constant 0 : i32
      %dma_wait3A_348 = arith.constant 0 : i32
      %dma_wait3A_349 = tpu.memref_slice %arg7[%dma_wait3A_345, %dma_wait3A_346, %dma_wait3A_347, %dma_wait3A_348] : memref<2x8x16x128xf32, #tpu.memory_space<vmem>> -> memref<1x1x16x128xf32, #tpu.memory_space<vmem>>
      %dma_wait3A_350 = tpu.memref_squeeze %dma_wait3A_349 : memref<1x1x16x128xf32, #tpu.memory_space<vmem>> -> memref<16x128xf32, #tpu.memory_space<vmem>>
      %dma_wait3A_351 = arith.constant 0 : i32
      %dma_wait3A_352 = tpu.memref_slice %arg6[%dma_wait3A_343, %dma_wait3A_344, %dma_wait3A_351] : memref<8x40x16xi32, #tpu.memory_space<vmem>> -> memref<1x1x16xi32, #tpu.memory_space<vmem>>
      %dma_wait3A_353 = tpu.memref_squeeze %dma_wait3A_352 : memref<1x1x16xi32, #tpu.memory_space<vmem>> -> memref<16xi32, #tpu.memory_space<vmem>>
      %dma_wait3A_354 = arith.constant 0 : i32
      %dma_wait3A_355 = arith.constant 0 : i32
      %dma_wait3A_356 = tpu.memref_slice %arg9[%dma_wait3A_354, %dma_wait3A_355] : memref<4616x128xf32, #tpu.memory_space<vmem_shared>> -> memref<4616x128xf32, #tpu.memory_space<vmem_shared>>
      tpu.wait_indirect_dma semaphore(%arg10 : memref<!tpu.dma_semaphore, #tpu.memory_space<semaphore_mem>>) src(%dma_wait3A_356 : memref<4616x128xf32, #tpu.memory_space<vmem_shared>>) dst(%dma_wait3A_350 : memref<16x128xf32, #tpu.memory_space<vmem>>)
      %dma_wait3A_357 = arith.constant 3 : i32
      %dma_wait3A_358 = arith.constant 0 : i32
      %dma_wait3A_359 = arith.constant 0 : i32
      %dma_wait3A_360 = arith.constant 3 : i32
      %dma_wait3A_361 = arith.constant 0 : i32
      %dma_wait3A_362 = arith.constant 0 : i32
      %dma_wait3A_363 = tpu.memref_slice %arg7[%dma_wait3A_359, %dma_wait3A_360, %dma_wait3A_361, %dma_wait3A_362] : memref<2x8x16x128xf32, #tpu.memory_space<vmem>> -> memref<1x1x16x128xf32, #tpu.memory_space<vmem>>
      %dma_wait3A_364 = tpu.memref_squeeze %dma_wait3A_363 : memref<1x1x16x128xf32, #tpu.memory_space<vmem>> -> memref<16x128xf32, #tpu.memory_space<vmem>>
      %dma_wait3A_365 = arith.constant 0 : i32
      %dma_wait3A_366 = tpu.memref_slice %arg6[%dma_wait3A_357, %dma_wait3A_358, %dma_wait3A_365] : memref<8x40x16xi32, #tpu.memory_space<vmem>> -> memref<1x1x16xi32, #tpu.memory_space<vmem>>
      %dma_wait3A_367 = tpu.memref_squeeze %dma_wait3A_366 : memref<1x1x16xi32, #tpu.memory_space<vmem>> -> memref<16xi32, #tpu.memory_space<vmem>>
      %dma_wait3A_368 = arith.constant 0 : i32
      %dma_wait3A_369 = arith.constant 0 : i32
      %dma_wait3A_370 = tpu.memref_slice %arg9[%dma_wait3A_368, %dma_wait3A_369] : memref<4616x128xf32, #tpu.memory_space<vmem_shared>> -> memref<4616x128xf32, #tpu.memory_space<vmem_shared>>
      tpu.wait_indirect_dma semaphore(%arg10 : memref<!tpu.dma_semaphore, #tpu.memory_space<semaphore_mem>>) src(%dma_wait3A_370 : memref<4616x128xf32, #tpu.memory_space<vmem_shared>>) dst(%dma_wait3A_364 : memref<16x128xf32, #tpu.memory_space<vmem>>)
      %dma_wait3A_371 = arith.constant 4 : i32
      %dma_wait3A_372 = arith.constant 0 : i32
      %dma_wait3A_373 = arith.constant 0 : i32
      %dma_wait3A_374 = arith.constant 4 : i32
      %dma_wait3A_375 = arith.constant 0 : i32
      %dma_wait3A_376 = arith.constant 0 : i32
      %dma_wait3A_377 = tpu.memref_slice %arg7[%dma_wait3A_373, %dma_wait3A_374, %dma_wait3A_375, %dma_wait3A_376] : memref<2x8x16x128xf32, #tpu.memory_space<vmem>> -> memref<1x1x16x128xf32, #tpu.memory_space<vmem>>
      %dma_wait3A_378 = tpu.memref_squeeze %dma_wait3A_377 : memref<1x1x16x128xf32, #tpu.memory_space<vmem>> -> memref<16x128xf32, #tpu.memory_space<vmem>>
      %dma_wait3A_379 = arith.constant 0 : i32
      %dma_wait3A_380 = tpu.memref_slice %arg6[%dma_wait3A_371, %dma_wait3A_372, %dma_wait3A_379] : memref<8x40x16xi32, #tpu.memory_space<vmem>> -> memref<1x1x16xi32, #tpu.memory_space<vmem>>
      %dma_wait3A_381 = tpu.memref_squeeze %dma_wait3A_380 : memref<1x1x16xi32, #tpu.memory_space<vmem>> -> memref<16xi32, #tpu.memory_space<vmem>>
      %dma_wait3A_382 = arith.constant 0 : i32
      %dma_wait3A_383 = arith.constant 0 : i32
      %dma_wait3A_384 = tpu.memref_slice %arg9[%dma_wait3A_382, %dma_wait3A_383] : memref<4616x128xf32, #tpu.memory_space<vmem_shared>> -> memref<4616x128xf32, #tpu.memory_space<vmem_shared>>
      tpu.wait_indirect_dma semaphore(%arg10 : memref<!tpu.dma_semaphore, #tpu.memory_space<semaphore_mem>>) src(%dma_wait3A_384 : memref<4616x128xf32, #tpu.memory_space<vmem_shared>>) dst(%dma_wait3A_378 : memref<16x128xf32, #tpu.memory_space<vmem>>)
      %dma_wait3A_385 = arith.constant 5 : i32
      %dma_wait3A_386 = arith.constant 0 : i32
      %dma_wait3A_387 = arith.constant 0 : i32
      %dma_wait3A_388 = arith.constant 5 : i32
      %dma_wait3A_389 = arith.constant 0 : i32
      %dma_wait3A_390 = arith.constant 0 : i32
      %dma_wait3A_391 = tpu.memref_slice %arg7[%dma_wait3A_387, %dma_wait3A_388, %dma_wait3A_389, %dma_wait3A_390] : memref<2x8x16x128xf32, #tpu.memory_space<vmem>> -> memref<1x1x16x128xf32, #tpu.memory_space<vmem>>
      %dma_wait3A_392 = tpu.memref_squeeze %dma_wait3A_391 : memref<1x1x16x128xf32, #tpu.memory_space<vmem>> -> memref<16x128xf32, #tpu.memory_space<vmem>>
      %dma_wait3A_393 = arith.constant 0 : i32
      %dma_wait3A_394 = tpu.memref_slice %arg6[%dma_wait3A_385, %dma_wait3A_386, %dma_wait3A_393] : memref<8x40x16xi32, #tpu.memory_space<vmem>> -> memref<1x1x16xi32, #tpu.memory_space<vmem>>
      %dma_wait3A_395 = tpu.memref_squeeze %dma_wait3A_394 : memref<1x1x16xi32, #tpu.memory_space<vmem>> -> memref<16xi32, #tpu.memory_space<vmem>>
      %dma_wait3A_396 = arith.constant 0 : i32
      %dma_wait3A_397 = arith.constant 0 : i32
      %dma_wait3A_398 = tpu.memref_slice %arg9[%dma_wait3A_396, %dma_wait3A_397] : memref<4616x128xf32, #tpu.memory_space<vmem_shared>> -> memref<4616x128xf32, #tpu.memory_space<vmem_shared>>
      tpu.wait_indirect_dma semaphore(%arg10 : memref<!tpu.dma_semaphore, #tpu.memory_space<semaphore_mem>>) src(%dma_wait3A_398 : memref<4616x128xf32, #tpu.memory_space<vmem_shared>>) dst(%dma_wait3A_392 : memref<16x128xf32, #tpu.memory_space<vmem>>)
      %dma_wait3A_399 = arith.constant 6 : i32
      %dma_wait3A_400 = arith.constant 0 : i32
      %dma_wait3A_401 = arith.constant 0 : i32
      %dma_wait3A_402 = arith.constant 6 : i32
      %dma_wait3A_403 = arith.constant 0 : i32
      %dma_wait3A_404 = arith.constant 0 : i32
      %dma_wait3A_405 = tpu.memref_slice %arg7[%dma_wait3A_401, %dma_wait3A_402, %dma_wait3A_403, %dma_wait3A_404] : memref<2x8x16x128xf32, #tpu.memory_space<vmem>> -> memref<1x1x16x128xf32, #tpu.memory_space<vmem>>
      %dma_wait3A_406 = tpu.memref_squeeze %dma_wait3A_405 : memref<1x1x16x128xf32, #tpu.memory_space<vmem>> -> memref<16x128xf32, #tpu.memory_space<vmem>>
      %dma_wait3A_407 = arith.constant 0 : i32
      %dma_wait3A_408 = tpu.memref_slice %arg6[%dma_wait3A_399, %dma_wait3A_400, %dma_wait3A_407] : memref<8x40x16xi32, #tpu.memory_space<vmem>> -> memref<1x1x16xi32, #tpu.memory_space<vmem>>
      %dma_wait3A_409 = tpu.memref_squeeze %dma_wait3A_408 : memref<1x1x16xi32, #tpu.memory_space<vmem>> -> memref<16xi32, #tpu.memory_space<vmem>>
      %dma_wait3A_410 = arith.constant 0 : i32
      %dma_wait3A_411 = arith.constant 0 : i32
      %dma_wait3A_412 = tpu.memref_slice %arg9[%dma_wait3A_410, %dma_wait3A_411] : memref<4616x128xf32, #tpu.memory_space<vmem_shared>> -> memref<4616x128xf32, #tpu.memory_space<vmem_shared>>
      tpu.wait_indirect_dma semaphore(%arg10 : memref<!tpu.dma_semaphore, #tpu.memory_space<semaphore_mem>>) src(%dma_wait3A_412 : memref<4616x128xf32, #tpu.memory_space<vmem_shared>>) dst(%dma_wait3A_406 : memref<16x128xf32, #tpu.memory_space<vmem>>)
      %dma_wait3A_413 = arith.constant 7 : i32
      %dma_wait3A_414 = arith.constant 0 : i32
      %dma_wait3A_415 = arith.constant 0 : i32
      %dma_wait3A_416 = arith.constant 7 : i32
      %dma_wait3A_417 = arith.constant 0 : i32
      %dma_wait3A_418 = arith.constant 0 : i32
      %dma_wait3A_419 = tpu.memref_slice %arg7[%dma_wait3A_415, %dma_wait3A_416, %dma_wait3A_417, %dma_wait3A_418] : memref<2x8x16x128xf32, #tpu.memory_space<vmem>> -> memref<1x1x16x128xf32, #tpu.memory_space<vmem>>
      %dma_wait3A_420 = tpu.memref_squeeze %dma_wait3A_419 : memref<1x1x16x128xf32, #tpu.memory_space<vmem>> -> memref<16x128xf32, #tpu.memory_space<vmem>>
      %dma_wait3A_421 = arith.constant 0 : i32
      %dma_wait3A_422 = tpu.memref_slice %arg6[%dma_wait3A_413, %dma_wait3A_414, %dma_wait3A_421] : memref<8x40x16xi32, #tpu.memory_space<vmem>> -> memref<1x1x16xi32, #tpu.memory_space<vmem>>
      %dma_wait3A_423 = tpu.memref_squeeze %dma_wait3A_422 : memref<1x1x16xi32, #tpu.memory_space<vmem>> -> memref<16xi32, #tpu.memory_space<vmem>>
      %dma_wait3A_424 = arith.constant 0 : i32
      %dma_wait3A_425 = arith.constant 0 : i32
      %dma_wait3A_426 = tpu.memref_slice %arg9[%dma_wait3A_424, %dma_wait3A_425] : memref<4616x128xf32, #tpu.memory_space<vmem_shared>> -> memref<4616x128xf32, #tpu.memory_space<vmem_shared>>
      tpu.wait_indirect_dma semaphore(%arg10 : memref<!tpu.dma_semaphore, #tpu.memory_space<semaphore_mem>>) src(%dma_wait3A_426 : memref<4616x128xf32, #tpu.memory_space<vmem_shared>>) dst(%dma_wait3A_420 : memref<16x128xf32, #tpu.memory_space<vmem>>)
      %dma_wait3A_427 = arith.constant 0 : i32
      %dma_wait3A_428 = arith.constant 0 : i32
      %dma_wait3A_429 = arith.constant 0 : i32
      %dma_wait3A_430 = tpu.memref_slice %arg8[%dma_wait3A_427, %dma_wait3A_428, %dma_wait3A_429] : memref<2x16x128xf32, #tpu.memory_space<vmem>> -> memref<1x16x128xf32, #tpu.memory_space<vmem>>
      %dma_wait3A_431 = tpu.memref_squeeze %dma_wait3A_430 : memref<1x16x128xf32, #tpu.memory_space<vmem>> -> memref<16x128xf32, #tpu.memory_space<vmem>>
      %dma_wait3A_432 = arith.constant 0 : i32
      %dma_wait3A_433 = tpu.memref_slice %arg4[%mul3A_2, %dma_wait3A_432] : memref<204800x128xf32, #tpu.memory_space<hbm>> -> memref<16x128xf32, #tpu.memory_space<hbm>>
      %dma_wait3A_434 = arith.constant 0 : i32
      %dma_wait3A_435 = tpu.memref_slice %arg4[%mul3A_2, %dma_wait3A_434] : memref<204800x128xf32, #tpu.memory_space<hbm>> -> memref<16x128xf32, #tpu.memory_space<hbm>>
      %dma_wait3A_436 = arith.constant 0 : i32
      %dma_wait3A_437 = arith.constant 0 : i32
      %dma_wait3A_438 = tpu.memref_slice %arg8[%dma_wait3A_427, %dma_wait3A_436, %dma_wait3A_437] : memref<2x16x128xf32, #tpu.memory_space<vmem>> -> memref<1x16x128xf32, #tpu.memory_space<vmem>>
      %dma_wait3A_439 = tpu.memref_squeeze %dma_wait3A_438 : memref<1x16x128xf32, #tpu.memory_space<vmem>> -> memref<16x128xf32, #tpu.memory_space<vmem>>
      tpu.wait_dma2 semaphore(%arg12 : memref<!tpu.dma_semaphore, #tpu.memory_space<semaphore_mem>>) src(%dma_wait3A_439 : memref<16x128xf32, #tpu.memory_space<vmem>>) dst(%dma_wait3A_435 : memref<16x128xf32, #tpu.memory_space<hbm>>)
      %scan3A_440 = arith.constant 0 : i32
      %scan3A_441 = arith.constant 0 : i32
      %scan3A_442 = arith.constant 16 : i32
      %scan3A_443 = arith.addi %scan3A_441, %scan3A_442 : i32
      %scan3A_444 = arith.constant 1 : i32
      scf.for %scan3A_607 = %scan3A_441 to %scan3A_443 step %scan3A_444  : i32 {
        %get3A = arith.constant 0 : i32
        %get3A_608 = arith.constant 0 : i32
        %get3A_609 = arith.index_cast %get3A : i32 to index
        %get3A_610 = arith.index_cast %get3A_608 : i32 to index
        %get3A_611 = arith.index_cast %scan3A_607 : i32 to index
        %get3A_612 = arith.constant 0 : index
        %get3A_613 = tpu.vector_load %arg7[%get3A_609, %get3A_610, %get3A_611, %get3A_612] {strides = array<i32>} : memref<2x8x16x128xf32, #tpu.memory_space<vmem>>, vector<1x1x1x16xf32>,
        %get3A_614 = vector.shape_cast %get3A_613 : vector<1x1x1x16xf32> to vector<16xf32>
        %get3A_615 = arith.constant 0 : i32
        %get3A_616 = arith.constant 1 : i32
        %get3A_617 = arith.index_cast %get3A_615 : i32 to index
        %get3A_618 = arith.index_cast %get3A_616 : i32 to index
        %get3A_619 = arith.index_cast %scan3A_607 : i32 to index
        %get3A_620 = arith.constant 0 : index
        %get3A_621 = tpu.vector_load %arg7[%get3A_617, %get3A_618, %get3A_619, %get3A_620] {strides = array<i32>} : memref<2x8x16x128xf32, #tpu.memory_space<vmem>>, vector<1x1x1x16xf32>,
        %get3A_622 = vector.shape_cast %get3A_621 : vector<1x1x1x16xf32> to vector<16xf32>
        %add3A_623 = arith.addf %get3A_614, %get3A_622 : vector<16xf32>
        %get3A_624 = arith.constant 0 : i32
        %get3A_625 = arith.constant 2 : i32
        %get3A_626 = arith.index_cast %get3A_624 : i32 to index
        %get3A_627 = arith.index_cast %get3A_625 : i32 to index
        %get3A_628 = arith.index_cast %scan3A_607 : i32 to index
        %get3A_629 = arith.constant 0 : index
        %get3A_630 = tpu.vector_load %arg7[%get3A_626, %get3A_627, %get3A_628, %get3A_629] {strides = array<i32>} : memref<2x8x16x128xf32, #tpu.memory_space<vmem>>, vector<1x1x1x16xf32>,
        %get3A_631 = vector.shape_cast %get3A_630 : vector<1x1x1x16xf32> to vector<16xf32>
        %add3A_632 = arith.addf %add3A_623, %get3A_631 : vector<16xf32>
        %get3A_633 = arith.constant 0 : i32
        %get3A_634 = arith.constant 3 : i32
        %get3A_635 = arith.index_cast %get3A_633 : i32 to index
        %get3A_636 = arith.index_cast %get3A_634 : i32 to index
        %get3A_637 = arith.index_cast %scan3A_607 : i32 to index
        %get3A_638 = arith.constant 0 : index
        %get3A_639 = tpu.vector_load %arg7[%get3A_635, %get3A_636, %get3A_637, %get3A_638] {strides = array<i32>} : memref<2x8x16x128xf32, #tpu.memory_space<vmem>>, vector<1x1x1x16xf32>,
        %get3A_640 = vector.shape_cast %get3A_639 : vector<1x1x1x16xf32> to vector<16xf32>
        %add3A_641 = arith.addf %add3A_632, %get3A_640 : vector<16xf32>
        %get3A_642 = arith.constant 0 : i32
        %get3A_643 = arith.constant 4 : i32
        %get3A_644 = arith.index_cast %get3A_642 : i32 to index
        %get3A_645 = arith.index_cast %get3A_643 : i32 to index
        %get3A_646 = arith.index_cast %scan3A_607 : i32 to index
        %get3A_647 = arith.constant 0 : index
        %get3A_648 = tpu.vector_load %arg7[%get3A_644, %get3A_645, %get3A_646, %get3A_647] {strides = array<i32>} : memref<2x8x16x128xf32, #tpu.memory_space<vmem>>, vector<1x1x1x16xf32>,
        %get3A_649 = vector.shape_cast %get3A_648 : vector<1x1x1x16xf32> to vector<16xf32>
        %add3A_650 = arith.addf %add3A_641, %get3A_649 : vector<16xf32>
        %get3A_651 = arith.constant 0 : i32
        %get3A_652 = arith.constant 5 : i32
        %get3A_653 = arith.index_cast %get3A_651 : i32 to index
        %get3A_654 = arith.index_cast %get3A_652 : i32 to index
        %get3A_655 = arith.index_cast %scan3A_607 : i32 to index
        %get3A_656 = arith.constant 0 : index
        %get3A_657 = tpu.vector_load %arg7[%get3A_653, %get3A_654, %get3A_655, %get3A_656] {strides = array<i32>} : memref<2x8x16x128xf32, #tpu.memory_space<vmem>>, vector<1x1x1x16xf32>,
        %get3A_658 = vector.shape_cast %get3A_657 : vector<1x1x1x16xf32> to vector<16xf32>
        %add3A_659 = arith.addf %add3A_650, %get3A_658 : vector<16xf32>
        %get3A_660 = arith.constant 0 : i32
        %get3A_661 = arith.constant 6 : i32
        %get3A_662 = arith.index_cast %get3A_660 : i32 to index
        %get3A_663 = arith.index_cast %get3A_661 : i32 to index
        %get3A_664 = arith.index_cast %scan3A_607 : i32 to index
        %get3A_665 = arith.constant 0 : index
        %get3A_666 = tpu.vector_load %arg7[%get3A_662, %get3A_663, %get3A_664, %get3A_665] {strides = array<i32>} : memref<2x8x16x128xf32, #tpu.memory_space<vmem>>, vector<1x1x1x16xf32>,
        %get3A_667 = vector.shape_cast %get3A_666 : vector<1x1x1x16xf32> to vector<16xf32>
        %add3A_668 = arith.addf %add3A_659, %get3A_667 : vector<16xf32>
        %get3A_669 = arith.constant 0 : i32
        %get3A_670 = arith.constant 7 : i32
        %get3A_671 = arith.index_cast %get3A_669 : i32 to index
        %get3A_672 = arith.index_cast %get3A_670 : i32 to index
        %get3A_673 = arith.index_cast %scan3A_607 : i32 to index
        %get3A_674 = arith.constant 0 : index
        %get3A_675 = tpu.vector_load %arg7[%get3A_671, %get3A_672, %get3A_673, %get3A_674] {strides = array<i32>} : memref<2x8x16x128xf32, #tpu.memory_space<vmem>>, vector<1x1x1x16xf32>,
        %get3A_676 = vector.shape_cast %get3A_675 : vector<1x1x1x16xf32> to vector<16xf32>
        %add3A_677 = arith.addf %add3A_668, %get3A_676 : vector<16xf32>
        %swap3A = arith.constant 0 : i32
        %swap3A_678 = arith.index_cast %swap3A : i32 to index
        %swap3A_679 = arith.index_cast %scan3A_607 : i32 to index
        %swap3A_680 = arith.constant 0 : index
        %swap3A_681 = tpu.vector_load %arg8[%swap3A_678, %swap3A_679, %swap3A_680] {strides = array<i32>} : memref<2x16x128xf32, #tpu.memory_space<vmem>>, vector<1x1x16xf32>,
        %swap3A_682 = vector.shape_cast %swap3A_681 : vector<1x1x16xf32> to vector<16xf32>
        %swap3A_683 = vector.shape_cast %add3A_677 : vector<16xf32> to vector<1x1x16xf32>
        tpu.vector_store %arg8[%swap3A_678, %swap3A_679, %swap3A_680], %swap3A_683 {strides = array<i32>} : memref<2x16x128xf32, #tpu.memory_space<vmem>>, vector<1x1x16xf32>,
        %get3A_684 = arith.constant 0 : i32
        %get3A_685 = arith.constant 0 : i32
        %get3A_686 = arith.index_cast %get3A_684 : i32 to index
        %get3A_687 = arith.index_cast %get3A_685 : i32 to index
        %get3A_688 = arith.index_cast %scan3A_607 : i32 to index
        %get3A_689 = arith.constant 16 : index
        %get3A_690 = tpu.vector_load %arg7[%get3A_686, %get3A_687, %get3A_688, %get3A_689] {strides = array<i32>} : memref<2x8x16x128xf32, #tpu.memory_space<vmem>>, vector<1x1x1x16xf32>,
        %get3A_691 = vector.shape_cast %get3A_690 : vector<1x1x1x16xf32> to vector<16xf32>
        %get3A_692 = arith.constant 0 : i32
        %get3A_693 = arith.constant 1 : i32
        %get3A_694 = arith.index_cast %get3A_692 : i32 to index
        %get3A_695 = arith.index_cast %get3A_693 : i32 to index
        %get3A_696 = arith.index_cast %scan3A_607 : i32 to index
        %get3A_697 = arith.constant 16 : index
        %get3A_698 = tpu.vector_load %arg7[%get3A_694, %get3A_695, %get3A_696, %get3A_697] {strides = array<i32>} : memref<2x8x16x128xf32, #tpu.memory_space<vmem>>, vector<1x1x1x16xf32>,
        %get3A_699 = vector.shape_cast %get3A_698 : vector<1x1x1x16xf32> to vector<16xf32>
        %add3A_700 = arith.addf %get3A_691, %get3A_699 : vector<16xf32>
        %get3A_701 = arith.constant 0 : i32
        %get3A_702 = arith.constant 2 : i32
        %get3A_703 = arith.index_cast %get3A_701 : i32 to index
        %get3A_704 = arith.index_cast %get3A_702 : i32 to index
        %get3A_705 = arith.index_cast %scan3A_607 : i32 to index
        %get3A_706 = arith.constant 16 : index
        %get3A_707 = tpu.vector_load %arg7[%get3A_703, %get3A_704, %get3A_705, %get3A_706] {strides = array<i32>} : memref<2x8x16x128xf32, #tpu.memory_space<vmem>>, vector<1x1x1x16xf32>,
        %get3A_708 = vector.shape_cast %get3A_707 : vector<1x1x1x16xf32> to vector<16xf32>
        %add3A_709 = arith.addf %add3A_700, %get3A_708 : vector<16xf32>
        %get3A_710 = arith.constant 0 : i32
        %get3A_711 = arith.constant 3 : i32
        %get3A_712 = arith.index_cast %get3A_710 : i32 to index
        %get3A_713 = arith.index_cast %get3A_711 : i32 to index
        %get3A_714 = arith.index_cast %scan3A_607 : i32 to index
        %get3A_715 = arith.constant 16 : index
        %get3A_716 = tpu.vector_load %arg7[%get3A_712, %get3A_713, %get3A_714, %get3A_715] {strides = array<i32>} : memref<2x8x16x128xf32, #tpu.memory_space<vmem>>, vector<1x1x1x16xf32>,
        %get3A_717 = vector.shape_cast %get3A_716 : vector<1x1x1x16xf32> to vector<16xf32>
        %add3A_718 = arith.addf %add3A_709, %get3A_717 : vector<16xf32>
        %get3A_719 = arith.constant 0 : i32
        %get3A_720 = arith.constant 4 : i32
        %get3A_721 = arith.index_cast %get3A_719 : i32 to index
        %get3A_722 = arith.index_cast %get3A_720 : i32 to index
        %get3A_723 = arith.index_cast %scan3A_607 : i32 to index
        %get3A_724 = arith.constant 16 : index
        %get3A_725 = tpu.vector_load %arg7[%get3A_721, %get3A_722, %get3A_723, %get3A_724] {strides = array<i32>} : memref<2x8x16x128xf32, #tpu.memory_space<vmem>>, vector<1x1x1x16xf32>,
        %get3A_726 = vector.shape_cast %get3A_725 : vector<1x1x1x16xf32> to vector<16xf32>
        %add3A_727 = arith.addf %add3A_718, %get3A_726 : vector<16xf32>
        %get3A_728 = arith.constant 0 : i32
        %get3A_729 = arith.constant 5 : i32
        %get3A_730 = arith.index_cast %get3A_728 : i32 to index
        %get3A_731 = arith.index_cast %get3A_729 : i32 to index
        %get3A_732 = arith.index_cast %scan3A_607 : i32 to index
        %get3A_733 = arith.constant 16 : index
        %get3A_734 = tpu.vector_load %arg7[%get3A_730, %get3A_731, %get3A_732, %get3A_733] {strides = array<i32>} : memref<2x8x16x128xf32, #tpu.memory_space<vmem>>, vector<1x1x1x16xf32>,
        %get3A_735 = vector.shape_cast %get3A_734 : vector<1x1x1x16xf32> to vector<16xf32>
        %add3A_736 = arith.addf %add3A_727, %get3A_735 : vector<16xf32>
        %get3A_737 = arith.constant 0 : i32
        %get3A_738 = arith.constant 6 : i32
        %get3A_739 = arith.index_cast %get3A_737 : i32 to index
        %get3A_740 = arith.index_cast %get3A_738 : i32 to index
        %get3A_741 = arith.index_cast %scan3A_607 : i32 to index
        %get3A_742 = arith.constant 16 : index
        %get3A_743 = tpu.vector_load %arg7[%get3A_739, %get3A_740, %get3A_741, %get3A_742] {strides = array<i32>} : memref<2x8x16x128xf32, #tpu.memory_space<vmem>>, vector<1x1x1x16xf32>,
        %get3A_744 = vector.shape_cast %get3A_743 : vector<1x1x1x16xf32> to vector<16xf32>
        %add3A_745 = arith.addf %add3A_736, %get3A_744 : vector<16xf32>
        %get3A_746 = arith.constant 0 : i32
        %get3A_747 = arith.constant 7 : i32
        %get3A_748 = arith.index_cast %get3A_746 : i32 to index
        %get3A_749 = arith.index_cast %get3A_747 : i32 to index
        %get3A_750 = arith.index_cast %scan3A_607 : i32 to index
        %get3A_751 = arith.constant 16 : index
        %get3A_752 = tpu.vector_load %arg7[%get3A_748, %get3A_749, %get3A_750, %get3A_751] {strides = array<i32>} : memref<2x8x16x128xf32, #tpu.memory_space<vmem>>, vector<1x1x1x16xf32>,
        %get3A_753 = vector.shape_cast %get3A_752 : vector<1x1x1x16xf32> to vector<16xf32>
        %add3A_754 = arith.addf %add3A_745, %get3A_753 : vector<16xf32>
        %swap3A_755 = arith.constant 0 : i32
        %swap3A_756 = arith.index_cast %swap3A_755 : i32 to index
        %swap3A_757 = arith.index_cast %scan3A_607 : i32 to index
        %swap3A_758 = arith.constant 16 : index
        %swap3A_759 = tpu.vector_load %arg8[%swap3A_756, %swap3A_757, %swap3A_758] {strides = array<i32>} : memref<2x16x128xf32, #tpu.memory_space<vmem>>, vector<1x1x16xf32>,
        %swap3A_760 = vector.shape_cast %swap3A_759 : vector<1x1x16xf32> to vector<16xf32>
        %swap3A_761 = vector.shape_cast %add3A_754 : vector<16xf32> to vector<1x1x16xf32>
        tpu.vector_store %arg8[%swap3A_756, %swap3A_757, %swap3A_758], %swap3A_761 {strides = array<i32>} : memref<2x16x128xf32, #tpu.memory_space<vmem>>, vector<1x1x16xf32>,
        %get3A_762 = arith.constant 0 : i32
        %get3A_763 = arith.constant 0 : i32
        %get3A_764 = arith.index_cast %get3A_762 : i32 to index
        %get3A_765 = arith.index_cast %get3A_763 : i32 to index
        %get3A_766 = arith.index_cast %scan3A_607 : i32 to index
        %get3A_767 = arith.constant 32 : index
        %get3A_768 = tpu.vector_load %arg7[%get3A_764, %get3A_765, %get3A_766, %get3A_767] {strides = array<i32>} : memref<2x8x16x128xf32, #tpu.memory_space<vmem>>, vector<1x1x1x16xf32>,
        %get3A_769 = vector.shape_cast %get3A_768 : vector<1x1x1x16xf32> to vector<16xf32>
        %get3A_770 = arith.constant 0 : i32
        %get3A_771 = arith.constant 1 : i32
        %get3A_772 = arith.index_cast %get3A_770 : i32 to index
        %get3A_773 = arith.index_cast %get3A_771 : i32 to index
        %get3A_774 = arith.index_cast %scan3A_607 : i32 to index
        %get3A_775 = arith.constant 32 : index
        %get3A_776 = tpu.vector_load %arg7[%get3A_772, %get3A_773, %get3A_774, %get3A_775] {strides = array<i32>} : memref<2x8x16x128xf32, #tpu.memory_space<vmem>>, vector<1x1x1x16xf32>,
        %get3A_777 = vector.shape_cast %get3A_776 : vector<1x1x1x16xf32> to vector<16xf32>
        %add3A_778 = arith.addf %get3A_769, %get3A_777 : vector<16xf32>
        %get3A_779 = arith.constant 0 : i32
        %get3A_780 = arith.constant 2 : i32
        %get3A_781 = arith.index_cast %get3A_779 : i32 to index
        %get3A_782 = arith.index_cast %get3A_780 : i32 to index
        %get3A_783 = arith.index_cast %scan3A_607 : i32 to index
        %get3A_784 = arith.constant 32 : index
        %get3A_785 = tpu.vector_load %arg7[%get3A_781, %get3A_782, %get3A_783, %get3A_784] {strides = array<i32>} : memref<2x8x16x128xf32, #tpu.memory_space<vmem>>, vector<1x1x1x16xf32>,
        %get3A_786 = vector.shape_cast %get3A_785 : vector<1x1x1x16xf32> to vector<16xf32>
        %add3A_787 = arith.addf %add3A_778, %get3A_786 : vector<16xf32>
        %get3A_788 = arith.constant 0 : i32
        %get3A_789 = arith.constant 3 : i32
        %get3A_790 = arith.index_cast %get3A_788 : i32 to index
        %get3A_791 = arith.index_cast %get3A_789 : i32 to index
        %get3A_792 = arith.index_cast %scan3A_607 : i32 to index
        %get3A_793 = arith.constant 32 : index
        %get3A_794 = tpu.vector_load %arg7[%get3A_790, %get3A_791, %get3A_792, %get3A_793] {strides = array<i32>} : memref<2x8x16x128xf32, #tpu.memory_space<vmem>>, vector<1x1x1x16xf32>,
        %get3A_795 = vector.shape_cast %get3A_794 : vector<1x1x1x16xf32> to vector<16xf32>
        %add3A_796 = arith.addf %add3A_787, %get3A_795 : vector<16xf32>
        %get3A_797 = arith.constant 0 : i32
        %get3A_798 = arith.constant 4 : i32
        %get3A_799 = arith.index_cast %get3A_797 : i32 to index
        %get3A_800 = arith.index_cast %get3A_798 : i32 to index
        %get3A_801 = arith.index_cast %scan3A_607 : i32 to index
        %get3A_802 = arith.constant 32 : index
        %get3A_803 = tpu.vector_load %arg7[%get3A_799, %get3A_800, %get3A_801, %get3A_802] {strides = array<i32>} : memref<2x8x16x128xf32, #tpu.memory_space<vmem>>, vector<1x1x1x16xf32>,
        %get3A_804 = vector.shape_cast %get3A_803 : vector<1x1x1x16xf32> to vector<16xf32>
        %add3A_805 = arith.addf %add3A_796, %get3A_804 : vector<16xf32>
        %get3A_806 = arith.constant 0 : i32
        %get3A_807 = arith.constant 5 : i32
        %get3A_808 = arith.index_cast %get3A_806 : i32 to index
        %get3A_809 = arith.index_cast %get3A_807 : i32 to index
        %get3A_810 = arith.index_cast %scan3A_607 : i32 to index
        %get3A_811 = arith.constant 32 : index
        %get3A_812 = tpu.vector_load %arg7[%get3A_808, %get3A_809, %get3A_810, %get3A_811] {strides = array<i32>} : memref<2x8x16x128xf32, #tpu.memory_space<vmem>>, vector<1x1x1x16xf32>,
        %get3A_813 = vector.shape_cast %get3A_812 : vector<1x1x1x16xf32> to vector<16xf32>
        %add3A_814 = arith.addf %add3A_805, %get3A_813 : vector<16xf32>
        %get3A_815 = arith.constant 0 : i32
        %get3A_816 = arith.constant 6 : i32
        %get3A_817 = arith.index_cast %get3A_815 : i32 to index
        %get3A_818 = arith.index_cast %get3A_816 : i32 to index
        %get3A_819 = arith.index_cast %scan3A_607 : i32 to index
        %get3A_820 = arith.constant 32 : index
        %get3A_821 = tpu.vector_load %arg7[%get3A_817, %get3A_818, %get3A_819, %get3A_820] {strides = array<i32>} : memref<2x8x16x128xf32, #tpu.memory_space<vmem>>, vector<1x1x1x16xf32>,
        %get3A_822 = vector.shape_cast %get3A_821 : vector<1x1x1x16xf32> to vector<16xf32>
        %add3A_823 = arith.addf %add3A_814, %get3A_822 : vector<16xf32>
        %get3A_824 = arith.constant 0 : i32
        %get3A_825 = arith.constant 7 : i32
        %get3A_826 = arith.index_cast %get3A_824 : i32 to index
        %get3A_827 = arith.index_cast %get3A_825 : i32 to index
        %get3A_828 = arith.index_cast %scan3A_607 : i32 to index
        %get3A_829 = arith.constant 32 : index
        %get3A_830 = tpu.vector_load %arg7[%get3A_826, %get3A_827, %get3A_828, %get3A_829] {strides = array<i32>} : memref<2x8x16x128xf32, #tpu.memory_space<vmem>>, vector<1x1x1x16xf32>,
        %get3A_831 = vector.shape_cast %get3A_830 : vector<1x1x1x16xf32> to vector<16xf32>
        %add3A_832 = arith.addf %add3A_823, %get3A_831 : vector<16xf32>
        %swap3A_833 = arith.constant 0 : i32
        %swap3A_834 = arith.index_cast %swap3A_833 : i32 to index
        %swap3A_835 = arith.index_cast %scan3A_607 : i32 to index
        %swap3A_836 = arith.constant 32 : index
        %swap3A_837 = tpu.vector_load %arg8[%swap3A_834, %swap3A_835, %swap3A_836] {strides = array<i32>} : memref<2x16x128xf32, #tpu.memory_space<vmem>>, vector<1x1x16xf32>,
        %swap3A_838 = vector.shape_cast %swap3A_837 : vector<1x1x16xf32> to vector<16xf32>
        %swap3A_839 = vector.shape_cast %add3A_832 : vector<16xf32> to vector<1x1x16xf32>
        tpu.vector_store %arg8[%swap3A_834, %swap3A_835, %swap3A_836], %swap3A_839 {strides = array<i32>} : memref<2x16x128xf32, #tpu.memory_space<vmem>>, vector<1x1x16xf32>,
        %get3A_840 = arith.constant 0 : i32
        %get3A_841 = arith.constant 0 : i32
        %get3A_842 = arith.index_cast %get3A_840 : i32 to index
        %get3A_843 = arith.index_cast %get3A_841 : i32 to index
        %get3A_844 = arith.index_cast %scan3A_607 : i32 to index
        %get3A_845 = arith.constant 48 : index
        %get3A_846 = tpu.vector_load %arg7[%get3A_842, %get3A_843, %get3A_844, %get3A_845] {strides = array<i32>} : memref<2x8x16x128xf32, #tpu.memory_space<vmem>>, vector<1x1x1x16xf32>,
        %get3A_847 = vector.shape_cast %get3A_846 : vector<1x1x1x16xf32> to vector<16xf32>
        %get3A_848 = arith.constant 0 : i32
        %get3A_849 = arith.constant 1 : i32
        %get3A_850 = arith.index_cast %get3A_848 : i32 to index
        %get3A_851 = arith.index_cast %get3A_849 : i32 to index
        %get3A_852 = arith.index_cast %scan3A_607 : i32 to index
        %get3A_853 = arith.constant 48 : index
        %get3A_854 = tpu.vector_load %arg7[%get3A_850, %get3A_851, %get3A_852, %get3A_853] {strides = array<i32>} : memref<2x8x16x128xf32, #tpu.memory_space<vmem>>, vector<1x1x1x16xf32>,
        %get3A_855 = vector.shape_cast %get3A_854 : vector<1x1x1x16xf32> to vector<16xf32>
        %add3A_856 = arith.addf %get3A_847, %get3A_855 : vector<16xf32>
        %get3A_857 = arith.constant 0 : i32
        %get3A_858 = arith.constant 2 : i32
        %get3A_859 = arith.index_cast %get3A_857 : i32 to index
        %get3A_860 = arith.index_cast %get3A_858 : i32 to index
        %get3A_861 = arith.index_cast %scan3A_607 : i32 to index
        %get3A_862 = arith.constant 48 : index
        %get3A_863 = tpu.vector_load %arg7[%get3A_859, %get3A_860, %get3A_861, %get3A_862] {strides = array<i32>} : memref<2x8x16x128xf32, #tpu.memory_space<vmem>>, vector<1x1x1x16xf32>,
        %get3A_864 = vector.shape_cast %get3A_863 : vector<1x1x1x16xf32> to vector<16xf32>
        %add3A_865 = arith.addf %add3A_856, %get3A_864 : vector<16xf32>
        %get3A_866 = arith.constant 0 : i32
        %get3A_867 = arith.constant 3 : i32
        %get3A_868 = arith.index_cast %get3A_866 : i32 to index
        %get3A_869 = arith.index_cast %get3A_867 : i32 to index
        %get3A_870 = arith.index_cast %scan3A_607 : i32 to index
        %get3A_871 = arith.constant 48 : index
        %get3A_872 = tpu.vector_load %arg7[%get3A_868, %get3A_869, %get3A_870, %get3A_871] {strides = array<i32>} : memref<2x8x16x128xf32, #tpu.memory_space<vmem>>, vector<1x1x1x16xf32>,
        %get3A_873 = vector.shape_cast %get3A_872 : vector<1x1x1x16xf32> to vector<16xf32>
        %add3A_874 = arith.addf %add3A_865, %get3A_873 : vector<16xf32>
        %get3A_875 = arith.constant 0 : i32
        %get3A_876 = arith.constant 4 : i32
        %get3A_877 = arith.index_cast %get3A_875 : i32 to index
        %get3A_878 = arith.index_cast %get3A_876 : i32 to index
        %get3A_879 = arith.index_cast %scan3A_607 : i32 to index
        %get3A_880 = arith.constant 48 : index
        %get3A_881 = tpu.vector_load %arg7[%get3A_877, %get3A_878, %get3A_879, %get3A_880] {strides = array<i32>} : memref<2x8x16x128xf32, #tpu.memory_space<vmem>>, vector<1x1x1x16xf32>,
        %get3A_882 = vector.shape_cast %get3A_881 : vector<1x1x1x16xf32> to vector<16xf32>
        %add3A_883 = arith.addf %add3A_874, %get3A_882 : vector<16xf32>
        %get3A_884 = arith.constant 0 : i32
        %get3A_885 = arith.constant 5 : i32
        %get3A_886 = arith.index_cast %get3A_884 : i32 to index
        %get3A_887 = arith.index_cast %get3A_885 : i32 to index
        %get3A_888 = arith.index_cast %scan3A_607 : i32 to index
        %get3A_889 = arith.constant 48 : index
        %get3A_890 = tpu.vector_load %arg7[%get3A_886, %get3A_887, %get3A_888, %get3A_889] {strides = array<i32>} : memref<2x8x16x128xf32, #tpu.memory_space<vmem>>, vector<1x1x1x16xf32>,
        %get3A_891 = vector.shape_cast %get3A_890 : vector<1x1x1x16xf32> to vector<16xf32>
        %add3A_892 = arith.addf %add3A_883, %get3A_891 : vector<16xf32>
        %get3A_893 = arith.constant 0 : i32
        %get3A_894 = arith.constant 6 : i32
        %get3A_895 = arith.index_cast %get3A_893 : i32 to index
        %get3A_896 = arith.index_cast %get3A_894 : i32 to index
        %get3A_897 = arith.index_cast %scan3A_607 : i32 to index
        %get3A_898 = arith.constant 48 : index
        %get3A_899 = tpu.vector_load %arg7[%get3A_895, %get3A_896, %get3A_897, %get3A_898] {strides = array<i32>} : memref<2x8x16x128xf32, #tpu.memory_space<vmem>>, vector<1x1x1x16xf32>,
        %get3A_900 = vector.shape_cast %get3A_899 : vector<1x1x1x16xf32> to vector<16xf32>
        %add3A_901 = arith.addf %add3A_892, %get3A_900 : vector<16xf32>
        %get3A_902 = arith.constant 0 : i32
        %get3A_903 = arith.constant 7 : i32
        %get3A_904 = arith.index_cast %get3A_902 : i32 to index
        %get3A_905 = arith.index_cast %get3A_903 : i32 to index
        %get3A_906 = arith.index_cast %scan3A_607 : i32 to index
        %get3A_907 = arith.constant 48 : index
        %get3A_908 = tpu.vector_load %arg7[%get3A_904, %get3A_905, %get3A_906, %get3A_907] {strides = array<i32>} : memref<2x8x16x128xf32, #tpu.memory_space<vmem>>, vector<1x1x1x16xf32>,
        %get3A_909 = vector.shape_cast %get3A_908 : vector<1x1x1x16xf32> to vector<16xf32>
        %add3A_910 = arith.addf %add3A_901, %get3A_909 : vector<16xf32>
        %swap3A_911 = arith.constant 0 : i32
        %swap3A_912 = arith.index_cast %swap3A_911 : i32 to index
        %swap3A_913 = arith.index_cast %scan3A_607 : i32 to index
        %swap3A_914 = arith.constant 48 : index
        %swap3A_915 = tpu.vector_load %arg8[%swap3A_912, %swap3A_913, %swap3A_914] {strides = array<i32>} : memref<2x16x128xf32, #tpu.memory_space<vmem>>, vector<1x1x16xf32>,
        %swap3A_916 = vector.shape_cast %swap3A_915 : vector<1x1x16xf32> to vector<16xf32>
        %swap3A_917 = vector.shape_cast %add3A_910 : vector<16xf32> to vector<1x1x16xf32>
        tpu.vector_store %arg8[%swap3A_912, %swap3A_913, %swap3A_914], %swap3A_917 {strides = array<i32>} : memref<2x16x128xf32, #tpu.memory_space<vmem>>, vector<1x1x16xf32>,
        %get3A_918 = arith.constant 0 : i32
        %get3A_919 = arith.constant 0 : i32
        %get3A_920 = arith.index_cast %get3A_918 : i32 to index
        %get3A_921 = arith.index_cast %get3A_919 : i32 to index
        %get3A_922 = arith.index_cast %scan3A_607 : i32 to index
        %get3A_923 = arith.constant 64 : index
        %get3A_924 = tpu.vector_load %arg7[%get3A_920, %get3A_921, %get3A_922, %get3A_923] {strides = array<i32>} : memref<2x8x16x128xf32, #tpu.memory_space<vmem>>, vector<1x1x1x16xf32>,
        %get3A_925 = vector.shape_cast %get3A_924 : vector<1x1x1x16xf32> to vector<16xf32>
        %get3A_926 = arith.constant 0 : i32
        %get3A_927 = arith.constant 1 : i32
        %get3A_928 = arith.index_cast %get3A_926 : i32 to index
        %get3A_929 = arith.index_cast %get3A_927 : i32 to index
        %get3A_930 = arith.index_cast %scan3A_607 : i32 to index
        %get3A_931 = arith.constant 64 : index
        %get3A_932 = tpu.vector_load %arg7[%get3A_928, %get3A_929, %get3A_930, %get3A_931] {strides = array<i32>} : memref<2x8x16x128xf32, #tpu.memory_space<vmem>>, vector<1x1x1x16xf32>,
        %get3A_933 = vector.shape_cast %get3A_932 : vector<1x1x1x16xf32> to vector<16xf32>
        %add3A_934 = arith.addf %get3A_925, %get3A_933 : vector<16xf32>
        %get3A_935 = arith.constant 0 : i32
        %get3A_936 = arith.constant 2 : i32
        %get3A_937 = arith.index_cast %get3A_935 : i32 to index
        %get3A_938 = arith.index_cast %get3A_936 : i32 to index
        %get3A_939 = arith.index_cast %scan3A_607 : i32 to index
        %get3A_940 = arith.constant 64 : index
        %get3A_941 = tpu.vector_load %arg7[%get3A_937, %get3A_938, %get3A_939, %get3A_940] {strides = array<i32>} : memref<2x8x16x128xf32, #tpu.memory_space<vmem>>, vector<1x1x1x16xf32>,
        %get3A_942 = vector.shape_cast %get3A_941 : vector<1x1x1x16xf32> to vector<16xf32>
        %add3A_943 = arith.addf %add3A_934, %get3A_942 : vector<16xf32>
        %get3A_944 = arith.constant 0 : i32
        %get3A_945 = arith.constant 3 : i32
        %get3A_946 = arith.index_cast %get3A_944 : i32 to index
        %get3A_947 = arith.index_cast %get3A_945 : i32 to index
        %get3A_948 = arith.index_cast %scan3A_607 : i32 to index
        %get3A_949 = arith.constant 64 : index
        %get3A_950 = tpu.vector_load %arg7[%get3A_946, %get3A_947, %get3A_948, %get3A_949] {strides = array<i32>} : memref<2x8x16x128xf32, #tpu.memory_space<vmem>>, vector<1x1x1x16xf32>,
        %get3A_951 = vector.shape_cast %get3A_950 : vector<1x1x1x16xf32> to vector<16xf32>
        %add3A_952 = arith.addf %add3A_943, %get3A_951 : vector<16xf32>
        %get3A_953 = arith.constant 0 : i32
        %get3A_954 = arith.constant 4 : i32
        %get3A_955 = arith.index_cast %get3A_953 : i32 to index
        %get3A_956 = arith.index_cast %get3A_954 : i32 to index
        %get3A_957 = arith.index_cast %scan3A_607 : i32 to index
        %get3A_958 = arith.constant 64 : index
        %get3A_959 = tpu.vector_load %arg7[%get3A_955, %get3A_956, %get3A_957, %get3A_958] {strides = array<i32>} : memref<2x8x16x128xf32, #tpu.memory_space<vmem>>, vector<1x1x1x16xf32>,
        %get3A_960 = vector.shape_cast %get3A_959 : vector<1x1x1x16xf32> to vector<16xf32>
        %add3A_961 = arith.addf %add3A_952, %get3A_960 : vector<16xf32>
        %get3A_962 = arith.constant 0 : i32
        %get3A_963 = arith.constant 5 : i32
        %get3A_964 = arith.index_cast %get3A_962 : i32 to index
        %get3A_965 = arith.index_cast %get3A_963 : i32 to index
        %get3A_966 = arith.index_cast %scan3A_607 : i32 to index
        %get3A_967 = arith.constant 64 : index
        %get3A_968 = tpu.vector_load %arg7[%get3A_964, %get3A_965, %get3A_966, %get3A_967] {strides = array<i32>} : memref<2x8x16x128xf32, #tpu.memory_space<vmem>>, vector<1x1x1x16xf32>,
        %get3A_969 = vector.shape_cast %get3A_968 : vector<1x1x1x16xf32> to vector<16xf32>
        %add3A_970 = arith.addf %add3A_961, %get3A_969 : vector<16xf32>
        %get3A_971 = arith.constant 0 : i32
        %get3A_972 = arith.constant 6 : i32
        %get3A_973 = arith.index_cast %get3A_971 : i32 to index
        %get3A_974 = arith.index_cast %get3A_972 : i32 to index
        %get3A_975 = arith.index_cast %scan3A_607 : i32 to index
        %get3A_976 = arith.constant 64 : index
        %get3A_977 = tpu.vector_load %arg7[%get3A_973, %get3A_974, %get3A_975, %get3A_976] {strides = array<i32>} : memref<2x8x16x128xf32, #tpu.memory_space<vmem>>, vector<1x1x1x16xf32>,
        %get3A_978 = vector.shape_cast %get3A_977 : vector<1x1x1x16xf32> to vector<16xf32>
        %add3A_979 = arith.addf %add3A_970, %get3A_978 : vector<16xf32>
        %get3A_980 = arith.constant 0 : i32
        %get3A_981 = arith.constant 7 : i32
        %get3A_982 = arith.index_cast %get3A_980 : i32 to index
        %get3A_983 = arith.index_cast %get3A_981 : i32 to index
        %get3A_984 = arith.index_cast %scan3A_607 : i32 to index
        %get3A_985 = arith.constant 64 : index
        %get3A_986 = tpu.vector_load %arg7[%get3A_982, %get3A_983, %get3A_984, %get3A_985] {strides = array<i32>} : memref<2x8x16x128xf32, #tpu.memory_space<vmem>>, vector<1x1x1x16xf32>,
        %get3A_987 = vector.shape_cast %get3A_986 : vector<1x1x1x16xf32> to vector<16xf32>
        %add3A_988 = arith.addf %add3A_979, %get3A_987 : vector<16xf32>
        %swap3A_989 = arith.constant 0 : i32
        %swap3A_990 = arith.index_cast %swap3A_989 : i32 to index
        %swap3A_991 = arith.index_cast %scan3A_607 : i32 to index
        %swap3A_992 = arith.constant 64 : index
        %swap3A_993 = tpu.vector_load %arg8[%swap3A_990, %swap3A_991, %swap3A_992] {strides = array<i32>} : memref<2x16x128xf32, #tpu.memory_space<vmem>>, vector<1x1x16xf32>,
        %swap3A_994 = vector.shape_cast %swap3A_993 : vector<1x1x16xf32> to vector<16xf32>
        %swap3A_995 = vector.shape_cast %add3A_988 : vector<16xf32> to vector<1x1x16xf32>
        tpu.vector_store %arg8[%swap3A_990, %swap3A_991, %swap3A_992], %swap3A_995 {strides = array<i32>} : memref<2x16x128xf32, #tpu.memory_space<vmem>>, vector<1x1x16xf32>,
        %get3A_996 = arith.constant 0 : i32
        %get3A_997 = arith.constant 0 : i32
        %get3A_998 = arith.index_cast %get3A_996 : i32 to index
        %get3A_999 = arith.index_cast %get3A_997 : i32 to index
        %get3A_1000 = arith.index_cast %scan3A_607 : i32 to index
        %get3A_1001 = arith.constant 80 : index
        %get3A_1002 = tpu.vector_load %arg7[%get3A_998, %get3A_999, %get3A_1000, %get3A_1001] {strides = array<i32>} : memref<2x8x16x128xf32, #tpu.memory_space<vmem>>, vector<1x1x1x16xf32>,
        %get3A_1003 = vector.shape_cast %get3A_1002 : vector<1x1x1x16xf32> to vector<16xf32>
        %get3A_1004 = arith.constant 0 : i32
        %get3A_1005 = arith.constant 1 : i32
        %get3A_1006 = arith.index_cast %get3A_1004 : i32 to index
        %get3A_1007 = arith.index_cast %get3A_1005 : i32 to index
        %get3A_1008 = arith.index_cast %scan3A_607 : i32 to index
        %get3A_1009 = arith.constant 80 : index
        %get3A_1010 = tpu.vector_load %arg7[%get3A_1006, %get3A_1007, %get3A_1008, %get3A_1009] {strides = array<i32>} : memref<2x8x16x128xf32, #tpu.memory_space<vmem>>, vector<1x1x1x16xf32>,
        %get3A_1011 = vector.shape_cast %get3A_1010 : vector<1x1x1x16xf32> to vector<16xf32>
        %add3A_1012 = arith.addf %get3A_1003, %get3A_1011 : vector<16xf32>
        %get3A_1013 = arith.constant 0 : i32
        %get3A_1014 = arith.constant 2 : i32
        %get3A_1015 = arith.index_cast %get3A_1013 : i32 to index
        %get3A_1016 = arith.index_cast %get3A_1014 : i32 to index
        %get3A_1017 = arith.index_cast %scan3A_607 : i32 to index
        %get3A_1018 = arith.constant 80 : index
        %get3A_1019 = tpu.vector_load %arg7[%get3A_1015, %get3A_1016, %get3A_1017, %get3A_1018] {strides = array<i32>} : memref<2x8x16x128xf32, #tpu.memory_space<vmem>>, vector<1x1x1x16xf32>,
        %get3A_1020 = vector.shape_cast %get3A_1019 : vector<1x1x1x16xf32> to vector<16xf32>
        %add3A_1021 = arith.addf %add3A_1012, %get3A_1020 : vector<16xf32>
        %get3A_1022 = arith.constant 0 : i32
        %get3A_1023 = arith.constant 3 : i32
        %get3A_1024 = arith.index_cast %get3A_1022 : i32 to index
        %get3A_1025 = arith.index_cast %get3A_1023 : i32 to index
        %get3A_1026 = arith.index_cast %scan3A_607 : i32 to index
        %get3A_1027 = arith.constant 80 : index
        %get3A_1028 = tpu.vector_load %arg7[%get3A_1024, %get3A_1025, %get3A_1026, %get3A_1027] {strides = array<i32>} : memref<2x8x16x128xf32, #tpu.memory_space<vmem>>, vector<1x1x1x16xf32>,
        %get3A_1029 = vector.shape_cast %get3A_1028 : vector<1x1x1x16xf32> to vector<16xf32>
        %add3A_1030 = arith.addf %add3A_1021, %get3A_1029 : vector<16xf32>
        %get3A_1031 = arith.constant 0 : i32
        %get3A_1032 = arith.constant 4 : i32
        %get3A_1033 = arith.index_cast %get3A_1031 : i32 to index
        %get3A_1034 = arith.index_cast %get3A_1032 : i32 to index
        %get3A_1035 = arith.index_cast %scan3A_607 : i32 to index
        %get3A_1036 = arith.constant 80 : index
        %get3A_1037 = tpu.vector_load %arg7[%get3A_1033, %get3A_1034, %get3A_1035, %get3A_1036] {strides = array<i32>} : memref<2x8x16x128xf32, #tpu.memory_space<vmem>>, vector<1x1x1x16xf32>,
        %get3A_1038 = vector.shape_cast %get3A_1037 : vector<1x1x1x16xf32> to vector<16xf32>
        %add3A_1039 = arith.addf %add3A_1030, %get3A_1038 : vector<16xf32>
        %get3A_1040 = arith.constant 0 : i32
        %get3A_1041 = arith.constant 5 : i32
        %get3A_1042 = arith.index_cast %get3A_1040 : i32 to index
        %get3A_1043 = arith.index_cast %get3A_1041 : i32 to index
        %get3A_1044 = arith.index_cast %scan3A_607 : i32 to index
        %get3A_1045 = arith.constant 80 : index
        %get3A_1046 = tpu.vector_load %arg7[%get3A_1042, %get3A_1043, %get3A_1044, %get3A_1045] {strides = array<i32>} : memref<2x8x16x128xf32, #tpu.memory_space<vmem>>, vector<1x1x1x16xf32>,
        %get3A_1047 = vector.shape_cast %get3A_1046 : vector<1x1x1x16xf32> to vector<16xf32>
        %add3A_1048 = arith.addf %add3A_1039, %get3A_1047 : vector<16xf32>
        %get3A_1049 = arith.constant 0 : i32
        %get3A_1050 = arith.constant 6 : i32
        %get3A_1051 = arith.index_cast %get3A_1049 : i32 to index
        %get3A_1052 = arith.index_cast %get3A_1050 : i32 to index
        %get3A_1053 = arith.index_cast %scan3A_607 : i32 to index
        %get3A_1054 = arith.constant 80 : index
        %get3A_1055 = tpu.vector_load %arg7[%get3A_1051, %get3A_1052, %get3A_1053, %get3A_1054] {strides = array<i32>} : memref<2x8x16x128xf32, #tpu.memory_space<vmem>>, vector<1x1x1x16xf32>,
        %get3A_1056 = vector.shape_cast %get3A_1055 : vector<1x1x1x16xf32> to vector<16xf32>
        %add3A_1057 = arith.addf %add3A_1048, %get3A_1056 : vector<16xf32>
        %get3A_1058 = arith.constant 0 : i32
        %get3A_1059 = arith.constant 7 : i32
        %get3A_1060 = arith.index_cast %get3A_1058 : i32 to index
        %get3A_1061 = arith.index_cast %get3A_1059 : i32 to index
        %get3A_1062 = arith.index_cast %scan3A_607 : i32 to index
        %get3A_1063 = arith.constant 80 : index
        %get3A_1064 = tpu.vector_load %arg7[%get3A_1060, %get3A_1061, %get3A_1062, %get3A_1063] {strides = array<i32>} : memref<2x8x16x128xf32, #tpu.memory_space<vmem>>, vector<1x1x1x16xf32>,
        %get3A_1065 = vector.shape_cast %get3A_1064 : vector<1x1x1x16xf32> to vector<16xf32>
        %add3A_1066 = arith.addf %add3A_1057, %get3A_1065 : vector<16xf32>
        %swap3A_1067 = arith.constant 0 : i32
        %swap3A_1068 = arith.index_cast %swap3A_1067 : i32 to index
        %swap3A_1069 = arith.index_cast %scan3A_607 : i32 to index
        %swap3A_1070 = arith.constant 80 : index
        %swap3A_1071 = tpu.vector_load %arg8[%swap3A_1068, %swap3A_1069, %swap3A_1070] {strides = array<i32>} : memref<2x16x128xf32, #tpu.memory_space<vmem>>, vector<1x1x16xf32>,
        %swap3A_1072 = vector.shape_cast %swap3A_1071 : vector<1x1x16xf32> to vector<16xf32>
        %swap3A_1073 = vector.shape_cast %add3A_1066 : vector<16xf32> to vector<1x1x16xf32>
        tpu.vector_store %arg8[%swap3A_1068, %swap3A_1069, %swap3A_1070], %swap3A_1073 {strides = array<i32>} : memref<2x16x128xf32, #tpu.memory_space<vmem>>, vector<1x1x16xf32>,
        %get3A_1074 = arith.constant 0 : i32
        %get3A_1075 = arith.constant 0 : i32
        %get3A_1076 = arith.index_cast %get3A_1074 : i32 to index
        %get3A_1077 = arith.index_cast %get3A_1075 : i32 to index
        %get3A_1078 = arith.index_cast %scan3A_607 : i32 to index
        %get3A_1079 = arith.constant 96 : index
        %get3A_1080 = tpu.vector_load %arg7[%get3A_1076, %get3A_1077, %get3A_1078, %get3A_1079] {strides = array<i32>} : memref<2x8x16x128xf32, #tpu.memory_space<vmem>>, vector<1x1x1x16xf32>,
        %get3A_1081 = vector.shape_cast %get3A_1080 : vector<1x1x1x16xf32> to vector<16xf32>
        %get3A_1082 = arith.constant 0 : i32
        %get3A_1083 = arith.constant 1 : i32
        %get3A_1084 = arith.index_cast %get3A_1082 : i32 to index
        %get3A_1085 = arith.index_cast %get3A_1083 : i32 to index
        %get3A_1086 = arith.index_cast %scan3A_607 : i32 to index
        %get3A_1087 = arith.constant 96 : index
        %get3A_1088 = tpu.vector_load %arg7[%get3A_1084, %get3A_1085, %get3A_1086, %get3A_1087] {strides = array<i32>} : memref<2x8x16x128xf32, #tpu.memory_space<vmem>>, vector<1x1x1x16xf32>,
        %get3A_1089 = vector.shape_cast %get3A_1088 : vector<1x1x1x16xf32> to vector<16xf32>
        %add3A_1090 = arith.addf %get3A_1081, %get3A_1089 : vector<16xf32>
        %get3A_1091 = arith.constant 0 : i32
        %get3A_1092 = arith.constant 2 : i32
        %get3A_1093 = arith.index_cast %get3A_1091 : i32 to index
        %get3A_1094 = arith.index_cast %get3A_1092 : i32 to index
        %get3A_1095 = arith.index_cast %scan3A_607 : i32 to index
        %get3A_1096 = arith.constant 96 : index
        %get3A_1097 = tpu.vector_load %arg7[%get3A_1093, %get3A_1094, %get3A_1095, %get3A_1096] {strides = array<i32>} : memref<2x8x16x128xf32, #tpu.memory_space<vmem>>, vector<1x1x1x16xf32>,
        %get3A_1098 = vector.shape_cast %get3A_1097 : vector<1x1x1x16xf32> to vector<16xf32>
        %add3A_1099 = arith.addf %add3A_1090, %get3A_1098 : vector<16xf32>
        %get3A_1100 = arith.constant 0 : i32
        %get3A_1101 = arith.constant 3 : i32
        %get3A_1102 = arith.index_cast %get3A_1100 : i32 to index
        %get3A_1103 = arith.index_cast %get3A_1101 : i32 to index
        %get3A_1104 = arith.index_cast %scan3A_607 : i32 to index
        %get3A_1105 = arith.constant 96 : index
        %get3A_1106 = tpu.vector_load %arg7[%get3A_1102, %get3A_1103, %get3A_1104, %get3A_1105] {strides = array<i32>} : memref<2x8x16x128xf32, #tpu.memory_space<vmem>>, vector<1x1x1x16xf32>,
        %get3A_1107 = vector.shape_cast %get3A_1106 : vector<1x1x1x16xf32> to vector<16xf32>
        %add3A_1108 = arith.addf %add3A_1099, %get3A_1107 : vector<16xf32>
        %get3A_1109 = arith.constant 0 : i32
        %get3A_1110 = arith.constant 4 : i32
        %get3A_1111 = arith.index_cast %get3A_1109 : i32 to index
        %get3A_1112 = arith.index_cast %get3A_1110 : i32 to index
        %get3A_1113 = arith.index_cast %scan3A_607 : i32 to index
        %get3A_1114 = arith.constant 96 : index
        %get3A_1115 = tpu.vector_load %arg7[%get3A_1111, %get3A_1112, %get3A_1113, %get3A_1114] {strides = array<i32>} : memref<2x8x16x128xf32, #tpu.memory_space<vmem>>, vector<1x1x1x16xf32>,
        %get3A_1116 = vector.shape_cast %get3A_1115 : vector<1x1x1x16xf32> to vector<16xf32>
        %add3A_1117 = arith.addf %add3A_1108, %get3A_1116 : vector<16xf32>
        %get3A_1118 = arith.constant 0 : i32
        %get3A_1119 = arith.constant 5 : i32
        %get3A_1120 = arith.index_cast %get3A_1118 : i32 to index
        %get3A_1121 = arith.index_cast %get3A_1119 : i32 to index
        %get3A_1122 = arith.index_cast %scan3A_607 : i32 to index
        %get3A_1123 = arith.constant 96 : index
        %get3A_1124 = tpu.vector_load %arg7[%get3A_1120, %get3A_1121, %get3A_1122, %get3A_1123] {strides = array<i32>} : memref<2x8x16x128xf32, #tpu.memory_space<vmem>>, vector<1x1x1x16xf32>,
        %get3A_1125 = vector.shape_cast %get3A_1124 : vector<1x1x1x16xf32> to vector<16xf32>
        %add3A_1126 = arith.addf %add3A_1117, %get3A_1125 : vector<16xf32>
        %get3A_1127 = arith.constant 0 : i32
        %get3A_1128 = arith.constant 6 : i32
        %get3A_1129 = arith.index_cast %get3A_1127 : i32 to index
        %get3A_1130 = arith.index_cast %get3A_1128 : i32 to index
        %get3A_1131 = arith.index_cast %scan3A_607 : i32 to index
        %get3A_1132 = arith.constant 96 : index
        %get3A_1133 = tpu.vector_load %arg7[%get3A_1129, %get3A_1130, %get3A_1131, %get3A_1132] {strides = array<i32>} : memref<2x8x16x128xf32, #tpu.memory_space<vmem>>, vector<1x1x1x16xf32>,
        %get3A_1134 = vector.shape_cast %get3A_1133 : vector<1x1x1x16xf32> to vector<16xf32>
        %add3A_1135 = arith.addf %add3A_1126, %get3A_1134 : vector<16xf32>
        %get3A_1136 = arith.constant 0 : i32
        %get3A_1137 = arith.constant 7 : i32
        %get3A_1138 = arith.index_cast %get3A_1136 : i32 to index
        %get3A_1139 = arith.index_cast %get3A_1137 : i32 to index
        %get3A_1140 = arith.index_cast %scan3A_607 : i32 to index
        %get3A_1141 = arith.constant 96 : index
        %get3A_1142 = tpu.vector_load %arg7[%get3A_1138, %get3A_1139, %get3A_1140, %get3A_1141] {strides = array<i32>} : memref<2x8x16x128xf32, #tpu.memory_space<vmem>>, vector<1x1x1x16xf32>,
        %get3A_1143 = vector.shape_cast %get3A_1142 : vector<1x1x1x16xf32> to vector<16xf32>
        %add3A_1144 = arith.addf %add3A_1135, %get3A_1143 : vector<16xf32>
        %swap3A_1145 = arith.constant 0 : i32
        %swap3A_1146 = arith.index_cast %swap3A_1145 : i32 to index
        %swap3A_1147 = arith.index_cast %scan3A_607 : i32 to index
        %swap3A_1148 = arith.constant 96 : index
        %swap3A_1149 = tpu.vector_load %arg8[%swap3A_1146, %swap3A_1147, %swap3A_1148] {strides = array<i32>} : memref<2x16x128xf32, #tpu.memory_space<vmem>>, vector<1x1x16xf32>,
        %swap3A_1150 = vector.shape_cast %swap3A_1149 : vector<1x1x16xf32> to vector<16xf32>
        %swap3A_1151 = vector.shape_cast %add3A_1144 : vector<16xf32> to vector<1x1x16xf32>
        tpu.vector_store %arg8[%swap3A_1146, %swap3A_1147, %swap3A_1148], %swap3A_1151 {strides = array<i32>} : memref<2x16x128xf32, #tpu.memory_space<vmem>>, vector<1x1x16xf32>,
        %get3A_1152 = arith.constant 0 : i32
        %get3A_1153 = arith.constant 0 : i32
        %get3A_1154 = arith.index_cast %get3A_1152 : i32 to index
        %get3A_1155 = arith.index_cast %get3A_1153 : i32 to index
        %get3A_1156 = arith.index_cast %scan3A_607 : i32 to index
        %get3A_1157 = arith.constant 112 : index
        %get3A_1158 = tpu.vector_load %arg7[%get3A_1154, %get3A_1155, %get3A_1156, %get3A_1157] {strides = array<i32>} : memref<2x8x16x128xf32, #tpu.memory_space<vmem>>, vector<1x1x1x16xf32>,
        %get3A_1159 = vector.shape_cast %get3A_1158 : vector<1x1x1x16xf32> to vector<16xf32>
        %get3A_1160 = arith.constant 0 : i32
        %get3A_1161 = arith.constant 1 : i32
        %get3A_1162 = arith.index_cast %get3A_1160 : i32 to index
        %get3A_1163 = arith.index_cast %get3A_1161 : i32 to index
        %get3A_1164 = arith.index_cast %scan3A_607 : i32 to index
        %get3A_1165 = arith.constant 112 : index
        %get3A_1166 = tpu.vector_load %arg7[%get3A_1162, %get3A_1163, %get3A_1164, %get3A_1165] {strides = array<i32>} : memref<2x8x16x128xf32, #tpu.memory_space<vmem>>, vector<1x1x1x16xf32>,
        %get3A_1167 = vector.shape_cast %get3A_1166 : vector<1x1x1x16xf32> to vector<16xf32>
        %add3A_1168 = arith.addf %get3A_1159, %get3A_1167 : vector<16xf32>
        %get3A_1169 = arith.constant 0 : i32
        %get3A_1170 = arith.constant 2 : i32
        %get3A_1171 = arith.index_cast %get3A_1169 : i32 to index
        %get3A_1172 = arith.index_cast %get3A_1170 : i32 to index
        %get3A_1173 = arith.index_cast %scan3A_607 : i32 to index
        %get3A_1174 = arith.constant 112 : index
        %get3A_1175 = tpu.vector_load %arg7[%get3A_1171, %get3A_1172, %get3A_1173, %get3A_1174] {strides = array<i32>} : memref<2x8x16x128xf32, #tpu.memory_space<vmem>>, vector<1x1x1x16xf32>,
        %get3A_1176 = vector.shape_cast %get3A_1175 : vector<1x1x1x16xf32> to vector<16xf32>
        %add3A_1177 = arith.addf %add3A_1168, %get3A_1176 : vector<16xf32>
        %get3A_1178 = arith.constant 0 : i32
        %get3A_1179 = arith.constant 3 : i32
        %get3A_1180 = arith.index_cast %get3A_1178 : i32 to index
        %get3A_1181 = arith.index_cast %get3A_1179 : i32 to index
        %get3A_1182 = arith.index_cast %scan3A_607 : i32 to index
        %get3A_1183 = arith.constant 112 : index
        %get3A_1184 = tpu.vector_load %arg7[%get3A_1180, %get3A_1181, %get3A_1182, %get3A_1183] {strides = array<i32>} : memref<2x8x16x128xf32, #tpu.memory_space<vmem>>, vector<1x1x1x16xf32>,
        %get3A_1185 = vector.shape_cast %get3A_1184 : vector<1x1x1x16xf32> to vector<16xf32>
        %add3A_1186 = arith.addf %add3A_1177, %get3A_1185 : vector<16xf32>
        %get3A_1187 = arith.constant 0 : i32
        %get3A_1188 = arith.constant 4 : i32
        %get3A_1189 = arith.index_cast %get3A_1187 : i32 to index
        %get3A_1190 = arith.index_cast %get3A_1188 : i32 to index
        %get3A_1191 = arith.index_cast %scan3A_607 : i32 to index
        %get3A_1192 = arith.constant 112 : index
        %get3A_1193 = tpu.vector_load %arg7[%get3A_1189, %get3A_1190, %get3A_1191, %get3A_1192] {strides = array<i32>} : memref<2x8x16x128xf32, #tpu.memory_space<vmem>>, vector<1x1x1x16xf32>,
        %get3A_1194 = vector.shape_cast %get3A_1193 : vector<1x1x1x16xf32> to vector<16xf32>
        %add3A_1195 = arith.addf %add3A_1186, %get3A_1194 : vector<16xf32>
        %get3A_1196 = arith.constant 0 : i32
        %get3A_1197 = arith.constant 5 : i32
        %get3A_1198 = arith.index_cast %get3A_1196 : i32 to index
        %get3A_1199 = arith.index_cast %get3A_1197 : i32 to index
        %get3A_1200 = arith.index_cast %scan3A_607 : i32 to index
        %get3A_1201 = arith.constant 112 : index
        %get3A_1202 = tpu.vector_load %arg7[%get3A_1198, %get3A_1199, %get3A_1200, %get3A_1201] {strides = array<i32>} : memref<2x8x16x128xf32, #tpu.memory_space<vmem>>, vector<1x1x1x16xf32>,
        %get3A_1203 = vector.shape_cast %get3A_1202 : vector<1x1x1x16xf32> to vector<16xf32>
        %add3A_1204 = arith.addf %add3A_1195, %get3A_1203 : vector<16xf32>
        %get3A_1205 = arith.constant 0 : i32
        %get3A_1206 = arith.constant 6 : i32
        %get3A_1207 = arith.index_cast %get3A_1205 : i32 to index
        %get3A_1208 = arith.index_cast %get3A_1206 : i32 to index
        %get3A_1209 = arith.index_cast %scan3A_607 : i32 to index
        %get3A_1210 = arith.constant 112 : index
        %get3A_1211 = tpu.vector_load %arg7[%get3A_1207, %get3A_1208, %get3A_1209, %get3A_1210] {strides = array<i32>} : memref<2x8x16x128xf32, #tpu.memory_space<vmem>>, vector<1x1x1x16xf32>,
        %get3A_1212 = vector.shape_cast %get3A_1211 : vector<1x1x1x16xf32> to vector<16xf32>
        %add3A_1213 = arith.addf %add3A_1204, %get3A_1212 : vector<16xf32>
        %get3A_1214 = arith.constant 0 : i32
        %get3A_1215 = arith.constant 7 : i32
        %get3A_1216 = arith.index_cast %get3A_1214 : i32 to index
        %get3A_1217 = arith.index_cast %get3A_1215 : i32 to index
        %get3A_1218 = arith.index_cast %scan3A_607 : i32 to index
        %get3A_1219 = arith.constant 112 : index
        %get3A_1220 = tpu.vector_load %arg7[%get3A_1216, %get3A_1217, %get3A_1218, %get3A_1219] {strides = array<i32>} : memref<2x8x16x128xf32, #tpu.memory_space<vmem>>, vector<1x1x1x16xf32>,
        %get3A_1221 = vector.shape_cast %get3A_1220 : vector<1x1x1x16xf32> to vector<16xf32>
        %add3A_1222 = arith.addf %add3A_1213, %get3A_1221 : vector<16xf32>
        %swap3A_1223 = arith.constant 0 : i32
        %swap3A_1224 = arith.index_cast %swap3A_1223 : i32 to index
        %swap3A_1225 = arith.index_cast %scan3A_607 : i32 to index
        %swap3A_1226 = arith.constant 112 : index
        %swap3A_1227 = tpu.vector_load %arg8[%swap3A_1224, %swap3A_1225, %swap3A_1226] {strides = array<i32>} : memref<2x16x128xf32, #tpu.memory_space<vmem>>, vector<1x1x16xf32>,
        %swap3A_1228 = vector.shape_cast %swap3A_1227 : vector<1x1x16xf32> to vector<16xf32>
        %swap3A_1229 = vector.shape_cast %add3A_1222 : vector<16xf32> to vector<1x1x16xf32>
        tpu.vector_store %arg8[%swap3A_1224, %swap3A_1225, %swap3A_1226], %swap3A_1229 {strides = array<i32>} : memref<2x16x128xf32, #tpu.memory_space<vmem>>, vector<1x1x16xf32>,
      }
      %scan3A_445 = arith.constant 16 : i32
      %add3A_446 = arith.constant 608 : i32
      %add3A_447 = arith.addi %add3A_63, %add3A_446 : i32
      %dma_start3A_448 = arith.constant 0 : i32
      %dma_start3A_449 = arith.constant 0 : i32
      %dma_start3A_450 = arith.constant 0 : i32
      %dma_start3A_451 = tpu.memref_slice %arg8[%dma_start3A_448, %dma_start3A_449, %dma_start3A_450] : memref<2x16x128xf32, #tpu.memory_space<vmem>> -> memref<1x16x128xf32, #tpu.memory_space<vmem>>
      %dma_start3A_452 = tpu.memref_squeeze %dma_start3A_451 : memref<1x16x128xf32, #tpu.memory_space<vmem>> -> memref<16x128xf32, #tpu.memory_space<vmem>>
      %dma_start3A_453 = arith.constant 0 : i32
      %dma_start3A_454 = tpu.memref_slice %arg4[%add3A_447, %dma_start3A_453] : memref<204800x128xf32, #tpu.memory_space<hbm>> -> memref<16x128xf32, #tpu.memory_space<hbm>>
      %dma_start3A_455 = arith.constant 0 : i32
      %dma_start3A_456 = tpu.memref_slice %arg4[%add3A_447, %dma_start3A_455] : memref<204800x128xf32, #tpu.memory_space<hbm>> -> memref<16x128xf32, #tpu.memory_space<hbm>>
      %dma_start3A_457 = arith.constant 0 : i32
      %dma_start3A_458 = arith.constant 0 : i32
      %dma_start3A_459 = tpu.memref_slice %arg8[%dma_start3A_448, %dma_start3A_457, %dma_start3A_458] : memref<2x16x128xf32, #tpu.memory_space<vmem>> -> memref<1x16x128xf32, #tpu.memory_space<vmem>>
      %dma_start3A_460 = tpu.memref_squeeze %dma_start3A_459 : memref<1x16x128xf32, #tpu.memory_space<vmem>> -> memref<16x128xf32, #tpu.memory_space<vmem>>
      tpu.enqueue_dma source(%dma_start3A_460 : memref<16x128xf32, #tpu.memory_space<vmem>>) target(%dma_start3A_456 : memref<16x128xf32, #tpu.memory_space<hbm>>) target_semaphore(%arg12 : memref<!tpu.dma_semaphore, #tpu.memory_space<semaphore_mem>>)
      %dma_wait3A_461 = arith.constant 0 : i32
      %dma_wait3A_462 = arith.constant 0 : i32
      %dma_wait3A_463 = arith.constant 1 : i32
      %dma_wait3A_464 = arith.constant 0 : i32
      %dma_wait3A_465 = arith.constant 0 : i32
      %dma_wait3A_466 = arith.constant 0 : i32
      %dma_wait3A_467 = tpu.memref_slice %arg7[%dma_wait3A_463, %dma_wait3A_464, %dma_wait3A_465, %dma_wait3A_466] : memref<2x8x16x128xf32, #tpu.memory_space<vmem>> -> memref<1x1x16x128xf32, #tpu.memory_space<vmem>>
      %dma_wait3A_468 = tpu.memref_squeeze %dma_wait3A_467 : memref<1x1x16x128xf32, #tpu.memory_space<vmem>> -> memref<16x128xf32, #tpu.memory_space<vmem>>
      %dma_wait3A_469 = arith.constant 0 : i32
      %dma_wait3A_470 = tpu.memref_slice %arg6[%dma_wait3A_461, %dma_wait3A_462, %dma_wait3A_469] : memref<8x40x16xi32, #tpu.memory_space<vmem>> -> memref<1x1x16xi32, #tpu.memory_space<vmem>>
      %dma_wait3A_471 = tpu.memref_squeeze %dma_wait3A_470 : memref<1x1x16xi32, #tpu.memory_space<vmem>> -> memref<16xi32, #tpu.memory_space<vmem>>
      %dma_wait3A_472 = arith.constant 0 : i32
      %dma_wait3A_473 = arith.constant 0 : i32
      %dma_wait3A_474 = tpu.memref_slice %arg9[%dma_wait3A_472, %dma_wait3A_473] : memref<4616x128xf32, #tpu.memory_space<vmem_shared>> -> memref<4616x128xf32, #tpu.memory_space<vmem_shared>>
      tpu.wait_indirect_dma semaphore(%arg11 : memref<!tpu.dma_semaphore, #tpu.memory_space<semaphore_mem>>) src(%dma_wait3A_474 : memref<4616x128xf32, #tpu.memory_space<vmem_shared>>) dst(%dma_wait3A_468 : memref<16x128xf32, #tpu.memory_space<vmem>>)
      %dma_wait3A_475 = arith.constant 1 : i32
      %dma_wait3A_476 = arith.constant 0 : i32
      %dma_wait3A_477 = arith.constant 1 : i32
      %dma_wait3A_478 = arith.constant 1 : i32
      %dma_wait3A_479 = arith.constant 0 : i32
      %dma_wait3A_480 = arith.constant 0 : i32
      %dma_wait3A_481 = tpu.memref_slice %arg7[%dma_wait3A_477, %dma_wait3A_478, %dma_wait3A_479, %dma_wait3A_480] : memref<2x8x16x128xf32, #tpu.memory_space<vmem>> -> memref<1x1x16x128xf32, #tpu.memory_space<vmem>>
      %dma_wait3A_482 = tpu.memref_squeeze %dma_wait3A_481 : memref<1x1x16x128xf32, #tpu.memory_space<vmem>> -> memref<16x128xf32, #tpu.memory_space<vmem>>
      %dma_wait3A_483 = arith.constant 0 : i32
      %dma_wait3A_484 = tpu.memref_slice %arg6[%dma_wait3A_475, %dma_wait3A_476, %dma_wait3A_483] : memref<8x40x16xi32, #tpu.memory_space<vmem>> -> memref<1x1x16xi32, #tpu.memory_space<vmem>>
      %dma_wait3A_485 = tpu.memref_squeeze %dma_wait3A_484 : memref<1x1x16xi32, #tpu.memory_space<vmem>> -> memref<16xi32, #tpu.memory_space<vmem>>
      %dma_wait3A_486 = arith.constant 0 : i32
      %dma_wait3A_487 = arith.constant 0 : i32
      %dma_wait3A_488 = tpu.memref_slice %arg9[%dma_wait3A_486, %dma_wait3A_487] : memref<4616x128xf32, #tpu.memory_space<vmem_shared>> -> memref<4616x128xf32, #tpu.memory_space<vmem_shared>>
      tpu.wait_indirect_dma semaphore(%arg11 : memref<!tpu.dma_semaphore, #tpu.memory_space<semaphore_mem>>) src(%dma_wait3A_488 : memref<4616x128xf32, #tpu.memory_space<vmem_shared>>) dst(%dma_wait3A_482 : memref<16x128xf32, #tpu.memory_space<vmem>>)
      %dma_wait3A_489 = arith.constant 2 : i32
      %dma_wait3A_490 = arith.constant 0 : i32
      %dma_wait3A_491 = arith.constant 1 : i32
      %dma_wait3A_492 = arith.constant 2 : i32
      %dma_wait3A_493 = arith.constant 0 : i32
      %dma_wait3A_494 = arith.constant 0 : i32
      %dma_wait3A_495 = tpu.memref_slice %arg7[%dma_wait3A_491, %dma_wait3A_492, %dma_wait3A_493, %dma_wait3A_494] : memref<2x8x16x128xf32, #tpu.memory_space<vmem>> -> memref<1x1x16x128xf32, #tpu.memory_space<vmem>>
      %dma_wait3A_496 = tpu.memref_squeeze %dma_wait3A_495 : memref<1x1x16x128xf32, #tpu.memory_space<vmem>> -> memref<16x128xf32, #tpu.memory_space<vmem>>
      %dma_wait3A_497 = arith.constant 0 : i32
      %dma_wait3A_498 = tpu.memref_slice %arg6[%dma_wait3A_489, %dma_wait3A_490, %dma_wait3A_497] : memref<8x40x16xi32, #tpu.memory_space<vmem>> -> memref<1x1x16xi32, #tpu.memory_space<vmem>>
      %dma_wait3A_499 = tpu.memref_squeeze %dma_wait3A_498 : memref<1x1x16xi32, #tpu.memory_space<vmem>> -> memref<16xi32, #tpu.memory_space<vmem>>
      %dma_wait3A_500 = arith.constant 0 : i32
      %dma_wait3A_501 = arith.constant 0 : i32
      %dma_wait3A_502 = tpu.memref_slice %arg9[%dma_wait3A_500, %dma_wait3A_501] : memref<4616x128xf32, #tpu.memory_space<vmem_shared>> -> memref<4616x128xf32, #tpu.memory_space<vmem_shared>>
      tpu.wait_indirect_dma semaphore(%arg11 : memref<!tpu.dma_semaphore, #tpu.memory_space<semaphore_mem>>) src(%dma_wait3A_502 : memref<4616x128xf32, #tpu.memory_space<vmem_shared>>) dst(%dma_wait3A_496 : memref<16x128xf32, #tpu.memory_space<vmem>>)
      %dma_wait3A_503 = arith.constant 3 : i32
      %dma_wait3A_504 = arith.constant 0 : i32
      %dma_wait3A_505 = arith.constant 1 : i32
      %dma_wait3A_506 = arith.constant 3 : i32
      %dma_wait3A_507 = arith.constant 0 : i32
      %dma_wait3A_508 = arith.constant 0 : i32
      %dma_wait3A_509 = tpu.memref_slice %arg7[%dma_wait3A_505, %dma_wait3A_506, %dma_wait3A_507, %dma_wait3A_508] : memref<2x8x16x128xf32, #tpu.memory_space<vmem>> -> memref<1x1x16x128xf32, #tpu.memory_space<vmem>>
      %dma_wait3A_510 = tpu.memref_squeeze %dma_wait3A_509 : memref<1x1x16x128xf32, #tpu.memory_space<vmem>> -> memref<16x128xf32, #tpu.memory_space<vmem>>
      %dma_wait3A_511 = arith.constant 0 : i32
      %dma_wait3A_512 = tpu.memref_slice %arg6[%dma_wait3A_503, %dma_wait3A_504, %dma_wait3A_511] : memref<8x40x16xi32, #tpu.memory_space<vmem>> -> memref<1x1x16xi32, #tpu.memory_space<vmem>>
      %dma_wait3A_513 = tpu.memref_squeeze %dma_wait3A_512 : memref<1x1x16xi32, #tpu.memory_space<vmem>> -> memref<16xi32, #tpu.memory_space<vmem>>
      %dma_wait3A_514 = arith.constant 0 : i32
      %dma_wait3A_515 = arith.constant 0 : i32
      %dma_wait3A_516 = tpu.memref_slice %arg9[%dma_wait3A_514, %dma_wait3A_515] : memref<4616x128xf32, #tpu.memory_space<vmem_shared>> -> memref<4616x128xf32, #tpu.memory_space<vmem_shared>>
      tpu.wait_indirect_dma semaphore(%arg11 : memref<!tpu.dma_semaphore, #tpu.memory_space<semaphore_mem>>) src(%dma_wait3A_516 : memref<4616x128xf32, #tpu.memory_space<vmem_shared>>) dst(%dma_wait3A_510 : memref<16x128xf32, #tpu.memory_space<vmem>>)
      %dma_wait3A_517 = arith.constant 4 : i32
      %dma_wait3A_518 = arith.constant 0 : i32
      %dma_wait3A_519 = arith.constant 1 : i32
      %dma_wait3A_520 = arith.constant 4 : i32
      %dma_wait3A_521 = arith.constant 0 : i32
      %dma_wait3A_522 = arith.constant 0 : i32
      %dma_wait3A_523 = tpu.memref_slice %arg7[%dma_wait3A_519, %dma_wait3A_520, %dma_wait3A_521, %dma_wait3A_522] : memref<2x8x16x128xf32, #tpu.memory_space<vmem>> -> memref<1x1x16x128xf32, #tpu.memory_space<vmem>>
      %dma_wait3A_524 = tpu.memref_squeeze %dma_wait3A_523 : memref<1x1x16x128xf32, #tpu.memory_space<vmem>> -> memref<16x128xf32, #tpu.memory_space<vmem>>
      %dma_wait3A_525 = arith.constant 0 : i32
      %dma_wait3A_526 = tpu.memref_slice %arg6[%dma_wait3A_517, %dma_wait3A_518, %dma_wait3A_525] : memref<8x40x16xi32, #tpu.memory_space<vmem>> -> memref<1x1x16xi32, #tpu.memory_space<vmem>>
      %dma_wait3A_527 = tpu.memref_squeeze %dma_wait3A_526 : memref<1x1x16xi32, #tpu.memory_space<vmem>> -> memref<16xi32, #tpu.memory_space<vmem>>
      %dma_wait3A_528 = arith.constant 0 : i32
      %dma_wait3A_529 = arith.constant 0 : i32
      %dma_wait3A_530 = tpu.memref_slice %arg9[%dma_wait3A_528, %dma_wait3A_529] : memref<4616x128xf32, #tpu.memory_space<vmem_shared>> -> memref<4616x128xf32, #tpu.memory_space<vmem_shared>>
      tpu.wait_indirect_dma semaphore(%arg11 : memref<!tpu.dma_semaphore, #tpu.memory_space<semaphore_mem>>) src(%dma_wait3A_530 : memref<4616x128xf32, #tpu.memory_space<vmem_shared>>) dst(%dma_wait3A_524 : memref<16x128xf32, #tpu.memory_space<vmem>>)
      %dma_wait3A_531 = arith.constant 5 : i32
      %dma_wait3A_532 = arith.constant 0 : i32
      %dma_wait3A_533 = arith.constant 1 : i32
      %dma_wait3A_534 = arith.constant 5 : i32
      %dma_wait3A_535 = arith.constant 0 : i32
      %dma_wait3A_536 = arith.constant 0 : i32
      %dma_wait3A_537 = tpu.memref_slice %arg7[%dma_wait3A_533, %dma_wait3A_534, %dma_wait3A_535, %dma_wait3A_536] : memref<2x8x16x128xf32, #tpu.memory_space<vmem>> -> memref<1x1x16x128xf32, #tpu.memory_space<vmem>>
      %dma_wait3A_538 = tpu.memref_squeeze %dma_wait3A_537 : memref<1x1x16x128xf32, #tpu.memory_space<vmem>> -> memref<16x128xf32, #tpu.memory_space<vmem>>
      %dma_wait3A_539 = arith.constant 0 : i32
      %dma_wait3A_540 = tpu.memref_slice %arg6[%dma_wait3A_531, %dma_wait3A_532, %dma_wait3A_539] : memref<8x40x16xi32, #tpu.memory_space<vmem>> -> memref<1x1x16xi32, #tpu.memory_space<vmem>>
      %dma_wait3A_541 = tpu.memref_squeeze %dma_wait3A_540 : memref<1x1x16xi32, #tpu.memory_space<vmem>> -> memref<16xi32, #tpu.memory_space<vmem>>
      %dma_wait3A_542 = arith.constant 0 : i32
      %dma_wait3A_543 = arith.constant 0 : i32
      %dma_wait3A_544 = tpu.memref_slice %arg9[%dma_wait3A_542, %dma_wait3A_543] : memref<4616x128xf32, #tpu.memory_space<vmem_shared>> -> memref<4616x128xf32, #tpu.memory_space<vmem_shared>>
      tpu.wait_indirect_dma semaphore(%arg11 : memref<!tpu.dma_semaphore, #tpu.memory_space<semaphore_mem>>) src(%dma_wait3A_544 : memref<4616x128xf32, #tpu.memory_space<vmem_shared>>) dst(%dma_wait3A_538 : memref<16x128xf32, #tpu.memory_space<vmem>>)
      %dma_wait3A_545 = arith.constant 6 : i32
      %dma_wait3A_546 = arith.constant 0 : i32
      %dma_wait3A_547 = arith.constant 1 : i32
      %dma_wait3A_548 = arith.constant 6 : i32
      %dma_wait3A_549 = arith.constant 0 : i32
      %dma_wait3A_550 = arith.constant 0 : i32
      %dma_wait3A_551 = tpu.memref_slice %arg7[%dma_wait3A_547, %dma_wait3A_548, %dma_wait3A_549, %dma_wait3A_550] : memref<2x8x16x128xf32, #tpu.memory_space<vmem>> -> memref<1x1x16x128xf32, #tpu.memory_space<vmem>>
      %dma_wait3A_552 = tpu.memref_squeeze %dma_wait3A_551 : memref<1x1x16x128xf32, #tpu.memory_space<vmem>> -> memref<16x128xf32, #tpu.memory_space<vmem>>
      %dma_wait3A_553 = arith.constant 0 : i32
      %dma_wait3A_554 = tpu.memref_slice %arg6[%dma_wait3A_545, %dma_wait3A_546, %dma_wait3A_553] : memref<8x40x16xi32, #tpu.memory_space<vmem>> -> memref<1x1x16xi32, #tpu.memory_space<vmem>>
      %dma_wait3A_555 = tpu.memref_squeeze %dma_wait3A_554 : memref<1x1x16xi32, #tpu.memory_space<vmem>> -> memref<16xi32, #tpu.memory_space<vmem>>
      %dma_wait3A_556 = arith.constant 0 : i32
      %dma_wait3A_557 = arith.constant 0 : i32
      %dma_wait3A_558 = tpu.memref_slice %arg9[%dma_wait3A_556, %dma_wait3A_557] : memref<4616x128xf32, #tpu.memory_space<vmem_shared>> -> memref<4616x128xf32, #tpu.memory_space<vmem_shared>>
      tpu.wait_indirect_dma semaphore(%arg11 : memref<!tpu.dma_semaphore, #tpu.memory_space<semaphore_mem>>) src(%dma_wait3A_558 : memref<4616x128xf32, #tpu.memory_space<vmem_shared>>) dst(%dma_wait3A_552 : memref<16x128xf32, #tpu.memory_space<vmem>>)
      %dma_wait3A_559 = arith.constant 7 : i32
      %dma_wait3A_560 = arith.constant 0 : i32
      %dma_wait3A_561 = arith.constant 1 : i32
      %dma_wait3A_562 = arith.constant 7 : i32
      %dma_wait3A_563 = arith.constant 0 : i32
      %dma_wait3A_564 = arith.constant 0 : i32
      %dma_wait3A_565 = tpu.memref_slice %arg7[%dma_wait3A_561, %dma_wait3A_562, %dma_wait3A_563, %dma_wait3A_564] : memref<2x8x16x128xf32, #tpu.memory_space<vmem>> -> memref<1x1x16x128xf32, #tpu.memory_space<vmem>>
      %dma_wait3A_566 = tpu.memref_squeeze %dma_wait3A_565 : memref<1x1x16x128xf32, #tpu.memory_space<vmem>> -> memref<16x128xf32, #tpu.memory_space<vmem>>
      %dma_wait3A_567 = arith.constant 0 : i32
      %dma_wait3A_568 = tpu.memref_slice %arg6[%dma_wait3A_559, %dma_wait3A_560, %dma_wait3A_567] : memref<8x40x16xi32, #tpu.memory_space<vmem>> -> memref<1x1x16xi32, #tpu.memory_space<vmem>>
      %dma_wait3A_569 = tpu.memref_squeeze %dma_wait3A_568 : memref<1x1x16xi32, #tpu.memory_space<vmem>> -> memref<16xi32, #tpu.memory_space<vmem>>
      %dma_wait3A_570 = arith.constant 0 : i32
      %dma_wait3A_571 = arith.constant 0 : i32
      %dma_wait3A_572 = tpu.memref_slice %arg9[%dma_wait3A_570, %dma_wait3A_571] : memref<4616x128xf32, #tpu.memory_space<vmem_shared>> -> memref<4616x128xf32, #tpu.memory_space<vmem_shared>>
      tpu.wait_indirect_dma semaphore(%arg11 : memref<!tpu.dma_semaphore, #tpu.memory_space<semaphore_mem>>) src(%dma_wait3A_572 : memref<4616x128xf32, #tpu.memory_space<vmem_shared>>) dst(%dma_wait3A_566 : memref<16x128xf32, #tpu.memory_space<vmem>>)
      %dma_wait3A_573 = arith.constant 1 : i32
      %dma_wait3A_574 = arith.constant 0 : i32
      %dma_wait3A_575 = arith.constant 0 : i32
      %dma_wait3A_576 = tpu.memref_slice %arg8[%dma_wait3A_573, %dma_wait3A_574, %dma_wait3A_575] : memref<2x16x128xf32, #tpu.memory_space<vmem>> -> memref<1x16x128xf32, #tpu.memory_space<vmem>>
      %dma_wait3A_577 = tpu.memref_squeeze %dma_wait3A_576 : memref<1x16x128xf32, #tpu.memory_space<vmem>> -> memref<16x128xf32, #tpu.memory_space<vmem>>
      %dma_wait3A_578 = arith.constant 0 : i32
      %dma_wait3A_579 = tpu.memref_slice %arg4[%mul3A_2, %dma_wait3A_578] : memref<204800x128xf32, #tpu.memory_space<hbm>> -> memref<16x128xf32, #tpu.memory_space<hbm>>
      %dma_wait3A_580 = arith.constant 0 : i32
      %dma_wait3A_581 = tpu.memref_slice %arg4[%mul3A_2, %dma_wait3A_580] : memref<204800x128xf32, #tpu.memory_space<hbm>> -> memref<16x128xf32, #tpu.memory_space<hbm>>
      %dma_wait3A_582 = arith.constant 0 : i32
      %dma_wait3A_583 = arith.constant 0 : i32
      %dma_wait3A_584 = tpu.memref_slice %arg8[%dma_wait3A_573, %dma_wait3A_582, %dma_wait3A_583] : memref<2x16x128xf32, #tpu.memory_space<vmem>> -> memref<1x16x128xf32, #tpu.memory_space<vmem>>
      %dma_wait3A_585 = tpu.memref_squeeze %dma_wait3A_584 : memref<1x16x128xf32, #tpu.memory_space<vmem>> -> memref<16x128xf32, #tpu.memory_space<vmem>>
      tpu.wait_dma2 semaphore(%arg13 : memref<!tpu.dma_semaphore, #tpu.memory_space<semaphore_mem>>) src(%dma_wait3A_585 : memref<16x128xf32, #tpu.memory_space<vmem>>) dst(%dma_wait3A_581 : memref<16x128xf32, #tpu.memory_space<hbm>>)
      %scan3A_586 = arith.constant 0 : i32
      %scan3A_587 = arith.constant 0 : i32
      %scan3A_588 = arith.constant 16 : i32
      %scan3A_589 = arith.addi %scan3A_587, %scan3A_588 : i32
      %scan3A_590 = arith.constant 1 : i32
      scf.for %scan3A_607 = %scan3A_587 to %scan3A_589 step %scan3A_590  : i32 {
        %get3A = arith.constant 1 : i32
        %get3A_608 = arith.constant 0 : i32
        %get3A_609 = arith.index_cast %get3A : i32 to index
        %get3A_610 = arith.index_cast %get3A_608 : i32 to index
        %get3A_611 = arith.index_cast %scan3A_607 : i32 to index
        %get3A_612 = arith.constant 0 : index
        %get3A_613 = tpu.vector_load %arg7[%get3A_609, %get3A_610, %get3A_611, %get3A_612] {strides = array<i32>} : memref<2x8x16x128xf32, #tpu.memory_space<vmem>>, vector<1x1x1x16xf32>,
        %get3A_614 = vector.shape_cast %get3A_613 : vector<1x1x1x16xf32> to vector<16xf32>
        %get3A_615 = arith.constant 1 : i32
        %get3A_616 = arith.constant 1 : i32
        %get3A_617 = arith.index_cast %get3A_615 : i32 to index
        %get3A_618 = arith.index_cast %get3A_616 : i32 to index
        %get3A_619 = arith.index_cast %scan3A_607 : i32 to index
        %get3A_620 = arith.constant 0 : index
        %get3A_621 = tpu.vector_load %arg7[%get3A_617, %get3A_618, %get3A_619, %get3A_620] {strides = array<i32>} : memref<2x8x16x128xf32, #tpu.memory_space<vmem>>, vector<1x1x1x16xf32>,
        %get3A_622 = vector.shape_cast %get3A_621 : vector<1x1x1x16xf32> to vector<16xf32>
        %add3A_623 = arith.addf %get3A_614, %get3A_622 : vector<16xf32>
        %get3A_624 = arith.constant 1 : i32
        %get3A_625 = arith.constant 2 : i32
        %get3A_626 = arith.index_cast %get3A_624 : i32 to index
        %get3A_627 = arith.index_cast %get3A_625 : i32 to index
        %get3A_628 = arith.index_cast %scan3A_607 : i32 to index
        %get3A_629 = arith.constant 0 : index
        %get3A_630 = tpu.vector_load %arg7[%get3A_626, %get3A_627, %get3A_628, %get3A_629] {strides = array<i32>} : memref<2x8x16x128xf32, #tpu.memory_space<vmem>>, vector<1x1x1x16xf32>,
        %get3A_631 = vector.shape_cast %get3A_630 : vector<1x1x1x16xf32> to vector<16xf32>
        %add3A_632 = arith.addf %add3A_623, %get3A_631 : vector<16xf32>
        %get3A_633 = arith.constant 1 : i32
        %get3A_634 = arith.constant 3 : i32
        %get3A_635 = arith.index_cast %get3A_633 : i32 to index
        %get3A_636 = arith.index_cast %get3A_634 : i32 to index
        %get3A_637 = arith.index_cast %scan3A_607 : i32 to index
        %get3A_638 = arith.constant 0 : index
        %get3A_639 = tpu.vector_load %arg7[%get3A_635, %get3A_636, %get3A_637, %get3A_638] {strides = array<i32>} : memref<2x8x16x128xf32, #tpu.memory_space<vmem>>, vector<1x1x1x16xf32>,
        %get3A_640 = vector.shape_cast %get3A_639 : vector<1x1x1x16xf32> to vector<16xf32>
        %add3A_641 = arith.addf %add3A_632, %get3A_640 : vector<16xf32>
        %get3A_642 = arith.constant 1 : i32
        %get3A_643 = arith.constant 4 : i32
        %get3A_644 = arith.index_cast %get3A_642 : i32 to index
        %get3A_645 = arith.index_cast %get3A_643 : i32 to index
        %get3A_646 = arith.index_cast %scan3A_607 : i32 to index
        %get3A_647 = arith.constant 0 : index
        %get3A_648 = tpu.vector_load %arg7[%get3A_644, %get3A_645, %get3A_646, %get3A_647] {strides = array<i32>} : memref<2x8x16x128xf32, #tpu.memory_space<vmem>>, vector<1x1x1x16xf32>,
        %get3A_649 = vector.shape_cast %get3A_648 : vector<1x1x1x16xf32> to vector<16xf32>
        %add3A_650 = arith.addf %add3A_641, %get3A_649 : vector<16xf32>
        %get3A_651 = arith.constant 1 : i32
        %get3A_652 = arith.constant 5 : i32
        %get3A_653 = arith.index_cast %get3A_651 : i32 to index
        %get3A_654 = arith.index_cast %get3A_652 : i32 to index
        %get3A_655 = arith.index_cast %scan3A_607 : i32 to index
        %get3A_656 = arith.constant 0 : index
        %get3A_657 = tpu.vector_load %arg7[%get3A_653, %get3A_654, %get3A_655, %get3A_656] {strides = array<i32>} : memref<2x8x16x128xf32, #tpu.memory_space<vmem>>, vector<1x1x1x16xf32>,
        %get3A_658 = vector.shape_cast %get3A_657 : vector<1x1x1x16xf32> to vector<16xf32>
        %add3A_659 = arith.addf %add3A_650, %get3A_658 : vector<16xf32>
        %get3A_660 = arith.constant 1 : i32
        %get3A_661 = arith.constant 6 : i32
        %get3A_662 = arith.index_cast %get3A_660 : i32 to index
        %get3A_663 = arith.index_cast %get3A_661 : i32 to index
        %get3A_664 = arith.index_cast %scan3A_607 : i32 to index
        %get3A_665 = arith.constant 0 : index
        %get3A_666 = tpu.vector_load %arg7[%get3A_662, %get3A_663, %get3A_664, %get3A_665] {strides = array<i32>} : memref<2x8x16x128xf32, #tpu.memory_space<vmem>>, vector<1x1x1x16xf32>,
        %get3A_667 = vector.shape_cast %get3A_666 : vector<1x1x1x16xf32> to vector<16xf32>
        %add3A_668 = arith.addf %add3A_659, %get3A_667 : vector<16xf32>
        %get3A_669 = arith.constant 1 : i32
        %get3A_670 = arith.constant 7 : i32
        %get3A_671 = arith.index_cast %get3A_669 : i32 to index
        %get3A_672 = arith.index_cast %get3A_670 : i32 to index
        %get3A_673 = arith.index_cast %scan3A_607 : i32 to index
        %get3A_674 = arith.constant 0 : index
        %get3A_675 = tpu.vector_load %arg7[%get3A_671, %get3A_672, %get3A_673, %get3A_674] {strides = array<i32>} : memref<2x8x16x128xf32, #tpu.memory_space<vmem>>, vector<1x1x1x16xf32>,
        %get3A_676 = vector.shape_cast %get3A_675 : vector<1x1x1x16xf32> to vector<16xf32>
        %add3A_677 = arith.addf %add3A_668, %get3A_676 : vector<16xf32>
        %swap3A = arith.constant 1 : i32
        %swap3A_678 = arith.index_cast %swap3A : i32 to index
        %swap3A_679 = arith.index_cast %scan3A_607 : i32 to index
        %swap3A_680 = arith.constant 0 : index
        %swap3A_681 = tpu.vector_load %arg8[%swap3A_678, %swap3A_679, %swap3A_680] {strides = array<i32>} : memref<2x16x128xf32, #tpu.memory_space<vmem>>, vector<1x1x16xf32>,
        %swap3A_682 = vector.shape_cast %swap3A_681 : vector<1x1x16xf32> to vector<16xf32>
        %swap3A_683 = vector.shape_cast %add3A_677 : vector<16xf32> to vector<1x1x16xf32>
        tpu.vector_store %arg8[%swap3A_678, %swap3A_679, %swap3A_680], %swap3A_683 {strides = array<i32>} : memref<2x16x128xf32, #tpu.memory_space<vmem>>, vector<1x1x16xf32>,
        %get3A_684 = arith.constant 1 : i32
        %get3A_685 = arith.constant 0 : i32
        %get3A_686 = arith.index_cast %get3A_684 : i32 to index
        %get3A_687 = arith.index_cast %get3A_685 : i32 to index
        %get3A_688 = arith.index_cast %scan3A_607 : i32 to index
        %get3A_689 = arith.constant 16 : index
        %get3A_690 = tpu.vector_load %arg7[%get3A_686, %get3A_687, %get3A_688, %get3A_689] {strides = array<i32>} : memref<2x8x16x128xf32, #tpu.memory_space<vmem>>, vector<1x1x1x16xf32>,
        %get3A_691 = vector.shape_cast %get3A_690 : vector<1x1x1x16xf32> to vector<16xf32>
        %get3A_692 = arith.constant 1 : i32
        %get3A_693 = arith.constant 1 : i32
        %get3A_694 = arith.index_cast %get3A_692 : i32 to index
        %get3A_695 = arith.index_cast %get3A_693 : i32 to index
        %get3A_696 = arith.index_cast %scan3A_607 : i32 to index
        %get3A_697 = arith.constant 16 : index
        %get3A_698 = tpu.vector_load %arg7[%get3A_694, %get3A_695, %get3A_696, %get3A_697] {strides = array<i32>} : memref<2x8x16x128xf32, #tpu.memory_space<vmem>>, vector<1x1x1x16xf32>,
        %get3A_699 = vector.shape_cast %get3A_698 : vector<1x1x1x16xf32> to vector<16xf32>
        %add3A_700 = arith.addf %get3A_691, %get3A_699 : vector<16xf32>
        %get3A_701 = arith.constant 1 : i32
        %get3A_702 = arith.constant 2 : i32
        %get3A_703 = arith.index_cast %get3A_701 : i32 to index
        %get3A_704 = arith.index_cast %get3A_702 : i32 to index
        %get3A_705 = arith.index_cast %scan3A_607 : i32 to index
        %get3A_706 = arith.constant 16 : index
        %get3A_707 = tpu.vector_load %arg7[%get3A_703, %get3A_704, %get3A_705, %get3A_706] {strides = array<i32>} : memref<2x8x16x128xf32, #tpu.memory_space<vmem>>, vector<1x1x1x16xf32>,
        %get3A_708 = vector.shape_cast %get3A_707 : vector<1x1x1x16xf32> to vector<16xf32>
        %add3A_709 = arith.addf %add3A_700, %get3A_708 : vector<16xf32>
        %get3A_710 = arith.constant 1 : i32
        %get3A_711 = arith.constant 3 : i32
        %get3A_712 = arith.index_cast %get3A_710 : i32 to index
        %get3A_713 = arith.index_cast %get3A_711 : i32 to index
        %get3A_714 = arith.index_cast %scan3A_607 : i32 to index
        %get3A_715 = arith.constant 16 : index
        %get3A_716 = tpu.vector_load %arg7[%get3A_712, %get3A_713, %get3A_714, %get3A_715] {strides = array<i32>} : memref<2x8x16x128xf32, #tpu.memory_space<vmem>>, vector<1x1x1x16xf32>,
        %get3A_717 = vector.shape_cast %get3A_716 : vector<1x1x1x16xf32> to vector<16xf32>
        %add3A_718 = arith.addf %add3A_709, %get3A_717 : vector<16xf32>
        %get3A_719 = arith.constant 1 : i32
        %get3A_720 = arith.constant 4 : i32
        %get3A_721 = arith.index_cast %get3A_719 : i32 to index
        %get3A_722 = arith.index_cast %get3A_720 : i32 to index
        %get3A_723 = arith.index_cast %scan3A_607 : i32 to index
        %get3A_724 = arith.constant 16 : index
        %get3A_725 = tpu.vector_load %arg7[%get3A_721, %get3A_722, %get3A_723, %get3A_724] {strides = array<i32>} : memref<2x8x16x128xf32, #tpu.memory_space<vmem>>, vector<1x1x1x16xf32>,
        %get3A_726 = vector.shape_cast %get3A_725 : vector<1x1x1x16xf32> to vector<16xf32>
        %add3A_727 = arith.addf %add3A_718, %get3A_726 : vector<16xf32>
        %get3A_728 = arith.constant 1 : i32
        %get3A_729 = arith.constant 5 : i32
        %get3A_730 = arith.index_cast %get3A_728 : i32 to index
        %get3A_731 = arith.index_cast %get3A_729 : i32 to index
        %get3A_732 = arith.index_cast %scan3A_607 : i32 to index
        %get3A_733 = arith.constant 16 : index
        %get3A_734 = tpu.vector_load %arg7[%get3A_730, %get3A_731, %get3A_732, %get3A_733] {strides = array<i32>} : memref<2x8x16x128xf32, #tpu.memory_space<vmem>>, vector<1x1x1x16xf32>,
        %get3A_735 = vector.shape_cast %get3A_734 : vector<1x1x1x16xf32> to vector<16xf32>
        %add3A_736 = arith.addf %add3A_727, %get3A_735 : vector<16xf32>
        %get3A_737 = arith.constant 1 : i32
        %get3A_738 = arith.constant 6 : i32
        %get3A_739 = arith.index_cast %get3A_737 : i32 to index
        %get3A_740 = arith.index_cast %get3A_738 : i32 to index
        %get3A_741 = arith.index_cast %scan3A_607 : i32 to index
        %get3A_742 = arith.constant 16 : index
        %get3A_743 = tpu.vector_load %arg7[%get3A_739, %get3A_740, %get3A_741, %get3A_742] {strides = array<i32>} : memref<2x8x16x128xf32, #tpu.memory_space<vmem>>, vector<1x1x1x16xf32>,
        %get3A_744 = vector.shape_cast %get3A_743 : vector<1x1x1x16xf32> to vector<16xf32>
        %add3A_745 = arith.addf %add3A_736, %get3A_744 : vector<16xf32>
        %get3A_746 = arith.constant 1 : i32
        %get3A_747 = arith.constant 7 : i32
        %get3A_748 = arith.index_cast %get3A_746 : i32 to index
        %get3A_749 = arith.index_cast %get3A_747 : i32 to index
        %get3A_750 = arith.index_cast %scan3A_607 : i32 to index
        %get3A_751 = arith.constant 16 : index
        %get3A_752 = tpu.vector_load %arg7[%get3A_748, %get3A_749, %get3A_750, %get3A_751] {strides = array<i32>} : memref<2x8x16x128xf32, #tpu.memory_space<vmem>>, vector<1x1x1x16xf32>,
        %get3A_753 = vector.shape_cast %get3A_752 : vector<1x1x1x16xf32> to vector<16xf32>
        %add3A_754 = arith.addf %add3A_745, %get3A_753 : vector<16xf32>
        %swap3A_755 = arith.constant 1 : i32
        %swap3A_756 = arith.index_cast %swap3A_755 : i32 to index
        %swap3A_757 = arith.index_cast %scan3A_607 : i32 to index
        %swap3A_758 = arith.constant 16 : index
        %swap3A_759 = tpu.vector_load %arg8[%swap3A_756, %swap3A_757, %swap3A_758] {strides = array<i32>} : memref<2x16x128xf32, #tpu.memory_space<vmem>>, vector<1x1x16xf32>,
        %swap3A_760 = vector.shape_cast %swap3A_759 : vector<1x1x16xf32> to vector<16xf32>
        %swap3A_761 = vector.shape_cast %add3A_754 : vector<16xf32> to vector<1x1x16xf32>
        tpu.vector_store %arg8[%swap3A_756, %swap3A_757, %swap3A_758], %swap3A_761 {strides = array<i32>} : memref<2x16x128xf32, #tpu.memory_space<vmem>>, vector<1x1x16xf32>,
        %get3A_762 = arith.constant 1 : i32
        %get3A_763 = arith.constant 0 : i32
        %get3A_764 = arith.index_cast %get3A_762 : i32 to index
        %get3A_765 = arith.index_cast %get3A_763 : i32 to index
        %get3A_766 = arith.index_cast %scan3A_607 : i32 to index
        %get3A_767 = arith.constant 32 : index
        %get3A_768 = tpu.vector_load %arg7[%get3A_764, %get3A_765, %get3A_766, %get3A_767] {strides = array<i32>} : memref<2x8x16x128xf32, #tpu.memory_space<vmem>>, vector<1x1x1x16xf32>,
        %get3A_769 = vector.shape_cast %get3A_768 : vector<1x1x1x16xf32> to vector<16xf32>
        %get3A_770 = arith.constant 1 : i32
        %get3A_771 = arith.constant 1 : i32
        %get3A_772 = arith.index_cast %get3A_770 : i32 to index
        %get3A_773 = arith.index_cast %get3A_771 : i32 to index
        %get3A_774 = arith.index_cast %scan3A_607 : i32 to index
        %get3A_775 = arith.constant 32 : index
        %get3A_776 = tpu.vector_load %arg7[%get3A_772, %get3A_773, %get3A_774, %get3A_775] {strides = array<i32>} : memref<2x8x16x128xf32, #tpu.memory_space<vmem>>, vector<1x1x1x16xf32>,
        %get3A_777 = vector.shape_cast %get3A_776 : vector<1x1x1x16xf32> to vector<16xf32>
        %add3A_778 = arith.addf %get3A_769, %get3A_777 : vector<16xf32>
        %get3A_779 = arith.constant 1 : i32
        %get3A_780 = arith.constant 2 : i32
        %get3A_781 = arith.index_cast %get3A_779 : i32 to index
        %get3A_782 = arith.index_cast %get3A_780 : i32 to index
        %get3A_783 = arith.index_cast %scan3A_607 : i32 to index
        %get3A_784 = arith.constant 32 : index
        %get3A_785 = tpu.vector_load %arg7[%get3A_781, %get3A_782, %get3A_783, %get3A_784] {strides = array<i32>} : memref<2x8x16x128xf32, #tpu.memory_space<vmem>>, vector<1x1x1x16xf32>,
        %get3A_786 = vector.shape_cast %get3A_785 : vector<1x1x1x16xf32> to vector<16xf32>
        %add3A_787 = arith.addf %add3A_778, %get3A_786 : vector<16xf32>
        %get3A_788 = arith.constant 1 : i32
        %get3A_789 = arith.constant 3 : i32
        %get3A_790 = arith.index_cast %get3A_788 : i32 to index
        %get3A_791 = arith.index_cast %get3A_789 : i32 to index
        %get3A_792 = arith.index_cast %scan3A_607 : i32 to index
        %get3A_793 = arith.constant 32 : index
        %get3A_794 = tpu.vector_load %arg7[%get3A_790, %get3A_791, %get3A_792, %get3A_793] {strides = array<i32>} : memref<2x8x16x128xf32, #tpu.memory_space<vmem>>, vector<1x1x1x16xf32>,
        %get3A_795 = vector.shape_cast %get3A_794 : vector<1x1x1x16xf32> to vector<16xf32>
        %add3A_796 = arith.addf %add3A_787, %get3A_795 : vector<16xf32>
        %get3A_797 = arith.constant 1 : i32
        %get3A_798 = arith.constant 4 : i32
        %get3A_799 = arith.index_cast %get3A_797 : i32 to index
        %get3A_800 = arith.index_cast %get3A_798 : i32 to index
        %get3A_801 = arith.index_cast %scan3A_607 : i32 to index
        %get3A_802 = arith.constant 32 : index
        %get3A_803 = tpu.vector_load %arg7[%get3A_799, %get3A_800, %get3A_801, %get3A_802] {strides = array<i32>} : memref<2x8x16x128xf32, #tpu.memory_space<vmem>>, vector<1x1x1x16xf32>,
        %get3A_804 = vector.shape_cast %get3A_803 : vector<1x1x1x16xf32> to vector<16xf32>
        %add3A_805 = arith.addf %add3A_796, %get3A_804 : vector<16xf32>
        %get3A_806 = arith.constant 1 : i32
        %get3A_807 = arith.constant 5 : i32
        %get3A_808 = arith.index_cast %get3A_806 : i32 to index
        %get3A_809 = arith.index_cast %get3A_807 : i32 to index
        %get3A_810 = arith.index_cast %scan3A_607 : i32 to index
        %get3A_811 = arith.constant 32 : index
        %get3A_812 = tpu.vector_load %arg7[%get3A_808, %get3A_809, %get3A_810, %get3A_811] {strides = array<i32>} : memref<2x8x16x128xf32, #tpu.memory_space<vmem>>, vector<1x1x1x16xf32>,
        %get3A_813 = vector.shape_cast %get3A_812 : vector<1x1x1x16xf32> to vector<16xf32>
        %add3A_814 = arith.addf %add3A_805, %get3A_813 : vector<16xf32>
        %get3A_815 = arith.constant 1 : i32
        %get3A_816 = arith.constant 6 : i32
        %get3A_817 = arith.index_cast %get3A_815 : i32 to index
        %get3A_818 = arith.index_cast %get3A_816 : i32 to index
        %get3A_819 = arith.index_cast %scan3A_607 : i32 to index
        %get3A_820 = arith.constant 32 : index
        %get3A_821 = tpu.vector_load %arg7[%get3A_817, %get3A_818, %get3A_819, %get3A_820] {strides = array<i32>} : memref<2x8x16x128xf32, #tpu.memory_space<vmem>>, vector<1x1x1x16xf32>,
        %get3A_822 = vector.shape_cast %get3A_821 : vector<1x1x1x16xf32> to vector<16xf32>
        %add3A_823 = arith.addf %add3A_814, %get3A_822 : vector<16xf32>
        %get3A_824 = arith.constant 1 : i32
        %get3A_825 = arith.constant 7 : i32
        %get3A_826 = arith.index_cast %get3A_824 : i32 to index
        %get3A_827 = arith.index_cast %get3A_825 : i32 to index
        %get3A_828 = arith.index_cast %scan3A_607 : i32 to index
        %get3A_829 = arith.constant 32 : index
        %get3A_830 = tpu.vector_load %arg7[%get3A_826, %get3A_827, %get3A_828, %get3A_829] {strides = array<i32>} : memref<2x8x16x128xf32, #tpu.memory_space<vmem>>, vector<1x1x1x16xf32>,
        %get3A_831 = vector.shape_cast %get3A_830 : vector<1x1x1x16xf32> to vector<16xf32>
        %add3A_832 = arith.addf %add3A_823, %get3A_831 : vector<16xf32>
        %swap3A_833 = arith.constant 1 : i32
        %swap3A_834 = arith.index_cast %swap3A_833 : i32 to index
        %swap3A_835 = arith.index_cast %scan3A_607 : i32 to index
        %swap3A_836 = arith.constant 32 : index
        %swap3A_837 = tpu.vector_load %arg8[%swap3A_834, %swap3A_835, %swap3A_836] {strides = array<i32>} : memref<2x16x128xf32, #tpu.memory_space<vmem>>, vector<1x1x16xf32>,
        %swap3A_838 = vector.shape_cast %swap3A_837 : vector<1x1x16xf32> to vector<16xf32>
        %swap3A_839 = vector.shape_cast %add3A_832 : vector<16xf32> to vector<1x1x16xf32>
        tpu.vector_store %arg8[%swap3A_834, %swap3A_835, %swap3A_836], %swap3A_839 {strides = array<i32>} : memref<2x16x128xf32, #tpu.memory_space<vmem>>, vector<1x1x16xf32>,
        %get3A_840 = arith.constant 1 : i32
        %get3A_841 = arith.constant 0 : i32
        %get3A_842 = arith.index_cast %get3A_840 : i32 to index
        %get3A_843 = arith.index_cast %get3A_841 : i32 to index
        %get3A_844 = arith.index_cast %scan3A_607 : i32 to index
        %get3A_845 = arith.constant 48 : index
        %get3A_846 = tpu.vector_load %arg7[%get3A_842, %get3A_843, %get3A_844, %get3A_845] {strides = array<i32>} : memref<2x8x16x128xf32, #tpu.memory_space<vmem>>, vector<1x1x1x16xf32>,
        %get3A_847 = vector.shape_cast %get3A_846 : vector<1x1x1x16xf32> to vector<16xf32>
        %get3A_848 = arith.constant 1 : i32
        %get3A_849 = arith.constant 1 : i32
        %get3A_850 = arith.index_cast %get3A_848 : i32 to index
        %get3A_851 = arith.index_cast %get3A_849 : i32 to index
        %get3A_852 = arith.index_cast %scan3A_607 : i32 to index
        %get3A_853 = arith.constant 48 : index
        %get3A_854 = tpu.vector_load %arg7[%get3A_850, %get3A_851, %get3A_852, %get3A_853] {strides = array<i32>} : memref<2x8x16x128xf32, #tpu.memory_space<vmem>>, vector<1x1x1x16xf32>,
        %get3A_855 = vector.shape_cast %get3A_854 : vector<1x1x1x16xf32> to vector<16xf32>
        %add3A_856 = arith.addf %get3A_847, %get3A_855 : vector<16xf32>
        %get3A_857 = arith.constant 1 : i32
        %get3A_858 = arith.constant 2 : i32
        %get3A_859 = arith.index_cast %get3A_857 : i32 to index
        %get3A_860 = arith.index_cast %get3A_858 : i32 to index
        %get3A_861 = arith.index_cast %scan3A_607 : i32 to index
        %get3A_862 = arith.constant 48 : index
        %get3A_863 = tpu.vector_load %arg7[%get3A_859, %get3A_860, %get3A_861, %get3A_862] {strides = array<i32>} : memref<2x8x16x128xf32, #tpu.memory_space<vmem>>, vector<1x1x1x16xf32>,
        %get3A_864 = vector.shape_cast %get3A_863 : vector<1x1x1x16xf32> to vector<16xf32>
        %add3A_865 = arith.addf %add3A_856, %get3A_864 : vector<16xf32>
        %get3A_866 = arith.constant 1 : i32
        %get3A_867 = arith.constant 3 : i32
        %get3A_868 = arith.index_cast %get3A_866 : i32 to index
        %get3A_869 = arith.index_cast %get3A_867 : i32 to index
        %get3A_870 = arith.index_cast %scan3A_607 : i32 to index
        %get3A_871 = arith.constant 48 : index
        %get3A_872 = tpu.vector_load %arg7[%get3A_868, %get3A_869, %get3A_870, %get3A_871] {strides = array<i32>} : memref<2x8x16x128xf32, #tpu.memory_space<vmem>>, vector<1x1x1x16xf32>,
        %get3A_873 = vector.shape_cast %get3A_872 : vector<1x1x1x16xf32> to vector<16xf32>
        %add3A_874 = arith.addf %add3A_865, %get3A_873 : vector<16xf32>
        %get3A_875 = arith.constant 1 : i32
        %get3A_876 = arith.constant 4 : i32
        %get3A_877 = arith.index_cast %get3A_875 : i32 to index
        %get3A_878 = arith.index_cast %get3A_876 : i32 to index
        %get3A_879 = arith.index_cast %scan3A_607 : i32 to index
        %get3A_880 = arith.constant 48 : index
        %get3A_881 = tpu.vector_load %arg7[%get3A_877, %get3A_878, %get3A_879, %get3A_880] {strides = array<i32>} : memref<2x8x16x128xf32, #tpu.memory_space<vmem>>, vector<1x1x1x16xf32>,
        %get3A_882 = vector.shape_cast %get3A_881 : vector<1x1x1x16xf32> to vector<16xf32>
        %add3A_883 = arith.addf %add3A_874, %get3A_882 : vector<16xf32>
        %get3A_884 = arith.constant 1 : i32
        %get3A_885 = arith.constant 5 : i32
        %get3A_886 = arith.index_cast %get3A_884 : i32 to index
        %get3A_887 = arith.index_cast %get3A_885 : i32 to index
        %get3A_888 = arith.index_cast %scan3A_607 : i32 to index
        %get3A_889 = arith.constant 48 : index
        %get3A_890 = tpu.vector_load %arg7[%get3A_886, %get3A_887, %get3A_888, %get3A_889] {strides = array<i32>} : memref<2x8x16x128xf32, #tpu.memory_space<vmem>>, vector<1x1x1x16xf32>,
        %get3A_891 = vector.shape_cast %get3A_890 : vector<1x1x1x16xf32> to vector<16xf32>
        %add3A_892 = arith.addf %add3A_883, %get3A_891 : vector<16xf32>
        %get3A_893 = arith.constant 1 : i32
        %get3A_894 = arith.constant 6 : i32
        %get3A_895 = arith.index_cast %get3A_893 : i32 to index
        %get3A_896 = arith.index_cast %get3A_894 : i32 to index
        %get3A_897 = arith.index_cast %scan3A_607 : i32 to index
        %get3A_898 = arith.constant 48 : index
        %get3A_899 = tpu.vector_load %arg7[%get3A_895, %get3A_896, %get3A_897, %get3A_898] {strides = array<i32>} : memref<2x8x16x128xf32, #tpu.memory_space<vmem>>, vector<1x1x1x16xf32>,
        %get3A_900 = vector.shape_cast %get3A_899 : vector<1x1x1x16xf32> to vector<16xf32>
        %add3A_901 = arith.addf %add3A_892, %get3A_900 : vector<16xf32>
        %get3A_902 = arith.constant 1 : i32
        %get3A_903 = arith.constant 7 : i32
        %get3A_904 = arith.index_cast %get3A_902 : i32 to index
        %get3A_905 = arith.index_cast %get3A_903 : i32 to index
        %get3A_906 = arith.index_cast %scan3A_607 : i32 to index
        %get3A_907 = arith.constant 48 : index
        %get3A_908 = tpu.vector_load %arg7[%get3A_904, %get3A_905, %get3A_906, %get3A_907] {strides = array<i32>} : memref<2x8x16x128xf32, #tpu.memory_space<vmem>>, vector<1x1x1x16xf32>,
        %get3A_909 = vector.shape_cast %get3A_908 : vector<1x1x1x16xf32> to vector<16xf32>
        %add3A_910 = arith.addf %add3A_901, %get3A_909 : vector<16xf32>
        %swap3A_911 = arith.constant 1 : i32
        %swap3A_912 = arith.index_cast %swap3A_911 : i32 to index
        %swap3A_913 = arith.index_cast %scan3A_607 : i32 to index
        %swap3A_914 = arith.constant 48 : index
        %swap3A_915 = tpu.vector_load %arg8[%swap3A_912, %swap3A_913, %swap3A_914] {strides = array<i32>} : memref<2x16x128xf32, #tpu.memory_space<vmem>>, vector<1x1x16xf32>,
        %swap3A_916 = vector.shape_cast %swap3A_915 : vector<1x1x16xf32> to vector<16xf32>
        %swap3A_917 = vector.shape_cast %add3A_910 : vector<16xf32> to vector<1x1x16xf32>
        tpu.vector_store %arg8[%swap3A_912, %swap3A_913, %swap3A_914], %swap3A_917 {strides = array<i32>} : memref<2x16x128xf32, #tpu.memory_space<vmem>>, vector<1x1x16xf32>,
        %get3A_918 = arith.constant 1 : i32
        %get3A_919 = arith.constant 0 : i32
        %get3A_920 = arith.index_cast %get3A_918 : i32 to index
        %get3A_921 = arith.index_cast %get3A_919 : i32 to index
        %get3A_922 = arith.index_cast %scan3A_607 : i32 to index
        %get3A_923 = arith.constant 64 : index
        %get3A_924 = tpu.vector_load %arg7[%get3A_920, %get3A_921, %get3A_922, %get3A_923] {strides = array<i32>} : memref<2x8x16x128xf32, #tpu.memory_space<vmem>>, vector<1x1x1x16xf32>,
        %get3A_925 = vector.shape_cast %get3A_924 : vector<1x1x1x16xf32> to vector<16xf32>
        %get3A_926 = arith.constant 1 : i32
        %get3A_927 = arith.constant 1 : i32
        %get3A_928 = arith.index_cast %get3A_926 : i32 to index
        %get3A_929 = arith.index_cast %get3A_927 : i32 to index
        %get3A_930 = arith.index_cast %scan3A_607 : i32 to index
        %get3A_931 = arith.constant 64 : index
        %get3A_932 = tpu.vector_load %arg7[%get3A_928, %get3A_929, %get3A_930, %get3A_931] {strides = array<i32>} : memref<2x8x16x128xf32, #tpu.memory_space<vmem>>, vector<1x1x1x16xf32>,
        %get3A_933 = vector.shape_cast %get3A_932 : vector<1x1x1x16xf32> to vector<16xf32>
        %add3A_934 = arith.addf %get3A_925, %get3A_933 : vector<16xf32>
        %get3A_935 = arith.constant 1 : i32
        %get3A_936 = arith.constant 2 : i32
        %get3A_937 = arith.index_cast %get3A_935 : i32 to index
        %get3A_938 = arith.index_cast %get3A_936 : i32 to index
        %get3A_939 = arith.index_cast %scan3A_607 : i32 to index
        %get3A_940 = arith.constant 64 : index
        %get3A_941 = tpu.vector_load %arg7[%get3A_937, %get3A_938, %get3A_939, %get3A_940] {strides = array<i32>} : memref<2x8x16x128xf32, #tpu.memory_space<vmem>>, vector<1x1x1x16xf32>,
        %get3A_942 = vector.shape_cast %get3A_941 : vector<1x1x1x16xf32> to vector<16xf32>
        %add3A_943 = arith.addf %add3A_934, %get3A_942 : vector<16xf32>
        %get3A_944 = arith.constant 1 : i32
        %get3A_945 = arith.constant 3 : i32
        %get3A_946 = arith.index_cast %get3A_944 : i32 to index
        %get3A_947 = arith.index_cast %get3A_945 : i32 to index
        %get3A_948 = arith.index_cast %scan3A_607 : i32 to index
        %get3A_949 = arith.constant 64 : index
        %get3A_950 = tpu.vector_load %arg7[%get3A_946, %get3A_947, %get3A_948, %get3A_949] {strides = array<i32>} : memref<2x8x16x128xf32, #tpu.memory_space<vmem>>, vector<1x1x1x16xf32>,
        %get3A_951 = vector.shape_cast %get3A_950 : vector<1x1x1x16xf32> to vector<16xf32>
        %add3A_952 = arith.addf %add3A_943, %get3A_951 : vector<16xf32>
        %get3A_953 = arith.constant 1 : i32
        %get3A_954 = arith.constant 4 : i32
        %get3A_955 = arith.index_cast %get3A_953 : i32 to index
        %get3A_956 = arith.index_cast %get3A_954 : i32 to index
        %get3A_957 = arith.index_cast %scan3A_607 : i32 to index
        %get3A_958 = arith.constant 64 : index
        %get3A_959 = tpu.vector_load %arg7[%get3A_955, %get3A_956, %get3A_957, %get3A_958] {strides = array<i32>} : memref<2x8x16x128xf32, #tpu.memory_space<vmem>>, vector<1x1x1x16xf32>,
        %get3A_960 = vector.shape_cast %get3A_959 : vector<1x1x1x16xf32> to vector<16xf32>
        %add3A_961 = arith.addf %add3A_952, %get3A_960 : vector<16xf32>
        %get3A_962 = arith.constant 1 : i32
        %get3A_963 = arith.constant 5 : i32
        %get3A_964 = arith.index_cast %get3A_962 : i32 to index
        %get3A_965 = arith.index_cast %get3A_963 : i32 to index
        %get3A_966 = arith.index_cast %scan3A_607 : i32 to index
        %get3A_967 = arith.constant 64 : index
        %get3A_968 = tpu.vector_load %arg7[%get3A_964, %get3A_965, %get3A_966, %get3A_967] {strides = array<i32>} : memref<2x8x16x128xf32, #tpu.memory_space<vmem>>, vector<1x1x1x16xf32>,
        %get3A_969 = vector.shape_cast %get3A_968 : vector<1x1x1x16xf32> to vector<16xf32>
        %add3A_970 = arith.addf %add3A_961, %get3A_969 : vector<16xf32>
        %get3A_971 = arith.constant 1 : i32
        %get3A_972 = arith.constant 6 : i32
        %get3A_973 = arith.index_cast %get3A_971 : i32 to index
        %get3A_974 = arith.index_cast %get3A_972 : i32 to index
        %get3A_975 = arith.index_cast %scan3A_607 : i32 to index
        %get3A_976 = arith.constant 64 : index
        %get3A_977 = tpu.vector_load %arg7[%get3A_973, %get3A_974, %get3A_975, %get3A_976] {strides = array<i32>} : memref<2x8x16x128xf32, #tpu.memory_space<vmem>>, vector<1x1x1x16xf32>,
        %get3A_978 = vector.shape_cast %get3A_977 : vector<1x1x1x16xf32> to vector<16xf32>
        %add3A_979 = arith.addf %add3A_970, %get3A_978 : vector<16xf32>
        %get3A_980 = arith.constant 1 : i32
        %get3A_981 = arith.constant 7 : i32
        %get3A_982 = arith.index_cast %get3A_980 : i32 to index
        %get3A_983 = arith.index_cast %get3A_981 : i32 to index
        %get3A_984 = arith.index_cast %scan3A_607 : i32 to index
        %get3A_985 = arith.constant 64 : index
        %get3A_986 = tpu.vector_load %arg7[%get3A_982, %get3A_983, %get3A_984, %get3A_985] {strides = array<i32>} : memref<2x8x16x128xf32, #tpu.memory_space<vmem>>, vector<1x1x1x16xf32>,
        %get3A_987 = vector.shape_cast %get3A_986 : vector<1x1x1x16xf32> to vector<16xf32>
        %add3A_988 = arith.addf %add3A_979, %get3A_987 : vector<16xf32>
        %swap3A_989 = arith.constant 1 : i32
        %swap3A_990 = arith.index_cast %swap3A_989 : i32 to index
        %swap3A_991 = arith.index_cast %scan3A_607 : i32 to index
        %swap3A_992 = arith.constant 64 : index
        %swap3A_993 = tpu.vector_load %arg8[%swap3A_990, %swap3A_991, %swap3A_992] {strides = array<i32>} : memref<2x16x128xf32, #tpu.memory_space<vmem>>, vector<1x1x16xf32>,
        %swap3A_994 = vector.shape_cast %swap3A_993 : vector<1x1x16xf32> to vector<16xf32>
        %swap3A_995 = vector.shape_cast %add3A_988 : vector<16xf32> to vector<1x1x16xf32>
        tpu.vector_store %arg8[%swap3A_990, %swap3A_991, %swap3A_992], %swap3A_995 {strides = array<i32>} : memref<2x16x128xf32, #tpu.memory_space<vmem>>, vector<1x1x16xf32>,
        %get3A_996 = arith.constant 1 : i32
        %get3A_997 = arith.constant 0 : i32
        %get3A_998 = arith.index_cast %get3A_996 : i32 to index
        %get3A_999 = arith.index_cast %get3A_997 : i32 to index
        %get3A_1000 = arith.index_cast %scan3A_607 : i32 to index
        %get3A_1001 = arith.constant 80 : index
        %get3A_1002 = tpu.vector_load %arg7[%get3A_998, %get3A_999, %get3A_1000, %get3A_1001] {strides = array<i32>} : memref<2x8x16x128xf32, #tpu.memory_space<vmem>>, vector<1x1x1x16xf32>,
        %get3A_1003 = vector.shape_cast %get3A_1002 : vector<1x1x1x16xf32> to vector<16xf32>
        %get3A_1004 = arith.constant 1 : i32
        %get3A_1005 = arith.constant 1 : i32
        %get3A_1006 = arith.index_cast %get3A_1004 : i32 to index
        %get3A_1007 = arith.index_cast %get3A_1005 : i32 to index
        %get3A_1008 = arith.index_cast %scan3A_607 : i32 to index
        %get3A_1009 = arith.constant 80 : index
        %get3A_1010 = tpu.vector_load %arg7[%get3A_1006, %get3A_1007, %get3A_1008, %get3A_1009] {strides = array<i32>} : memref<2x8x16x128xf32, #tpu.memory_space<vmem>>, vector<1x1x1x16xf32>,
        %get3A_1011 = vector.shape_cast %get3A_1010 : vector<1x1x1x16xf32> to vector<16xf32>
        %add3A_1012 = arith.addf %get3A_1003, %get3A_1011 : vector<16xf32>
        %get3A_1013 = arith.constant 1 : i32
        %get3A_1014 = arith.constant 2 : i32
        %get3A_1015 = arith.index_cast %get3A_1013 : i32 to index
        %get3A_1016 = arith.index_cast %get3A_1014 : i32 to index
        %get3A_1017 = arith.index_cast %scan3A_607 : i32 to index
        %get3A_1018 = arith.constant 80 : index
        %get3A_1019 = tpu.vector_load %arg7[%get3A_1015, %get3A_1016, %get3A_1017, %get3A_1018] {strides = array<i32>} : memref<2x8x16x128xf32, #tpu.memory_space<vmem>>, vector<1x1x1x16xf32>,
        %get3A_1020 = vector.shape_cast %get3A_1019 : vector<1x1x1x16xf32> to vector<16xf32>
        %add3A_1021 = arith.addf %add3A_1012, %get3A_1020 : vector<16xf32>
        %get3A_1022 = arith.constant 1 : i32
        %get3A_1023 = arith.constant 3 : i32
        %get3A_1024 = arith.index_cast %get3A_1022 : i32 to index
        %get3A_1025 = arith.index_cast %get3A_1023 : i32 to index
        %get3A_1026 = arith.index_cast %scan3A_607 : i32 to index
        %get3A_1027 = arith.constant 80 : index
        %get3A_1028 = tpu.vector_load %arg7[%get3A_1024, %get3A_1025, %get3A_1026, %get3A_1027] {strides = array<i32>} : memref<2x8x16x128xf32, #tpu.memory_space<vmem>>, vector<1x1x1x16xf32>,
        %get3A_1029 = vector.shape_cast %get3A_1028 : vector<1x1x1x16xf32> to vector<16xf32>
        %add3A_1030 = arith.addf %add3A_1021, %get3A_1029 : vector<16xf32>
        %get3A_1031 = arith.constant 1 : i32
        %get3A_1032 = arith.constant 4 : i32
        %get3A_1033 = arith.index_cast %get3A_1031 : i32 to index
        %get3A_1034 = arith.index_cast %get3A_1032 : i32 to index
        %get3A_1035 = arith.index_cast %scan3A_607 : i32 to index
        %get3A_1036 = arith.constant 80 : index
        %get3A_1037 = tpu.vector_load %arg7[%get3A_1033, %get3A_1034, %get3A_1035, %get3A_1036] {strides = array<i32>} : memref<2x8x16x128xf32, #tpu.memory_space<vmem>>, vector<1x1x1x16xf32>,
        %get3A_1038 = vector.shape_cast %get3A_1037 : vector<1x1x1x16xf32> to vector<16xf32>
        %add3A_1039 = arith.addf %add3A_1030, %get3A_1038 : vector<16xf32>
        %get3A_1040 = arith.constant 1 : i32
        %get3A_1041 = arith.constant 5 : i32
        %get3A_1042 = arith.index_cast %get3A_1040 : i32 to index
        %get3A_1043 = arith.index_cast %get3A_1041 : i32 to index
        %get3A_1044 = arith.index_cast %scan3A_607 : i32 to index
        %get3A_1045 = arith.constant 80 : index
        %get3A_1046 = tpu.vector_load %arg7[%get3A_1042, %get3A_1043, %get3A_1044, %get3A_1045] {strides = array<i32>} : memref<2x8x16x128xf32, #tpu.memory_space<vmem>>, vector<1x1x1x16xf32>,
        %get3A_1047 = vector.shape_cast %get3A_1046 : vector<1x1x1x16xf32> to vector<16xf32>
        %add3A_1048 = arith.addf %add3A_1039, %get3A_1047 : vector<16xf32>
        %get3A_1049 = arith.constant 1 : i32
        %get3A_1050 = arith.constant 6 : i32
        %get3A_1051 = arith.index_cast %get3A_1049 : i32 to index
        %get3A_1052 = arith.index_cast %get3A_1050 : i32 to index
        %get3A_1053 = arith.index_cast %scan3A_607 : i32 to index
        %get3A_1054 = arith.constant 80 : index
        %get3A_1055 = tpu.vector_load %arg7[%get3A_1051, %get3A_1052, %get3A_1053, %get3A_1054] {strides = array<i32>} : memref<2x8x16x128xf32, #tpu.memory_space<vmem>>, vector<1x1x1x16xf32>,
        %get3A_1056 = vector.shape_cast %get3A_1055 : vector<1x1x1x16xf32> to vector<16xf32>
        %add3A_1057 = arith.addf %add3A_1048, %get3A_1056 : vector<16xf32>
        %get3A_1058 = arith.constant 1 : i32
        %get3A_1059 = arith.constant 7 : i32
        %get3A_1060 = arith.index_cast %get3A_1058 : i32 to index
        %get3A_1061 = arith.index_cast %get3A_1059 : i32 to index
        %get3A_1062 = arith.index_cast %scan3A_607 : i32 to index
        %get3A_1063 = arith.constant 80 : index
        %get3A_1064 = tpu.vector_load %arg7[%get3A_1060, %get3A_1061, %get3A_1062, %get3A_1063] {strides = array<i32>} : memref<2x8x16x128xf32, #tpu.memory_space<vmem>>, vector<1x1x1x16xf32>,
        %get3A_1065 = vector.shape_cast %get3A_1064 : vector<1x1x1x16xf32> to vector<16xf32>
        %add3A_1066 = arith.addf %add3A_1057, %get3A_1065 : vector<16xf32>
        %swap3A_1067 = arith.constant 1 : i32
        %swap3A_1068 = arith.index_cast %swap3A_1067 : i32 to index
        %swap3A_1069 = arith.index_cast %scan3A_607 : i32 to index
        %swap3A_1070 = arith.constant 80 : index
        %swap3A_1071 = tpu.vector_load %arg8[%swap3A_1068, %swap3A_1069, %swap3A_1070] {strides = array<i32>} : memref<2x16x128xf32, #tpu.memory_space<vmem>>, vector<1x1x16xf32>,
        %swap3A_1072 = vector.shape_cast %swap3A_1071 : vector<1x1x16xf32> to vector<16xf32>
        %swap3A_1073 = vector.shape_cast %add3A_1066 : vector<16xf32> to vector<1x1x16xf32>
        tpu.vector_store %arg8[%swap3A_1068, %swap3A_1069, %swap3A_1070], %swap3A_1073 {strides = array<i32>} : memref<2x16x128xf32, #tpu.memory_space<vmem>>, vector<1x1x16xf32>,
        %get3A_1074 = arith.constant 1 : i32
        %get3A_1075 = arith.constant 0 : i32
        %get3A_1076 = arith.index_cast %get3A_1074 : i32 to index
        %get3A_1077 = arith.index_cast %get3A_1075 : i32 to index
        %get3A_1078 = arith.index_cast %scan3A_607 : i32 to index
        %get3A_1079 = arith.constant 96 : index
        %get3A_1080 = tpu.vector_load %arg7[%get3A_1076, %get3A_1077, %get3A_1078, %get3A_1079] {strides = array<i32>} : memref<2x8x16x128xf32, #tpu.memory_space<vmem>>, vector<1x1x1x16xf32>,
        %get3A_1081 = vector.shape_cast %get3A_1080 : vector<1x1x1x16xf32> to vector<16xf32>
        %get3A_1082 = arith.constant 1 : i32
        %get3A_1083 = arith.constant 1 : i32
        %get3A_1084 = arith.index_cast %get3A_1082 : i32 to index
        %get3A_1085 = arith.index_cast %get3A_1083 : i32 to index
        %get3A_1086 = arith.index_cast %scan3A_607 : i32 to index
        %get3A_1087 = arith.constant 96 : index
        %get3A_1088 = tpu.vector_load %arg7[%get3A_1084, %get3A_1085, %get3A_1086, %get3A_1087] {strides = array<i32>} : memref<2x8x16x128xf32, #tpu.memory_space<vmem>>, vector<1x1x1x16xf32>,
        %get3A_1089 = vector.shape_cast %get3A_1088 : vector<1x1x1x16xf32> to vector<16xf32>
        %add3A_1090 = arith.addf %get3A_1081, %get3A_1089 : vector<16xf32>
        %get3A_1091 = arith.constant 1 : i32
        %get3A_1092 = arith.constant 2 : i32
        %get3A_1093 = arith.index_cast %get3A_1091 : i32 to index
        %get3A_1094 = arith.index_cast %get3A_1092 : i32 to index
        %get3A_1095 = arith.index_cast %scan3A_607 : i32 to index
        %get3A_1096 = arith.constant 96 : index
        %get3A_1097 = tpu.vector_load %arg7[%get3A_1093, %get3A_1094, %get3A_1095, %get3A_1096] {strides = array<i32>} : memref<2x8x16x128xf32, #tpu.memory_space<vmem>>, vector<1x1x1x16xf32>,
        %get3A_1098 = vector.shape_cast %get3A_1097 : vector<1x1x1x16xf32> to vector<16xf32>
        %add3A_1099 = arith.addf %add3A_1090, %get3A_1098 : vector<16xf32>
        %get3A_1100 = arith.constant 1 : i32
        %get3A_1101 = arith.constant 3 : i32
        %get3A_1102 = arith.index_cast %get3A_1100 : i32 to index
        %get3A_1103 = arith.index_cast %get3A_1101 : i32 to index
        %get3A_1104 = arith.index_cast %scan3A_607 : i32 to index
        %get3A_1105 = arith.constant 96 : index
        %get3A_1106 = tpu.vector_load %arg7[%get3A_1102, %get3A_1103, %get3A_1104, %get3A_1105] {strides = array<i32>} : memref<2x8x16x128xf32, #tpu.memory_space<vmem>>, vector<1x1x1x16xf32>,
        %get3A_1107 = vector.shape_cast %get3A_1106 : vector<1x1x1x16xf32> to vector<16xf32>
        %add3A_1108 = arith.addf %add3A_1099, %get3A_1107 : vector<16xf32>
        %get3A_1109 = arith.constant 1 : i32
        %get3A_1110 = arith.constant 4 : i32
        %get3A_1111 = arith.index_cast %get3A_1109 : i32 to index
        %get3A_1112 = arith.index_cast %get3A_1110 : i32 to index
        %get3A_1113 = arith.index_cast %scan3A_607 : i32 to index
        %get3A_1114 = arith.constant 96 : index
        %get3A_1115 = tpu.vector_load %arg7[%get3A_1111, %get3A_1112, %get3A_1113, %get3A_1114] {strides = array<i32>} : memref<2x8x16x128xf32, #tpu.memory_space<vmem>>, vector<1x1x1x16xf32>,
        %get3A_1116 = vector.shape_cast %get3A_1115 : vector<1x1x1x16xf32> to vector<16xf32>
        %add3A_1117 = arith.addf %add3A_1108, %get3A_1116 : vector<16xf32>
        %get3A_1118 = arith.constant 1 : i32
        %get3A_1119 = arith.constant 5 : i32
        %get3A_1120 = arith.index_cast %get3A_1118 : i32 to index
        %get3A_1121 = arith.index_cast %get3A_1119 : i32 to index
        %get3A_1122 = arith.index_cast %scan3A_607 : i32 to index
        %get3A_1123 = arith.constant 96 : index
        %get3A_1124 = tpu.vector_load %arg7[%get3A_1120, %get3A_1121, %get3A_1122, %get3A_1123] {strides = array<i32>} : memref<2x8x16x128xf32, #tpu.memory_space<vmem>>, vector<1x1x1x16xf32>,
        %get3A_1125 = vector.shape_cast %get3A_1124 : vector<1x1x1x16xf32> to vector<16xf32>
        %add3A_1126 = arith.addf %add3A_1117, %get3A_1125 : vector<16xf32>
        %get3A_1127 = arith.constant 1 : i32
        %get3A_1128 = arith.constant 6 : i32
        %get3A_1129 = arith.index_cast %get3A_1127 : i32 to index
        %get3A_1130 = arith.index_cast %get3A_1128 : i32 to index
        %get3A_1131 = arith.index_cast %scan3A_607 : i32 to index
        %get3A_1132 = arith.constant 96 : index
        %get3A_1133 = tpu.vector_load %arg7[%get3A_1129, %get3A_1130, %get3A_1131, %get3A_1132] {strides = array<i32>} : memref<2x8x16x128xf32, #tpu.memory_space<vmem>>, vector<1x1x1x16xf32>,
        %get3A_1134 = vector.shape_cast %get3A_1133 : vector<1x1x1x16xf32> to vector<16xf32>
        %add3A_1135 = arith.addf %add3A_1126, %get3A_1134 : vector<16xf32>
        %get3A_1136 = arith.constant 1 : i32
        %get3A_1137 = arith.constant 7 : i32
        %get3A_1138 = arith.index_cast %get3A_1136 : i32 to index
        %get3A_1139 = arith.index_cast %get3A_1137 : i32 to index
        %get3A_1140 = arith.index_cast %scan3A_607 : i32 to index
        %get3A_1141 = arith.constant 96 : index
        %get3A_1142 = tpu.vector_load %arg7[%get3A_1138, %get3A_1139, %get3A_1140, %get3A_1141] {strides = array<i32>} : memref<2x8x16x128xf32, #tpu.memory_space<vmem>>, vector<1x1x1x16xf32>,
        %get3A_1143 = vector.shape_cast %get3A_1142 : vector<1x1x1x16xf32> to vector<16xf32>
        %add3A_1144 = arith.addf %add3A_1135, %get3A_1143 : vector<16xf32>
        %swap3A_1145 = arith.constant 1 : i32
        %swap3A_1146 = arith.index_cast %swap3A_1145 : i32 to index
        %swap3A_1147 = arith.index_cast %scan3A_607 : i32 to index
        %swap3A_1148 = arith.constant 96 : index
        %swap3A_1149 = tpu.vector_load %arg8[%swap3A_1146, %swap3A_1147, %swap3A_1148] {strides = array<i32>} : memref<2x16x128xf32, #tpu.memory_space<vmem>>, vector<1x1x16xf32>,
        %swap3A_1150 = vector.shape_cast %swap3A_1149 : vector<1x1x16xf32> to vector<16xf32>
        %swap3A_1151 = vector.shape_cast %add3A_1144 : vector<16xf32> to vector<1x1x16xf32>
        tpu.vector_store %arg8[%swap3A_1146, %swap3A_1147, %swap3A_1148], %swap3A_1151 {strides = array<i32>} : memref<2x16x128xf32, #tpu.memory_space<vmem>>, vector<1x1x16xf32>,
        %get3A_1152 = arith.constant 1 : i32
        %get3A_1153 = arith.constant 0 : i32
        %get3A_1154 = arith.index_cast %get3A_1152 : i32 to index
        %get3A_1155 = arith.index_cast %get3A_1153 : i32 to index
        %get3A_1156 = arith.index_cast %scan3A_607 : i32 to index
        %get3A_1157 = arith.constant 112 : index
        %get3A_1158 = tpu.vector_load %arg7[%get3A_1154, %get3A_1155, %get3A_1156, %get3A_1157] {strides = array<i32>} : memref<2x8x16x128xf32, #tpu.memory_space<vmem>>, vector<1x1x1x16xf32>,
        %get3A_1159 = vector.shape_cast %get3A_1158 : vector<1x1x1x16xf32> to vector<16xf32>
        %get3A_1160 = arith.constant 1 : i32
        %get3A_1161 = arith.constant 1 : i32
        %get3A_1162 = arith.index_cast %get3A_1160 : i32 to index
        %get3A_1163 = arith.index_cast %get3A_1161 : i32 to index
        %get3A_1164 = arith.index_cast %scan3A_607 : i32 to index
        %get3A_1165 = arith.constant 112 : index
        %get3A_1166 = tpu.vector_load %arg7[%get3A_1162, %get3A_1163, %get3A_1164, %get3A_1165] {strides = array<i32>} : memref<2x8x16x128xf32, #tpu.memory_space<vmem>>, vector<1x1x1x16xf32>,
        %get3A_1167 = vector.shape_cast %get3A_1166 : vector<1x1x1x16xf32> to vector<16xf32>
        %add3A_1168 = arith.addf %get3A_1159, %get3A_1167 : vector<16xf32>
        %get3A_1169 = arith.constant 1 : i32
        %get3A_1170 = arith.constant 2 : i32
        %get3A_1171 = arith.index_cast %get3A_1169 : i32 to index
        %get3A_1172 = arith.index_cast %get3A_1170 : i32 to index
        %get3A_1173 = arith.index_cast %scan3A_607 : i32 to index
        %get3A_1174 = arith.constant 112 : index
        %get3A_1175 = tpu.vector_load %arg7[%get3A_1171, %get3A_1172, %get3A_1173, %get3A_1174] {strides = array<i32>} : memref<2x8x16x128xf32, #tpu.memory_space<vmem>>, vector<1x1x1x16xf32>,
        %get3A_1176 = vector.shape_cast %get3A_1175 : vector<1x1x1x16xf32> to vector<16xf32>
        %add3A_1177 = arith.addf %add3A_1168, %get3A_1176 : vector<16xf32>
        %get3A_1178 = arith.constant 1 : i32
        %get3A_1179 = arith.constant 3 : i32
        %get3A_1180 = arith.index_cast %get3A_1178 : i32 to index
        %get3A_1181 = arith.index_cast %get3A_1179 : i32 to index
        %get3A_1182 = arith.index_cast %scan3A_607 : i32 to index
        %get3A_1183 = arith.constant 112 : index
        %get3A_1184 = tpu.vector_load %arg7[%get3A_1180, %get3A_1181, %get3A_1182, %get3A_1183] {strides = array<i32>} : memref<2x8x16x128xf32, #tpu.memory_space<vmem>>, vector<1x1x1x16xf32>,
        %get3A_1185 = vector.shape_cast %get3A_1184 : vector<1x1x1x16xf32> to vector<16xf32>
        %add3A_1186 = arith.addf %add3A_1177, %get3A_1185 : vector<16xf32>
        %get3A_1187 = arith.constant 1 : i32
        %get3A_1188 = arith.constant 4 : i32
        %get3A_1189 = arith.index_cast %get3A_1187 : i32 to index
        %get3A_1190 = arith.index_cast %get3A_1188 : i32 to index
        %get3A_1191 = arith.index_cast %scan3A_607 : i32 to index
        %get3A_1192 = arith.constant 112 : index
        %get3A_1193 = tpu.vector_load %arg7[%get3A_1189, %get3A_1190, %get3A_1191, %get3A_1192] {strides = array<i32>} : memref<2x8x16x128xf32, #tpu.memory_space<vmem>>, vector<1x1x1x16xf32>,
        %get3A_1194 = vector.shape_cast %get3A_1193 : vector<1x1x1x16xf32> to vector<16xf32>
        %add3A_1195 = arith.addf %add3A_1186, %get3A_1194 : vector<16xf32>
        %get3A_1196 = arith.constant 1 : i32
        %get3A_1197 = arith.constant 5 : i32
        %get3A_1198 = arith.index_cast %get3A_1196 : i32 to index
        %get3A_1199 = arith.index_cast %get3A_1197 : i32 to index
        %get3A_1200 = arith.index_cast %scan3A_607 : i32 to index
        %get3A_1201 = arith.constant 112 : index
        %get3A_1202 = tpu.vector_load %arg7[%get3A_1198, %get3A_1199, %get3A_1200, %get3A_1201] {strides = array<i32>} : memref<2x8x16x128xf32, #tpu.memory_space<vmem>>, vector<1x1x1x16xf32>,
        %get3A_1203 = vector.shape_cast %get3A_1202 : vector<1x1x1x16xf32> to vector<16xf32>
        %add3A_1204 = arith.addf %add3A_1195, %get3A_1203 : vector<16xf32>
        %get3A_1205 = arith.constant 1 : i32
        %get3A_1206 = arith.constant 6 : i32
        %get3A_1207 = arith.index_cast %get3A_1205 : i32 to index
        %get3A_1208 = arith.index_cast %get3A_1206 : i32 to index
        %get3A_1209 = arith.index_cast %scan3A_607 : i32 to index
        %get3A_1210 = arith.constant 112 : index
        %get3A_1211 = tpu.vector_load %arg7[%get3A_1207, %get3A_1208, %get3A_1209, %get3A_1210] {strides = array<i32>} : memref<2x8x16x128xf32, #tpu.memory_space<vmem>>, vector<1x1x1x16xf32>,
        %get3A_1212 = vector.shape_cast %get3A_1211 : vector<1x1x1x16xf32> to vector<16xf32>
        %add3A_1213 = arith.addf %add3A_1204, %get3A_1212 : vector<16xf32>
        %get3A_1214 = arith.constant 1 : i32
        %get3A_1215 = arith.constant 7 : i32
        %get3A_1216 = arith.index_cast %get3A_1214 : i32 to index
        %get3A_1217 = arith.index_cast %get3A_1215 : i32 to index
        %get3A_1218 = arith.index_cast %scan3A_607 : i32 to index
        %get3A_1219 = arith.constant 112 : index
        %get3A_1220 = tpu.vector_load %arg7[%get3A_1216, %get3A_1217, %get3A_1218, %get3A_1219] {strides = array<i32>} : memref<2x8x16x128xf32, #tpu.memory_space<vmem>>, vector<1x1x1x16xf32>,
        %get3A_1221 = vector.shape_cast %get3A_1220 : vector<1x1x1x16xf32> to vector<16xf32>
        %add3A_1222 = arith.addf %add3A_1213, %get3A_1221 : vector<16xf32>
        %swap3A_1223 = arith.constant 1 : i32
        %swap3A_1224 = arith.index_cast %swap3A_1223 : i32 to index
        %swap3A_1225 = arith.index_cast %scan3A_607 : i32 to index
        %swap3A_1226 = arith.constant 112 : index
        %swap3A_1227 = tpu.vector_load %arg8[%swap3A_1224, %swap3A_1225, %swap3A_1226] {strides = array<i32>} : memref<2x16x128xf32, #tpu.memory_space<vmem>>, vector<1x1x16xf32>,
        %swap3A_1228 = vector.shape_cast %swap3A_1227 : vector<1x1x16xf32> to vector<16xf32>
        %swap3A_1229 = vector.shape_cast %add3A_1222 : vector<16xf32> to vector<1x1x16xf32>
        tpu.vector_store %arg8[%swap3A_1224, %swap3A_1225, %swap3A_1226], %swap3A_1229 {strides = array<i32>} : memref<2x16x128xf32, #tpu.memory_space<vmem>>, vector<1x1x16xf32>,
      }
      %scan3A_591 = arith.constant 16 : i32
      %add3A_592 = arith.constant 624 : i32
      %add3A_593 = arith.addi %add3A_63, %add3A_592 : i32
      %dma_start3A_594 = arith.constant 1 : i32
      %dma_start3A_595 = arith.constant 0 : i32
      %dma_start3A_596 = arith.constant 0 : i32
      %dma_start3A_597 = tpu.memref_slice %arg8[%dma_start3A_594, %dma_start3A_595, %dma_start3A_596] : memref<2x16x128xf32, #tpu.memory_space<vmem>> -> memref<1x16x128xf32, #tpu.memory_space<vmem>>
      %dma_start3A_598 = tpu.memref_squeeze %dma_start3A_597 : memref<1x16x128xf32, #tpu.memory_space<vmem>> -> memref<16x128xf32, #tpu.memory_space<vmem>>
      %dma_start3A_599 = arith.constant 0 : i32
      %dma_start3A_600 = tpu.memref_slice %arg4[%add3A_593, %dma_start3A_599] : memref<204800x128xf32, #tpu.memory_space<hbm>> -> memref<16x128xf32, #tpu.memory_space<hbm>>
      %dma_start3A_601 = arith.constant 0 : i32
      %dma_start3A_602 = tpu.memref_slice %arg4[%add3A_593, %dma_start3A_601] : memref<204800x128xf32, #tpu.memory_space<hbm>> -> memref<16x128xf32, #tpu.memory_space<hbm>>
      %dma_start3A_603 = arith.constant 0 : i32
      %dma_start3A_604 = arith.constant 0 : i32
      %dma_start3A_605 = tpu.memref_slice %arg8[%dma_start3A_594, %dma_start3A_603, %dma_start3A_604] : memref<2x16x128xf32, #tpu.memory_space<vmem>> -> memref<1x16x128xf32, #tpu.memory_space<vmem>>
      %dma_start3A_606 = tpu.memref_squeeze %dma_start3A_605 : memref<1x16x128xf32, #tpu.memory_space<vmem>> -> memref<16x128xf32, #tpu.memory_space<vmem>>
      tpu.enqueue_dma source(%dma_start3A_606 : memref<16x128xf32, #tpu.memory_space<vmem>>) target(%dma_start3A_602 : memref<16x128xf32, #tpu.memory_space<hbm>>) target_semaphore(%arg13 : memref<!tpu.dma_semaphore, #tpu.memory_space<semaphore_mem>>)
    }
    %scan3A_34 = arith.constant 10 : i32
    %dma_wait3A = arith.constant 0 : i32
    %dma_wait3A_35 = arith.constant 0 : i32
    %dma_wait3A_36 = arith.constant 0 : i32
    %dma_wait3A_37 = tpu.memref_slice %arg8[%dma_wait3A, %dma_wait3A_35, %dma_wait3A_36] : memref<2x16x128xf32, #tpu.memory_space<vmem>> -> memref<1x16x128xf32, #tpu.memory_space<vmem>>
    %dma_wait3A_38 = tpu.memref_squeeze %dma_wait3A_37 : memref<1x16x128xf32, #tpu.memory_space<vmem>> -> memref<16x128xf32, #tpu.memory_space<vmem>>
    %dma_wait3A_39 = arith.constant 0 : i32
    %dma_wait3A_40 = tpu.memref_slice %arg4[%mul3A_2, %dma_wait3A_39] : memref<204800x128xf32, #tpu.memory_space<hbm>> -> memref<16x128xf32, #tpu.memory_space<hbm>>
    %dma_wait3A_41 = arith.constant 0 : i32
    %dma_wait3A_42 = tpu.memref_slice %arg4[%mul3A_2, %dma_wait3A_41] : memref<204800x128xf32, #tpu.memory_space<hbm>> -> memref<16x128xf32, #tpu.memory_space<hbm>>
    %dma_wait3A_43 = arith.constant 0 : i32
    %dma_wait3A_44 = arith.constant 0 : i32
    %dma_wait3A_45 = tpu.memref_slice %arg8[%dma_wait3A, %dma_wait3A_43, %dma_wait3A_44] : memref<2x16x128xf32, #tpu.memory_space<vmem>> -> memref<1x16x128xf32, #tpu.memory_space<vmem>>
    %dma_wait3A_46 = tpu.memref_squeeze %dma_wait3A_45 : memref<1x16x128xf32, #tpu.memory_space<vmem>> -> memref<16x128xf32, #tpu.memory_space<vmem>>
    tpu.wait_dma2 semaphore(%arg12 : memref<!tpu.dma_semaphore, #tpu.memory_space<semaphore_mem>>) src(%dma_wait3A_46 : memref<16x128xf32, #tpu.memory_space<vmem>>) dst(%dma_wait3A_42 : memref<16x128xf32, #tpu.memory_space<hbm>>)
    %dma_wait3A_47 = arith.constant 1 : i32
    %dma_wait3A_48 = arith.constant 0 : i32
    %dma_wait3A_49 = arith.constant 0 : i32
    %dma_wait3A_50 = tpu.memref_slice %arg8[%dma_wait3A_47, %dma_wait3A_48, %dma_wait3A_49] : memref<2x16x128xf32, #tpu.memory_space<vmem>> -> memref<1x16x128xf32, #tpu.memory_space<vmem>>
    %dma_wait3A_51 = tpu.memref_squeeze %dma_wait3A_50 : memref<1x16x128xf32, #tpu.memory_space<vmem>> -> memref<16x128xf32, #tpu.memory_space<vmem>>
    %dma_wait3A_52 = arith.constant 0 : i32
    %dma_wait3A_53 = tpu.memref_slice %arg4[%mul3A_2, %dma_wait3A_52] : memref<204800x128xf32, #tpu.memory_space<hbm>> -> memref<16x128xf32, #tpu.memory_space<hbm>>
    %dma_wait3A_54 = arith.constant 0 : i32
    %dma_wait3A_55 = tpu.memref_slice %arg4[%mul3A_2, %dma_wait3A_54] : memref<204800x128xf32, #tpu.memory_space<hbm>> -> memref<16x128xf32, #tpu.memory_space<hbm>>
    %dma_wait3A_56 = arith.constant 0 : i32
    %dma_wait3A_57 = arith.constant 0 : i32
    %dma_wait3A_58 = tpu.memref_slice %arg8[%dma_wait3A_47, %dma_wait3A_56, %dma_wait3A_57] : memref<2x16x128xf32, #tpu.memory_space<vmem>> -> memref<1x16x128xf32, #tpu.memory_space<vmem>>
    %dma_wait3A_59 = tpu.memref_squeeze %dma_wait3A_58 : memref<1x16x128xf32, #tpu.memory_space<vmem>> -> memref<16x128xf32, #tpu.memory_space<vmem>>
    tpu.wait_dma2 semaphore(%arg13 : memref<!tpu.dma_semaphore, #tpu.memory_space<semaphore_mem>>) src(%dma_wait3A_59 : memref<16x128xf32, #tpu.memory_space<vmem>>) dst(%dma_wait3A_55 : memref<16x128xf32, #tpu.memory_space<hbm>>)
    return
  }
}

</mosaic_0001>

<sc_bundles>
// kernel: kernel.3.cloned.1.call-start
scs
__scs_entry_jumppad:
0x0: {  	(pc) =	sbr.rel $0x88, $3  }
0x1: {  	(tag) =	ssettag $0x0;
	lr =	simm.s32 $0x1  }
0x2: {  	[smem:$0x3F97] =	sst lr;
	_ =	strace $0xD0000000  }
0x3: {  	_ = 	snop  }
0x4: {  	_ = 	snop  }
0x5: {  	_ = 	snop  }
0x6: {  	_ = 	snop  }
0x7: {  	_ = 	snop  }
__scs_overlays_trampoline_lowered:
0x8: {  	[smem:$0x3FA6] =	sst s0  }
0x9: {  	[smem:$0x3FA7] =	sst s1  }
0xa: {  	[smem:$0x3FA8] =	sst s2  }
0xb: {  	[smem:$0x3FA9] =	sst s3  }
0xc: {  	[smem:$0x3FAA] =	sst s4  }
0xd: {  	[smem:$0x3FAB] =	sst s5  }
0xe: {  	[smem:$0x3FAC] =	sst s6  }
0xf: {  	[smem:$0x3FAD] =	sst s7  }
0x10: {  	[smem:$0x3FAE] =	sst s8  }
0x11: {  	[smem:$0x3FAF] =	sst s9;
	s0 =	simm.s32 @!p0 $0x0  }
0x12: {  	s1 =	sld [smem:$0x3F95];
	s0 =	simm.s32 @p0 $0x1  }
0x13: {  	[smem:$0x3FB0] =	sst s0;
	s0 =	simm.s32 @!p1 $0x0  }
0x14: {  	s2 =	sld [smem:$0x3F94];
	s0 =	simm.s32 @p1 $0x1  }
0x15: {  	[smem:$0x3FB1] =	sst s0;
	s0 =	simm.s32 @!p2 $0x0  }
0x16: {  	s3 =	sld [smem:$0x3FDB];
	s0 =	simm.s32 @p2 $0x1  }
0x17: {  	s4 =	simm.s32 $0x1BF5;
	[smem:$0x3FB3] =	sst s0  }
0x18: {  	s0 =	sld [smem:$0x3F96];
	_ =	swait.ge [sflag:s4], $0x0  }
0x19: {  	s7 =	sld [smem:$0x3F97]  }
0x1a: {  	s8 =	sadd.s32 $0xFFFFE003, lr  }
0x1b: {  	s9 =	sadd.s32 $0xFFFFFEF7, lr;
	s5 =	simm.s32 $0xFFFFFFFF;
	p2 =	slt.u32 s8, $0xFFFFF086  }
0x1c: {  	p1 =	slt.u32 s9, $0xF7A;
	s5 =	simm.s32 @!p2 $0x0  }
0x1d: {  	s5 =	simm.s32 @p1 $0x1;
	p0 =	seq.s32 s7, s2  }
0x1e: {  	s7 =	smul.u32 @!p0 $0xF7A, s2;
	p2 =	seq.s32 @!p0 s5, $0x0  }
0x1f: {  	s9 =	smul.u32 $0xF7A, s1;
	s8 =	simm.s32 @!p0 $0x1BF5;
	p2 =	por !p2, p0  }
0x20: {  	[sflag:s8] =	ssyncset.s32 @!p0 $0xFFFFF086;
	s6 =	sadd.s32 @!p0 s3, s7;
	s7 =	simm.s32 @!p0 $0x108  }
0x21: {  	s3 =	sadd.s32 s3, s9;
	s6 =	sadd.s32 @!p0 $0x88, s6;
	s7 =	simm.s32 @p2 $0x1082  }
0x22: {  	[simem:s7], [sflag:s8] =	dma.local @!p0 [hbm:s6], $0xF7A  }
0x23: {  	s9 =	sor.u32 $0xD0000000, s2;
	s6 =	simm.s32 $0x108;
	_ =	swait.ge @!p0 [sflag:s8], $0x0  }
0x24: {  	s3 =	sadd.s32 $0x88, s3;
	s6 =	simm.s32 @!p1 $0x1082;
	[sflag:s4] =	ssyncset.s32 $0xFFFFF086  }
0x25: {  	[simem:s6], [sflag:s4] =	dma.local [hbm:s3], $0xF7A  }
0x26: {  	[smem:$0x3F97] =	sst s1;
	(tag) =	ssettag s2;
	_ =	strace s9  }
0x27: {  	s1 =	sld [smem:$0x3FA7]  }
0x28: {  	s2 =	sld [smem:$0x3FA8]  }
0x29: {  	s4 =	sld [smem:$0x3FAA]  }
0x2a: {  	p0 =	seq.s32 s5, $0x0;
	s5 =	sld [smem:$0x3FAB]  }
0x2b: {  	s6 =	sld [smem:$0x3FAC]  }
0x2c: {  	s7 =	sld [smem:$0x3FAD]  }
0x2d: {  	s3 =	simm.s32 $0x108;
	s8 =	sld [smem:$0x3FAE]  }
0x2e: {  	s3 =	simm.s32 @!p0 $0x1082;
	s9 =	sld [smem:$0x3FAF]  }
0x2f: {  	lr =	sadd.s32 s0, s3;
	s0 =	sld [smem:$0x3FA6]  }
0x30: {  	s3 =	sld [smem:$0x3FA9]  }
0x31: {  	[smem:$0x3FB2] =	sst s10  }
0x32: {  	s10 =	sld [smem:$0x3FB0];
	_ =	sdelay $0x3  }
0x33: {  	p0 =	seq.s32 s10, $0x1;
	s10 =	sld [smem:$0x3FB2];
	_ =	sdelay $0x3  }
0x34: {  	[smem:$0x3FB2] =	sst s10  }
0x35: {  	s10 =	sld [smem:$0x3FB1];
	_ =	sdelay $0x3  }
0x36: {  	p1 =	seq.s32 s10, $0x1;
	s10 =	sld [smem:$0x3FB2];
	_ =	sdelay $0x3  }
0x37: {  	[smem:$0x3FB2] =	sst s10  }
0x38: {  	s10 =	sld [smem:$0x3FB3]  }
0x39: {  	_ = 	snop;
	(pc) =	sbr.ind lr, $3  }
0x3a: {  	_ = 	snop  }
0x3b: {  	_ = 	snop  }
0x3c: {  	p2 =	seq.s32 s10, $0x1;
	s10 =	sld [smem:$0x3FB2]  }
0x3d: {  	_ =	shalt  }
0x3e: {  	_ =	shalt  }
0x3f: {  	_ =	shalt  }
0x40: {  	_ =	shalt  }
0x41: {  	_ =	shalt  }
0x42: {  	_ =	shalt  }
0x43: {  	_ =	shalt  }
0x44: {  	_ =	shalt  }
0x45: {  	_ =	shalt  }
0x46: {  	_ =	shalt  }
0x47: {  	_ =	shalt  }
0x48: {  	_ =	shalt  }
0x49: {  	_ =	shalt  }
0x4a: {  	_ =	shalt  }
0x4b: {  	_ =	shalt  }
0x4c: {  	_ =	shalt  }
0x4d: {  	_ =	shalt  }
0x4e: {  	_ =	shalt  }
0x4f: {  	_ =	shalt  }
0x50: {  	_ =	shalt  }
0x51: {  	_ =	shalt  }
0x52: {  	_ =	shalt  }
0x53: {  	_ =	shalt  }
0x54: {  	_ =	shalt  }
0x55: {  	_ =	shalt  }
0x56: {  	_ =	shalt  }
0x57: {  	_ =	shalt  }
0x58: {  	_ =	shalt  }
0x59: {  	_ =	shalt  }
0x5a: {  	_ =	shalt  }
0x5b: {  	_ =	shalt  }
0x5c: {  	_ =	shalt  }
0x5d: {  	_ =	shalt  }
0x5e: {  	_ =	shalt  }
0x5f: {  	_ =	shalt  }
0x60: {  	_ =	shalt  }
0x61: {  	_ =	shalt  }
0x62: {  	_ =	shalt  }
0x63: {  	_ =	shalt  }
0x64: {  	_ =	shalt  }
0x65: {  	_ =	shalt  }
0x66: {  	_ =	shalt  }
0x67: {  	_ =	shalt  }
0x68: {  	_ =	shalt  }
0x69: {  	_ =	shalt  }
0x6a: {  	_ =	shalt  }
0x6b: {  	_ =	shalt  }
0x6c: {  	_ =	shalt  }
0x6d: {  	_ =	shalt  }
0x6e: {  	_ =	shalt  }
0x6f: {  	_ =	shalt  }
0x70: {  	_ =	shalt  }
0x71: {  	_ =	shalt  }
0x72: {  	_ =	shalt  }
0x73: {  	_ =	shalt  }
0x74: {  	_ =	shalt  }
0x75: {  	_ =	shalt  }
0x76: {  	_ =	shalt  }
0x77: {  	_ =	shalt  }
0x78: {  	_ =	shalt  }
0x79: {  	_ =	shalt  }
0x7a: {  	_ =	shalt  }
0x7b: {  	_ =	shalt  }
0x7c: {  	_ =	shalt  }
0x7d: {  	_ =	shalt  }
0x7e: {  	_ =	shalt  }
0x7f: {  	_ =	shalt  }
0x80: {  	_ =	shalt  }
0x81: {  	_ =	shalt  }
0x82: {  	_ =	shalt  }
0x83: {  	_ =	shalt  }
0x84: {  	_ =	shalt  }
0x85: {  	_ =	shalt  }
0x86: {  	_ =	shalt  }
0x87: {  	_ =	shalt  }
.Lfunc_end0:
.L_simem_size_0:
called_computation.1_lowered:
.L_overlay_start_0:
0x88: {  	s2 =	sld [smem:$0x3FD9]  }
0x89: {  	s3 =	sld [smem:$0x3FFE];
	_ =	sdelay $0x1  }
0x8a: {  	s1 =	srdreg.scid  }
0x8b: {  	s0 =	sand.u32 $0x1, s1  }
0x8c: {  	s17 =	sshll.u32 s0, $0xA;
	s2 =	sadd.s32 s3, s2  }
0x8d: {  	s2 =	sadd.s32 s2, s17  }
0x8e: {  	[smem:$0x3FBE] =	sst s2  }
0x8f: {  	_ = 	snop  }
0x90: {  	s2 =	sld [smem:$0x3FD0];
	(tm) =	ssettm $0x1  }
0x91: {  	s18 =	sld [smem:$0x3FFB];
	_ =	sdelay $0x3  }
0x92: {  	_ =	strace s18  }
0x93: {  	s3 =	sld [smem:$0x3FFC];
	_ =	sdelay $0x3  }
0x94: {  	_ =	strace s3  }
0x95: {  	s3 =	sld [smem:$0x3FFD];
	_ =	sdelay $0x3  }
0x96: {  	_ =	strace s3  }
0x97: {  	_ =	strace $0x8FFFFFFF  }
0x98: {  	s19 =	sld [smem:$0x3FDB];
	_ =	sdelay $0x1  }
0x99: {  	s4 =	simm.s32 $_scs_section_size  }
0x9a: {  	s5 =	simm.s32 $_size__tile_overlayer_lowered;
	s6 =	simm.s32 $_tile_overlayer_lowered  }
0x9b: {  	s22 =	simm.s32 $0x1BFF;
	s21 =	sshll.u32 s6, $0x1;
	s3 =	sadd.s32 s4, s19  }
0x9c: {  	s7 =	simm.s32 $0x0;
	s20 =	sshll.u32 s5, $0x1;
	s5 =	sadd.s32 s21, s3  }
0x9d: {  	[timem:s7], [sflag:s22] =	dma.local [hbm:s5], s20  }
0x9e: {  	_ =	swait.ge [sflag:s22], s20  }
0x9f: {  	s4 =	ssub.s32 $0x0, s20;
	[sflag:s22] =	ssyncset.done $0x0  }
0xa0: {  	[sflag:s22] =	ssyncadd.s32 s4;
	_ =	sdelay $0x1  }
0xa1: {  	s23 =	simm.s32 $0x1B8B  }
0xa2: {  	_ =	swait.ge [sflag:s23], $0x1  }
0xa3: {  	[sflag:s23] =	ssyncset.done $0x0  }
0xa4: {  	s25 =	simm.s32 $0x1B8E;
	s24 =	sld [smem:$0x3FFE];
	[sflag:s23] =	ssyncadd.s32 $0xFFFFFFFF  }
0xa5: {  	s26 =	simm.s32 $execute0_lowered;
	[smem:$0x3FD2] =	sst s25  }
0xa6: {  	s5 =	sshll.u32 s26, $0x1;
	_ =	strace $0x80000046;
	[dreg:$0x1] =	wrdreg $0xFFFFFFFF  }
0xa7: {  	s28 =	simm.s32 $_size_execute0_lowered;
	s3 =	sadd.s32 s3, s5;
	[dreg:$0x0] =	wrdreg $0x0  }
0xa8: {  	s5 =	sshll.u32 s28, $0x1;
	[dreg:$0x2] =	wrdreg s3  }
0xa9: {  	[dreg:$0x3] =	wrdreg s5  }
0xaa: {  	[dreg:$0x4] =	wrdreg $0xC0  }
0xab: {  	_ =	task [dreg:s7], $0x5FFFF  }
0xac: {  	[dreg:$0x1] =	wrdreg $0xFFFFFFFF  }
0xad: {  	[dreg:$0x0] =	wrdreg $0x60  }
0xae: {  	[dreg:$0x2] =	wrdreg s24  }
0xaf: {  	[dreg:$0x3] =	wrdreg s2  }
0xb0: {  	[dreg:$0x4] =	wrdreg $0x144000  }
0xb1: {  	[dreg:$0x5] =	wrdreg $0x9  }
0xb2: {  	_ =	task.clear_ibuf [dreg:s7], $0x6FFFF;
	_ =	strace $0x90000046  }
0xb3: {  	s29 =	simm.s32 $0x9;
	_ =	strace $0x80000048  }
0xb4: {  	_ =	swait.ge [sflag:s29], $0x1  }
0xb5: {  	[sflag:s29] =	ssyncadd.s32 $0xFFFFFFFF  }
0xb6: {  	_ =	strace $0x90000048  }
0xb7: {  	_ =	sfence  }
0xb8: {  	s30 =	sld [smem:$0x0];
	_ =	sdelay $0x2  }
0xb9: {  	s31 =	sshll.u32 s1, $0xD;
	s1 =	sshrl.u32 s1, $0x2  }
0xba: {  	s3 =	sand.u32 $0x4000, s31;
	s1 =	sadd.s32 s1, s30  }
0xbb: {  	s0 =	sor.u32 s3, s0;
	s1 =	sshll.u32 s1, $0x11  }
0xbc: {  	s0 =	sor.u32 s1, s0  }
0xbd: {  	s0 =	sadd.s32 $0x8F2B, s0  }
0xbe: {  	[sflag:s0] =	ssyncadd.remote.s32 $0x1  }
0xbf: {  	_ =	sfence.sel $0xFFFF  }
0xc0: {  	[dreg:$0x0] =	wrdreg $0xFFFFFFFF;
	(pc) =	sbr.abs _section_cstart, $3  }
0xc1: {  	[dreg:$0x1] =	wrdreg $0xFFFFFFFF  }
0xc2: {  	_ =	task.clear_ibuf [dreg:s7], $0x2FFFF;
	_ =	strace $0x9FFFFFFF  }
0xc3: {  	(tm) =	ssettm $0x7FFFFFFF  }
tec
execute0_lowered:
.L_overlay_start_1:
0x0: {  	(tag) =	ssettag $0x1  }
0x1: {  	s0 =	rddreg [dreg:$0x0]  }
0x2: {  	s7 =	rddreg [dreg:$0x1]  }
0x3: {  	s2 =	rddreg [dreg:$0x2];
	s4 =	simm.s32 $0x0  }
0x4: {  	s1 =	srdreg.scid;
	s3 =	stileid.u32;
	s29 =	simm.s32 $0xDC00  }
0x5: {  	s31 =	simm.s32 $0xE400;
	[smem:$0x7FF] =	sst s4;
	s15 =	sadd.s32 $0x1C00, s0  }
0x6: {  	s8 =	sadd.s32 $0x13E00, s0;
	_ =	strace $0x80000047;
	[dreg:$0x4] =	wrdreg s15  }
0x7: {  	s28 =	simm.s32 $0x10C00;
	s18 =	sadd.s32 $0x13E10, s0;
	[dreg:$0x5] =	wrdreg s8  }
0x8: {  	s30 =	simm.s32 $0x11400;
	s19 =	sadd.s32 $0x13E20, s0;
	[dreg:$0x8] =	wrdreg s18  }
0x9: {  	s9 =	simm.s32 $0x3;
	s20 =	sadd.s32 $0x13E30, s0;
	[dreg:$0x9] =	wrdreg s19  }
0xa: {  	s10 =	simm.s32 $0x2;
	s21 =	sadd.s32 $0x13E40, s0;
	[dreg:$0xa] =	wrdreg s20  }
0xb: {  	s11 =	simm.s32 $0x4;
	s22 =	sadd.s32 $0x13E50, s0;
	[dreg:$0xb] =	wrdreg s21  }
0xc: {  	s12 =	simm.s32 $0x0;
	s23 =	sadd.s32 $0x13E60, s0;
	[dreg:$0xc] =	wrdreg s22  }
0xd: {  	s1 =	sand.u32 $0x1, s1;
	s0 =	sadd.s32 $0x13E70, s0;
	[dreg:$0xd] =	wrdreg s23  }
0xe: {  	s14 =	sshll.u32 s3, $0x1;
	s24 =	sadd.s32 $0x2600, s7;
	[dreg:$0xe] =	wrdreg s0  }
0xf: {  	s25 =	sadd.s32 $0x2700, s7;
	p0 =	sne.s32 s3, $0x0;
	[dreg:$0xf] =	wrdreg s24  }
0x10: {  	s5 =	ssub.s32 $0x2, s1;
	s1 =	sor.u32 s1, s14;
	[dreg:$0x10] =	wrdreg s25  }
0x11: {  	s0 =	sshrl.u32 @!p0 s2, $0x3;
	s20 =	simm.s32 $0x13C00;
	s21 =	simm.s32 $0xC400  }
0x12: {  	s23 =	simm.s32 $0xCC00;
	s18 =	simm.s32 $0xEC00;
	s22 =	simm.s32 $0xFC00  }
0x13: {  	s24 =	simm.s32 $0x10400;
	s8 =	simm.s32 $0x1;
	s6 =	smul.u32 $0x19000, s1  }
0x14: {  	s19 =	simm.s32 $0x0;
	s16 =	sshrl.u32 s5, $0x1;
	s1 =	smul.u32 $0x1900, s1  }
0x15: {  	[dreg:$0x12] =	wrdreg s0;
	s0 =	simm.s32 $0x10;
	s4 =	ssub.s32 s5, s16  }
0x16: {  	s5 =	simm.s32 $0x12400;
	[dreg:$0x6] =	wrdreg s1;
	s17 =	sadd.s32 s7, s6  }
0x17: {  	s26 =	smax.u32 s4, $0x1;
	s7 =	simm.s32 $0xBC00;
	s1 =	simm.s32 $0xF400  }
0x18: {  	s4 =	simm.s32 $0x11C00;
	s6 =	simm.s32 $0x12C00;
	[dreg:$0x7] =	wrdreg s17  }
0x19: {  	[dreg:$0x11] =	wrdreg s26;
	s17 =	simm.s32 $0xB400;
	s26 =	simm.s32 $0xD400  }
.LBB2_1:
0x1a: {  	[dreg:$0x13] =	wrdreg s12  }
0x1b: {  	s12 =	rddreg [dreg:$0x4]  }
0x1c: {  	s3 =	simm.s32 @!p0 $0x1C05;
	s13 =	rddreg [dreg:$0x12]  }
0x1d: {  	[spmem:s13], [sflag:s3] =	dma.local @!p0 [hbm:s12], $0x12080  }
0x1e: {  	s3 =	simm.s32 @!p0 $0x5  }
0x1f: {  	_ =	swait.ge @!p0 [sflag:s3], $0x12080  }
0x20: {  	[sflag:s3] =	ssyncset.done @!p0 $0x0  }
0x21: {  	[sflag:s3] =	ssyncadd.s32 @!p0 $0xFFFEDF80  }
0x22: {  	[bflag:$0x0] =	sbarrier.arrive $0xFFFF  }
0x23: {  	s15 =	simm.s32 $0x0;
	s25 =	simm.s32 $0x13400;
	s16 =	rddreg [dreg:$0x7]  }
0x24: {  	[tilespmem:s25], [sflag:$0x3] =	stream.linear.gather [hbm4b:s16+s15], $0x800, $0x38;
	[tilespmem:$0x1D440] =	vst v63  }
0x25: {  	s3 =	simm.s32 $0x0  }
0x26: {  	[tilespmem:s20], [sflag:$0x4] =	stream.linear.gather [hbm4b:s16+s15], $0x800, $0x38;
	[tilespmem:$0x1D440] =	vst v63  }
.LBB2_2:
0x27: {  	s15 =	smul.u32 $0x280, s3  }
0x28: {  	s12 =	rddreg [dreg:$0x6]  }
0x29: {  	s16 =	rddreg [dreg:$0x5];
	s13 =	sadd.s32 s12, s15  }
0x2a: {  	[dreg:$0x14] =	wrdreg s3;
	s14 =	simm.s32 $0x0;
	s3 =	sadd.s32 s16, s13  }
0x2b: {  	[tilespmem:s14], [sflag:$0x5] =	stream.linear.gather [hbm4b:s3+s14], $0x80, $0x38;
	[tilespmem:$0x1D440] =	vst v63  }
0x2c: {  	s15 =	simm.s32 $0x400;
	s25 =	sadd.s32 $0x80, s3  }
0x2d: {  	[tilespmem:s15], [sflag:$0x5] =	stream.linear.gather [hbm4b:s25+s14], $0x80, $0x38;
	[tilespmem:$0x1D440] =	vst v63  }
0x2e: {  	s16 =	sadd.s32 $0x100, s3;
	s25 =	simm.s32 $0x800  }
0x2f: {  	[tilespmem:s25], [sflag:$0x5] =	stream.linear.gather [hbm4b:s16+s14], $0x80, $0x38;
	[tilespmem:$0x1D440] =	vst v63  }
0x30: {  	s15 =	sadd.s32 $0x180, s3;
	s16 =	simm.s32 $0xC00  }
0x31: {  	[tilespmem:s16], [sflag:$0x5] =	stream.linear.gather [hbm4b:s15+s14], $0x80, $0x38;
	[tilespmem:$0x1D440] =	vst v63  }
0x32: {  	s3 =	sadd.s32 $0x200, s3;
	s25 =	simm.s32 $0x1000;
	s15 =	simm.s32 $0x5  }
0x33: {  	[tilespmem:s25], [sflag:$0x5] =	stream.linear.gather [hbm4b:s3+s14], $0x80, $0x38;
	[tilespmem:$0x1D440] =	vst v63  }
0x34: {  	_ =	swait.ge [sflag:s15], $0x280  }
0x35: {  	[sflag:s15] =	ssyncset.done $0x0;
	s12 =	rddreg [dreg:$0x8]  }
0x36: {  	s16 =	simm.s32 $0x80;
	[sflag:s15] =	ssyncadd.s32 $0xFFFFFD80;
	s3 =	sadd.s32 s13, s12  }
0x37: {  	[tilespmem:s16], [sflag:$0x5] =	stream.linear.gather [hbm4b:s3+s14], $0x80, $0x38;
	[tilespmem:$0x1D440] =	vst v63  }
0x38: {  	s25 =	sadd.s32 $0x80, s3;
	s16 =	simm.s32 $0x480  }
0x39: {  	[tilespmem:s16], [sflag:$0x5] =	stream.linear.gather [hbm4b:s25+s14], $0x80, $0x38;
	[tilespmem:$0x1D440] =	vst v63  }
0x3a: {  	s16 =	sadd.s32 $0x100, s3;
	s25 =	simm.s32 $0x880  }
0x3b: {  	[tilespmem:s25], [sflag:$0x5] =	stream.linear.gather [hbm4b:s16+s14], $0x80, $0x38;
	[tilespmem:$0x1D440] =	vst v63  }
0x3c: {  	s16 =	sadd.s32 $0x180, s3;
	s25 =	simm.s32 $0xC80  }
0x3d: {  	[tilespmem:s25], [sflag:$0x5] =	stream.linear.gather [hbm4b:s16+s14], $0x80, $0x38;
	[tilespmem:$0x1D440] =	vst v63  }
0x3e: {  	s3 =	sadd.s32 $0x200, s3;
	s25 =	simm.s32 $0x1080  }
0x3f: {  	[tilespmem:s25], [sflag:$0x5] =	stream.linear.gather [hbm4b:s3+s14], $0x80, $0x38;
	[tilespmem:$0x1D440] =	vst v63  }
0x40: {  	_ =	swait.ge [sflag:s15], $0x280  }
0x41: {  	[sflag:s15] =	ssyncset.done $0x0;
	s16 =	rddreg [dreg:$0x9]  }
0x42: {  	s25 =	simm.s32 $0x100;
	[sflag:s15] =	ssyncadd.s32 $0xFFFFFD80;
	s3 =	sadd.s32 s13, s16  }
0x43: {  	[tilespmem:s25], [sflag:$0x5] =	stream.linear.gather [hbm4b:s3+s14], $0x80, $0x38;
	[tilespmem:$0x1D440] =	vst v63  }
0x44: {  	s16 =	sadd.s32 $0x80, s3;
	s25 =	simm.s32 $0x500  }
0x45: {  	[tilespmem:s25], [sflag:$0x5] =	stream.linear.gather [hbm4b:s16+s14], $0x80, $0x38;
	[tilespmem:$0x1D440] =	vst v63  }
0x46: {  	s16 =	sadd.s32 $0x100, s3;
	s25 =	simm.s32 $0x900  }
0x47: {  	[tilespmem:s25], [sflag:$0x5] =	stream.linear.gather [hbm4b:s16+s14], $0x80, $0x38;
	[tilespmem:$0x1D440] =	vst v63  }
0x48: {  	s16 =	sadd.s32 $0x180, s3;
	s25 =	simm.s32 $0xD00  }
0x49: {  	[tilespmem:s25], [sflag:$0x5] =	stream.linear.gather [hbm4b:s16+s14], $0x80, $0x38;
	[tilespmem:$0x1D440] =	vst v63  }
0x4a: {  	s3 =	sadd.s32 $0x200, s3;
	s25 =	simm.s32 $0x1100  }
0x4b: {  	[tilespmem:s25], [sflag:$0x5] =	stream.linear.gather [hbm4b:s3+s14], $0x80, $0x38;
	[tilespmem:$0x1D440] =	vst v63  }
0x4c: {  	_ =	swait.ge [sflag:s15], $0x280  }
0x4d: {  	[sflag:s15] =	ssyncset.done $0x0;
	s16 =	rddreg [dreg:$0xa]  }
0x4e: {  	s25 =	simm.s32 $0x180;
	[sflag:s15] =	ssyncadd.s32 $0xFFFFFD80;
	s3 =	sadd.s32 s13, s16  }
0x4f: {  	[tilespmem:s25], [sflag:$0x5] =	stream.linear.gather [hbm4b:s3+s14], $0x80, $0x38;
	[tilespmem:$0x1D440] =	vst v63  }
0x50: {  	s16 =	sadd.s32 $0x80, s3;
	s25 =	simm.s32 $0x580  }
0x51: {  	[tilespmem:s25], [sflag:$0x5] =	stream.linear.gather [hbm4b:s16+s14], $0x80, $0x38;
	[tilespmem:$0x1D440] =	vst v63  }
0x52: {  	s16 =	sadd.s32 $0x100, s3;
	s25 =	simm.s32 $0x980  }
0x53: {  	[tilespmem:s25], [sflag:$0x5] =	stream.linear.gather [hbm4b:s16+s14], $0x80, $0x38;
	[tilespmem:$0x1D440] =	vst v63  }
0x54: {  	s16 =	sadd.s32 $0x180, s3;
	s25 =	simm.s32 $0xD80  }
0x55: {  	[tilespmem:s25], [sflag:$0x5] =	stream.linear.gather [hbm4b:s16+s14], $0x80, $0x38;
	[tilespmem:$0x1D440] =	vst v63  }
0x56: {  	s3 =	sadd.s32 $0x200, s3;
	s25 =	simm.s32 $0x1180  }
0x57: {  	[tilespmem:s25], [sflag:$0x5] =	stream.linear.gather [hbm4b:s3+s14], $0x80, $0x38;
	[tilespmem:$0x1D440] =	vst v63  }
0x58: {  	_ =	swait.ge [sflag:s15], $0x280  }
0x59: {  	[sflag:s15] =	ssyncset.done $0x0;
	s16 =	rddreg [dreg:$0xb]  }
0x5a: {  	s25 =	simm.s32 $0x200;
	[sflag:s15] =	ssyncadd.s32 $0xFFFFFD80;
	s3 =	sadd.s32 s13, s16  }
0x5b: {  	[tilespmem:s25], [sflag:$0x5] =	stream.linear.gather [hbm4b:s3+s14], $0x80, $0x38;
	[tilespmem:$0x1D440] =	vst v63  }
0x5c: {  	s16 =	sadd.s32 $0x80, s3;
	s25 =	simm.s32 $0x600  }
0x5d: {  	[tilespmem:s25], [sflag:$0x5] =	stream.linear.gather [hbm4b:s16+s14], $0x80, $0x38;
	[tilespmem:$0x1D440] =	vst v63  }
0x5e: {  	s16 =	sadd.s32 $0x100, s3;
	s25 =	simm.s32 $0xA00  }
0x5f: {  	[tilespmem:s25], [sflag:$0x5] =	stream.linear.gather [hbm4b:s16+s14], $0x80, $0x38;
	[tilespmem:$0x1D440] =	vst v63  }
0x60: {  	s16 =	sadd.s32 $0x180, s3;
	s25 =	simm.s32 $0xE00  }
0x61: {  	[tilespmem:s25], [sflag:$0x5] =	stream.linear.gather [hbm4b:s16+s14], $0x80, $0x38;
	[tilespmem:$0x1D440] =	vst v63  }
0x62: {  	s3 =	sadd.s32 $0x200, s3;
	s25 =	simm.s32 $0x1200  }
0x63: {  	[tilespmem:s25], [sflag:$0x5] =	stream.linear.gather [hbm4b:s3+s14], $0x80, $0x38;
	[tilespmem:$0x1D440] =	vst v63  }
0x64: {  	_ =	swait.ge [sflag:s15], $0x280  }
0x65: {  	[sflag:s15] =	ssyncset.done $0x0;
	s16 =	rddreg [dreg:$0xc]  }
0x66: {  	s25 =	simm.s32 $0x280;
	[sflag:s15] =	ssyncadd.s32 $0xFFFFFD80;
	s3 =	sadd.s32 s13, s16  }
0x67: {  	[tilespmem:s25], [sflag:$0x5] =	stream.linear.gather [hbm4b:s3+s14], $0x80, $0x38;
	[tilespmem:$0x1D440] =	vst v63  }
0x68: {  	s16 =	sadd.s32 $0x80, s3;
	s25 =	simm.s32 $0x680  }
0x69: {  	[tilespmem:s25], [sflag:$0x5] =	stream.linear.gather [hbm4b:s16+s14], $0x80, $0x38;
	[tilespmem:$0x1D440] =	vst v63  }
0x6a: {  	s16 =	sadd.s32 $0x100, s3;
	s25 =	simm.s32 $0xA80  }
0x6b: {  	[tilespmem:s25], [sflag:$0x5] =	stream.linear.gather [hbm4b:s16+s14], $0x80, $0x38;
	[tilespmem:$0x1D440] =	vst v63  }
0x6c: {  	s16 =	sadd.s32 $0x180, s3;
	s25 =	simm.s32 $0xE80  }
0x6d: {  	[tilespmem:s25], [sflag:$0x5] =	stream.linear.gather [hbm4b:s16+s14], $0x80, $0x38;
	[tilespmem:$0x1D440] =	vst v63  }
0x6e: {  	s3 =	sadd.s32 $0x200, s3;
	s25 =	simm.s32 $0x1280  }
0x6f: {  	[tilespmem:s25], [sflag:$0x5] =	stream.linear.gather [hbm4b:s3+s14], $0x80, $0x38;
	[tilespmem:$0x1D440] =	vst v63  }
0x70: {  	_ =	swait.ge [sflag:s15], $0x280  }
0x71: {  	[sflag:s15] =	ssyncset.done $0x0;
	s16 =	rddreg [dreg:$0xd]  }
0x72: {  	s25 =	simm.s32 $0x300;
	[sflag:s15] =	ssyncadd.s32 $0xFFFFFD80;
	s3 =	sadd.s32 s13, s16  }
0x73: {  	[tilespmem:s25], [sflag:$0x5] =	stream.linear.gather [hbm4b:s3+s14], $0x80, $0x38;
	[tilespmem:$0x1D440] =	vst v63  }
0x74: {  	s16 =	sadd.s32 $0x80, s3;
	s25 =	simm.s32 $0x700  }
0x75: {  	[tilespmem:s25], [sflag:$0x5] =	stream.linear.gather [hbm4b:s16+s14], $0x80, $0x38;
	[tilespmem:$0x1D440] =	vst v63  }
0x76: {  	s16 =	sadd.s32 $0x100, s3;
	s25 =	simm.s32 $0xB00  }
0x77: {  	[tilespmem:s25], [sflag:$0x5] =	stream.linear.gather [hbm4b:s16+s14], $0x80, $0x38;
	[tilespmem:$0x1D440] =	vst v63  }
0x78: {  	s16 =	sadd.s32 $0x180, s3;
	s25 =	simm.s32 $0xF00  }
0x79: {  	[tilespmem:s25], [sflag:$0x5] =	stream.linear.gather [hbm4b:s16+s14], $0x80, $0x38;
	[tilespmem:$0x1D440] =	vst v63  }
0x7a: {  	s3 =	sadd.s32 $0x200, s3;
	s25 =	simm.s32 $0x1300  }
0x7b: {  	[tilespmem:s25], [sflag:$0x5] =	stream.linear.gather [hbm4b:s3+s14], $0x80, $0x38;
	[tilespmem:$0x1D440] =	vst v63  }
0x7c: {  	_ =	swait.ge [sflag:s15], $0x280  }
0x7d: {  	[sflag:s15] =	ssyncset.done $0x0;
	s16 =	rddreg [dreg:$0xe]  }
0x7e: {  	s25 =	simm.s32 $0x380;
	[sflag:s15] =	ssyncadd.s32 $0xFFFFFD80;
	s3 =	sadd.s32 s13, s16  }
0x7f: {  	[tilespmem:s25], [sflag:$0x5] =	stream.linear.gather [hbm4b:s3+s14], $0x80, $0x38;
	[tilespmem:$0x1D440] =	vst v63  }
0x80: {  	s16 =	sadd.s32 $0x80, s3;
	s25 =	simm.s32 $0x780  }
0x81: {  	[tilespmem:s25], [sflag:$0x5] =	stream.linear.gather [hbm4b:s16+s14], $0x80, $0x38;
	[tilespmem:$0x1D440] =	vst v63  }
0x82: {  	s16 =	sadd.s32 $0x100, s3;
	s25 =	simm.s32 $0xB80  }
0x83: {  	[tilespmem:s25], [sflag:$0x5] =	stream.linear.gather [hbm4b:s16+s14], $0x80, $0x38;
	[tilespmem:$0x1D440] =	vst v63  }
0x84: {  	s16 =	sadd.s32 $0x180, s3;
	s25 =	simm.s32 $0xF80  }
0x85: {  	[tilespmem:s25], [sflag:$0x5] =	stream.linear.gather [hbm4b:s16+s14], $0x80, $0x38;
	[tilespmem:$0x1D440] =	vst v63  }
0x86: {  	s3 =	sadd.s32 $0x200, s3;
	s25 =	simm.s32 $0x1380  }
0x87: {  	[tilespmem:s25], [sflag:$0x5] =	stream.linear.gather [hbm4b:s3+s14], $0x80, $0x38;
	[tilespmem:$0x1D440] =	vst v63  }
0x88: {  	_ =	swait.ge [sflag:s15], $0x280  }
0x89: {  	s12 =	sand.u32 $0x70, s14;
	s16 =	sand.u32 $0x1C00, s14;
	[sflag:s15] =	ssyncset.done $0x0  }
0x8a: {  	s3 =	sor.u32 s12, s16;
	[sflag:s15] =	ssyncadd.s32 $0xFFFFFD80  }
0x8b: {  	v0 =	vld [tilespmem:s3+$0x0];
	_ =	sdelay $0x4  }
0x8c: {  	vm0 =	veq.s32 v0, $0x0  }
0x8d: {  	s12 =	simm.s32 $0xA000;
	v0 =	vsel vm0, $0x1202, v0  }
0x8e: {  	[tilespmem:s12+$0xFFFF7400] =	vst v0  }
0x8f: {  	v0 =	vld [tilespmem:s3+$0x80];
	_ =	sdelay $0x4  }
0x90: {  	v0 =	vadd.s32 $0x400, v0  }
0x91: {  	v0 =	vsel vm0, $0x1202, v0  }
0x92: {  	[tilespmem:s12+$0xFFFF8800] =	vst v0  }
0x93: {  	v0 =	vld [tilespmem:s3+$0x100];
	_ =	sdelay $0x4  }
0x94: {  	v0 =	vadd.s32 $0x600, v0  }
0x95: {  	v0 =	vsel vm0, $0x1202, v0  }
0x96: {  	[tilespmem:s12+$0xFFFF9C00] =	vst v0  }
0x97: {  	v0 =	vld [tilespmem:s3+$0x180];
	_ =	sdelay $0x4  }
0x98: {  	v0 =	vadd.s32 $0x1200, v0  }
0x99: {  	v0 =	vsel vm0, $0x1202, v0  }
0x9a: {  	[tilespmem:s12+$0xFFFFB000] =	vst v0  }
0x9b: {  	v0 =	vld [tilespmem:s3+$0x200];
	_ =	sdelay $0x4  }
0x9c: {  	v0 =	vadd.s32 $0xA00, v0  }
0x9d: {  	v0 =	vsel vm0, $0x1202, v0  }
0x9e: {  	[tilespmem:s12+$0xFFFFC400] =	vst v0  }
0x9f: {  	v0 =	vld [tilespmem:s3+$0x280];
	_ =	sdelay $0x4  }
0xa0: {  	v0 =	vadd.s32 $0xA00, v0  }
0xa1: {  	v0 =	vsel vm0, $0x1202, v0  }
0xa2: {  	[tilespmem:s12+$0xFFFFD800] =	vst v0  }
0xa3: {  	v0 =	vld [tilespmem:s3+$0x300];
	_ =	sdelay $0x4  }
0xa4: {  	v0 =	vadd.s32 $0xA00, v0  }
0xa5: {  	s25 =	sor.u32 s14, s14;
	v0 =	vsel vm0, $0x1202, v0  }
0xa6: {  	s3 =	sor.u32 $0x380, s25;
	[tilespmem:s12+$0xFFFFEC00] =	vst v0  }
0xa7: {  	v0 =	vld [tilespmem:s3+$0x0];
	_ =	sdelay $0x4  }
0xa8: {  	s14 =	simm.s32 $0x10;
	s15 =	simm.s32 $0x80;
	v0 =	vadd.s32 $0xA00, v0  }
0xa9: {  	s16 =	simm.s32 $0x20;
	s25 =	sand.u32 $0x70, s14;
	s3 =	sand.u32 $0x1C00, s15;
	v0 =	vsel vm0, $0x1202, v0  }
.LBB2_3:
0xaa: {  	p1 =	sne.s32 s16, $0x270;
	s25 =	sor.u32 s25, s3;
	[tilespmem:s12+$0x0] =	vst v0  }
0xab: {  	v0 =	vld [tilespmem:s25+$0x0];
	_ =	sdelay $0x4  }
0xac: {  	vm0 =	veq.s32 v0, $0x0  }
0xad: {  	s12 =	sadd.s32 $0x80, s12;
	v0 =	vsel vm0, $0x1202, v0  }
0xae: {  	[tilespmem:s12+$0xFFFF7400] =	vst v0  }
0xaf: {  	v0 =	vld [tilespmem:s25+$0x80];
	_ =	sdelay $0x4  }
0xb0: {  	v0 =	vadd.s32 $0x400, v0  }
0xb1: {  	v0 =	vsel vm0, $0x1202, v0  }
0xb2: {  	[tilespmem:s12+$0xFFFF8800] =	vst v0  }
0xb3: {  	v0 =	vld [tilespmem:s25+$0x100];
	_ =	sdelay $0x4  }
0xb4: {  	v0 =	vadd.s32 $0x600, v0  }
0xb5: {  	v0 =	vsel vm0, $0x1202, v0  }
0xb6: {  	[tilespmem:s12+$0xFFFF9C00] =	vst v0  }
0xb7: {  	v0 =	vld [tilespmem:s25+$0x180];
	_ =	sdelay $0x4  }
0xb8: {  	v0 =	vadd.s32 $0x1200, v0  }
0xb9: {  	v0 =	vsel vm0, $0x1202, v0  }
0xba: {  	[tilespmem:s12+$0xFFFFB000] =	vst v0  }
0xbb: {  	v0 =	vld [tilespmem:s25+$0x200];
	_ =	sdelay $0x4  }
0xbc: {  	v0 =	vadd.s32 $0xA00, v0  }
0xbd: {  	v0 =	vsel vm0, $0x1202, v0  }
0xbe: {  	[tilespmem:s12+$0xFFFFC400] =	vst v0  }
0xbf: {  	v0 =	vld [tilespmem:s25+$0x280];
	_ =	sdelay $0x4  }
0xc0: {  	v0 =	vadd.s32 $0xA00, v0  }
0xc1: {  	v0 =	vsel vm0, $0x1202, v0  }
0xc2: {  	[tilespmem:s12+$0xFFFFD800] =	vst v0  }
0xc3: {  	v0 =	vld [tilespmem:s25+$0x300];
	_ =	sdelay $0x4  }
0xc4: {  	v0 =	vadd.s32 $0xA00, v0  }
0xc5: {  	s3 =	sor.u32 s15, s14;
	s14 =	smov.u32 s16;
	v0 =	vsel vm0, $0x1202, v0  }
0xc6: {  	s3 =	sor.u32 $0x380, s3;
	[tilespmem:s12+$0xFFFFEC00] =	vst v0  }
0xc7: {  	v0 =	vld [tilespmem:s3+$0x0];
	_ =	sdelay $0x1  }
.Ltmp0:
0xc8: {  	(pc) =	sbr.rel @p1 .LBB2_3-.Ltmp0, $3  }
0xc9: {  	_ =	sdelay $0x1  }
0xca: {  	s15 =	sadd.s32 $0x80, s15;
	v0 =	vadd.s32 $0xA00, v0  }
0xcb: {  	s16 =	sadd.s32 $0x10, s16;
	s25 =	sand.u32 $0x70, s14;
	s3 =	sand.u32 $0x1C00, s15;
	v0 =	vsel vm0, $0x1202, v0  }
0xcc: {  	s3 =	sor.u32 s25, s3;
	[tilespmem:s12+$0x0] =	vst v0  }
0xcd: {  	v0 =	vld [tilespmem:s3+$0x0];
	_ =	sdelay $0x4  }
0xce: {  	vm0 =	veq.s32 v0, $0x0  }
0xcf: {  	s16 =	sadd.s32 $0x80, s12;
	v0 =	vsel vm0, $0x1202, v0  }
0xd0: {  	[tilespmem:s16+$0xFFFF7400] =	vst v0  }
0xd1: {  	v0 =	vld [tilespmem:s3+$0x80];
	_ =	sdelay $0x4  }
0xd2: {  	v0 =	vadd.s32 $0x400, v0  }
0xd3: {  	v0 =	vsel vm0, $0x1202, v0  }
0xd4: {  	[tilespmem:s16+$0xFFFF8800] =	vst v0  }
0xd5: {  	v0 =	vld [tilespmem:s3+$0x100];
	_ =	sdelay $0x4  }
0xd6: {  	v0 =	vadd.s32 $0x600, v0  }
0xd7: {  	v0 =	vsel vm0, $0x1202, v0  }
0xd8: {  	[tilespmem:s16+$0xFFFF9C00] =	vst v0  }
0xd9: {  	v0 =	vld [tilespmem:s3+$0x180];
	_ =	sdelay $0x4  }
0xda: {  	v0 =	vadd.s32 $0x1200, v0  }
0xdb: {  	v0 =	vsel vm0, $0x1202, v0  }
0xdc: {  	[tilespmem:s16+$0xFFFFB000] =	vst v0  }
0xdd: {  	v0 =	vld [tilespmem:s3+$0x200];
	_ =	sdelay $0x4  }
0xde: {  	v0 =	vadd.s32 $0xA00, v0  }
0xdf: {  	v0 =	vsel vm0, $0x1202, v0  }
0xe0: {  	[tilespmem:s16+$0xFFFFC400] =	vst v0  }
0xe1: {  	v0 =	vld [tilespmem:s3+$0x280];
	_ =	sdelay $0x4  }
0xe2: {  	v0 =	vadd.s32 $0xA00, v0  }
0xe3: {  	v0 =	vsel vm0, $0x1202, v0  }
0xe4: {  	[tilespmem:s16+$0xFFFFD800] =	vst v0  }
0xe5: {  	v0 =	vld [tilespmem:s3+$0x300];
	_ =	sdelay $0x4  }
0xe6: {  	v0 =	vadd.s32 $0xA00, v0  }
0xe7: {  	s25 =	sor.u32 s15, s14;
	v0 =	vsel vm0, $0x1202, v0  }
0xe8: {  	s3 =	sor.u32 $0x380, s25;
	[tilespmem:s16+$0xFFFFEC00] =	vst v0  }
0xe9: {  	v0 =	vld [tilespmem:s3+$0x0];
	_ =	sdelay $0x4  }
0xea: {  	v0 =	vadd.s32 $0xA00, v0  }
0xeb: {  	v0 =	vsel vm0, $0x1202, v0  }
0xec: {  	s12 =	simm.s32 $0x1400;
	[tilespmem:s16+$0x0] =	vst v0  }
0xed: {  	[tilespmem:s17], [sflag:$0x1] =	stream.indirect.gather [spmem:s2], $0x80, s12, s0, $0xb8;
	[tilespmem:$0x1D440] =	vst v63  }
0xee: {  	s14 =	simm.s32 $0x2800  }
0xef: {  	[tilespmem:s7], [sflag:$0x1] =	stream.indirect.gather [spmem:s2], $0x80, s14, s0, $0xb8;
	[tilespmem:$0x1D440] =	vst v63  }
0xf0: {  	s15 =	simm.s32 $0x3C00  }
0xf1: {  	[tilespmem:s21], [sflag:$0x1] =	stream.indirect.gather [spmem:s2], $0x80, s15, s0, $0xb8;
	[tilespmem:$0x1D440] =	vst v63  }
0xf2: {  	s16 =	simm.s32 $0x5000  }
0xf3: {  	[tilespmem:s23], [sflag:$0x1] =	stream.indirect.gather [spmem:s2], $0x80, s16, s0, $0xb8;
	[tilespmem:$0x1D440] =	vst v63  }
0xf4: {  	s25 =	simm.s32 $0x6400  }
0xf5: {  	[tilespmem:s26], [sflag:$0x1] =	stream.indirect.gather [spmem:s2], $0x80, s25, s0, $0xb8;
	[tilespmem:$0x1D440] =	vst v63  }
0xf6: {  	s12 =	simm.s32 $0x7800  }
0xf7: {  	[tilespmem:s29], [sflag:$0x1] =	stream.indirect.gather [spmem:s2], $0x80, s12, s0, $0xb8;
	[tilespmem:$0x1D440] =	vst v63  }
0xf8: {  	s14 =	simm.s32 $0x8C00  }
0xf9: {  	[tilespmem:s31], [sflag:$0x1] =	stream.indirect.gather [spmem:s2], $0x80, s14, s0, $0xb8;
	[tilespmem:$0x1D440] =	vst v63  }
0xfa: {  	s15 =	simm.s32 $0xA000;
	s16 =	sshll.u32 s13, $0x4;
	s25 =	rddreg [dreg:$0x1]  }
0xfb: {  	[tilespmem:s18], [sflag:$0x1] =	stream.indirect.gather [spmem:s2], $0x80, s15, s0, $0xb8;
	[tilespmem:$0x1D440] =	vst v63  }
0xfc: {  	[dreg:$0x15] =	wrdreg s16;
	s14 =	sadd.s32 s25, s16;
	s15 =	simm.s32 $0x0  }
.LBB2_5:
0xfd: {  	s16 =	sshllo.u32 s15, $0x1  }
0xfe: {  	s3 =	sshll.u32 s16, $0x7  }
0xff: {  	s3 =	sand.u32 $0x3FFFFF80, s3  }
0x100: {  	s12 =	sadd.s32 $0x1400, s3  }
0x101: {  	[tilespmem:s1], [sflag:$0x2] =	stream.indirect.gather [spmem:s2], $0x80, s12, s0, $0xb8;
	[tilespmem:$0x1D440] =	vst v63  }
0x102: {  	s13 =	sadd.s32 $0x2800, s3  }
0x103: {  	[tilespmem:s22], [sflag:$0x2] =	stream.indirect.gather [spmem:s2], $0x80, s13, s0, $0xb8;
	[tilespmem:$0x1D440] =	vst v63  }
0x104: {  	s25 =	sadd.s32 $0x3C00, s3  }
0x105: {  	[tilespmem:s24], [sflag:$0x2] =	stream.indirect.gather [spmem:s2], $0x80, s25, s0, $0xb8;
	[tilespmem:$0x1D440] =	vst v63  }
0x106: {  	s13 =	sadd.s32 $0x5000, s3  }
0x107: {  	[tilespmem:s28], [sflag:$0x2] =	stream.indirect.gather [spmem:s2], $0x80, s13, s0, $0xb8;
	[tilespmem:$0x1D440] =	vst v63  }
0x108: {  	s25 =	sadd.s32 $0x6400, s3  }
0x109: {  	[tilespmem:s30], [sflag:$0x2] =	stream.indirect.gather [spmem:s2], $0x80, s25, s0, $0xb8;
	[tilespmem:$0x1D440] =	vst v63  }
0x10a: {  	s13 =	sadd.s32 $0x7800, s3  }
0x10b: {  	[tilespmem:s4], [sflag:$0x2] =	stream.indirect.gather [spmem:s2], $0x80, s13, s0, $0xb8;
	[tilespmem:$0x1D440] =	vst v63  }
0x10c: {  	s25 =	sadd.s32 $0x8C00, s3  }
0x10d: {  	[tilespmem:s5], [sflag:$0x2] =	stream.indirect.gather [spmem:s2], $0x80, s25, s0, $0xb8;
	[tilespmem:$0x1D440] =	vst v63  }
0x10e: {  	s3 =	sadd.s32 $0xA000, s3  }
0x10f: {  	[tilespmem:s6], [sflag:$0x2] =	stream.indirect.gather [spmem:s2], $0x80, s3, s0, $0xb8;
	[tilespmem:$0x1D440] =	vst v63  }
0x110: {  	_ =	swait.ge [sflag:s8], $0x800  }
0x111: {  	[sflag:s8] =	ssyncset.done $0x0  }
0x112: {  	[sflag:s8] =	ssyncadd.s32 $0xFFFFF800  }
0x113: {  	_ =	swait.ge [sflag:s8], $0x800  }
0x114: {  	[sflag:s8] =	ssyncset.done $0x0  }
0x115: {  	[sflag:s8] =	ssyncadd.s32 $0xFFFFF800  }
0x116: {  	_ =	swait.ge [sflag:s8], $0x800  }
0x117: {  	[sflag:s8] =	ssyncset.done $0x0  }
0x118: {  	[sflag:s8] =	ssyncadd.s32 $0xFFFFF800  }
0x119: {  	_ =	swait.ge [sflag:s8], $0x800  }
0x11a: {  	[sflag:s8] =	ssyncset.done $0x0  }
0x11b: {  	[sflag:s8] =	ssyncadd.s32 $0xFFFFF800  }
0x11c: {  	_ =	swait.ge [sflag:s8], $0x800  }
0x11d: {  	[sflag:s8] =	ssyncset.done $0x0  }
0x11e: {  	[sflag:s8] =	ssyncadd.s32 $0xFFFFF800  }
0x11f: {  	_ =	swait.ge [sflag:s8], $0x800  }
0x120: {  	[sflag:s8] =	ssyncset.done $0x0  }
0x121: {  	[sflag:s8] =	ssyncadd.s32 $0xFFFFF800  }
0x122: {  	_ =	swait.ge [sflag:s8], $0x800  }
0x123: {  	[sflag:s8] =	ssyncset.done $0x0  }
0x124: {  	[sflag:s8] =	ssyncadd.s32 $0xFFFFF800  }
0x125: {  	_ =	swait.ge [sflag:s8], $0x800  }
0x126: {  	[sflag:s8] =	ssyncset.done $0x0  }
0x127: {  	[sflag:s8] =	ssyncadd.s32 $0xFFFFF800  }
0x128: {  	_ =	swait.ge [sflag:s9], $0x800  }
0x129: {  	[sflag:s9] =	ssyncset.done $0x0  }
0x12a: {  	s13 =	simm.s32 $0x0;
	[sflag:s9] =	ssyncadd.s32 $0xFFFFF800  }
0x12b: {  	v0 =	vld [tilespmem:s13+$0xB470]  }
0x12c: {  	v1 =	vld [tilespmem:s13+$0xBC70]  }
0x12d: {  	v2 =	vld [tilespmem:s13+$0xB400]  }
0x12e: {  	v3 =	vld [tilespmem:s13+$0xC470]  }
0x12f: {  	v4 =	vld [tilespmem:s13+$0xBC00]  }
0x130: {  	v5 =	vld [tilespmem:s13+$0xCC70]  }
0x131: {  	v6 =	vld [tilespmem:s13+$0xB410]  }
0x132: {  	v7 =	vld [tilespmem:s13+$0xBC10]  }
0x133: {  	v8 =	vld [tilespmem:s13+$0xB420]  }
0x134: {  	v9 =	vld [tilespmem:s13+$0xBC20]  }
0x135: {  	v10 =	vld [tilespmem:s13+$0xB430]  }
0x136: {  	v11 =	vld [tilespmem:s13+$0xB440]  }
0x137: {  	v12 =	vld [tilespmem:s13+$0xB450]  }
0x138: {  	v13 =	vld [tilespmem:s13+$0xB460]  }
0x139: {  	v14 =	vld [tilespmem:s13+$0xC400]  }
0x13a: {  	v15 =	vld [tilespmem:s13+$0xC410]  }
0x13b: {  	v16 =	vld [tilespmem:s13+$0xC420]  }
0x13c: {  	v17 =	vld [tilespmem:s13+$0xC430]  }
0x13d: {  	v18 =	vld [tilespmem:s13+$0xC440]  }
0x13e: {  	v19 =	vld [tilespmem:s13+$0xC450]  }
0x13f: {  	v20 =	vld [tilespmem:s13+$0xC460]  }
0x140: {  	v21 =	vld [tilespmem:s13+$0xCC00]  }
0x141: {  	v22 =	vld [tilespmem:s13+$0xCC10]  }
0x142: {  	v23 =	vld [tilespmem:s13+$0xCC20]  }
0x143: {  	v24 =	vld [tilespmem:s13+$0xCC30]  }
0x144: {  	v25 =	vld [tilespmem:s13+$0xCC40]  }
0x145: {  	v26 =	vld [tilespmem:s13+$0xCC50]  }
0x146: {  	v27 =	vld [tilespmem:s13+$0xCC60]  }
0x147: {  	v28 =	vld [tilespmem:s13+$0xD400]  }
0x148: {  	v29 =	vld [tilespmem:s13+$0xD410]  }
0x149: {  	v30 =	vld [tilespmem:s13+$0xD420]  }
0x14a: {  	v31 =	vld [tilespmem:s13+$0xD430]  }
0x14b: {  	v32 =	vld [tilespmem:s13+$0xD440]  }
0x14c: {  	v33 =	vld [tilespmem:s13+$0xD450]  }
0x14d: {  	v34 =	vld [tilespmem:s13+$0xD460]  }
0x14e: {  	v52 =	vld [tilespmem:s13+$0xDC50];
	v0 =	vadd.f32 v1, v0  }
0x14f: {  	v1 =	vld [tilespmem:s13+$0xD470]  }
0x150: {  	v2 =	vadd.f32 v4, v2;
	v4 =	vld [tilespmem:s13+$0xDC00];
	v0 =	vadd.f32 v3, v0  }
0x151: {  	v6 =	vadd.f32 v7, v6;
	v3 =	vld [tilespmem:s13+$0xDC70]  }
0x152: {  	v7 =	vadd.f32 v9, v8;
	v8 =	vld [tilespmem:s13+$0xDC10];
	v0 =	vadd.f32 v5, v0  }
0x153: {  	v2 =	vadd.f32 v14, v2;
	v6 =	vadd.f32 v15, v6;
	v5 =	vld [tilespmem:s13+$0xE470]  }
0x154: {  	v9 =	vld [tilespmem:s13+$0xDC20];
	v7 =	vadd.f32 v16, v7;
	v0 =	vadd.f32 v1, v0  }
0x155: {  	v2 =	vadd.f32 v21, v2;
	v6 =	vadd.f32 v22, v6;
	v1 =	vld [tilespmem:s13+$0xEC70]  }
0x156: {  	v55 =	vld [tilespmem:s13+$0xE410];
	v7 =	vadd.f32 v23, v7;
	v0 =	vadd.f32 v3, v0  }
0x157: {  	v56 =	vld [tilespmem:s13+$0xE420];
	v2 =	vadd.f32 v28, v2;
	v6 =	vadd.f32 v29, v6  }
0x158: {  	v7 =	vadd.f32 v30, v7;
	v3 =	vld [tilespmem:s13+$0xBC30];
	v0 =	vadd.f32 v5, v0  }
0x159: {  	v2 =	vadd.f32 v4, v2;
	v4 =	vadd.f32 v8, v6;
	v5 =	vld [tilespmem:s13+$0xBC40]  }
0x15a: {  	v6 =	vadd.f32 v9, v7;
	v9 =	vld [tilespmem:s13+$0xEC10];
	v0 =	vadd.f32 v1, v0  }
0x15b: {  	v1 =	vld [tilespmem:s13+$0xBC50]  }
0x15c: {  	[tilespmem:s13+$0x13470] =	vst v0;
	v0 =	vld [tilespmem:s13+$0xBC60]  }
0x15d: {  	v53 =	vld [tilespmem:s13+$0xDC60];
	v62 =	vadd.f32 v55, v4;
	v3 =	vadd.f32 v3, v10  }
0x15e: {  	v54 =	vld [tilespmem:s13+$0xE400];
	v63 =	vadd.f32 v56, v6;
	v5 =	vadd.f32 v5, v11  }
0x15f: {  	v57 =	vld [tilespmem:s13+$0xE430];
	v9 =	vadd.f32 v9, v62;
	v3 =	vadd.f32 v17, v3  }
0x160: {  	v10 =	vld [tilespmem:s13+$0xDC30];
	v1 =	vadd.f32 v1, v12;
	v5 =	vadd.f32 v18, v5  }
0x161: {  	v11 =	vld [tilespmem:s13+$0xDC40];
	v3 =	vadd.f32 v24, v3;
	v0 =	vadd.f32 v0, v13  }
0x162: {  	v58 =	vld [tilespmem:s13+$0xE440];
	v1 =	vadd.f32 v19, v1;
	v5 =	vadd.f32 v25, v5  }
0x163: {  	v59 =	vld [tilespmem:s13+$0xE450];
	v3 =	vadd.f32 v31, v3;
	v0 =	vadd.f32 v20, v0  }
0x164: {  	v61 =	vld [tilespmem:s13+$0xEC00];
	v1 =	vadd.f32 v26, v1;
	v5 =	vadd.f32 v32, v5  }
0x165: {  	v3 =	vadd.f32 v10, v3;
	v10 =	vld [tilespmem:s13+$0xEC20];
	v0 =	vadd.f32 v27, v0  }
0x166: {  	v60 =	vld [tilespmem:s13+$0xE460];
	v1 =	vadd.f32 v33, v1;
	v8 =	vadd.f32 v11, v5  }
0x167: {  	v7 =	vld [tilespmem:s13+$0xEC30];
	v11 =	vadd.f32 v54, v2;
	v0 =	vadd.f32 v34, v0  }
0x168: {  	v4 =	vld [tilespmem:s13+$0xEC40];
	v6 =	vadd.f32 v57, v3;
	v1 =	vadd.f32 v52, v1  }
0x169: {  	v5 =	vld [tilespmem:s13+$0xEC50];
	v11 =	vadd.f32 v61, v11;
	v0 =	vadd.f32 v53, v0  }
0x16a: {  	s25 =	simm.s32 $0x80;
	v2 =	vadd.f32 v58, v8;
	v8 =	vld [tilespmem:s13+$0xEC60];
	v10 =	vadd.f32 v10, v63  }
0x16b: {  	s12 =	simm.s32 $0x400;
	v3 =	vadd.f32 v59, v1;
	v1 =	vld [tilespmem:s25+$0xB470];
	[tilespmem:s13+$0x13400] =	vst v11;
	v0 =	vadd.f32 v60, v0  }
.LBB2_6:
0x16c: {  	p1 =	sne.s32 s12, $0x1E00;
	v11 =	vld [tilespmem:s25+$0xBC70];
	[tilespmem:s13+$0x13410] =	vst v9;
	v6 =	vadd.f32 v7, v6  }
0x16d: {  	v7 =	vld [tilespmem:s25+$0xB400];
	[tilespmem:s13+$0x13420] =	vst v10;
	v2 =	vadd.f32 v4, v2  }
0x16e: {  	v4 =	vld [tilespmem:s25+$0xC470];
	[tilespmem:s13+$0x13430] =	vst v6;
	v3 =	vadd.f32 v5, v3  }
0x16f: {  	v5 =	vld [tilespmem:s25+$0xBC00];
	[tilespmem:s13+$0x13440] =	vst v2;
	v0 =	vadd.f32 v8, v0  }
0x170: {  	v2 =	vld [tilespmem:s25+$0xCC70];
	[tilespmem:s13+$0x13450] =	vst v3  }
0x171: {  	v3 =	vld [tilespmem:s25+$0xB410];
	v1 =	vadd.f32 v11, v1;
	[tilespmem:s13+$0x13460] =	vst v0;
	s13 =	smov.u32 s25  }
0x172: {  	v0 =	vld [tilespmem:s13+$0xD470]  }
0x173: {  	v6 =	vld [tilespmem:s13+$0xBC10];
	v1 =	vadd.f32 v4, v1  }
0x174: {  	v4 =	vadd.f32 v5, v7;
	v5 =	vld [tilespmem:s13+$0xDC70]  }
0x175: {  	v7 =	vld [tilespmem:s13+$0xB420];
	v1 =	vadd.f32 v2, v1  }
0x176: {  	v2 =	vld [tilespmem:s13+$0xE470]  }
0x177: {  	v8 =	vld [tilespmem:s13+$0xBC20];
	v0 =	vadd.f32 v0, v1  }
0x178: {  	v1 =	vadd.f32 v6, v3;
	v3 =	vld [tilespmem:s13+$0xEC70]  }
0x179: {  	v6 =	vld [tilespmem:s13+$0xB430];
	v0 =	vadd.f32 v5, v0  }
0x17a: {  	v5 =	vld [tilespmem:s13+$0xBC30]  }
0x17b: {  	v9 =	vld [tilespmem:s13+$0xB440];
	v0 =	vadd.f32 v2, v0  }
0x17c: {  	v2 =	vadd.f32 v8, v7;
	v7 =	vld [tilespmem:s13+$0xBC40]  }
0x17d: {  	v8 =	vld [tilespmem:s13+$0xB450];
	v0 =	vadd.f32 v3, v0  }
0x17e: {  	v3 =	vld [tilespmem:s13+$0xBC50]  }
0x17f: {  	v5 =	vadd.f32 v5, v6;
	v6 =	vld [tilespmem:s13+$0xB460];
	[tilespmem:s13+$0x13470] =	vst v0  }
0x180: {  	v0 =	vld [tilespmem:s13+$0xBC60]  }
0x181: {  	v10 =	vld [tilespmem:s13+$0xC400];
	v7 =	vadd.f32 v7, v9  }
0x182: {  	v9 =	vld [tilespmem:s13+$0xC410]  }
0x183: {  	v11 =	vld [tilespmem:s13+$0xC420];
	v3 =	vadd.f32 v3, v8  }
0x184: {  	v8 =	vld [tilespmem:s13+$0xC430]  }
0x185: {  	v12 =	vld [tilespmem:s13+$0xC440];
	v0 =	vadd.f32 v0, v6  }
0x186: {  	v4 =	vadd.f32 v10, v4;
	v6 =	vld [tilespmem:s13+$0xC450]  }
0x187: {  	v1 =	vadd.f32 v9, v1;
	v9 =	vld [tilespmem:s13+$0xC460]  }
0x188: {  	v10 =	vld [tilespmem:s13+$0xCC00];
	v2 =	vadd.f32 v11, v2  }
0x189: {  	v11 =	vld [tilespmem:s13+$0xCC10];
	v5 =	vadd.f32 v8, v5  }
0x18a: {  	v8 =	vld [tilespmem:s13+$0xCC20];
	v7 =	vadd.f32 v12, v7  }
0x18b: {  	v12 =	vld [tilespmem:s13+$0xCC30];
	v3 =	vadd.f32 v6, v3  }
0x18c: {  	v6 =	vld [tilespmem:s13+$0xCC40];
	v0 =	vadd.f32 v9, v0  }
0x18d: {  	v4 =	vadd.f32 v10, v4;
	v9 =	vld [tilespmem:s13+$0xCC50]  }
0x18e: {  	v1 =	vadd.f32 v11, v1;
	v10 =	vld [tilespmem:s13+$0xCC60]  }
0x18f: {  	v11 =	vld [tilespmem:s13+$0xD400];
	v2 =	vadd.f32 v8, v2  }
0x190: {  	v8 =	vld [tilespmem:s13+$0xD410];
	v5 =	vadd.f32 v12, v5  }
0x191: {  	v12 =	vld [tilespmem:s13+$0xD420];
	v6 =	vadd.f32 v6, v7  }
0x192: {  	v7 =	vld [tilespmem:s13+$0xD430];
	v3 =	vadd.f32 v9, v3  }
0x193: {  	v9 =	vld [tilespmem:s13+$0xD440];
	v0 =	vadd.f32 v10, v0  }
0x194: {  	v4 =	vadd.f32 v11, v4;
	v10 =	vld [tilespmem:s13+$0xD450]  }
0x195: {  	v1 =	vadd.f32 v8, v1;
	v8 =	vld [tilespmem:s13+$0xD460]  }
0x196: {  	v11 =	vld [tilespmem:s13+$0xDC00];
	v2 =	vadd.f32 v12, v2  }
0x197: {  	v12 =	vld [tilespmem:s13+$0xDC10];
	v5 =	vadd.f32 v7, v5  }
0x198: {  	v7 =	vld [tilespmem:s13+$0xDC20];
	v6 =	vadd.f32 v9, v6  }
0x199: {  	v9 =	vld [tilespmem:s13+$0xDC30];
	v3 =	vadd.f32 v10, v3  }
0x19a: {  	v10 =	vld [tilespmem:s13+$0xDC40];
	v0 =	vadd.f32 v8, v0  }
0x19b: {  	v4 =	vadd.f32 v11, v4;
	v8 =	vld [tilespmem:s13+$0xDC50]  }
0x19c: {  	v1 =	vadd.f32 v12, v1;
	v11 =	vld [tilespmem:s13+$0xDC60]  }
0x19d: {  	v12 =	vld [tilespmem:s13+$0xE400];
	v2 =	vadd.f32 v7, v2  }
0x19e: {  	v7 =	vld [tilespmem:s13+$0xE410];
	v5 =	vadd.f32 v9, v5  }
0x19f: {  	v9 =	vld [tilespmem:s13+$0xE420];
	v10 =	vadd.f32 v10, v6  }
0x1a0: {  	v6 =	vld [tilespmem:s13+$0xE430];
	v3 =	vadd.f32 v8, v3  }
0x1a1: {  	v8 =	vld [tilespmem:s13+$0xE440];
	v0 =	vadd.f32 v11, v0  }
0x1a2: {  	v11 =	vadd.f32 v12, v4;
	v4 =	vld [tilespmem:s13+$0xE450]  }
0x1a3: {  	v1 =	vadd.f32 v7, v1;
	v12 =	vld [tilespmem:s13+$0xE460]  }
0x1a4: {  	v13 =	vld [tilespmem:s13+$0xEC00];
	v14 =	vadd.f32 v9, v2  }
0x1a5: {  	v9 =	vld [tilespmem:s13+$0xEC10];
	v6 =	vadd.f32 v6, v5  }
0x1a6: {  	v15 =	vld [tilespmem:s13+$0xEC20];
	v2 =	vadd.f32 v8, v10  }
.Ltmp1:
0x1a7: {  	v7 =	vld [tilespmem:s13+$0xEC30];
	v3 =	vadd.f32 v4, v3;
	(pc) =	sbr.rel @p1 .LBB2_6-.Ltmp1, $4  }
0x1a8: {  	v4 =	vld [tilespmem:s13+$0xEC40];
	v0 =	vadd.f32 v12, v0  }
0x1a9: {  	v10 =	vadd.f32 v13, v11;
	v5 =	vld [tilespmem:s13+$0xEC50]  }
0x1aa: {  	s25 =	sshra.s32 s12, $0x2;
	v9 =	vadd.f32 v9, v1;
	v8 =	vld [tilespmem:s13+$0xEC60]  }
0x1ab: {  	s12 =	sadd.s32 $0x200, s12;
	v1 =	vld [tilespmem:s25+$0xB470];
	[tilespmem:s13+$0x13400] =	vst v10;
	v10 =	vadd.f32 v15, v14  }
0x1ac: {  	v11 =	vld [tilespmem:s25+$0xBC70];
	[tilespmem:s13+$0x13410] =	vst v9;
	v6 =	vadd.f32 v7, v6  }
0x1ad: {  	v9 =	vld [tilespmem:s25+$0xB400];
	[tilespmem:s13+$0x13420] =	vst v10;
	v2 =	vadd.f32 v4, v2  }
0x1ae: {  	v7 =	vld [tilespmem:s25+$0xC470];
	[tilespmem:s13+$0x13430] =	vst v6;
	v3 =	vadd.f32 v5, v3  }
0x1af: {  	v4 =	vld [tilespmem:s25+$0xBC00];
	[tilespmem:s13+$0x13440] =	vst v2;
	v0 =	vadd.f32 v8, v0  }
0x1b0: {  	v2 =	vld [tilespmem:s25+$0xCC70];
	[tilespmem:s13+$0x13450] =	vst v3  }
0x1b1: {  	v3 =	vld [tilespmem:s25+$0xB410];
	[tilespmem:s13+$0x13460] =	vst v0  }
0x1b2: {  	v0 =	vadd.f32 v11, v1;
	v1 =	vld [tilespmem:s25+$0xD470]  }
0x1b3: {  	v5 =	vld [tilespmem:s25+$0xBC10]  }
0x1b4: {  	v6 =	vld [tilespmem:s25+$0xDC70]  }
0x1b5: {  	v8 =	vld [tilespmem:s25+$0xBC20]  }
0x1b6: {  	v10 =	vld [tilespmem:s25+$0xB430]  }
0x1b7: {  	v11 =	vld [tilespmem:s25+$0xB440]  }
0x1b8: {  	v12 =	vld [tilespmem:s25+$0xB450]  }
0x1b9: {  	v13 =	vld [tilespmem:s25+$0xB460]  }
0x1ba: {  	v14 =	vld [tilespmem:s25+$0xC400]  }
0x1bb: {  	v15 =	vld [tilespmem:s25+$0xC410]  }
0x1bc: {  	v16 =	vld [tilespmem:s25+$0xC420]  }
0x1bd: {  	v17 =	vld [tilespmem:s25+$0xC430]  }
0x1be: {  	v18 =	vld [tilespmem:s25+$0xC440]  }
0x1bf: {  	v19 =	vld [tilespmem:s25+$0xC450]  }
0x1c0: {  	v20 =	vld [tilespmem:s25+$0xC460]  }
0x1c1: {  	v21 =	vld [tilespmem:s25+$0xCC00]  }
0x1c2: {  	v22 =	vld [tilespmem:s25+$0xCC10]  }
0x1c3: {  	v23 =	vld [tilespmem:s25+$0xCC20]  }
0x1c4: {  	v24 =	vld [tilespmem:s25+$0xCC30]  }
0x1c5: {  	v25 =	vld [tilespmem:s25+$0xCC40]  }
0x1c6: {  	v26 =	vld [tilespmem:s25+$0xCC50]  }
0x1c7: {  	v27 =	vld [tilespmem:s25+$0xCC60]  }
0x1c8: {  	v28 =	vld [tilespmem:s25+$0xD400]  }
0x1c9: {  	v29 =	vld [tilespmem:s25+$0xD410]  }
0x1ca: {  	v30 =	vld [tilespmem:s25+$0xD420]  }
0x1cb: {  	v31 =	vld [tilespmem:s25+$0xD430]  }
0x1cc: {  	v32 =	vld [tilespmem:s25+$0xD440]  }
0x1cd: {  	v33 =	vld [tilespmem:s25+$0xD450]  }
0x1ce: {  	v34 =	vld [tilespmem:s25+$0xD460]  }
0x1cf: {  	v48 =	vld [tilespmem:s25+$0xDC50]  }
0x1d0: {  	v49 =	vld [tilespmem:s25+$0xDC60]  }
0x1d1: {  	v0 =	vadd.f32 v7, v0;
	v7 =	vld [tilespmem:s25+$0xB420]  }
0x1d2: {  	v50 =	vld [tilespmem:s25+$0xE400]  }
0x1d3: {  	v51 =	vld [tilespmem:s25+$0xE410];
	v0 =	vadd.f32 v2, v0  }
0x1d4: {  	v4 =	vadd.f32 v4, v9;
	v2 =	vld [tilespmem:s25+$0xE470]  }
0x1d5: {  	v9 =	vld [tilespmem:s25+$0xDC00];
	v0 =	vadd.f32 v1, v0;
	v3 =	vadd.f32 v5, v3  }
0x1d6: {  	v1 =	vld [tilespmem:s25+$0xEC70];
	v4 =	vadd.f32 v14, v4;
	v5 =	vadd.f32 v8, v7  }
0x1d7: {  	v0 =	vadd.f32 v6, v0;
	v6 =	vld [tilespmem:s25+$0xBC30];
	v3 =	vadd.f32 v15, v3  }
0x1d8: {  	v7 =	vld [tilespmem:s25+$0xDC10];
	v4 =	vadd.f32 v21, v4;
	v5 =	vadd.f32 v16, v5  }
0x1d9: {  	v0 =	vadd.f32 v2, v0;
	v2 =	vld [tilespmem:s25+$0xBC40];
	v3 =	vadd.f32 v22, v3  }
0x1da: {  	v8 =	vld [tilespmem:s25+$0xDC20];
	v4 =	vadd.f32 v28, v4;
	v5 =	vadd.f32 v23, v5  }
0x1db: {  	v0 =	vadd.f32 v1, v0;
	v1 =	vld [tilespmem:s25+$0xBC50];
	v3 =	vadd.f32 v29, v3  }
0x1dc: {  	v52 =	vld [tilespmem:s25+$0xE420];
	v4 =	vadd.f32 v9, v4;
	v6 =	vadd.f32 v6, v10  }
0x1dd: {  	v9 =	vld [tilespmem:s25+$0xEC00];
	v5 =	vadd.f32 v30, v5;
	v3 =	vadd.f32 v7, v3  }
0x1de: {  	[tilespmem:s25+$0x13470] =	vst v0;
	v0 =	vld [tilespmem:s25+$0xBC60];
	v4 =	vadd.f32 v50, v4;
	v2 =	vadd.f32 v2, v11  }
0x1df: {  	v53 =	vld [tilespmem:s25+$0xE430];
	v6 =	vadd.f32 v17, v6;
	v5 =	vadd.f32 v8, v5  }
0x1e0: {  	v7 =	vld [tilespmem:s25+$0xEC10];
	v3 =	vadd.f32 v51, v3;
	v1 =	vadd.f32 v1, v12  }
0x1e1: {  	v54 =	vld [tilespmem:s25+$0xE440];
	v2 =	vadd.f32 v18, v2;
	v6 =	vadd.f32 v24, v6  }
0x1e2: {  	v10 =	vld [tilespmem:s25+$0xDC30];
	v5 =	vadd.f32 v52, v5;
	v4 =	vadd.f32 v9, v4  }
0x1e3: {  	v11 =	vld [tilespmem:s25+$0xDC40];
	v0 =	vadd.f32 v0, v13;
	v1 =	vadd.f32 v19, v1  }
0x1e4: {  	v8 =	vld [tilespmem:s25+$0xEC20];
	v2 =	vadd.f32 v25, v2;
	v6 =	vadd.f32 v31, v6  }
0x1e5: {  	v55 =	vld [tilespmem:s25+$0xE450];
	v3 =	vadd.f32 v7, v3;
	v0 =	vadd.f32 v20, v0  }
0x1e6: {  	v56 =	vld [tilespmem:s25+$0xE460];
	v1 =	vadd.f32 v26, v1;
	v2 =	vadd.f32 v32, v2  }
0x1e7: {  	v6 =	vadd.f32 v10, v6;
	v10 =	vld [tilespmem:s25+$0xEC30];
	v0 =	vadd.f32 v27, v0  }
0x1e8: {  	v1 =	vadd.f32 v33, v1;
	v2 =	vadd.f32 v11, v2;
	v11 =	vld [tilespmem:s25+$0xEC40]  }
0x1e9: {  	v9 =	vld [tilespmem:s25+$0xEC50];
	[tilespmem:s25+$0x13400] =	vst v4;
	v4 =	vadd.f32 v8, v5;
	v0 =	vadd.f32 v34, v0  }
0x1ea: {  	v7 =	vld [tilespmem:s25+$0xEC60];
	v6 =	vadd.f32 v53, v6;
	v1 =	vadd.f32 v48, v1  }
0x1eb: {  	v2 =	vadd.f32 v54, v2;
	v0 =	vadd.f32 v49, v0  }
0x1ec: {  	[tilespmem:s25+$0x13410] =	vst v3;
	v3 =	vadd.f32 v10, v6;
	v1 =	vadd.f32 v55, v1  }
0x1ed: {  	[tilespmem:s25+$0x13420] =	vst v4;
	v2 =	vadd.f32 v11, v2;
	v0 =	vadd.f32 v56, v0  }
0x1ee: {  	[tilespmem:s25+$0x13430] =	vst v3;
	v1 =	vadd.f32 v9, v1  }
0x1ef: {  	[tilespmem:s25+$0x13440] =	vst v2;
	v0 =	vadd.f32 v7, v0  }
0x1f0: {  	s3 =	sshll.u32 s15, $0x9;
	s12 =	simm.s32 $0x0;
	[tilespmem:s25+$0x13450] =	vst v1  }
0x1f1: {  	s3 =	sadd.s32 s3, s14;
	s13 =	sshll.u32 s15, $0x8;
	[tilespmem:s25+$0x13460] =	vst v0;
	s25 =	simm.s32 $0x13400  }
0x1f2: {  	[hbm4b:s3+s12] =	stream.linear.scatter [tilespmem:s25], [sflag:$0x3], $0x800, $0x38;
	[tilespmem:$0x1D440] =	vst v63  }
0x1f3: {  	s3 =	sand.u32 $0x3FFFFF00, s13  }
0x1f4: {  	s25 =	sadd.s32 $0x1500, s3  }
0x1f5: {  	[tilespmem:s17], [sflag:$0x1] =	stream.indirect.gather [spmem:s2], $0x80, s25, s0, $0xb8;
	[tilespmem:$0x1D440] =	vst v63  }
0x1f6: {  	s13 =	sadd.s32 $0x2900, s3  }
0x1f7: {  	[tilespmem:s7], [sflag:$0x1] =	stream.indirect.gather [spmem:s2], $0x80, s13, s0, $0xb8;
	[tilespmem:$0x1D440] =	vst v63  }
0x1f8: {  	s25 =	sadd.s32 $0x3D00, s3  }
0x1f9: {  	[tilespmem:s21], [sflag:$0x1] =	stream.indirect.gather [spmem:s2], $0x80, s25, s0, $0xb8;
	[tilespmem:$0x1D440] =	vst v63  }
0x1fa: {  	s13 =	sadd.s32 $0x5100, s3  }
0x1fb: {  	[tilespmem:s23], [sflag:$0x1] =	stream.indirect.gather [spmem:s2], $0x80, s13, s0, $0xb8;
	[tilespmem:$0x1D440] =	vst v63  }
0x1fc: {  	s25 =	sadd.s32 $0x6500, s3  }
0x1fd: {  	[tilespmem:s26], [sflag:$0x1] =	stream.indirect.gather [spmem:s2], $0x80, s25, s0, $0xb8;
	[tilespmem:$0x1D440] =	vst v63  }
0x1fe: {  	s13 =	sadd.s32 $0x7900, s3  }
0x1ff: {  	[tilespmem:s29], [sflag:$0x1] =	stream.indirect.gather [spmem:s2], $0x80, s13, s0, $0xb8;
	[tilespmem:$0x1D440] =	vst v63  }
0x200: {  	s25 =	sadd.s32 $0x8D00, s3  }
0x201: {  	[tilespmem:s31], [sflag:$0x1] =	stream.indirect.gather [spmem:s2], $0x80, s25, s0, $0xb8;
	[tilespmem:$0x1D440] =	vst v63  }
0x202: {  	s3 =	sadd.s32 $0xA100, s3  }
0x203: {  	[tilespmem:s18], [sflag:$0x1] =	stream.indirect.gather [spmem:s2], $0x80, s3, s0, $0xb8;
	[tilespmem:$0x1D440] =	vst v63  }
0x204: {  	_ =	swait.ge [sflag:s10], $0x800  }
0x205: {  	[sflag:s10] =	ssyncset.done $0x0  }
0x206: {  	[sflag:s10] =	ssyncadd.s32 $0xFFFFF800  }
0x207: {  	_ =	swait.ge [sflag:s10], $0x800  }
0x208: {  	[sflag:s10] =	ssyncset.done $0x0  }
0x209: {  	[sflag:s10] =	ssyncadd.s32 $0xFFFFF800  }
0x20a: {  	_ =	swait.ge [sflag:s10], $0x800  }
0x20b: {  	[sflag:s10] =	ssyncset.done $0x0  }
0x20c: {  	[sflag:s10] =	ssyncadd.s32 $0xFFFFF800  }
0x20d: {  	_ =	swait.ge [sflag:s10], $0x800  }
0x20e: {  	[sflag:s10] =	ssyncset.done $0x0  }
0x20f: {  	[sflag:s10] =	ssyncadd.s32 $0xFFFFF800  }
0x210: {  	_ =	swait.ge [sflag:s10], $0x800  }
0x211: {  	[sflag:s10] =	ssyncset.done $0x0  }
0x212: {  	[sflag:s10] =	ssyncadd.s32 $0xFFFFF800  }
0x213: {  	_ =	swait.ge [sflag:s10], $0x800  }
0x214: {  	[sflag:s10] =	ssyncset.done $0x0  }
0x215: {  	[sflag:s10] =	ssyncadd.s32 $0xFFFFF800  }
0x216: {  	_ =	swait.ge [sflag:s10], $0x800  }
0x217: {  	[sflag:s10] =	ssyncset.done $0x0  }
0x218: {  	[sflag:s10] =	ssyncadd.s32 $0xFFFFF800  }
0x219: {  	_ =	swait.ge [sflag:s10], $0x800  }
0x21a: {  	[sflag:s10] =	ssyncset.done $0x0  }
0x21b: {  	[sflag:s10] =	ssyncadd.s32 $0xFFFFF800  }
0x21c: {  	_ =	swait.ge [sflag:s11], $0x800  }
0x21d: {  	[sflag:s11] =	ssyncset.done $0x0  }
0x21e: {  	s13 =	simm.s32 $0x0;
	[sflag:s11] =	ssyncadd.s32 $0xFFFFF800  }
0x21f: {  	v0 =	vld [tilespmem:s13+$0xF470]  }
0x220: {  	v1 =	vld [tilespmem:s13+$0xFC70]  }
0x221: {  	v2 =	vld [tilespmem:s13+$0xF400]  }
0x222: {  	v3 =	vld [tilespmem:s13+$0x10470]  }
0x223: {  	v4 =	vld [tilespmem:s13+$0xFC00]  }
0x224: {  	v5 =	vld [tilespmem:s13+$0x10C70]  }
0x225: {  	v6 =	vld [tilespmem:s13+$0xF410]  }
0x226: {  	v7 =	vld [tilespmem:s13+$0xFC10]  }
0x227: {  	v8 =	vld [tilespmem:s13+$0xF420]  }
0x228: {  	v9 =	vld [tilespmem:s13+$0xFC20]  }
0x229: {  	v10 =	vld [tilespmem:s13+$0xF430]  }
0x22a: {  	v11 =	vld [tilespmem:s13+$0xF440]  }
0x22b: {  	v57 =	vld [tilespmem:s13+$0xF450]  }
0x22c: {  	v58 =	vld [tilespmem:s13+$0xF460]  }
0x22d: {  	v59 =	vld [tilespmem:s13+$0x10400]  }
0x22e: {  	v60 =	vld [tilespmem:s13+$0x10410]  }
0x22f: {  	v61 =	vld [tilespmem:s13+$0x10420]  }
0x230: {  	v62 =	vld [tilespmem:s13+$0x10430]  }
0x231: {  	v63 =	vld [tilespmem:s13+$0x10440]  }
0x232: {  	v36 =	vld [tilespmem:s13+$0x10450]  }
0x233: {  	v37 =	vld [tilespmem:s13+$0x10460]  }
0x234: {  	v38 =	vld [tilespmem:s13+$0x10C00]  }
0x235: {  	v39 =	vld [tilespmem:s13+$0x10C10]  }
0x236: {  	v40 =	vld [tilespmem:s13+$0x10C20]  }
0x237: {  	v41 =	vld [tilespmem:s13+$0x10C30]  }
0x238: {  	v42 =	vld [tilespmem:s13+$0x10C40]  }
0x239: {  	v43 =	vld [tilespmem:s13+$0x10C50]  }
0x23a: {  	v44 =	vld [tilespmem:s13+$0x10C60]  }
0x23b: {  	v45 =	vld [tilespmem:s13+$0x11400]  }
0x23c: {  	v46 =	vld [tilespmem:s13+$0x11410]  }
0x23d: {  	v47 =	vld [tilespmem:s13+$0x11420]  }
0x23e: {  	v48 =	vld [tilespmem:s13+$0x11430]  }
0x23f: {  	v49 =	vld [tilespmem:s13+$0x11440]  }
0x240: {  	v50 =	vld [tilespmem:s13+$0x11450]  }
0x241: {  	v51 =	vld [tilespmem:s13+$0x11460]  }
0x242: {  	v52 =	vld [tilespmem:s13+$0x11C50];
	v0 =	vadd.f32 v1, v0  }
0x243: {  	v1 =	vld [tilespmem:s13+$0x11470]  }
0x244: {  	v55 =	vld [tilespmem:s13+$0x12410];
	v0 =	vadd.f32 v3, v0  }
0x245: {  	v3 =	vld [tilespmem:s13+$0x11C70]  }
0x246: {  	v2 =	vadd.f32 v4, v2;
	v4 =	vld [tilespmem:s13+$0x11C00];
	v0 =	vadd.f32 v5, v0  }
0x247: {  	v6 =	vadd.f32 v7, v6;
	v7 =	vadd.f32 v9, v8;
	v5 =	vld [tilespmem:s13+$0x12470]  }
0x248: {  	v8 =	vld [tilespmem:s13+$0x11C10];
	v2 =	vadd.f32 v59, v2;
	v0 =	vadd.f32 v1, v0  }
0x249: {  	v6 =	vadd.f32 v60, v6;
	v7 =	vadd.f32 v61, v7;
	v1 =	vld [tilespmem:s13+$0x12C70]  }
0x24a: {  	v9 =	vld [tilespmem:s13+$0x11C20];
	v2 =	vadd.f32 v38, v2;
	v0 =	vadd.f32 v3, v0  }
0x24b: {  	v6 =	vadd.f32 v39, v6;
	v7 =	vadd.f32 v40, v7;
	v3 =	vld [tilespmem:s13+$0xFC30]  }
0x24c: {  	v2 =	vadd.f32 v45, v2;
	v0 =	vadd.f32 v5, v0;
	v5 =	vld [tilespmem:s13+$0xFC40]  }
0x24d: {  	v56 =	vld [tilespmem:s13+$0x12420];
	v6 =	vadd.f32 v46, v6;
	v7 =	vadd.f32 v47, v7  }
0x24e: {  	v2 =	vadd.f32 v4, v2;
	v0 =	vadd.f32 v1, v0;
	v1 =	vld [tilespmem:s13+$0xFC50]  }
0x24f: {  	v4 =	vadd.f32 v8, v6;
	v6 =	vadd.f32 v9, v7;
	v9 =	vld [tilespmem:s13+$0x12C10]  }
0x250: {  	v3 =	vadd.f32 v3, v10;
	[tilespmem:s13+$0x13C70] =	vst v0;
	v0 =	vld [tilespmem:s13+$0xFC60]  }
0x251: {  	v53 =	vld [tilespmem:s13+$0x11C60];
	v5 =	vadd.f32 v5, v11  }
0x252: {  	v54 =	vld [tilespmem:s13+$0x12400];
	v3 =	vadd.f32 v62, v3;
	v62 =	vadd.f32 v55, v4  }
0x253: {  	v59 =	vld [tilespmem:s13+$0x12450];
	v1 =	vadd.f32 v1, v57;
	v5 =	vadd.f32 v63, v5  }
0x254: {  	v10 =	vld [tilespmem:s13+$0x11C30];
	v3 =	vadd.f32 v41, v3;
	v63 =	vadd.f32 v56, v6  }
0x255: {  	v11 =	vld [tilespmem:s13+$0x11C40];
	v9 =	vadd.f32 v9, v62;
	v0 =	vadd.f32 v0, v58  }
0x256: {  	v61 =	vld [tilespmem:s13+$0x12C00];
	v1 =	vadd.f32 v36, v1;
	v5 =	vadd.f32 v42, v5  }
0x257: {  	v57 =	vld [tilespmem:s13+$0x12430];
	v3 =	vadd.f32 v48, v3;
	v0 =	vadd.f32 v37, v0  }
0x258: {  	v58 =	vld [tilespmem:s13+$0x12440];
	v1 =	vadd.f32 v43, v1;
	v5 =	vadd.f32 v49, v5  }
0x259: {  	v3 =	vadd.f32 v10, v3;
	v10 =	vld [tilespmem:s13+$0x12C20];
	v0 =	vadd.f32 v44, v0  }
0x25a: {  	v60 =	vld [tilespmem:s13+$0x12460];
	v1 =	vadd.f32 v50, v1;
	v8 =	vadd.f32 v11, v5  }
0x25b: {  	v7 =	vld [tilespmem:s13+$0x12C30];
	v11 =	vadd.f32 v54, v2;
	v0 =	vadd.f32 v51, v0  }
0x25c: {  	v4 =	vld [tilespmem:s13+$0x12C40];
	v6 =	vadd.f32 v57, v3;
	v1 =	vadd.f32 v52, v1  }
0x25d: {  	v5 =	vld [tilespmem:s13+$0x12C50];
	v11 =	vadd.f32 v61, v11;
	v0 =	vadd.f32 v53, v0  }
0x25e: {  	s25 =	simm.s32 $0x80;
	v2 =	vadd.f32 v58, v8;
	v8 =	vld [tilespmem:s13+$0x12C60];
	v10 =	vadd.f32 v10, v63  }
0x25f: {  	s12 =	simm.s32 $0x400;
	v3 =	vadd.f32 v59, v1;
	v1 =	vld [tilespmem:s25+$0xF470];
	[tilespmem:s13+$0x13C00] =	vst v11;
	v0 =	vadd.f32 v60, v0  }
.LBB2_8:
0x260: {  	p1 =	sne.s32 s12, $0x1E00;
	v11 =	vld [tilespmem:s25+$0xFC70];
	[tilespmem:s13+$0x13C10] =	vst v9;
	v6 =	vadd.f32 v7, v6  }
0x261: {  	v7 =	vld [tilespmem:s25+$0xF400];
	[tilespmem:s13+$0x13C20] =	vst v10;
	v2 =	vadd.f32 v4, v2  }
0x262: {  	v4 =	vld [tilespmem:s25+$0x10470];
	[tilespmem:s13+$0x13C30] =	vst v6;
	v3 =	vadd.f32 v5, v3  }
0x263: {  	v5 =	vld [tilespmem:s25+$0xFC00];
	[tilespmem:s13+$0x13C40] =	vst v2;
	v0 =	vadd.f32 v8, v0  }
0x264: {  	v2 =	vld [tilespmem:s25+$0x10C70];
	[tilespmem:s13+$0x13C50] =	vst v3  }
0x265: {  	v3 =	vld [tilespmem:s25+$0xF410];
	v1 =	vadd.f32 v11, v1;
	[tilespmem:s13+$0x13C60] =	vst v0;
	s13 =	smov.u32 s25  }
0x266: {  	v0 =	vld [tilespmem:s13+$0x11470]  }
0x267: {  	v6 =	vld [tilespmem:s13+$0xFC10];
	v1 =	vadd.f32 v4, v1  }
0x268: {  	v4 =	vadd.f32 v5, v7;
	v5 =	vld [tilespmem:s13+$0x11C70]  }
0x269: {  	v7 =	vld [tilespmem:s13+$0xF420];
	v1 =	vadd.f32 v2, v1  }
0x26a: {  	v2 =	vld [tilespmem:s13+$0x12470]  }
0x26b: {  	v8 =	vld [tilespmem:s13+$0xFC20];
	v0 =	vadd.f32 v0, v1  }
0x26c: {  	v1 =	vadd.f32 v6, v3;
	v3 =	vld [tilespmem:s13+$0x12C70]  }
0x26d: {  	v6 =	vld [tilespmem:s13+$0xF430];
	v0 =	vadd.f32 v5, v0  }
0x26e: {  	v5 =	vld [tilespmem:s13+$0xFC30]  }
0x26f: {  	v9 =	vld [tilespmem:s13+$0xF440];
	v0 =	vadd.f32 v2, v0  }
0x270: {  	v2 =	vadd.f32 v8, v7;
	v7 =	vld [tilespmem:s13+$0xFC40]  }
0x271: {  	v8 =	vld [tilespmem:s13+$0xF450];
	v0 =	vadd.f32 v3, v0  }
0x272: {  	v3 =	vld [tilespmem:s13+$0xFC50]  }
0x273: {  	v5 =	vadd.f32 v5, v6;
	v6 =	vld [tilespmem:s13+$0xF460];
	[tilespmem:s13+$0x13C70] =	vst v0  }
0x274: {  	v0 =	vld [tilespmem:s13+$0xFC60]  }
0x275: {  	v10 =	vld [tilespmem:s13+$0x10400];
	v7 =	vadd.f32 v7, v9  }
0x276: {  	v9 =	vld [tilespmem:s13+$0x10410]  }
0x277: {  	v11 =	vld [tilespmem:s13+$0x10420];
	v3 =	vadd.f32 v3, v8  }
0x278: {  	v8 =	vld [tilespmem:s13+$0x10430]  }
0x279: {  	v12 =	vld [tilespmem:s13+$0x10440];
	v0 =	vadd.f32 v0, v6  }
0x27a: {  	v4 =	vadd.f32 v10, v4;
	v6 =	vld [tilespmem:s13+$0x10450]  }
0x27b: {  	v1 =	vadd.f32 v9, v1;
	v9 =	vld [tilespmem:s13+$0x10460]  }
0x27c: {  	v10 =	vld [tilespmem:s13+$0x10C00];
	v2 =	vadd.f32 v11, v2  }
0x27d: {  	v11 =	vld [tilespmem:s13+$0x10C10];
	v5 =	vadd.f32 v8, v5  }
0x27e: {  	v8 =	vld [tilespmem:s13+$0x10C20];
	v7 =	vadd.f32 v12, v7  }
0x27f: {  	v12 =	vld [tilespmem:s13+$0x10C30];
	v3 =	vadd.f32 v6, v3  }
0x280: {  	v6 =	vld [tilespmem:s13+$0x10C40];
	v0 =	vadd.f32 v9, v0  }
0x281: {  	v4 =	vadd.f32 v10, v4;
	v9 =	vld [tilespmem:s13+$0x10C50]  }
0x282: {  	v1 =	vadd.f32 v11, v1;
	v10 =	vld [tilespmem:s13+$0x10C60]  }
0x283: {  	v11 =	vld [tilespmem:s13+$0x11400];
	v2 =	vadd.f32 v8, v2  }
0x284: {  	v8 =	vld [tilespmem:s13+$0x11410];
	v5 =	vadd.f32 v12, v5  }
0x285: {  	v12 =	vld [tilespmem:s13+$0x11420];
	v6 =	vadd.f32 v6, v7  }
0x286: {  	v7 =	vld [tilespmem:s13+$0x11430];
	v3 =	vadd.f32 v9, v3  }
0x287: {  	v9 =	vld [tilespmem:s13+$0x11440];
	v0 =	vadd.f32 v10, v0  }
0x288: {  	v4 =	vadd.f32 v11, v4;
	v10 =	vld [tilespmem:s13+$0x11450]  }
0x289: {  	v1 =	vadd.f32 v8, v1;
	v8 =	vld [tilespmem:s13+$0x11460]  }
0x28a: {  	v11 =	vld [tilespmem:s13+$0x11C00];
	v2 =	vadd.f32 v12, v2  }
0x28b: {  	v12 =	vld [tilespmem:s13+$0x11C10];
	v5 =	vadd.f32 v7, v5  }
0x28c: {  	v7 =	vld [tilespmem:s13+$0x11C20];
	v6 =	vadd.f32 v9, v6  }
0x28d: {  	v9 =	vld [tilespmem:s13+$0x11C30];
	v3 =	vadd.f32 v10, v3  }
0x28e: {  	v10 =	vld [tilespmem:s13+$0x11C40];
	v0 =	vadd.f32 v8, v0  }
0x28f: {  	v4 =	vadd.f32 v11, v4;
	v8 =	vld [tilespmem:s13+$0x11C50]  }
0x290: {  	v1 =	vadd.f32 v12, v1;
	v11 =	vld [tilespmem:s13+$0x11C60]  }
0x291: {  	v12 =	vld [tilespmem:s13+$0x12400];
	v2 =	vadd.f32 v7, v2  }
0x292: {  	v7 =	vld [tilespmem:s13+$0x12410];
	v5 =	vadd.f32 v9, v5  }
0x293: {  	v9 =	vld [tilespmem:s13+$0x12420];
	v10 =	vadd.f32 v10, v6  }
0x294: {  	v6 =	vld [tilespmem:s13+$0x12430];
	v3 =	vadd.f32 v8, v3  }
0x295: {  	v8 =	vld [tilespmem:s13+$0x12440];
	v0 =	vadd.f32 v11, v0  }
0x296: {  	v11 =	vadd.f32 v12, v4;
	v4 =	vld [tilespmem:s13+$0x12450]  }
0x297: {  	v1 =	vadd.f32 v7, v1;
	v12 =	vld [tilespmem:s13+$0x12460]  }
0x298: {  	v13 =	vld [tilespmem:s13+$0x12C00];
	v14 =	vadd.f32 v9, v2  }
0x299: {  	v9 =	vld [tilespmem:s13+$0x12C10];
	v6 =	vadd.f32 v6, v5  }
0x29a: {  	v15 =	vld [tilespmem:s13+$0x12C20];
	v2 =	vadd.f32 v8, v10  }
.Ltmp2:
0x29b: {  	v7 =	vld [tilespmem:s13+$0x12C30];
	v3 =	vadd.f32 v4, v3;
	(pc) =	sbr.rel @p1 .LBB2_8-.Ltmp2, $4  }
0x29c: {  	v4 =	vld [tilespmem:s13+$0x12C40];
	v0 =	vadd.f32 v12, v0  }
0x29d: {  	v10 =	vadd.f32 v13, v11;
	v5 =	vld [tilespmem:s13+$0x12C50]  }
0x29e: {  	s25 =	sshra.s32 s12, $0x2;
	v9 =	vadd.f32 v9, v1;
	v8 =	vld [tilespmem:s13+$0x12C60]  }
0x29f: {  	s12 =	sadd.s32 $0x200, s12;
	v1 =	vld [tilespmem:s25+$0xF470];
	[tilespmem:s13+$0x13C00] =	vst v10;
	v10 =	vadd.f32 v15, v14  }
0x2a0: {  	v11 =	vld [tilespmem:s25+$0xFC70];
	[tilespmem:s13+$0x13C10] =	vst v9;
	v6 =	vadd.f32 v7, v6  }
0x2a1: {  	v9 =	vld [tilespmem:s25+$0xF400];
	[tilespmem:s13+$0x13C20] =	vst v10;
	v2 =	vadd.f32 v4, v2  }
0x2a2: {  	v54 =	vld [tilespmem:s25+$0x10470];
	[tilespmem:s13+$0x13C30] =	vst v6;
	v3 =	vadd.f32 v5, v3  }
0x2a3: {  	v55 =	vld [tilespmem:s25+$0xFC00];
	[tilespmem:s13+$0x13C40] =	vst v2;
	v0 =	vadd.f32 v8, v0  }
0x2a4: {  	v2 =	vld [tilespmem:s25+$0x10C70];
	[tilespmem:s13+$0x13C50] =	vst v3  }
0x2a5: {  	v3 =	vld [tilespmem:s25+$0xF410];
	[tilespmem:s13+$0x13C60] =	vst v0  }
0x2a6: {  	v57 =	vld [tilespmem:s25+$0x11470]  }
0x2a7: {  	v58 =	vld [tilespmem:s25+$0xFC10]  }
0x2a8: {  	v6 =	vld [tilespmem:s25+$0x11C70]  }
0x2a9: {  	v59 =	vld [tilespmem:s25+$0xF420]  }
0x2aa: {  	v60 =	vld [tilespmem:s25+$0x12470]  }
0x2ab: {  	v61 =	vld [tilespmem:s25+$0xFC20]  }
0x2ac: {  	v62 =	vld [tilespmem:s25+$0x12C70]  }
0x2ad: {  	v10 =	vld [tilespmem:s25+$0xF430]  }
0x2ae: {  	v63 =	vld [tilespmem:s25+$0xFC30]  }
0x2af: {  	v36 =	vld [tilespmem:s25+$0xF440]  }
0x2b0: {  	v37 =	vld [tilespmem:s25+$0xFC40]  }
0x2b1: {  	v12 =	vld [tilespmem:s25+$0xF450]  }
0x2b2: {  	v38 =	vld [tilespmem:s25+$0xFC50]  }
0x2b3: {  	v13 =	vld [tilespmem:s25+$0xF460]  }
0x2b4: {  	v39 =	vld [tilespmem:s25+$0xFC60]  }
0x2b5: {  	v14 =	vld [tilespmem:s25+$0x10400]  }
0x2b6: {  	v15 =	vld [tilespmem:s25+$0x10410]  }
0x2b7: {  	v16 =	vld [tilespmem:s25+$0x10420]  }
0x2b8: {  	v17 =	vld [tilespmem:s25+$0x10430]  }
0x2b9: {  	v18 =	vld [tilespmem:s25+$0x10440]  }
0x2ba: {  	v19 =	vld [tilespmem:s25+$0x10450]  }
0x2bb: {  	v20 =	vld [tilespmem:s25+$0x10460]  }
0x2bc: {  	v21 =	vld [tilespmem:s25+$0x10C00]  }
0x2bd: {  	v22 =	vld [tilespmem:s25+$0x10C10]  }
0x2be: {  	v23 =	vld [tilespmem:s25+$0x10C20]  }
0x2bf: {  	v24 =	vld [tilespmem:s25+$0x10C30]  }
0x2c0: {  	v25 =	vld [tilespmem:s25+$0x10C40]  }
0x2c1: {  	v26 =	vld [tilespmem:s25+$0x10C50]  }
0x2c2: {  	v27 =	vld [tilespmem:s25+$0x10C60]  }
0x2c3: {  	v56 =	vadd.f32 v11, v1;
	v28 =	vld [tilespmem:s25+$0x11400]  }
0x2c4: {  	v29 =	vld [tilespmem:s25+$0x11410]  }
0x2c5: {  	v30 =	vld [tilespmem:s25+$0x11420];
	v0 =	vadd.f32 v54, v56  }
0x2c6: {  	v31 =	vld [tilespmem:s25+$0x11430]  }
0x2c7: {  	v32 =	vld [tilespmem:s25+$0x11440];
	v0 =	vadd.f32 v2, v0  }
0x2c8: {  	v33 =	vld [tilespmem:s25+$0x11450];
	v4 =	vadd.f32 v55, v9  }
0x2c9: {  	v34 =	vld [tilespmem:s25+$0x11460];
	v0 =	vadd.f32 v57, v0;
	v3 =	vadd.f32 v58, v3  }
0x2ca: {  	v40 =	vld [tilespmem:s25+$0x11C00];
	v41 =	vadd.f32 v61, v59;
	v2 =	vadd.f32 v37, v36  }
0x2cb: {  	v42 =	vld [tilespmem:s25+$0x11C10];
	v1 =	vadd.f32 v38, v12;
	v4 =	vadd.f32 v14, v4  }
0x2cc: {  	v43 =	vld [tilespmem:s25+$0x11C20];
	v0 =	vadd.f32 v6, v0;
	v6 =	vadd.f32 v63, v10  }
0x2cd: {  	v44 =	vld [tilespmem:s25+$0x11C30];
	v3 =	vadd.f32 v15, v3;
	v5 =	vadd.f32 v16, v41  }
0x2ce: {  	v45 =	vld [tilespmem:s25+$0x11C40];
	v2 =	vadd.f32 v18, v2;
	v1 =	vadd.f32 v19, v1  }
0x2cf: {  	v46 =	vld [tilespmem:s25+$0x11C50];
	v4 =	vadd.f32 v21, v4;
	v0 =	vadd.f32 v60, v0  }
0x2d0: {  	v47 =	vld [tilespmem:s25+$0x11C60];
	v6 =	vadd.f32 v17, v6;
	v3 =	vadd.f32 v22, v3  }
0x2d1: {  	v48 =	vld [tilespmem:s25+$0x12400];
	v5 =	vadd.f32 v23, v5;
	v2 =	vadd.f32 v25, v2  }
0x2d2: {  	v49 =	vld [tilespmem:s25+$0x12410];
	v1 =	vadd.f32 v26, v1;
	v4 =	vadd.f32 v28, v4  }
0x2d3: {  	v50 =	vld [tilespmem:s25+$0x12420];
	v0 =	vadd.f32 v62, v0;
	v6 =	vadd.f32 v24, v6  }
0x2d4: {  	v51 =	vld [tilespmem:s25+$0x12430];
	v3 =	vadd.f32 v29, v3;
	v5 =	vadd.f32 v30, v5  }
0x2d5: {  	v52 =	vld [tilespmem:s25+$0x12440];
	v2 =	vadd.f32 v32, v2;
	v1 =	vadd.f32 v33, v1  }
0x2d6: {  	v53 =	vld [tilespmem:s25+$0x12450];
	v4 =	vadd.f32 v40, v4;
	[tilespmem:s25+$0x13C70] =	vst v0;
	v0 =	vadd.f32 v39, v13  }
0x2d7: {  	v55 =	vld [tilespmem:s25+$0x12C00];
	v6 =	vadd.f32 v31, v6;
	v3 =	vadd.f32 v42, v3  }
0x2d8: {  	v54 =	vld [tilespmem:s25+$0x12460];
	v5 =	vadd.f32 v43, v5;
	v2 =	vadd.f32 v45, v2  }
0x2d9: {  	v56 =	vld [tilespmem:s25+$0x12C10];
	v1 =	vadd.f32 v46, v1;
	v0 =	vadd.f32 v20, v0  }
0x2da: {  	v57 =	vld [tilespmem:s25+$0x12C20];
	v4 =	vadd.f32 v48, v4;
	v6 =	vadd.f32 v44, v6  }
0x2db: {  	v59 =	vld [tilespmem:s25+$0x12C40];
	v3 =	vadd.f32 v49, v3;
	v0 =	vadd.f32 v27, v0  }
0x2dc: {  	v60 =	vld [tilespmem:s25+$0x12C50];
	v5 =	vadd.f32 v50, v5;
	v4 =	vadd.f32 v55, v4  }
0x2dd: {  	v58 =	vld [tilespmem:s25+$0x12C30];
	v2 =	vadd.f32 v52, v2;
	v0 =	vadd.f32 v34, v0  }
0x2de: {  	v61 =	vld [tilespmem:s25+$0x12C60];
	v1 =	vadd.f32 v53, v1;
	v3 =	vadd.f32 v56, v3  }
0x2df: {  	[tilespmem:s25+$0x13C00] =	vst v4;
	v62 =	vadd.f32 v57, v5;
	v0 =	vadd.f32 v47, v0  }
0x2e0: {  	s15 =	sadd.s32 $0x1, s15;
	v6 =	vadd.f32 v51, v6;
	v2 =	vadd.f32 v59, v2;
	[tilespmem:s25+$0x13C10] =	vst v3  }
0x2e1: {  	p1 =	sne.s32 s15, $0x13;
	v1 =	vadd.f32 v60, v1;
	[tilespmem:s25+$0x13C20] =	vst v62;
	v0 =	vadd.f32 v54, v0  }
.Ltmp3:
0x2e2: {  	v63 =	vadd.f32 v58, v6;
	[tilespmem:s25+$0x13C40] =	vst v2;
	(pc) =	sbr.rel @p1 .LBB2_5-.Ltmp3, $4  }
0x2e3: {  	[tilespmem:s25+$0x13C50] =	vst v1;
	v0 =	vadd.f32 v61, v0  }
0x2e4: {  	s3 =	sshll.u32 s16, $0x8;
	[tilespmem:s25+$0x13C30] =	vst v63  }
0x2e5: {  	s3 =	sadd.s32 s3, s14;
	[tilespmem:s25+$0x13C60] =	vst v0  }
0x2e6: {  	[hbm4b:s3+s19] =	stream.linear.scatter [tilespmem:s20], [sflag:$0x4], $0x800, $0x38;
	[tilespmem:$0x1D440] =	vst v63  }
0x2e7: {  	s3 =	simm.s32 $0x2780  }
0x2e8: {  	[tilespmem:s1], [sflag:$0x2] =	stream.indirect.gather [spmem:s2], $0x80, s3, s0, $0xb8;
	[tilespmem:$0x1D440] =	vst v63  }
0x2e9: {  	s25 =	simm.s32 $0x3B80  }
0x2ea: {  	[tilespmem:s22], [sflag:$0x2] =	stream.indirect.gather [spmem:s2], $0x80, s25, s0, $0xb8;
	[tilespmem:$0x1D440] =	vst v63  }
0x2eb: {  	s12 =	simm.s32 $0x4F80  }
0x2ec: {  	[tilespmem:s24], [sflag:$0x2] =	stream.indirect.gather [spmem:s2], $0x80, s12, s0, $0xb8;
	[tilespmem:$0x1D440] =	vst v63  }
0x2ed: {  	s13 =	simm.s32 $0x6380  }
0x2ee: {  	[tilespmem:s28], [sflag:$0x2] =	stream.indirect.gather [spmem:s2], $0x80, s13, s0, $0xb8;
	[tilespmem:$0x1D440] =	vst v63  }
0x2ef: {  	s14 =	simm.s32 $0x7780  }
0x2f0: {  	[tilespmem:s30], [sflag:$0x2] =	stream.indirect.gather [spmem:s2], $0x80, s14, s0, $0xb8;
	[tilespmem:$0x1D440] =	vst v63  }
0x2f1: {  	s15 =	simm.s32 $0x8B80  }
0x2f2: {  	[tilespmem:s4], [sflag:$0x2] =	stream.indirect.gather [spmem:s2], $0x80, s15, s0, $0xb8;
	[tilespmem:$0x1D440] =	vst v63  }
0x2f3: {  	s16 =	simm.s32 $0x9F80  }
0x2f4: {  	[tilespmem:s5], [sflag:$0x2] =	stream.indirect.gather [spmem:s2], $0x80, s16, s0, $0xb8;
	[tilespmem:$0x1D440] =	vst v63  }
0x2f5: {  	s25 =	simm.s32 $0xB380  }
0x2f6: {  	[tilespmem:s6], [sflag:$0x2] =	stream.indirect.gather [spmem:s2], $0x80, s25, s0, $0xb8;
	[tilespmem:$0x1D440] =	vst v63  }
0x2f7: {  	_ =	swait.ge [sflag:s8], $0x800  }
0x2f8: {  	[sflag:s8] =	ssyncset.done $0x0  }
0x2f9: {  	[sflag:s8] =	ssyncadd.s32 $0xFFFFF800  }
0x2fa: {  	_ =	swait.ge [sflag:s8], $0x800  }
0x2fb: {  	[sflag:s8] =	ssyncset.done $0x0  }
0x2fc: {  	[sflag:s8] =	ssyncadd.s32 $0xFFFFF800  }
0x2fd: {  	_ =	swait.ge [sflag:s8], $0x800  }
0x2fe: {  	[sflag:s8] =	ssyncset.done $0x0  }
0x2ff: {  	[sflag:s8] =	ssyncadd.s32 $0xFFFFF800  }
0x300: {  	_ =	swait.ge [sflag:s8], $0x800  }
0x301: {  	[sflag:s8] =	ssyncset.done $0x0  }
0x302: {  	[sflag:s8] =	ssyncadd.s32 $0xFFFFF800  }
0x303: {  	_ =	swait.ge [sflag:s8], $0x800  }
0x304: {  	[sflag:s8] =	ssyncset.done $0x0  }
0x305: {  	[sflag:s8] =	ssyncadd.s32 $0xFFFFF800  }
0x306: {  	_ =	swait.ge [sflag:s8], $0x800  }
0x307: {  	[sflag:s8] =	ssyncset.done $0x0  }
0x308: {  	[sflag:s8] =	ssyncadd.s32 $0xFFFFF800  }
0x309: {  	_ =	swait.ge [sflag:s8], $0x800  }
0x30a: {  	[sflag:s8] =	ssyncset.done $0x0  }
0x30b: {  	[sflag:s8] =	ssyncadd.s32 $0xFFFFF800  }
0x30c: {  	_ =	swait.ge [sflag:s8], $0x800  }
0x30d: {  	[sflag:s8] =	ssyncset.done $0x0  }
0x30e: {  	[sflag:s8] =	ssyncadd.s32 $0xFFFFF800  }
0x30f: {  	_ =	swait.ge [sflag:s9], $0x800  }
0x310: {  	[sflag:s9] =	ssyncset.done $0x0  }
0x311: {  	s13 =	simm.s32 $0x0;
	[sflag:s9] =	ssyncadd.s32 $0xFFFFF800  }
0x312: {  	v0 =	vld [tilespmem:s13+$0xB470]  }
0x313: {  	v1 =	vld [tilespmem:s13+$0xBC70]  }
0x314: {  	v2 =	vld [tilespmem:s13+$0xB400]  }
0x315: {  	v3 =	vld [tilespmem:s13+$0xC470]  }
0x316: {  	v4 =	vld [tilespmem:s13+$0xBC00]  }
0x317: {  	v5 =	vld [tilespmem:s13+$0xCC70]  }
0x318: {  	v6 =	vld [tilespmem:s13+$0xB410]  }
0x319: {  	v7 =	vld [tilespmem:s13+$0xBC10]  }
0x31a: {  	v8 =	vld [tilespmem:s13+$0xB420]  }
0x31b: {  	v9 =	vld [tilespmem:s13+$0xBC20]  }
0x31c: {  	v10 =	vld [tilespmem:s13+$0xB430]  }
0x31d: {  	v11 =	vld [tilespmem:s13+$0xB440]  }
0x31e: {  	v12 =	vld [tilespmem:s13+$0xB450]  }
0x31f: {  	v13 =	vld [tilespmem:s13+$0xB460]  }
0x320: {  	v14 =	vld [tilespmem:s13+$0xC400]  }
0x321: {  	v15 =	vld [tilespmem:s13+$0xC410]  }
0x322: {  	v16 =	vld [tilespmem:s13+$0xC420]  }
0x323: {  	v17 =	vld [tilespmem:s13+$0xC430]  }
0x324: {  	v18 =	vld [tilespmem:s13+$0xC440]  }
0x325: {  	v19 =	vld [tilespmem:s13+$0xC450]  }
0x326: {  	v20 =	vld [tilespmem:s13+$0xC460]  }
0x327: {  	v21 =	vld [tilespmem:s13+$0xCC00]  }
0x328: {  	v22 =	vld [tilespmem:s13+$0xCC10]  }
0x329: {  	v23 =	vld [tilespmem:s13+$0xCC20]  }
0x32a: {  	v24 =	vld [tilespmem:s13+$0xCC30]  }
0x32b: {  	v25 =	vld [tilespmem:s13+$0xCC40]  }
0x32c: {  	v26 =	vld [tilespmem:s13+$0xCC50]  }
0x32d: {  	v27 =	vld [tilespmem:s13+$0xCC60]  }
0x32e: {  	v28 =	vld [tilespmem:s13+$0xD400]  }
0x32f: {  	v29 =	vld [tilespmem:s13+$0xD410]  }
0x330: {  	v30 =	vld [tilespmem:s13+$0xD420]  }
0x331: {  	v31 =	vld [tilespmem:s13+$0xD430]  }
0x332: {  	v32 =	vld [tilespmem:s13+$0xD440]  }
0x333: {  	v33 =	vld [tilespmem:s13+$0xD450]  }
0x334: {  	v34 =	vld [tilespmem:s13+$0xD460]  }
0x335: {  	v52 =	vld [tilespmem:s13+$0xDC50];
	v0 =	vadd.f32 v1, v0  }
0x336: {  	v1 =	vld [tilespmem:s13+$0xD470]  }
0x337: {  	v2 =	vadd.f32 v4, v2;
	v4 =	vld [tilespmem:s13+$0xDC00];
	v0 =	vadd.f32 v3, v0  }
0x338: {  	v6 =	vadd.f32 v7, v6;
	v3 =	vld [tilespmem:s13+$0xDC70]  }
0x339: {  	v7 =	vadd.f32 v9, v8;
	v8 =	vld [tilespmem:s13+$0xDC10];
	v0 =	vadd.f32 v5, v0  }
0x33a: {  	v2 =	vadd.f32 v14, v2;
	v6 =	vadd.f32 v15, v6;
	v5 =	vld [tilespmem:s13+$0xE470]  }
0x33b: {  	v9 =	vld [tilespmem:s13+$0xDC20];
	v7 =	vadd.f32 v16, v7;
	v0 =	vadd.f32 v1, v0  }
0x33c: {  	v2 =	vadd.f32 v21, v2;
	v6 =	vadd.f32 v22, v6;
	v1 =	vld [tilespmem:s13+$0xEC70]  }
0x33d: {  	v55 =	vld [tilespmem:s13+$0xE410];
	v7 =	vadd.f32 v23, v7;
	v0 =	vadd.f32 v3, v0  }
0x33e: {  	v56 =	vld [tilespmem:s13+$0xE420];
	v2 =	vadd.f32 v28, v2;
	v6 =	vadd.f32 v29, v6  }
0x33f: {  	v7 =	vadd.f32 v30, v7;
	v3 =	vld [tilespmem:s13+$0xBC30];
	v0 =	vadd.f32 v5, v0  }
0x340: {  	v2 =	vadd.f32 v4, v2;
	v4 =	vadd.f32 v8, v6;
	v5 =	vld [tilespmem:s13+$0xBC40]  }
0x341: {  	v6 =	vadd.f32 v9, v7;
	v9 =	vld [tilespmem:s13+$0xEC10];
	v0 =	vadd.f32 v1, v0  }
0x342: {  	v1 =	vld [tilespmem:s13+$0xBC50]  }
0x343: {  	[tilespmem:s13+$0x13470] =	vst v0;
	v0 =	vld [tilespmem:s13+$0xBC60]  }
0x344: {  	v53 =	vld [tilespmem:s13+$0xDC60];
	v62 =	vadd.f32 v55, v4;
	v3 =	vadd.f32 v3, v10  }
0x345: {  	v54 =	vld [tilespmem:s13+$0xE400];
	v63 =	vadd.f32 v56, v6;
	v5 =	vadd.f32 v5, v11  }
0x346: {  	v57 =	vld [tilespmem:s13+$0xE430];
	v9 =	vadd.f32 v9, v62;
	v3 =	vadd.f32 v17, v3  }
0x347: {  	v10 =	vld [tilespmem:s13+$0xDC30];
	v1 =	vadd.f32 v1, v12;
	v5 =	vadd.f32 v18, v5  }
0x348: {  	v11 =	vld [tilespmem:s13+$0xDC40];
	v3 =	vadd.f32 v24, v3;
	v0 =	vadd.f32 v0, v13  }
0x349: {  	v58 =	vld [tilespmem:s13+$0xE440];
	v1 =	vadd.f32 v19, v1;
	v5 =	vadd.f32 v25, v5  }
0x34a: {  	v59 =	vld [tilespmem:s13+$0xE450];
	v3 =	vadd.f32 v31, v3;
	v0 =	vadd.f32 v20, v0  }
0x34b: {  	v61 =	vld [tilespmem:s13+$0xEC00];
	v1 =	vadd.f32 v26, v1;
	v5 =	vadd.f32 v32, v5  }
0x34c: {  	v3 =	vadd.f32 v10, v3;
	v10 =	vld [tilespmem:s13+$0xEC20];
	v0 =	vadd.f32 v27, v0  }
0x34d: {  	v60 =	vld [tilespmem:s13+$0xE460];
	v1 =	vadd.f32 v33, v1;
	v8 =	vadd.f32 v11, v5  }
0x34e: {  	v7 =	vld [tilespmem:s13+$0xEC30];
	v11 =	vadd.f32 v54, v2;
	v0 =	vadd.f32 v34, v0  }
0x34f: {  	v4 =	vld [tilespmem:s13+$0xEC40];
	v6 =	vadd.f32 v57, v3;
	v1 =	vadd.f32 v52, v1  }
0x350: {  	v5 =	vld [tilespmem:s13+$0xEC50];
	v11 =	vadd.f32 v61, v11;
	v0 =	vadd.f32 v53, v0  }
0x351: {  	s14 =	simm.s32 $0x80;
	v2 =	vadd.f32 v58, v8;
	v8 =	vld [tilespmem:s13+$0xEC60];
	v10 =	vadd.f32 v10, v63  }
0x352: {  	s12 =	simm.s32 $0x400;
	v3 =	vadd.f32 v59, v1;
	v1 =	vld [tilespmem:s14+$0xB470];
	[tilespmem:s13+$0x13400] =	vst v11;
	v0 =	vadd.f32 v60, v0  }
.LBB2_11:
0x353: {  	p1 =	sne.s32 s12, $0x1E00;
	v11 =	vld [tilespmem:s14+$0xBC70];
	[tilespmem:s13+$0x13410] =	vst v9;
	v6 =	vadd.f32 v7, v6  }
0x354: {  	v7 =	vld [tilespmem:s14+$0xB400];
	[tilespmem:s13+$0x13420] =	vst v10;
	v2 =	vadd.f32 v4, v2  }
0x355: {  	v4 =	vld [tilespmem:s14+$0xC470];
	[tilespmem:s13+$0x13430] =	vst v6;
	v3 =	vadd.f32 v5, v3  }
0x356: {  	v5 =	vld [tilespmem:s14+$0xBC00];
	[tilespmem:s13+$0x13440] =	vst v2;
	v0 =	vadd.f32 v8, v0  }
0x357: {  	v2 =	vld [tilespmem:s14+$0xCC70];
	[tilespmem:s13+$0x13450] =	vst v3  }
0x358: {  	v3 =	vld [tilespmem:s14+$0xB410];
	v1 =	vadd.f32 v11, v1;
	[tilespmem:s13+$0x13460] =	vst v0;
	s13 =	smov.u32 s14  }
0x359: {  	v0 =	vld [tilespmem:s13+$0xD470]  }
0x35a: {  	v6 =	vld [tilespmem:s13+$0xBC10];
	v1 =	vadd.f32 v4, v1  }
0x35b: {  	v4 =	vadd.f32 v5, v7;
	v5 =	vld [tilespmem:s13+$0xDC70]  }
0x35c: {  	v7 =	vld [tilespmem:s13+$0xB420];
	v1 =	vadd.f32 v2, v1  }
0x35d: {  	v2 =	vld [tilespmem:s13+$0xE470]  }
0x35e: {  	v8 =	vld [tilespmem:s13+$0xBC20];
	v0 =	vadd.f32 v0, v1  }
0x35f: {  	v1 =	vadd.f32 v6, v3;
	v3 =	vld [tilespmem:s13+$0xEC70]  }
0x360: {  	v6 =	vld [tilespmem:s13+$0xB430];
	v0 =	vadd.f32 v5, v0  }
0x361: {  	v5 =	vld [tilespmem:s13+$0xBC30]  }
0x362: {  	v9 =	vld [tilespmem:s13+$0xB440];
	v0 =	vadd.f32 v2, v0  }
0x363: {  	v2 =	vadd.f32 v8, v7;
	v7 =	vld [tilespmem:s13+$0xBC40]  }
0x364: {  	v8 =	vld [tilespmem:s13+$0xB450];
	v0 =	vadd.f32 v3, v0  }
0x365: {  	v3 =	vld [tilespmem:s13+$0xBC50]  }
0x366: {  	v5 =	vadd.f32 v5, v6;
	v6 =	vld [tilespmem:s13+$0xB460];
	[tilespmem:s13+$0x13470] =	vst v0  }
0x367: {  	v0 =	vld [tilespmem:s13+$0xBC60]  }
0x368: {  	v10 =	vld [tilespmem:s13+$0xC400];
	v7 =	vadd.f32 v7, v9  }
0x369: {  	v9 =	vld [tilespmem:s13+$0xC410]  }
0x36a: {  	v11 =	vld [tilespmem:s13+$0xC420];
	v3 =	vadd.f32 v3, v8  }
0x36b: {  	v8 =	vld [tilespmem:s13+$0xC430]  }
0x36c: {  	v12 =	vld [tilespmem:s13+$0xC440];
	v0 =	vadd.f32 v0, v6  }
0x36d: {  	v4 =	vadd.f32 v10, v4;
	v6 =	vld [tilespmem:s13+$0xC450]  }
0x36e: {  	v1 =	vadd.f32 v9, v1;
	v9 =	vld [tilespmem:s13+$0xC460]  }
0x36f: {  	v10 =	vld [tilespmem:s13+$0xCC00];
	v2 =	vadd.f32 v11, v2  }
0x370: {  	v11 =	vld [tilespmem:s13+$0xCC10];
	v5 =	vadd.f32 v8, v5  }
0x371: {  	v8 =	vld [tilespmem:s13+$0xCC20];
	v7 =	vadd.f32 v12, v7  }
0x372: {  	v12 =	vld [tilespmem:s13+$0xCC30];
	v3 =	vadd.f32 v6, v3  }
0x373: {  	v6 =	vld [tilespmem:s13+$0xCC40];
	v0 =	vadd.f32 v9, v0  }
0x374: {  	v4 =	vadd.f32 v10, v4;
	v9 =	vld [tilespmem:s13+$0xCC50]  }
0x375: {  	v1 =	vadd.f32 v11, v1;
	v10 =	vld [tilespmem:s13+$0xCC60]  }
0x376: {  	v11 =	vld [tilespmem:s13+$0xD400];
	v2 =	vadd.f32 v8, v2  }
0x377: {  	v8 =	vld [tilespmem:s13+$0xD410];
	v5 =	vadd.f32 v12, v5  }
0x378: {  	v12 =	vld [tilespmem:s13+$0xD420];
	v6 =	vadd.f32 v6, v7  }
0x379: {  	v7 =	vld [tilespmem:s13+$0xD430];
	v3 =	vadd.f32 v9, v3  }
0x37a: {  	v9 =	vld [tilespmem:s13+$0xD440];
	v0 =	vadd.f32 v10, v0  }
0x37b: {  	v4 =	vadd.f32 v11, v4;
	v10 =	vld [tilespmem:s13+$0xD450]  }
0x37c: {  	v1 =	vadd.f32 v8, v1;
	v8 =	vld [tilespmem:s13+$0xD460]  }
0x37d: {  	v11 =	vld [tilespmem:s13+$0xDC00];
	v2 =	vadd.f32 v12, v2  }
0x37e: {  	v12 =	vld [tilespmem:s13+$0xDC10];
	v5 =	vadd.f32 v7, v5  }
0x37f: {  	v7 =	vld [tilespmem:s13+$0xDC20];
	v6 =	vadd.f32 v9, v6  }
0x380: {  	v9 =	vld [tilespmem:s13+$0xDC30];
	v3 =	vadd.f32 v10, v3  }
0x381: {  	v10 =	vld [tilespmem:s13+$0xDC40];
	v0 =	vadd.f32 v8, v0  }
0x382: {  	v4 =	vadd.f32 v11, v4;
	v8 =	vld [tilespmem:s13+$0xDC50]  }
0x383: {  	v1 =	vadd.f32 v12, v1;
	v11 =	vld [tilespmem:s13+$0xDC60]  }
0x384: {  	v12 =	vld [tilespmem:s13+$0xE400];
	v2 =	vadd.f32 v7, v2  }
0x385: {  	v7 =	vld [tilespmem:s13+$0xE410];
	v5 =	vadd.f32 v9, v5  }
0x386: {  	v9 =	vld [tilespmem:s13+$0xE420];
	v10 =	vadd.f32 v10, v6  }
0x387: {  	v6 =	vld [tilespmem:s13+$0xE430];
	v3 =	vadd.f32 v8, v3  }
0x388: {  	v8 =	vld [tilespmem:s13+$0xE440];
	v0 =	vadd.f32 v11, v0  }
0x389: {  	v11 =	vadd.f32 v12, v4;
	v4 =	vld [tilespmem:s13+$0xE450]  }
0x38a: {  	v1 =	vadd.f32 v7, v1;
	v12 =	vld [tilespmem:s13+$0xE460]  }
0x38b: {  	v13 =	vld [tilespmem:s13+$0xEC00];
	v14 =	vadd.f32 v9, v2  }
0x38c: {  	v9 =	vld [tilespmem:s13+$0xEC10];
	v6 =	vadd.f32 v6, v5  }
0x38d: {  	v15 =	vld [tilespmem:s13+$0xEC20];
	v2 =	vadd.f32 v8, v10  }
.Ltmp4:
0x38e: {  	v7 =	vld [tilespmem:s13+$0xEC30];
	v3 =	vadd.f32 v4, v3;
	(pc) =	sbr.rel @p1 .LBB2_11-.Ltmp4, $4  }
0x38f: {  	v4 =	vld [tilespmem:s13+$0xEC40];
	v0 =	vadd.f32 v12, v0  }
0x390: {  	v10 =	vadd.f32 v13, v11;
	v5 =	vld [tilespmem:s13+$0xEC50]  }
0x391: {  	s14 =	sshra.s32 s12, $0x2;
	v9 =	vadd.f32 v9, v1;
	v8 =	vld [tilespmem:s13+$0xEC60]  }
0x392: {  	s12 =	sadd.s32 $0x200, s12;
	v1 =	vld [tilespmem:s14+$0xB470];
	[tilespmem:s13+$0x13400] =	vst v10;
	v10 =	vadd.f32 v15, v14  }
0x393: {  	v11 =	vld [tilespmem:s14+$0xBC70];
	[tilespmem:s13+$0x13410] =	vst v9;
	v6 =	vadd.f32 v7, v6  }
0x394: {  	v9 =	vld [tilespmem:s14+$0xB400];
	[tilespmem:s13+$0x13420] =	vst v10;
	v2 =	vadd.f32 v4, v2  }
0x395: {  	v7 =	vld [tilespmem:s14+$0xC470];
	[tilespmem:s13+$0x13430] =	vst v6;
	v3 =	vadd.f32 v5, v3  }
0x396: {  	v4 =	vld [tilespmem:s14+$0xBC00];
	[tilespmem:s13+$0x13440] =	vst v2;
	v0 =	vadd.f32 v8, v0  }
0x397: {  	v2 =	vld [tilespmem:s14+$0xCC70];
	[tilespmem:s13+$0x13450] =	vst v3  }
0x398: {  	v3 =	vld [tilespmem:s14+$0xB410];
	[tilespmem:s13+$0x13460] =	vst v0  }
0x399: {  	v0 =	vadd.f32 v11, v1;
	v1 =	vld [tilespmem:s14+$0xD470]  }
0x39a: {  	v5 =	vld [tilespmem:s14+$0xBC10]  }
0x39b: {  	v6 =	vld [tilespmem:s14+$0xDC70]  }
0x39c: {  	v8 =	vld [tilespmem:s14+$0xBC20]  }
0x39d: {  	v10 =	vld [tilespmem:s14+$0xB430]  }
0x39e: {  	v11 =	vld [tilespmem:s14+$0xB440]  }
0x39f: {  	v12 =	vld [tilespmem:s14+$0xB450]  }
0x3a0: {  	v13 =	vld [tilespmem:s14+$0xB460]  }
0x3a1: {  	v14 =	vld [tilespmem:s14+$0xC400]  }
0x3a2: {  	v15 =	vld [tilespmem:s14+$0xC410]  }
0x3a3: {  	v16 =	vld [tilespmem:s14+$0xC420]  }
0x3a4: {  	v17 =	vld [tilespmem:s14+$0xC430]  }
0x3a5: {  	v18 =	vld [tilespmem:s14+$0xC440]  }
0x3a6: {  	v19 =	vld [tilespmem:s14+$0xC450]  }
0x3a7: {  	v20 =	vld [tilespmem:s14+$0xC460]  }
0x3a8: {  	v21 =	vld [tilespmem:s14+$0xCC00]  }
0x3a9: {  	v22 =	vld [tilespmem:s14+$0xCC10]  }
0x3aa: {  	v23 =	vld [tilespmem:s14+$0xCC20]  }
0x3ab: {  	v24 =	vld [tilespmem:s14+$0xCC30]  }
0x3ac: {  	v25 =	vld [tilespmem:s14+$0xCC40]  }
0x3ad: {  	v26 =	vld [tilespmem:s14+$0xCC50]  }
0x3ae: {  	v27 =	vld [tilespmem:s14+$0xCC60]  }
0x3af: {  	v28 =	vld [tilespmem:s14+$0xD400]  }
0x3b0: {  	v29 =	vld [tilespmem:s14+$0xD410]  }
0x3b1: {  	v30 =	vld [tilespmem:s14+$0xD420]  }
0x3b2: {  	v31 =	vld [tilespmem:s14+$0xD430]  }
0x3b3: {  	v32 =	vld [tilespmem:s14+$0xD440]  }
0x3b4: {  	v33 =	vld [tilespmem:s14+$0xD450]  }
0x3b5: {  	v34 =	vld [tilespmem:s14+$0xD460]  }
0x3b6: {  	v48 =	vld [tilespmem:s14+$0xDC50]  }
0x3b7: {  	v49 =	vld [tilespmem:s14+$0xDC60]  }
0x3b8: {  	v0 =	vadd.f32 v7, v0;
	v7 =	vld [tilespmem:s14+$0xB420]  }
0x3b9: {  	v50 =	vld [tilespmem:s14+$0xE400]  }
0x3ba: {  	v51 =	vld [tilespmem:s14+$0xE410];
	v0 =	vadd.f32 v2, v0  }
0x3bb: {  	v4 =	vadd.f32 v4, v9;
	v2 =	vld [tilespmem:s14+$0xE470]  }
0x3bc: {  	v9 =	vld [tilespmem:s14+$0xDC00];
	v0 =	vadd.f32 v1, v0;
	v3 =	vadd.f32 v5, v3  }
0x3bd: {  	v1 =	vld [tilespmem:s14+$0xEC70];
	v4 =	vadd.f32 v14, v4;
	v5 =	vadd.f32 v8, v7  }
0x3be: {  	v0 =	vadd.f32 v6, v0;
	v6 =	vld [tilespmem:s14+$0xBC30];
	v3 =	vadd.f32 v15, v3  }
0x3bf: {  	v7 =	vld [tilespmem:s14+$0xDC10];
	v4 =	vadd.f32 v21, v4;
	v5 =	vadd.f32 v16, v5  }
0x3c0: {  	v0 =	vadd.f32 v2, v0;
	v2 =	vld [tilespmem:s14+$0xBC40];
	v3 =	vadd.f32 v22, v3  }
0x3c1: {  	v8 =	vld [tilespmem:s14+$0xDC20];
	v4 =	vadd.f32 v28, v4;
	v5 =	vadd.f32 v23, v5  }
0x3c2: {  	v0 =	vadd.f32 v1, v0;
	v1 =	vld [tilespmem:s14+$0xBC50];
	v3 =	vadd.f32 v29, v3  }
0x3c3: {  	v52 =	vld [tilespmem:s14+$0xE420];
	v4 =	vadd.f32 v9, v4;
	v6 =	vadd.f32 v6, v10  }
0x3c4: {  	v9 =	vld [tilespmem:s14+$0xEC00];
	v5 =	vadd.f32 v30, v5;
	v3 =	vadd.f32 v7, v3  }
0x3c5: {  	[tilespmem:s14+$0x13470] =	vst v0;
	v0 =	vld [tilespmem:s14+$0xBC60];
	v4 =	vadd.f32 v50, v4;
	v2 =	vadd.f32 v2, v11  }
0x3c6: {  	v53 =	vld [tilespmem:s14+$0xE430];
	v6 =	vadd.f32 v17, v6;
	v5 =	vadd.f32 v8, v5  }
0x3c7: {  	v7 =	vld [tilespmem:s14+$0xEC10];
	v3 =	vadd.f32 v51, v3;
	v1 =	vadd.f32 v1, v12  }
0x3c8: {  	v54 =	vld [tilespmem:s14+$0xE440];
	v2 =	vadd.f32 v18, v2;
	v6 =	vadd.f32 v24, v6  }
0x3c9: {  	v10 =	vld [tilespmem:s14+$0xDC30];
	v5 =	vadd.f32 v52, v5;
	v4 =	vadd.f32 v9, v4  }
0x3ca: {  	v11 =	vld [tilespmem:s14+$0xDC40];
	v0 =	vadd.f32 v0, v13;
	v1 =	vadd.f32 v19, v1  }
0x3cb: {  	v8 =	vld [tilespmem:s14+$0xEC20];
	v2 =	vadd.f32 v25, v2;
	v6 =	vadd.f32 v31, v6  }
0x3cc: {  	v55 =	vld [tilespmem:s14+$0xE450];
	v3 =	vadd.f32 v7, v3;
	v0 =	vadd.f32 v20, v0  }
0x3cd: {  	v56 =	vld [tilespmem:s14+$0xE460];
	v1 =	vadd.f32 v26, v1;
	v2 =	vadd.f32 v32, v2  }
0x3ce: {  	v6 =	vadd.f32 v10, v6;
	v10 =	vld [tilespmem:s14+$0xEC30];
	v0 =	vadd.f32 v27, v0  }
0x3cf: {  	v1 =	vadd.f32 v33, v1;
	v2 =	vadd.f32 v11, v2;
	v11 =	vld [tilespmem:s14+$0xEC40]  }
0x3d0: {  	v9 =	vld [tilespmem:s14+$0xEC50];
	[tilespmem:s14+$0x13400] =	vst v4;
	v4 =	vadd.f32 v8, v5;
	v0 =	vadd.f32 v34, v0  }
0x3d1: {  	v7 =	vld [tilespmem:s14+$0xEC60];
	v6 =	vadd.f32 v53, v6;
	v1 =	vadd.f32 v48, v1  }
0x3d2: {  	v2 =	vadd.f32 v54, v2;
	v0 =	vadd.f32 v49, v0  }
0x3d3: {  	[tilespmem:s14+$0x13410] =	vst v3;
	v3 =	vadd.f32 v10, v6;
	v1 =	vadd.f32 v55, v1  }
0x3d4: {  	[tilespmem:s14+$0x13420] =	vst v4;
	v2 =	vadd.f32 v11, v2;
	v0 =	vadd.f32 v56, v0  }
0x3d5: {  	[tilespmem:s14+$0x13430] =	vst v3;
	v1 =	vadd.f32 v9, v1  }
0x3d6: {  	s3 =	rddreg [dreg:$0xf];
	[tilespmem:s14+$0x13440] =	vst v2;
	v0 =	vadd.f32 v7, v0  }
0x3d7: {  	s15 =	rddreg [dreg:$0x15];
	[tilespmem:s14+$0x13450] =	vst v1  }
0x3d8: {  	s12 =	simm.s32 $0x0;
	s25 =	simm.s32 $0x13400;
	s3 =	sadd.s32 s15, s3;
	[tilespmem:s14+$0x13460] =	vst v0  }
0x3d9: {  	[hbm4b:s3+s12] =	stream.linear.scatter [tilespmem:s25], [sflag:$0x3], $0x800, $0x38;
	[tilespmem:$0x1D440] =	vst v63  }
0x3da: {  	_ =	swait.ge [sflag:s10], $0x800  }
0x3db: {  	[sflag:s10] =	ssyncset.done $0x0  }
0x3dc: {  	[sflag:s10] =	ssyncadd.s32 $0xFFFFF800  }
0x3dd: {  	_ =	swait.ge [sflag:s10], $0x800  }
0x3de: {  	[sflag:s10] =	ssyncset.done $0x0  }
0x3df: {  	[sflag:s10] =	ssyncadd.s32 $0xFFFFF800  }
0x3e0: {  	_ =	swait.ge [sflag:s10], $0x800  }
0x3e1: {  	[sflag:s10] =	ssyncset.done $0x0  }
0x3e2: {  	[sflag:s10] =	ssyncadd.s32 $0xFFFFF800  }
0x3e3: {  	_ =	swait.ge [sflag:s10], $0x800  }
0x3e4: {  	[sflag:s10] =	ssyncset.done $0x0  }
0x3e5: {  	[sflag:s10] =	ssyncadd.s32 $0xFFFFF800  }
0x3e6: {  	_ =	swait.ge [sflag:s10], $0x800  }
0x3e7: {  	[sflag:s10] =	ssyncset.done $0x0  }
0x3e8: {  	[sflag:s10] =	ssyncadd.s32 $0xFFFFF800  }
0x3e9: {  	_ =	swait.ge [sflag:s10], $0x800  }
0x3ea: {  	[sflag:s10] =	ssyncset.done $0x0  }
0x3eb: {  	[sflag:s10] =	ssyncadd.s32 $0xFFFFF800  }
0x3ec: {  	_ =	swait.ge [sflag:s10], $0x800  }
0x3ed: {  	[sflag:s10] =	ssyncset.done $0x0  }
0x3ee: {  	[sflag:s10] =	ssyncadd.s32 $0xFFFFF800  }
0x3ef: {  	_ =	swait.ge [sflag:s10], $0x800  }
0x3f0: {  	[sflag:s10] =	ssyncset.done $0x0  }
0x3f1: {  	[sflag:s10] =	ssyncadd.s32 $0xFFFFF800  }
0x3f2: {  	_ =	swait.ge [sflag:s11], $0x800  }
0x3f3: {  	[sflag:s11] =	ssyncset.done $0x0  }
0x3f4: {  	s13 =	simm.s32 $0x0;
	[sflag:s11] =	ssyncadd.s32 $0xFFFFF800  }
0x3f5: {  	v0 =	vld [tilespmem:s13+$0xF470]  }
0x3f6: {  	v1 =	vld [tilespmem:s13+$0xFC70]  }
0x3f7: {  	v2 =	vld [tilespmem:s13+$0xF400]  }
0x3f8: {  	v3 =	vld [tilespmem:s13+$0x10470]  }
0x3f9: {  	v4 =	vld [tilespmem:s13+$0xFC00]  }
0x3fa: {  	v5 =	vld [tilespmem:s13+$0x10C70]  }
0x3fb: {  	v6 =	vld [tilespmem:s13+$0xF410]  }
0x3fc: {  	v7 =	vld [tilespmem:s13+$0xFC10]  }
0x3fd: {  	v8 =	vld [tilespmem:s13+$0xF420]  }
0x3fe: {  	v9 =	vld [tilespmem:s13+$0xFC20]  }
0x3ff: {  	v10 =	vld [tilespmem:s13+$0xF430]  }
0x400: {  	v11 =	vld [tilespmem:s13+$0xF440]  }
0x401: {  	v57 =	vld [tilespmem:s13+$0xF450]  }
0x402: {  	v58 =	vld [tilespmem:s13+$0xF460]  }
0x403: {  	v59 =	vld [tilespmem:s13+$0x10400]  }
0x404: {  	v60 =	vld [tilespmem:s13+$0x10410]  }
0x405: {  	v61 =	vld [tilespmem:s13+$0x10420]  }
0x406: {  	v62 =	vld [tilespmem:s13+$0x10430]  }
0x407: {  	v63 =	vld [tilespmem:s13+$0x10440]  }
0x408: {  	v36 =	vld [tilespmem:s13+$0x10450]  }
0x409: {  	v37 =	vld [tilespmem:s13+$0x10460]  }
0x40a: {  	v38 =	vld [tilespmem:s13+$0x10C00]  }
0x40b: {  	v39 =	vld [tilespmem:s13+$0x10C10]  }
0x40c: {  	v40 =	vld [tilespmem:s13+$0x10C20]  }
0x40d: {  	v41 =	vld [tilespmem:s13+$0x10C30]  }
0x40e: {  	v42 =	vld [tilespmem:s13+$0x10C40]  }
0x40f: {  	v43 =	vld [tilespmem:s13+$0x10C50]  }
0x410: {  	v44 =	vld [tilespmem:s13+$0x10C60]  }
0x411: {  	v45 =	vld [tilespmem:s13+$0x11400]  }
0x412: {  	v46 =	vld [tilespmem:s13+$0x11410]  }
0x413: {  	v47 =	vld [tilespmem:s13+$0x11420]  }
0x414: {  	v48 =	vld [tilespmem:s13+$0x11430]  }
0x415: {  	v49 =	vld [tilespmem:s13+$0x11440]  }
0x416: {  	v50 =	vld [tilespmem:s13+$0x11450]  }
0x417: {  	v51 =	vld [tilespmem:s13+$0x11460]  }
0x418: {  	v52 =	vld [tilespmem:s13+$0x11C50];
	v0 =	vadd.f32 v1, v0  }
0x419: {  	v1 =	vld [tilespmem:s13+$0x11470]  }
0x41a: {  	v55 =	vld [tilespmem:s13+$0x12410];
	v0 =	vadd.f32 v3, v0  }
0x41b: {  	v3 =	vld [tilespmem:s13+$0x11C70]  }
0x41c: {  	v2 =	vadd.f32 v4, v2;
	v4 =	vld [tilespmem:s13+$0x11C00];
	v0 =	vadd.f32 v5, v0  }
0x41d: {  	v6 =	vadd.f32 v7, v6;
	v7 =	vadd.f32 v9, v8;
	v5 =	vld [tilespmem:s13+$0x12470]  }
0x41e: {  	v8 =	vld [tilespmem:s13+$0x11C10];
	v2 =	vadd.f32 v59, v2;
	v0 =	vadd.f32 v1, v0  }
0x41f: {  	v6 =	vadd.f32 v60, v6;
	v7 =	vadd.f32 v61, v7;
	v1 =	vld [tilespmem:s13+$0x12C70]  }
0x420: {  	v9 =	vld [tilespmem:s13+$0x11C20];
	v2 =	vadd.f32 v38, v2;
	v0 =	vadd.f32 v3, v0  }
0x421: {  	v6 =	vadd.f32 v39, v6;
	v7 =	vadd.f32 v40, v7;
	v3 =	vld [tilespmem:s13+$0xFC30]  }
0x422: {  	v2 =	vadd.f32 v45, v2;
	v0 =	vadd.f32 v5, v0;
	v5 =	vld [tilespmem:s13+$0xFC40]  }
0x423: {  	v56 =	vld [tilespmem:s13+$0x12420];
	v6 =	vadd.f32 v46, v6;
	v7 =	vadd.f32 v47, v7  }
0x424: {  	v2 =	vadd.f32 v4, v2;
	v0 =	vadd.f32 v1, v0;
	v1 =	vld [tilespmem:s13+$0xFC50]  }
0x425: {  	v4 =	vadd.f32 v8, v6;
	v6 =	vadd.f32 v9, v7;
	v9 =	vld [tilespmem:s13+$0x12C10]  }
0x426: {  	v3 =	vadd.f32 v3, v10;
	[tilespmem:s13+$0x13C70] =	vst v0;
	v0 =	vld [tilespmem:s13+$0xFC60]  }
0x427: {  	v53 =	vld [tilespmem:s13+$0x11C60];
	v5 =	vadd.f32 v5, v11  }
0x428: {  	v54 =	vld [tilespmem:s13+$0x12400];
	v3 =	vadd.f32 v62, v3;
	v62 =	vadd.f32 v55, v4  }
0x429: {  	v59 =	vld [tilespmem:s13+$0x12450];
	v1 =	vadd.f32 v1, v57;
	v5 =	vadd.f32 v63, v5  }
0x42a: {  	v10 =	vld [tilespmem:s13+$0x11C30];
	v3 =	vadd.f32 v41, v3;
	v63 =	vadd.f32 v56, v6  }
0x42b: {  	v11 =	vld [tilespmem:s13+$0x11C40];
	v9 =	vadd.f32 v9, v62;
	v0 =	vadd.f32 v0, v58  }
0x42c: {  	v61 =	vld [tilespmem:s13+$0x12C00];
	v1 =	vadd.f32 v36, v1;
	v5 =	vadd.f32 v42, v5  }
0x42d: {  	v57 =	vld [tilespmem:s13+$0x12430];
	v3 =	vadd.f32 v48, v3;
	v0 =	vadd.f32 v37, v0  }
0x42e: {  	v58 =	vld [tilespmem:s13+$0x12440];
	v1 =	vadd.f32 v43, v1;
	v5 =	vadd.f32 v49, v5  }
0x42f: {  	v3 =	vadd.f32 v10, v3;
	v10 =	vld [tilespmem:s13+$0x12C20];
	v0 =	vadd.f32 v44, v0  }
0x430: {  	v60 =	vld [tilespmem:s13+$0x12460];
	v1 =	vadd.f32 v50, v1;
	v8 =	vadd.f32 v11, v5  }
0x431: {  	v7 =	vld [tilespmem:s13+$0x12C30];
	v11 =	vadd.f32 v54, v2;
	v0 =	vadd.f32 v51, v0  }
0x432: {  	v4 =	vld [tilespmem:s13+$0x12C40];
	v6 =	vadd.f32 v57, v3;
	v1 =	vadd.f32 v52, v1  }
0x433: {  	v5 =	vld [tilespmem:s13+$0x12C50];
	v11 =	vadd.f32 v61, v11;
	v0 =	vadd.f32 v53, v0  }
0x434: {  	s14 =	simm.s32 $0x80;
	v2 =	vadd.f32 v58, v8;
	v8 =	vld [tilespmem:s13+$0x12C60];
	v10 =	vadd.f32 v10, v63  }
0x435: {  	s12 =	simm.s32 $0x400;
	v3 =	vadd.f32 v59, v1;
	v1 =	vld [tilespmem:s14+$0xF470];
	[tilespmem:s13+$0x13C00] =	vst v11;
	v0 =	vadd.f32 v60, v0  }
.LBB2_13:
0x436: {  	p1 =	sne.s32 s12, $0x1E00;
	v11 =	vld [tilespmem:s14+$0xFC70];
	[tilespmem:s13+$0x13C10] =	vst v9;
	v6 =	vadd.f32 v7, v6  }
0x437: {  	v7 =	vld [tilespmem:s14+$0xF400];
	[tilespmem:s13+$0x13C20] =	vst v10;
	v2 =	vadd.f32 v4, v2  }
0x438: {  	v4 =	vld [tilespmem:s14+$0x10470];
	[tilespmem:s13+$0x13C30] =	vst v6;
	v3 =	vadd.f32 v5, v3  }
0x439: {  	v5 =	vld [tilespmem:s14+$0xFC00];
	[tilespmem:s13+$0x13C40] =	vst v2;
	v0 =	vadd.f32 v8, v0  }
0x43a: {  	v2 =	vld [tilespmem:s14+$0x10C70];
	[tilespmem:s13+$0x13C50] =	vst v3  }
0x43b: {  	v3 =	vld [tilespmem:s14+$0xF410];
	v1 =	vadd.f32 v11, v1;
	[tilespmem:s13+$0x13C60] =	vst v0;
	s13 =	smov.u32 s14  }
0x43c: {  	v0 =	vld [tilespmem:s13+$0x11470]  }
0x43d: {  	v6 =	vld [tilespmem:s13+$0xFC10];
	v1 =	vadd.f32 v4, v1  }
0x43e: {  	v4 =	vadd.f32 v5, v7;
	v5 =	vld [tilespmem:s13+$0x11C70]  }
0x43f: {  	v7 =	vld [tilespmem:s13+$0xF420];
	v1 =	vadd.f32 v2, v1  }
0x440: {  	v2 =	vld [tilespmem:s13+$0x12470]  }
0x441: {  	v8 =	vld [tilespmem:s13+$0xFC20];
	v0 =	vadd.f32 v0, v1  }
0x442: {  	v1 =	vadd.f32 v6, v3;
	v3 =	vld [tilespmem:s13+$0x12C70]  }
0x443: {  	v6 =	vld [tilespmem:s13+$0xF430];
	v0 =	vadd.f32 v5, v0  }
0x444: {  	v5 =	vld [tilespmem:s13+$0xFC30]  }
0x445: {  	v9 =	vld [tilespmem:s13+$0xF440];
	v0 =	vadd.f32 v2, v0  }
0x446: {  	v2 =	vadd.f32 v8, v7;
	v7 =	vld [tilespmem:s13+$0xFC40]  }
0x447: {  	v8 =	vld [tilespmem:s13+$0xF450];
	v0 =	vadd.f32 v3, v0  }
0x448: {  	v3 =	vld [tilespmem:s13+$0xFC50]  }
0x449: {  	v5 =	vadd.f32 v5, v6;
	v6 =	vld [tilespmem:s13+$0xF460];
	[tilespmem:s13+$0x13C70] =	vst v0  }
0x44a: {  	v0 =	vld [tilespmem:s13+$0xFC60]  }
0x44b: {  	v10 =	vld [tilespmem:s13+$0x10400];
	v7 =	vadd.f32 v7, v9  }
0x44c: {  	v9 =	vld [tilespmem:s13+$0x10410]  }
0x44d: {  	v11 =	vld [tilespmem:s13+$0x10420];
	v3 =	vadd.f32 v3, v8  }
0x44e: {  	v8 =	vld [tilespmem:s13+$0x10430]  }
0x44f: {  	v12 =	vld [tilespmem:s13+$0x10440];
	v0 =	vadd.f32 v0, v6  }
0x450: {  	v4 =	vadd.f32 v10, v4;
	v6 =	vld [tilespmem:s13+$0x10450]  }
0x451: {  	v1 =	vadd.f32 v9, v1;
	v9 =	vld [tilespmem:s13+$0x10460]  }
0x452: {  	v10 =	vld [tilespmem:s13+$0x10C00];
	v2 =	vadd.f32 v11, v2  }
0x453: {  	v11 =	vld [tilespmem:s13+$0x10C10];
	v5 =	vadd.f32 v8, v5  }
0x454: {  	v8 =	vld [tilespmem:s13+$0x10C20];
	v7 =	vadd.f32 v12, v7  }
0x455: {  	v12 =	vld [tilespmem:s13+$0x10C30];
	v3 =	vadd.f32 v6, v3  }
0x456: {  	v6 =	vld [tilespmem:s13+$0x10C40];
	v0 =	vadd.f32 v9, v0  }
0x457: {  	v4 =	vadd.f32 v10, v4;
	v9 =	vld [tilespmem:s13+$0x10C50]  }
0x458: {  	v1 =	vadd.f32 v11, v1;
	v10 =	vld [tilespmem:s13+$0x10C60]  }
0x459: {  	v11 =	vld [tilespmem:s13+$0x11400];
	v2 =	vadd.f32 v8, v2  }
0x45a: {  	v8 =	vld [tilespmem:s13+$0x11410];
	v5 =	vadd.f32 v12, v5  }
0x45b: {  	v12 =	vld [tilespmem:s13+$0x11420];
	v6 =	vadd.f32 v6, v7  }
0x45c: {  	v7 =	vld [tilespmem:s13+$0x11430];
	v3 =	vadd.f32 v9, v3  }
0x45d: {  	v9 =	vld [tilespmem:s13+$0x11440];
	v0 =	vadd.f32 v10, v0  }
0x45e: {  	v4 =	vadd.f32 v11, v4;
	v10 =	vld [tilespmem:s13+$0x11450]  }
0x45f: {  	v1 =	vadd.f32 v8, v1;
	v8 =	vld [tilespmem:s13+$0x11460]  }
0x460: {  	v11 =	vld [tilespmem:s13+$0x11C00];
	v2 =	vadd.f32 v12, v2  }
0x461: {  	v12 =	vld [tilespmem:s13+$0x11C10];
	v5 =	vadd.f32 v7, v5  }
0x462: {  	v7 =	vld [tilespmem:s13+$0x11C20];
	v6 =	vadd.f32 v9, v6  }
0x463: {  	v9 =	vld [tilespmem:s13+$0x11C30];
	v3 =	vadd.f32 v10, v3  }
0x464: {  	v10 =	vld [tilespmem:s13+$0x11C40];
	v0 =	vadd.f32 v8, v0  }
0x465: {  	v4 =	vadd.f32 v11, v4;
	v8 =	vld [tilespmem:s13+$0x11C50]  }
0x466: {  	v1 =	vadd.f32 v12, v1;
	v11 =	vld [tilespmem:s13+$0x11C60]  }
0x467: {  	v12 =	vld [tilespmem:s13+$0x12400];
	v2 =	vadd.f32 v7, v2  }
0x468: {  	v7 =	vld [tilespmem:s13+$0x12410];
	v5 =	vadd.f32 v9, v5  }
0x469: {  	v9 =	vld [tilespmem:s13+$0x12420];
	v10 =	vadd.f32 v10, v6  }
0x46a: {  	v6 =	vld [tilespmem:s13+$0x12430];
	v3 =	vadd.f32 v8, v3  }
0x46b: {  	v8 =	vld [tilespmem:s13+$0x12440];
	v0 =	vadd.f32 v11, v0  }
0x46c: {  	v11 =	vadd.f32 v12, v4;
	v4 =	vld [tilespmem:s13+$0x12450]  }
0x46d: {  	v1 =	vadd.f32 v7, v1;
	v12 =	vld [tilespmem:s13+$0x12460]  }
0x46e: {  	v13 =	vld [tilespmem:s13+$0x12C00];
	v14 =	vadd.f32 v9, v2  }
0x46f: {  	v9 =	vld [tilespmem:s13+$0x12C10];
	v6 =	vadd.f32 v6, v5  }
0x470: {  	v15 =	vld [tilespmem:s13+$0x12C20];
	v2 =	vadd.f32 v8, v10  }
.Ltmp5:
0x471: {  	v7 =	vld [tilespmem:s13+$0x12C30];
	v3 =	vadd.f32 v4, v3;
	(pc) =	sbr.rel @p1 .LBB2_13-.Ltmp5, $4  }
0x472: {  	v4 =	vld [tilespmem:s13+$0x12C40];
	v0 =	vadd.f32 v12, v0  }
0x473: {  	v10 =	vadd.f32 v13, v11;
	v5 =	vld [tilespmem:s13+$0x12C50]  }
0x474: {  	s14 =	sshra.s32 s12, $0x2;
	v9 =	vadd.f32 v9, v1;
	v8 =	vld [tilespmem:s13+$0x12C60]  }
0x475: {  	s12 =	sadd.s32 $0x200, s12;
	v1 =	vld [tilespmem:s14+$0xF470];
	[tilespmem:s13+$0x13C00] =	vst v10;
	v10 =	vadd.f32 v15, v14  }
0x476: {  	v11 =	vld [tilespmem:s14+$0xFC70];
	[tilespmem:s13+$0x13C10] =	vst v9;
	v6 =	vadd.f32 v7, v6  }
0x477: {  	v9 =	vld [tilespmem:s14+$0xF400];
	[tilespmem:s13+$0x13C20] =	vst v10;
	v2 =	vadd.f32 v4, v2  }
0x478: {  	v54 =	vld [tilespmem:s14+$0x10470];
	[tilespmem:s13+$0x13C30] =	vst v6;
	v3 =	vadd.f32 v5, v3  }
0x479: {  	v55 =	vld [tilespmem:s14+$0xFC00];
	[tilespmem:s13+$0x13C40] =	vst v2;
	v0 =	vadd.f32 v8, v0  }
0x47a: {  	v2 =	vld [tilespmem:s14+$0x10C70];
	[tilespmem:s13+$0x13C50] =	vst v3  }
0x47b: {  	v3 =	vld [tilespmem:s14+$0xF410];
	[tilespmem:s13+$0x13C60] =	vst v0  }
0x47c: {  	v57 =	vld [tilespmem:s14+$0x11470]  }
0x47d: {  	v58 =	vld [tilespmem:s14+$0xFC10]  }
0x47e: {  	v6 =	vld [tilespmem:s14+$0x11C70]  }
0x47f: {  	v59 =	vld [tilespmem:s14+$0xF420]  }
0x480: {  	v60 =	vld [tilespmem:s14+$0x12470]  }
0x481: {  	v61 =	vld [tilespmem:s14+$0xFC20]  }
0x482: {  	v62 =	vld [tilespmem:s14+$0x12C70]  }
0x483: {  	v10 =	vld [tilespmem:s14+$0xF430]  }
0x484: {  	v63 =	vld [tilespmem:s14+$0xFC30]  }
0x485: {  	v36 =	vld [tilespmem:s14+$0xF440]  }
0x486: {  	v37 =	vld [tilespmem:s14+$0xFC40]  }
0x487: {  	v12 =	vld [tilespmem:s14+$0xF450]  }
0x488: {  	v38 =	vld [tilespmem:s14+$0xFC50]  }
0x489: {  	v13 =	vld [tilespmem:s14+$0xF460]  }
0x48a: {  	v39 =	vld [tilespmem:s14+$0xFC60]  }
0x48b: {  	v14 =	vld [tilespmem:s14+$0x10400]  }
0x48c: {  	v15 =	vld [tilespmem:s14+$0x10410]  }
0x48d: {  	v16 =	vld [tilespmem:s14+$0x10420]  }
0x48e: {  	v17 =	vld [tilespmem:s14+$0x10430]  }
0x48f: {  	v18 =	vld [tilespmem:s14+$0x10440]  }
0x490: {  	v19 =	vld [tilespmem:s14+$0x10450]  }
0x491: {  	v20 =	vld [tilespmem:s14+$0x10460]  }
0x492: {  	v21 =	vld [tilespmem:s14+$0x10C00]  }
0x493: {  	v22 =	vld [tilespmem:s14+$0x10C10]  }
0x494: {  	v23 =	vld [tilespmem:s14+$0x10C20]  }
0x495: {  	v24 =	vld [tilespmem:s14+$0x10C30]  }
0x496: {  	v25 =	vld [tilespmem:s14+$0x10C40]  }
0x497: {  	v26 =	vld [tilespmem:s14+$0x10C50]  }
0x498: {  	v27 =	vld [tilespmem:s14+$0x10C60]  }
0x499: {  	v56 =	vadd.f32 v11, v1;
	v28 =	vld [tilespmem:s14+$0x11400]  }
0x49a: {  	v29 =	vld [tilespmem:s14+$0x11410]  }
0x49b: {  	v30 =	vld [tilespmem:s14+$0x11420];
	v0 =	vadd.f32 v54, v56  }
0x49c: {  	v31 =	vld [tilespmem:s14+$0x11430]  }
0x49d: {  	v32 =	vld [tilespmem:s14+$0x11440];
	v0 =	vadd.f32 v2, v0  }
0x49e: {  	v33 =	vld [tilespmem:s14+$0x11450];
	v4 =	vadd.f32 v55, v9  }
0x49f: {  	v34 =	vld [tilespmem:s14+$0x11460];
	v0 =	vadd.f32 v57, v0;
	v3 =	vadd.f32 v58, v3  }
0x4a0: {  	v40 =	vld [tilespmem:s14+$0x11C00];
	v41 =	vadd.f32 v61, v59;
	v2 =	vadd.f32 v37, v36  }
0x4a1: {  	v42 =	vld [tilespmem:s14+$0x11C10];
	v1 =	vadd.f32 v38, v12;
	v4 =	vadd.f32 v14, v4  }
0x4a2: {  	v43 =	vld [tilespmem:s14+$0x11C20];
	v0 =	vadd.f32 v6, v0;
	v6 =	vadd.f32 v63, v10  }
0x4a3: {  	v44 =	vld [tilespmem:s14+$0x11C30];
	v3 =	vadd.f32 v15, v3;
	v5 =	vadd.f32 v16, v41  }
0x4a4: {  	v45 =	vld [tilespmem:s14+$0x11C40];
	v2 =	vadd.f32 v18, v2;
	v1 =	vadd.f32 v19, v1  }
0x4a5: {  	v46 =	vld [tilespmem:s14+$0x11C50];
	v4 =	vadd.f32 v21, v4;
	v0 =	vadd.f32 v60, v0  }
0x4a6: {  	v47 =	vld [tilespmem:s14+$0x11C60];
	v6 =	vadd.f32 v17, v6;
	v3 =	vadd.f32 v22, v3  }
0x4a7: {  	v48 =	vld [tilespmem:s14+$0x12400];
	v5 =	vadd.f32 v23, v5;
	v2 =	vadd.f32 v25, v2  }
0x4a8: {  	v49 =	vld [tilespmem:s14+$0x12410];
	v1 =	vadd.f32 v26, v1;
	v4 =	vadd.f32 v28, v4  }
0x4a9: {  	v50 =	vld [tilespmem:s14+$0x12420];
	v0 =	vadd.f32 v62, v0;
	v6 =	vadd.f32 v24, v6  }
0x4aa: {  	v51 =	vld [tilespmem:s14+$0x12430];
	v3 =	vadd.f32 v29, v3;
	v5 =	vadd.f32 v30, v5  }
0x4ab: {  	v52 =	vld [tilespmem:s14+$0x12440];
	v2 =	vadd.f32 v32, v2;
	v1 =	vadd.f32 v33, v1  }
0x4ac: {  	v53 =	vld [tilespmem:s14+$0x12450];
	v4 =	vadd.f32 v40, v4;
	[tilespmem:s14+$0x13C70] =	vst v0;
	v0 =	vadd.f32 v39, v13  }
0x4ad: {  	v55 =	vld [tilespmem:s14+$0x12C00];
	v6 =	vadd.f32 v31, v6;
	v3 =	vadd.f32 v42, v3  }
0x4ae: {  	v54 =	vld [tilespmem:s14+$0x12460];
	v5 =	vadd.f32 v43, v5;
	v2 =	vadd.f32 v45, v2  }
0x4af: {  	v56 =	vld [tilespmem:s14+$0x12C10];
	v1 =	vadd.f32 v46, v1;
	v0 =	vadd.f32 v20, v0  }
0x4b0: {  	v57 =	vld [tilespmem:s14+$0x12C20];
	v4 =	vadd.f32 v48, v4;
	v6 =	vadd.f32 v44, v6  }
0x4b1: {  	v59 =	vld [tilespmem:s14+$0x12C40];
	v3 =	vadd.f32 v49, v3;
	v0 =	vadd.f32 v27, v0  }
0x4b2: {  	v60 =	vld [tilespmem:s14+$0x12C50];
	v5 =	vadd.f32 v50, v5;
	v4 =	vadd.f32 v55, v4  }
0x4b3: {  	v58 =	vld [tilespmem:s14+$0x12C30];
	v2 =	vadd.f32 v52, v2;
	v0 =	vadd.f32 v34, v0  }
0x4b4: {  	v61 =	vld [tilespmem:s14+$0x12C60];
	v1 =	vadd.f32 v53, v1;
	v3 =	vadd.f32 v56, v3  }
0x4b5: {  	[tilespmem:s14+$0x13C00] =	vst v4;
	v62 =	vadd.f32 v57, v5;
	v0 =	vadd.f32 v47, v0  }
0x4b6: {  	v6 =	vadd.f32 v51, v6;
	v2 =	vadd.f32 v59, v2;
	[tilespmem:s14+$0x13C10] =	vst v3  }
0x4b7: {  	v1 =	vadd.f32 v60, v1;
	[tilespmem:s14+$0x13C20] =	vst v62;
	v0 =	vadd.f32 v54, v0  }
0x4b8: {  	v63 =	vadd.f32 v58, v6;
	[tilespmem:s14+$0x13C40] =	vst v2  }
0x4b9: {  	[tilespmem:s14+$0x13C50] =	vst v1;
	v0 =	vadd.f32 v61, v0  }
0x4ba: {  	s3 =	rddreg [dreg:$0x10];
	[tilespmem:s14+$0x13C30] =	vst v63  }
0x4bb: {  	s25 =	rddreg [dreg:$0x14];
	s3 =	sadd.s32 s15, s3;
	[tilespmem:s14+$0x13C60] =	vst v0  }
0x4bc: {  	[hbm4b:s3+s19] =	stream.linear.scatter [tilespmem:s20], [sflag:$0x4], $0x800, $0x38;
	[tilespmem:$0x1D440] =	vst v63  }
0x4bd: {  	s3 =	sadd.s32 $0x1, s25  }
0x4be: {  	p1 =	sne.s32 s3, $0xA  }
.Ltmp6:
0x4bf: {  	_ = 	snop;
	(pc) =	sbr.rel @p1 .LBB2_2-.Ltmp6, $1  }
0x4c0: {  	_ =	sdelay $0x3  }
0x4c1: {  	_ =	swait.ge [sflag:s9], $0x800  }
0x4c2: {  	[sflag:s9] =	ssyncset.done $0x0  }
0x4c3: {  	[sflag:s9] =	ssyncadd.s32 $0xFFFFF800  }
0x4c4: {  	_ =	swait.ge [sflag:s11], $0x800  }
0x4c5: {  	s12 =	rddreg [dreg:$0x13]  }
0x4c6: {  	s3 =	rddreg [dreg:$0x11];
	s12 =	sadd.s32 $0x1, s12  }
0x4c7: {  	p1 =	sne.s32 s12, s3  }
.Ltmp7:
0x4c8: {  	_ = 	snop;
	(pc) =	sbr.rel @p1 .LBB2_1-.Ltmp7, $3  }
0x4c9: {  	_ =	sdelay $0x1  }
0x4ca: {  	[sflag:s11] =	ssyncset.done $0x0  }
0x4cb: {  	[sflag:s11] =	ssyncadd.s32 $0xFFFFF800  }
0x4cc: {  	_ =	sfence.sel $0x180000  }
0x4cd: {  	[bflag:$0x0] =	sbarrier.arrive $0xFFFF  }
0x4ce: {  	_ =	strace $0x90000047  }
0x4cf: {  	[bflag:$0x2] =	sbarrier.arrive $0xFFFF  }
0x4d0: {  	s0 =	rddreg [dreg:$0x3]  }
0x4d1: {  	s0 =	sadd.s32 @!p0 $0x100000, s0  }
0x4d2: {  	[sflag:s0] =	ssyncadd.tile.s32 @!p0 $0x1;
	_ =	shalt  }
.Lfunc_end2:
_tile_overlayer_lowered:
.L_overlay_start_2:
0x4d3: {  	(tag) =	ssettag $0x2  }
0x4d4: {  	s0 =	rddreg [dreg:$0x0];
	s2 =	stileid.u32  }
0x4d5: {  	s1 =	rddreg [dreg:$0x1];
	p0 =	sne.s32 s2, $0x0  }
0x4d6: {  	s3 =	rddreg [dreg:$0x2];
	[bflag:$0x3] =	sbarrier.arrive $0xFFFF;
	s2 =	simm.s32 @!p0 $0x1C05  }
0x4d7: {  	[timem:s3], [sflag:s2] =	dma.local @!p0 [hbm:s0], s1  }
0x4d8: {  	s0 =	simm.s32 @!p0 $0x5  }
0x4d9: {  	_ =	swait.ge @!p0 [sflag:s0], s1  }
0x4da: {  	s1 =	ssub.s32 @!p0 $0x0, s1;
	[sflag:s0] =	ssyncset.done @!p0 $0x0  }
0x4db: {  	[sflag:s0] =	ssyncadd.s32 @!p0 s1  }
0x4dc: {  	[bflag:$0x3] =	sbarrier.arrive $0xFFFF  }
0x4dd: {  	_ =	shalt  }

// kernel: sparse-core-data-format-call.cloned.1.call-start
scs
called_computation_lowered:
.L_overlay_start_0:
0x0: {  	s2 =	sld [smem:$0x3FD9]  }
0x1: {  	s3 =	sld [smem:$0x3FFE];
	_ =	sdelay $0x1  }
0x2: {  	s1 =	srdreg.scid  }
0x3: {  	s0 =	sand.u32 $0x1, s1  }
0x4: {  	s18 =	sshll.u32 s0, $0xA;
	s2 =	sadd.s32 s3, s2  }
0x5: {  	s2 =	sadd.s32 s2, s18  }
0x6: {  	[smem:$0x3FBE] =	sst s2  }
0x7: {  	_ = 	snop  }
0x8: {  	s2 =	sld [smem:$0x3FD0];
	(tm) =	ssettm $0x1  }
0x9: {  	s19 =	sld [smem:$0x3FFB];
	_ =	sdelay $0x3  }
0xa: {  	_ =	strace s19  }
0xb: {  	s3 =	sld [smem:$0x3FFC];
	_ =	sdelay $0x3  }
0xc: {  	_ =	strace s3  }
0xd: {  	s3 =	sld [smem:$0x3FFD];
	_ =	sdelay $0x3  }
0xe: {  	_ =	strace s3  }
0xf: {  	_ =	strace $0x8FFFFFFF  }
0x10: {  	s20 =	sld [smem:$0x3FDB];
	_ =	sdelay $0x1  }
0x11: {  	s4 =	simm.s32 $_scs_section_size  }
0x12: {  	s5 =	simm.s32 $_size__tile_overlayer_lowered;
	s6 =	simm.s32 $_tile_overlayer_lowered  }
0x13: {  	s23 =	simm.s32 $0x1BFF;
	s22 =	sshll.u32 s6, $0x1;
	s3 =	sadd.s32 s4, s20  }
0x14: {  	s7 =	simm.s32 $0x0;
	s21 =	sshll.u32 s5, $0x1;
	s5 =	sadd.s32 s22, s3  }
0x15: {  	[timem:s7], [sflag:s23] =	dma.local [hbm:s5], s21  }
0x16: {  	_ =	swait.ge [sflag:s23], s21  }
0x17: {  	s4 =	ssub.s32 $0x0, s21;
	[sflag:s23] =	ssyncset.done $0x0  }
0x18: {  	[sflag:s23] =	ssyncadd.s32 s4;
	_ =	sdelay $0x1  }
0x19: {  	s24 =	simm.s32 $0x1B8B  }
0x1a: {  	_ =	swait.ge [sflag:s24], $0x1  }
0x1b: {  	[sflag:s24] =	ssyncset.done $0x0  }
0x1c: {  	s26 =	simm.s32 $0x1B8E;
	s25 =	sld [smem:$0x3FFE];
	[sflag:s24] =	ssyncadd.s32 $0xFFFFFFFF  }
0x1d: {  	s27 =	simm.s32 $execute0_lowered;
	[smem:$0x3FD2] =	sst s26  }
0x1e: {  	s5 =	sshll.u32 s27, $0x1;
	_ =	strace $0x80000049;
	[dreg:$0x1] =	wrdreg $0xFFFFFFFF  }
0x1f: {  	s28 =	simm.s32 $_size_execute0_lowered;
	s3 =	sadd.s32 s3, s5;
	[dreg:$0x0] =	wrdreg $0x0  }
0x20: {  	s5 =	sshll.u32 s28, $0x1;
	[dreg:$0x2] =	wrdreg s3  }
0x21: {  	[dreg:$0x3] =	wrdreg s5  }
0x22: {  	[dreg:$0x4] =	wrdreg $0xC0  }
0x23: {  	_ =	task [dreg:s7], $0x5FFFF  }
0x24: {  	[dreg:$0x1] =	wrdreg $0xFFFFFFFF  }
0x25: {  	[dreg:$0x0] =	wrdreg $0x60  }
0x26: {  	[dreg:$0x2] =	wrdreg s25  }
0x27: {  	[dreg:$0x3] =	wrdreg s2  }
0x28: {  	[dreg:$0x4] =	wrdreg $0x9  }
0x29: {  	_ =	task.clear_ibuf [dreg:s7], $0x5FFFF;
	_ =	strace $0x90000049  }
0x2a: {  	s29 =	simm.s32 $0x9;
	_ =	strace $0x8000004B  }
0x2b: {  	_ =	swait.ge [sflag:s29], $0x1  }
0x2c: {  	[sflag:s29] =	ssyncadd.s32 $0xFFFFFFFF  }
0x2d: {  	_ =	strace $0x9000004B  }
0x2e: {  	_ =	sfence  }
0x2f: {  	s30 =	sld [smem:$0x0];
	_ =	sdelay $0x2  }
0x30: {  	s31 =	sshll.u32 s1, $0xD;
	s1 =	sshrl.u32 s1, $0x2  }
0x31: {  	s3 =	sand.u32 $0x4000, s31;
	s1 =	sadd.s32 s1, s30  }
0x32: {  	s0 =	sor.u32 s3, s0;
	s1 =	sshll.u32 s1, $0x11  }
0x33: {  	s0 =	sor.u32 s1, s0  }
0x34: {  	s0 =	sadd.s32 $0x8F2B, s0  }
0x35: {  	[sflag:s0] =	ssyncadd.remote.s32 $0x1  }
0x36: {  	_ =	sfence.sel $0xFFFF  }
0x37: {  	[dreg:$0x0] =	wrdreg $0xFFFFFFFF;
	(pc) =	sbr.abs _section_cstart, $3  }
0x38: {  	[dreg:$0x1] =	wrdreg $0xFFFFFFFF  }
0x39: {  	_ =	task.clear_ibuf [dreg:s7], $0x2FFFF;
	_ =	strace $0x9FFFFFFF  }
0x3a: {  	(tm) =	ssettm $0x7FFFFFFF  }
0x3b: {  	_ =	shalt  }
tec
execute0_lowered:
.L_overlay_start_1:
0x0: {  	(tag) =	ssettag $0x1  }
0x1: {  	s0 =	srdreg.scid  }
0x2: {  	s1 =	sshll.u32 s0, $0x4  }
0x3: {  	s0 =	stileid.u32;
	s1 =	sand.u32 $0x10, s1  }
0x4: {  	s1 =	sor.u32 s0, s1  }
0x5: {  	s6 =	rddreg [dreg:$0x0];
	s4 =	simm.s32 $0x1;
	s2 =	sshll.u32 s1, $0x6  }
0x6: {  	s7 =	simm.s32 $0x2;
	s13 =	simm.s32 $0x0;
	s1 =	ssub.s32 $0x1000, s2  }
0x7: {  	s8 =	simm.s32 $0x2000;
	s9 =	simm.s32 $0x80000;
	s3 =	sand.u32 $0x7C0, s1  }
0x8: {  	s14 =	simm.s32 $0x0;
	s5 =	sshrl.u32 s1, $0xB;
	p0 =	sne.s32 s3, $0x0  }
.Ltmp0:
0x9: {  	s1 =	rddreg [dreg:$0x2];
	s4 =	simm.s32 @!p0 $0x0;
	(pc) =	sbr.rel .LBB1_1-.Ltmp0, $4  }
0xa: {  	s10 =	simm.s32 $0x0;
	s3 =	rddreg [dreg:$0x1];
	s5 =	sadd.s32 s4, s5  }
0xb: {  	_ =	strace $0x8000004A;
	s4 =	simm.s32 $0x1;
	s5 =	smul.u32 $0x19, s5  }
0xc: {  	s12 =	simm.s32 $0x0;
	s6 =	sadd.s32 $0x1C00, s6;
	[sflag:s4] =	ssyncpa.u1 $0x0  }
0xd: {  	s11 =	smov.u32 s2;
	[sflag:s7] =	ssyncpa.u1 $0x0;
	s7 =	sadd.s32 $0x1, s5  }
.LBB1_7:
0xe: {  	s15 =	sadd.s32 $0x2, s10  }
0xf: {  	s13 =	sadd.s32 $0x800, s11;
	s17 =	smov.u32 s11;
	p1 =	sgt.s32 s15, $0x31  }
0x10: {  	s17 =	smov.u32 @p1 s13  }
0x11: {  	s15 =	simm.s32 @p1 $0x0;
	p1 =	sgt.s32 s17, $0xFFF  }
0x12: {  	s17 =	smov.u32 @p1 s2;
	p1 =	sne.s32 s12, s7  }
.Ltmp1:
0x13: {  	p0 =	slt.u32 s12, $0x2;
	(pc) =	sbr.rel @!p1 .LBB1_8-.Ltmp1, $4  }
0x14: {  	s16 =	simm.s32 @!p0 $0x2  }
0x15: {  	s14 =	smov.u32 s11;
	_ =	swait.ge @!p0 [sflag:s16], $0x4000  }
0x16: {  	s13 =	smov.u32 s10;
	[sflag:s16] =	ssyncset.done @!p0 $0x0;
	s10 =	smov.u32 s15  }
0x17: {  	s12 =	sadd.s32 $0x1, s12;
	[sflag:s16] =	ssyncadd.s32 @!p0 $0xFFFFC000;
	s11 =	smov.u32 s17  }
.LBB1_1:
0x18: {  	p0 =	sge.u32 s12, s5  }
0x19: {  	s15 =	sand.u32 @!p0 $0x1FFFFFF, s10  }
0x1a: {  	s16 =	smulhi.u32 @!p0 $0x4924925, s15;
	_ =	sdelay $0x1  }
0x1b: {  	s16 =	smul.u32 @!p0 $0x38, s16  }
0x1c: {  	s17 =	sxor.u32 @!p0 $0xFFFFFFFF, s12;
	s18 =	smul.u32 @!p0 $0x380, s11  }
0x1d: {  	s31 =	sadd.s32 $0xFFFFFFFF, s12;
	s17 =	sshll.u32 @!p0 s17, $0xE;
	s15 =	ssub.s32 @!p0 s15, s16  }
0x1e: {  	s16 =	sand.u32 @!p0 $0x4000, s17;
	s17 =	sadd.s32 @!p0 s6, s18;
	s15 =	sshll.u32 @!p0 s15, $0x4  }
0x1f: {  	s18 =	simm.s32 @!p0 $0x1C00;
	s15 =	sadd.s32 @!p0 s15, s17;
	s17 =	simm.s32 @!p0 $0x100  }
0x20: {  	[tilespmem:s16], [sflag:$0x1] =	stream.strided.gather @!p0 [hbm4b:s15+s17], $0x4000, s18, s17, $0x38;
	[tilespmem:$0x10000] =	vst v63  }
0x21: {  	p0 =	sge.u32 s31, s5  }
.Ltmp2:
0x22: {  	_ = 	snop;
	(pc) =	sbr.rel @p0 .LBB1_7-.Ltmp2, $1  }
0x23: {  	_ =	sdelay $0x3  }
0x24: {  	_ =	swait.ge [sflag:s4], $0x4000;
	s15 =	sshll.u32 s12, $0xE  }
0x25: {  	[sflag:s4] =	ssyncset.done $0x0;
	s16 =	sand.u32 $0x4000, s15  }
0x26: {  	s17 =	simm.s32 $0x0;
	[sflag:s4] =	ssyncadd.s32 $0xFFFFC000;
	s15 =	sor.u32 $0x8000, s16  }
.LBB1_3:
0x27: {  	s18 =	sshll.u32 s17, $0x8  }
0x28: {  	s18 =	sand.u32 $0x3FFFFF00, s18  }
0x29: {  	s19 =	sshll.u32 s17, $0x7;
	s18 =	sadd.s32 s18, s16  }
0x2a: {  	s19 =	sand.u32 $0x3FFFFF80, s19;
	v0 =	vmov s18  }
0x2b: {  	s19 =	sadd.s32 s19, s15  }
0x2c: {  	p0 =	por $0x1, $0x1;
	v1 =	vmov s19;
	s18 =	simm.s32 $0x0  }
.LBB1_4:
0x2d: {  	s19 =	sshll.u32 s18, $0x7  }
0x2e: {  	s19 =	sand.u32 $0x3FFFFF80, s19  }
0x2f: {  	v2 =	vld.idx.msk [tilespmem:v0+s19+$0x0 ss:$0x1], $0xffff  }
0x30: {  	v3 =	vld.idx.msk [tilespmem:v0+s19+$0x10 ss:$0x1], $0xffff  }
0x31: {  	v4 =	vld.idx.msk [tilespmem:v0+s19+$0x20 ss:$0x1], $0xffff  }
0x32: {  	s31 =	sshll.u32 s18, $0xD;
	v5 =	vld.idx.msk [tilespmem:v0+s19+$0x30 ss:$0x1], $0xffff  }
0x33: {  	s18 =	sand.u32 $0x3FFFE000, s31;
	v6 =	vld.idx.msk [tilespmem:v0+s19+$0x40 ss:$0x1], $0xffff  }
0x34: {  	v63 =	vld.idx.msk [tilespmem:v0+s19+$0x70 ss:$0x1], $0xffff;
	[tilespmem:v1+s18+$0x0 ss:$0x1] =	vst.idx.msk $0xffff, v2  }
0x35: {  	v2 =	vld.idx.msk [tilespmem:v0+s19+$0x50 ss:$0x1], $0xffff;
	[tilespmem:v1+s18+$0x10 ss:$0x1] =	vst.idx.msk $0xffff, v3  }
0x36: {  	p1 =	por p0, p0;
	v3 =	vld.idx.msk [tilespmem:v0+s19+$0x60 ss:$0x1], $0xffff;
	[tilespmem:v1+s18+$0x20 ss:$0x1] =	vst.idx.msk $0xffff, v4  }
.Ltmp3:
0x37: {  	[tilespmem:v1+s18+$0x30 ss:$0x1] =	vst.idx.msk $0xffff, v5;
	(pc) =	sbr.rel @p1 .LBB1_4-.Ltmp3, $4  }
0x38: {  	[tilespmem:v1+s18+$0x40 ss:$0x1] =	vst.idx.msk $0xffff, v6  }
0x39: {  	[tilespmem:v1+s18+$0x70 ss:$0x1] =	vst.idx.msk $0xffff, v63  }
0x3a: {  	[tilespmem:v1+s18+$0x50 ss:$0x1] =	vst.idx.msk $0xffff, v2  }
0x3b: {  	p0 =	por $0x0, $0x0;
	[tilespmem:v1+s18+$0x60 ss:$0x1] =	vst.idx.msk $0xffff, v3;
	s18 =	simm.s32 $0x1  }
0x3c: {  	s17 =	sadd.s32 $0x1, s17  }
0x3d: {  	p0 =	sne.s32 s17, $0x40  }
.Ltmp4:
0x3e: {  	_ = 	snop;
	(pc) =	sbr.rel @p0 .LBB1_3-.Ltmp4, $1  }
0x3f: {  	_ =	sdelay $0x3  }
.Ltmp5:
0x40: {  	s14 =	sshll.u32 s14, $0x4;
	(pc) =	sbr.rel .LBB1_7-.Ltmp5, $4  }
0x41: {  	s14 =	sand.u32 $0xFFF0, s14  }
0x42: {  	s13 =	sshll.u32 s13, $0x10;
	s14 =	sadd.s32 s3, s14  }
0x43: {  	s13 =	sadd.s32 s13, s14  }
0x44: {  	[hbm4b:s13+s8] =	stream.strided.scatter [tilespmem:s15], [sflag:$0x2], $0x4000, s9, s8, $0x38;
	[tilespmem:$0x10000] =	vst v63  }
.LBB1_8:
0x45: {  	_ =	sfence.sel $0x180000  }
0x46: {  	s2 =	simm.s32 $0x1;
	[bflag:$0x0] =	sbarrier.arrive $0xFFFF  }
0x47: {  	s31 =	simm.s32 $0x2;
	[sflag:s2] =	ssyncpa.u1 $0x1  }
0x48: {  	[sflag:s31] =	ssyncpa.u1 $0x1  }
0x49: {  	p0 =	sne.s32 s0, $0x0;
	_ =	strace $0x9000004A  }
0x4a: {  	s0 =	sadd.s32 @!p0 $0x100000, s1;
	[bflag:$0x2] =	sbarrier.arrive $0xFFFF  }
0x4b: {  	[sflag:s0] =	ssyncadd.tile.s32 @!p0 $0x1;
	_ =	shalt  }
.Lfunc_end1:
_tile_overlayer_lowered:
.L_overlay_start_2:
0x4c: {  	(tag) =	ssettag $0x2  }
0x4d: {  	s0 =	rddreg [dreg:$0x0];
	s2 =	stileid.u32  }
0x4e: {  	s1 =	rddreg [dreg:$0x1];
	p0 =	sne.s32 s2, $0x0  }
0x4f: {  	s3 =	rddreg [dreg:$0x2];
	[bflag:$0x3] =	sbarrier.arrive $0xFFFF;
	s2 =	simm.s32 @!p0 $0x1C01  }
0x50: {  	[timem:s3], [sflag:s2] =	dma.local @!p0 [hbm:s0], s1  }
0x51: {  	s0 =	simm.s32 @!p0 $0x1  }
0x52: {  	_ =	swait.ge @!p0 [sflag:s0], s1  }
0x53: {  	s1 =	ssub.s32 @!p0 $0x0, s1;
	[sflag:s0] =	ssyncset.done @!p0 $0x0  }
0x54: {  	[sflag:s0] =	ssyncadd.s32 @!p0 s1  }
0x55: {  	[bflag:$0x3] =	sbarrier.arrive $0xFFFF  }
0x56: {  	_ =	shalt  }

</sc_bundles>
